<compile_context>
chip_gen: v7x
topology: tpu7x:2x2x1
jax: 0.10.2.dev20260603
libtpu: 0.0.44.dev20260713+nightly
codegen_flags: <defaults>
</compile_context>

<pallas_src>
import functools

import jax
import jax.numpy as jnp
from jax import lax
from jax.experimental import pallas as pl
from jax.experimental.pallas import tpu as pltpu
from jax.experimental.pallas import tpu_sc as plsc

N = 10000
E = 320000
D = 128
G = 256
L = 3

NCORES = 2
NSUB = 16
TILES = NCORES * NSUB
EPT = E // TILES
CH = 125
NCH = EPT // CH
WIN = 16
NWIN = NCH // WIN
RPT = 632
NP = RPT * NSUB

BLK = 1000
NB = N // BLK

RB = 400
RG = N // RB
NREP = 5
NTASK = RG * NREP
TPW = -(-NTASK // TILES)


def _sc_segsum(h, src_r, dst_r, zrows):
    mesh = plsc.VectorSubcoreMesh(core_axis_name="c", subcore_axis_name="s")

    nbuf = 2

    @functools.partial(
        pl.kernel,
        out_type=jax.ShapeDtypeStruct((NCORES, NP, D), jnp.float32),
        mesh=mesh,
        scratch_types=[
            pltpu.VMEM_SHARED((NP, D), jnp.float32),
            pltpu.VMEM((WIN, CH), jnp.int32),
            pltpu.VMEM((WIN, CH), jnp.int32),
            [pltpu.VMEM((CH, D), jnp.float32)] * nbuf,
            [pltpu.SemaphoreType.DMA] * nbuf,
            [pltpu.SemaphoreType.DMA] * nbuf,
        ],
    )
    def k(h_hbm, src_hbm, dst_hbm, z_hbm, out_hbm, acc, sidx, didx, rows,
          gsems, ssems):
        c = lax.axis_index("c")
        s = lax.axis_index("s")
        w = c * NSUB + s
        pltpu.sync_copy(z_hbm, acc.at[pl.ds(s * RPT, RPT)])
        plsc.subcore_barrier()

        def win(g, carry):
            pltpu.sync_copy(src_hbm.at[w, g], sidx)
            pltpu.sync_copy(dst_hbm.at[w, g], didx)

            def body(i, carry2):
                gd = []
                for b in range(nbuf):
                    gd.append(pltpu.async_copy(
                        h_hbm.at[sidx.at[i * nbuf + b]], rows[b], gsems[b]))
                sd = []
                for b in range(nbuf):
                    gd[b].wait()
                    sd.append(pltpu.async_copy(
                        rows[b], acc.at[didx.at[i * nbuf + b]], ssems[b],
                        add=True))
                for b in range(nbuf):
                    sd[b].wait()
                return carry2

            lax.fori_loop(0, WIN // nbuf, body, 0)
            return carry

        lax.fori_loop(0, NWIN, win, 0)
        plsc.subcore_barrier()
        pltpu.sync_copy(acc.at[pl.ds(s * RPT, RPT)],
                        out_hbm.at[c, pl.ds(s * RPT, RPT)])

    return k(h, src_r, dst_r, zrows)


def _sc_segmax(rep, batch, ninf):
    mesh = plsc.VectorSubcoreMesh(core_axis_name="c", subcore_axis_name="s")

    @functools.partial(
        pl.kernel,
        out_type=jax.ShapeDtypeStruct((RG, G, NREP * D), jnp.float32),
        mesh=mesh,
        scratch_types=[
            pltpu.VMEM((RB,), jnp.int32),
            pltpu.VMEM((RB, D), jnp.float32),
            pltpu.VMEM((G, D), jnp.float32),
        ],
        compiler_params=pltpu.CompilerParams(needs_layout_passes=False),
    )
    def k(rep_hbm, batch_hbm, ninf_hbm, out_hbm, ids, buf, acc):
        c = lax.axis_index("c")
        s = lax.axis_index("s")
        w = c * NSUB + s
        lanes = lax.iota(jnp.int32, 16)
        for t in range(TPW):
            task = w + t * TILES

            @pl.when(task < NTASK)
            def _run():
                rg = task // NREP
                a = task % NREP
                pltpu.sync_copy(batch_hbm.at[pl.ds(rg * RB, RB)], ids)
                pltpu.sync_copy(ninf_hbm, acc)
                pltpu.sync_copy(rep_hbm.at[a, pl.ds(rg * RB, RB), :], buf)

                id0 = plsc.load_gather(ids, [jnp.zeros((16,), jnp.int32)])
                init = (id0,) + tuple(
                    jnp.full((16,), -jnp.inf, jnp.float32)
                    for _ in range(D // 16))

                def body(i, carry):
                    pid = carry[0]
                    idv = plsc.load_gather(ids, [jnp.full((16,), i,
                                                          jnp.int32)])
                    new = pid != idv
                    out = [idv]
                    for kk in range(D // 16):
                        rmax = carry[1 + kk]
                        plsc.store_scatter(acc, [pid, lanes + (kk * 16)],
                                           rmax, mask=new)
                        rv = buf[i, pl.ds(kk * 16, 16)]
                        out.append(jnp.where(new, rv, jnp.maximum(rmax, rv)))
                    return tuple(out)

                fin = lax.fori_loop(0, RB, body, init)
                for kk in range(D // 16):
                    plsc.store_scatter(acc, [fin[0], lanes + (kk * 16)],
                                       fin[1 + kk])
                pltpu.sync_copy(acc, out_hbm.at[rg, :, pl.ds(a * D, D)])

    return k(rep, batch, ninf)


def _tc_layer(h, part, m, e, w1t, b1, w2t, b2, wiht, whht, bih, bhh,
              bng, bnb, lng, lnb):

    def body(h_ref, p_ref, m_ref, e_ref, w1_ref, b1_ref, w2_ref, b2_ref,
             wih_ref, whh_ref, bih_ref, bhh_ref, bng_ref, bnb_ref, lng_ref,
             lnb_ref, h_out, m_out, e_out, xg_ref, st_ref):
        p = pl.program_id(0)
        i = pl.program_id(1)

        @pl.when(p == 0)
        def _phase_a():
            gin = h_ref[...] + p_ref[0] + p_ref[1]
            t = jnp.maximum(
                jnp.dot(gin, w1_ref[...], preferred_element_type=jnp.float32)
                + b1_ref[...], 0.0)
            xg = jnp.maximum(
                jnp.dot(t, w2_ref[...], preferred_element_type=jnp.float32)
                + b2_ref[...], 0.0)
            xg_ref[pl.ds(i * BLK, BLK), :] = xg

            @pl.when(i == 0)
            def _init():
                st_ref[...] = jnp.zeros_like(st_ref)

            st_ref[0:1, :] = st_ref[0:1, :] + jnp.sum(xg, axis=0,
                                                      keepdims=True)
            st_ref[1:2, :] = st_ref[1:2, :] + jnp.sum(xg * xg, axis=0,
                                                      keepdims=True)

        @pl.when(p == 1)
        def _phase_b():
            mean = st_ref[0:1, :] * (1.0 / N)
            var = st_ref[1:2, :] * (1.0 / N) - mean * mean
            xn = ((xg_ref[pl.ds(i * BLK, BLK), :] - mean)
                  * lax.rsqrt(var + 1e-5) * bng_ref[...] + bnb_ref[...])
            hprev = h_ref[...]
            gi = jnp.dot(xn, wih_ref[...],
                         preferred_element_type=jnp.float32) + bih_ref[...]
            gh = jnp.dot(hprev, whh_ref[...],
                         preferred_element_type=jnp.float32) + bhh_ref[...]
            r = jax.nn.sigmoid(gi[:, :D] + gh[:, :D])
            z = jax.nn.sigmoid(gi[:, D:2 * D] + gh[:, D:2 * D])
            n = jnp.tanh(gi[:, 2 * D:] + r * gh[:, 2 * D:])
            hn = (1.0 - z) * n + z * hprev
            mu = jnp.mean(hn, axis=1, keepdims=True)
            v2 = jnp.mean((hn - mu) * (hn - mu), axis=1, keepdims=True)
            hl = ((hn - mu) * lax.rsqrt(v2 + 1e-5) * lng_ref[...]
                  + lnb_ref[...])
            h_out[...] = hl
            m_out[...] = m_ref[...] * hl
            e_out[...] = e_ref[...] + hl

    blk = lambda: pl.BlockSpec((BLK, D), lambda p, i: (i, 0))
    out_blk = lambda: pl.BlockSpec((BLK, D), lambda p, i: (p * i, 0))
    vec = lambda n: pl.BlockSpec((1, n), lambda p, i: (0, 0))
    return pl.pallas_call(
        body,
        grid=(2, NB),
        in_specs=[
            blk(),
            pl.BlockSpec((NCORES, BLK, D), lambda p, i: (0, (1 - p) * i, 0)),
            blk(), blk(),
            pl.BlockSpec((D, D), lambda p, i: (0, 0)),
            vec(D),
            pl.BlockSpec((D, D), lambda p, i: (0, 0)),
            vec(D),
            pl.BlockSpec((D, 3 * D), lambda p, i: (0, 0)),
            pl.BlockSpec((D, 3 * D), lambda p, i: (0, 0)),
            vec(3 * D), vec(3 * D), vec(D), vec(D), vec(D), vec(D),
        ],
        out_specs=[out_blk(), out_blk(), out_blk()],
        out_shape=[jax.ShapeDtypeStruct((N, D), jnp.float32)] * 3,
        scratch_shapes=[
            pltpu.VMEM((N, D), jnp.float32),
            pltpu.VMEM((8, D), jnp.float32),
        ],
    )(h, part, m, e, w1t, b1, w2t, b2, wiht, whht, bih, bhh, bng, bnb,
      lng, lnb)


def _tc_maxcombine(partial):
    def body(p_ref, o_ref):
        o_ref[...] = jnp.max(p_ref[...], axis=0)

    return pl.pallas_call(
        body,
        out_shape=jax.ShapeDtypeStruct((G, NREP * D), jnp.float32),
    )(partial)


def kernel(x, edge_index, batch, params):
    src_r = edge_index[0].reshape(TILES, NWIN, WIN, CH)
    dst_r = edge_index[1].reshape(TILES, NWIN, WIN, CH)
    zrows = jnp.zeros((RPT, D), jnp.float32)
    ninf = jnp.full((G, D), -jnp.inf, jnp.float32)

    h = x
    m = jnp.ones_like(x)
    e = jnp.zeros_like(x)
    outs = []
    for i in range(L):
        p = params['layers'][i]
        part = _sc_segsum(h, src_r, dst_r, zrows)
        h, m, e = _tc_layer(
            h, part, m, e, p['w1'].T, p['b1'][None, :],
            p['w2'].T, p['b2'][None, :], p['w_ih'].T, p['w_hh'].T,
            p['b_ih'][None, :], p['b_hh'][None, :],
            p['bn_g'][None, :], p['bn_b'][None, :],
            params['ln_g'][None, :], params['ln_b'][None, :])
        outs.append(h)

    rep = jnp.stack(outs + [m, e])
    partial = _sc_segmax(rep, batch, ninf)
    return _tc_maxcombine(partial)

# --- scband reference (transcript-rebuilt; emitter-appended) ---
"""Pipeline reference for scband-hierarchical-graph-net-45251775431203 (READ-ONLY COPY).

The authoritative reference and input builder live on the scoring server;
editing this copy changes nothing except your own understanding.
"""

import jax, jax.numpy as jnp
import numpy as np

N = 10000
E = 320000
D = 128
G = 256
L = 3

def _layer_params(key, i):
    ks = jax.random.split(jax.random.fold_in(key, 100 + i), 10)
    s = 1.0 / np.sqrt(D)
    p = {}
    p['w1'] = jax.random.normal(ks[0], (D, D), jnp.float32) * s
    p['b1'] = jnp.zeros((D,), jnp.float32)
    p['w2'] = jax.random.normal(ks[1], (D, D), jnp.float32) * s
    p['b2'] = jnp.zeros((D,), jnp.float32)
    p['bn_g'] = jnp.ones((D,), jnp.float32)
    p['bn_b'] = jnp.zeros((D,), jnp.float32)
    p['w_ih'] = jax.random.normal(ks[2], (3 * D, D), jnp.float32) * s
    p['w_hh'] = jax.random.normal(ks[3], (3 * D, D), jnp.float32) * s
    p['b_ih'] = jnp.zeros((3 * D,), jnp.float32)
    p['b_hh'] = jnp.zeros((3 * D,), jnp.float32)
    return p

def setup_inputs(seed: int = 0):
    key = jax.random.key(seed)
    ks = jax.random.split(key, 4)
    x = jax.random.normal(ks[0], (N, D), jnp.float32)
    edge_index = jax.random.randint(ks[1], (2, E), 0, N, dtype=jnp.int32)
    batch = jnp.sort(jax.random.randint(ks[2], (N,), 0, G, dtype=jnp.int32))
    params = {'layers': [_layer_params(key, i) for i in range(L)],
              'ln_g': jnp.ones((D,), jnp.float32),
              'ln_b': jnp.zeros((D,), jnp.float32)}
    return {'x': x, 'edge_index': edge_index, 'batch': batch, 'params': params}

def _forward(x, edge_index, batch, params):
    src = edge_index[0]
    dst = edge_index[1]
    h = x
    outs = []
    m = jnp.ones_like(x)
    e = jnp.zeros_like(x)
    for i in range(L):
        p = params['layers'][i]
        # GINConv (eps=0): mlp(x + sum_{j in N(i)} x_j)
        agg = jax.ops.segment_sum(h[src], dst, num_segments=N)
        gin_in = h + agg
        xg = jnp.maximum(gin_in @ p['w1'].T + p['b1'], 0.0) @ p['w2'].T + p['b2']
        xg = jnp.maximum(xg, 0.0)
        # BatchNorm1d (batch statistics, dropout treated as identity / eval)
        mu = jnp.mean(xg, axis=0)
        var = jnp.var(xg, axis=0)
        xg = (xg - mu) / jnp.sqrt(var + 1e-5) * p['bn_g'] + p['bn_b']
        # GRUCell
        gi = xg @ p['w_ih'].T + p['b_ih']
        gh = h @ p['w_hh'].T + p['b_hh']
        ir, iz, inn = gi[:, :D], gi[:, D:2 * D], gi[:, 2 * D:]
        hr, hz, hn = gh[:, :D], gh[:, D:2 * D], gh[:, 2 * D:]
        r = jax.nn.sigmoid(ir + hr)
        z = jax.nn.sigmoid(iz + hz)
        n = jnp.tanh(inn + r * hn)
        h = (1.0 - z) * n + z * h
        # LayerNorm
        mu2 = jnp.mean(h, axis=-1, keepdims=True)
        var2 = jnp.var(h, axis=-1, keepdims=True)
        h = (h - mu2) / jnp.sqrt(var2 + 1e-5) * params['ln_g'] + params['ln_b']
        m = m * h
        e = e + h
        outs.append(h)
    node_rep = jnp.concatenate(outs + [m, e], axis=-1)  # [N, 5*D]
    return jax.ops.segment_max(node_rep, batch, num_segments=G)

def reference(x, edge_index, batch, params):
    return _forward(x, edge_index, batch, params)

if __name__ == "__main__":
    import jax
    _d = setup_inputs()
    print(jax.jit(kernel)(*tuple(_d.values())))

</pallas_src>

<mosaic_0001>
#map = affine_map<(d0, d1) -> (0, 0)>
#map1 = affine_map<(d0, d1) -> (0, 0, 0, 0)>
#map2 = affine_map<(d0, d1) -> (0, 0, 0)>
module attributes {stable_mosaic.version = 14 : i64} {
  func.func @k(%arg0: i32, %arg1: i32, %arg2: memref<10000x128xf32, #tpu.memory_space<hbm>>, %arg3: memref<32x5x16x125xi32, #tpu.memory_space<hbm>>, %arg4: memref<32x5x16x125xi32, #tpu.memory_space<hbm>>, %arg5: memref<632x128xf32, #tpu.memory_space<hbm>>, %arg6: memref<2x10112x128xf32, #tpu.memory_space<hbm>>, %arg7: memref<10112x128xf32, #tpu.memory_space<vmem_shared>>, %arg8: memref<16x125xi32, #tpu.memory_space<vmem>>, %arg9: memref<16x125xi32, #tpu.memory_space<vmem>>, %arg10: memref<125x128xf32, #tpu.memory_space<vmem>>, %arg11: memref<125x128xf32, #tpu.memory_space<vmem>>, %arg12: memref<!tpu.dma_semaphore, #tpu.memory_space<semaphore_mem>>, %arg13: memref<!tpu.dma_semaphore, #tpu.memory_space<semaphore_mem>>, %arg14: memref<!tpu.dma_semaphore, #tpu.memory_space<semaphore_mem>>, %arg15: memref<!tpu.dma_semaphore, #tpu.memory_space<semaphore_mem>>) attributes {dimension_semantics = [#tpu.dimension_semantics<core_parallel>, #tpu.dimension_semantics<subcore_parallel>], iteration_bounds = array<i64: 2, 16>, scalar_prefetch = 0 : i64, scratch_operands = 9 : i64, tpu.core_type = #tpu.core_type<sc_vector_subcore>, window_params = [{transform_indices = #map}, {transform_indices = #map1}, {transform_indices = #map1}, {transform_indices = #map}, {transform_indices = #map2}]} {
    %mul3A = arith.constant 16 : i32
    %mul3A_0 = arith.muli %arg0, %mul3A : i32
    %add3A = arith.addi %mul3A_0, %arg1 : i32
    %mul3A_1 = arith.constant 632 : i32
    %mul3A_2 = arith.muli %arg1, %mul3A_1 : i32
    "tpu.region"() ({
      %run_scoped3A = tpu.sem_alloc : memref<!tpu.dma_semaphore, #tpu.memory_space<semaphore_mem>>
      %dma_start3A = arith.constant 0 : i32
      %dma_start3A_13 = tpu.memref_slice %arg7[%mul3A_2, %dma_start3A] : memref<10112x128xf32, #tpu.memory_space<vmem_shared>> -> memref<632x128xf32, #tpu.memory_space<vmem_shared>>
      tpu.enqueue_dma source(%arg5 : memref<632x128xf32, #tpu.memory_space<hbm>>) target(%dma_start3A_13 : memref<632x128xf32, #tpu.memory_space<vmem_shared>>) target_semaphore(%run_scoped3A : memref<!tpu.dma_semaphore, #tpu.memory_space<semaphore_mem>>)
      %dma_wait3A = arith.constant 0 : i32
      %dma_wait3A_14 = tpu.memref_slice %arg7[%mul3A_2, %dma_wait3A] : memref<10112x128xf32, #tpu.memory_space<vmem_shared>> -> memref<632x128xf32, #tpu.memory_space<vmem_shared>>
      tpu.wait_dma2 semaphore(%run_scoped3A : memref<!tpu.dma_semaphore, #tpu.memory_space<semaphore_mem>>) src(%arg5 : memref<632x128xf32, #tpu.memory_space<hbm>>) dst(%dma_wait3A_14 : memref<632x128xf32, #tpu.memory_space<vmem_shared>>)
      tpu.yield
    }) : () -> ()
    %barrier3A = arith.constant 0 : index
    tpu.barrier barrier_id(%barrier3A)
    %scan3A = arith.constant 0 : i32
    %scan3A_3 = arith.constant 0 : i32
    %scan3A_4 = arith.constant 5 : i32
    %scan3A_5 = arith.addi %scan3A_3, %scan3A_4 : i32
    %scan3A_6 = arith.constant 1 : i32
    scf.for %scan3A_13 = %scan3A_3 to %scan3A_5 step %scan3A_6  : i32 {
      "tpu.region"() ({
        %run_scoped3A = tpu.sem_alloc : memref<!tpu.dma_semaphore, #tpu.memory_space<semaphore_mem>>
        %dma_start3A = arith.constant 0 : i32
        %dma_start3A_20 = arith.constant 0 : i32
        %dma_start3A_21 = tpu.memref_slice %arg3[%add3A, %scan3A_13, %dma_start3A, %dma_start3A_20] : memref<32x5x16x125xi32, #tpu.memory_space<hbm>> -> memref<1x1x16x125xi32, #tpu.memory_space<hbm>>
        %dma_start3A_22 = tpu.memref_squeeze %dma_start3A_21 : memref<1x1x16x125xi32, #tpu.memory_space<hbm>> -> memref<16x125xi32, #tpu.memory_space<hbm>>
        %dma_start3A_23 = arith.constant 0 : i32
        %dma_start3A_24 = arith.constant 0 : i32
        %dma_start3A_25 = tpu.memref_slice %arg3[%add3A, %scan3A_13, %dma_start3A_23, %dma_start3A_24] : memref<32x5x16x125xi32, #tpu.memory_space<hbm>> -> memref<1x1x16x125xi32, #tpu.memory_space<hbm>>
        %dma_start3A_26 = tpu.memref_squeeze %dma_start3A_25 : memref<1x1x16x125xi32, #tpu.memory_space<hbm>> -> memref<16x125xi32, #tpu.memory_space<hbm>>
        tpu.enqueue_dma source(%dma_start3A_26 : memref<16x125xi32, #tpu.memory_space<hbm>>) target(%arg8 : memref<16x125xi32, #tpu.memory_space<vmem>>) target_semaphore(%run_scoped3A : memref<!tpu.dma_semaphore, #tpu.memory_space<semaphore_mem>>)
        %dma_wait3A = arith.constant 0 : i32
        %dma_wait3A_27 = arith.constant 0 : i32
        %dma_wait3A_28 = tpu.memref_slice %arg3[%add3A, %scan3A_13, %dma_wait3A, %dma_wait3A_27] : memref<32x5x16x125xi32, #tpu.memory_space<hbm>> -> memref<1x1x16x125xi32, #tpu.memory_space<hbm>>
        %dma_wait3A_29 = tpu.memref_squeeze %dma_wait3A_28 : memref<1x1x16x125xi32, #tpu.memory_space<hbm>> -> memref<16x125xi32, #tpu.memory_space<hbm>>
        %dma_wait3A_30 = arith.constant 0 : i32
        %dma_wait3A_31 = arith.constant 0 : i32
        %dma_wait3A_32 = tpu.memref_slice %arg3[%add3A, %scan3A_13, %dma_wait3A_30, %dma_wait3A_31] : memref<32x5x16x125xi32, #tpu.memory_space<hbm>> -> memref<1x1x16x125xi32, #tpu.memory_space<hbm>>
        %dma_wait3A_33 = tpu.memref_squeeze %dma_wait3A_32 : memref<1x1x16x125xi32, #tpu.memory_space<hbm>> -> memref<16x125xi32, #tpu.memory_space<hbm>>
        tpu.wait_dma2 semaphore(%run_scoped3A : memref<!tpu.dma_semaphore, #tpu.memory_space<semaphore_mem>>) src(%dma_wait3A_33 : memref<16x125xi32, #tpu.memory_space<hbm>>) dst(%arg8 : memref<16x125xi32, #tpu.memory_space<vmem>>)
        tpu.yield
      }) : () -> ()
      "tpu.region"() ({
        %run_scoped3A = tpu.sem_alloc : memref<!tpu.dma_semaphore, #tpu.memory_space<semaphore_mem>>
        %dma_start3A = arith.constant 0 : i32
        %dma_start3A_20 = arith.constant 0 : i32
        %dma_start3A_21 = tpu.memref_slice %arg4[%add3A, %scan3A_13, %dma_start3A, %dma_start3A_20] : memref<32x5x16x125xi32, #tpu.memory_space<hbm>> -> memref<1x1x16x125xi32, #tpu.memory_space<hbm>>
        %dma_start3A_22 = tpu.memref_squeeze %dma_start3A_21 : memref<1x1x16x125xi32, #tpu.memory_space<hbm>> -> memref<16x125xi32, #tpu.memory_space<hbm>>
        %dma_start3A_23 = arith.constant 0 : i32
        %dma_start3A_24 = arith.constant 0 : i32
        %dma_start3A_25 = tpu.memref_slice %arg4[%add3A, %scan3A_13, %dma_start3A_23, %dma_start3A_24] : memref<32x5x16x125xi32, #tpu.memory_space<hbm>> -> memref<1x1x16x125xi32, #tpu.memory_space<hbm>>
        %dma_start3A_26 = tpu.memref_squeeze %dma_start3A_25 : memref<1x1x16x125xi32, #tpu.memory_space<hbm>> -> memref<16x125xi32, #tpu.memory_space<hbm>>
        tpu.enqueue_dma source(%dma_start3A_26 : memref<16x125xi32, #tpu.memory_space<hbm>>) target(%arg9 : memref<16x125xi32, #tpu.memory_space<vmem>>) target_semaphore(%run_scoped3A : memref<!tpu.dma_semaphore, #tpu.memory_space<semaphore_mem>>)
        %dma_wait3A = arith.constant 0 : i32
        %dma_wait3A_27 = arith.constant 0 : i32
        %dma_wait3A_28 = tpu.memref_slice %arg4[%add3A, %scan3A_13, %dma_wait3A, %dma_wait3A_27] : memref<32x5x16x125xi32, #tpu.memory_space<hbm>> -> memref<1x1x16x125xi32, #tpu.memory_space<hbm>>
        %dma_wait3A_29 = tpu.memref_squeeze %dma_wait3A_28 : memref<1x1x16x125xi32, #tpu.memory_space<hbm>> -> memref<16x125xi32, #tpu.memory_space<hbm>>
        %dma_wait3A_30 = arith.constant 0 : i32
        %dma_wait3A_31 = arith.constant 0 : i32
        %dma_wait3A_32 = tpu.memref_slice %arg4[%add3A, %scan3A_13, %dma_wait3A_30, %dma_wait3A_31] : memref<32x5x16x125xi32, #tpu.memory_space<hbm>> -> memref<1x1x16x125xi32, #tpu.memory_space<hbm>>
        %dma_wait3A_33 = tpu.memref_squeeze %dma_wait3A_32 : memref<1x1x16x125xi32, #tpu.memory_space<hbm>> -> memref<16x125xi32, #tpu.memory_space<hbm>>
        tpu.wait_dma2 semaphore(%run_scoped3A : memref<!tpu.dma_semaphore, #tpu.memory_space<semaphore_mem>>) src(%dma_wait3A_33 : memref<16x125xi32, #tpu.memory_space<hbm>>) dst(%arg9 : memref<16x125xi32, #tpu.memory_space<vmem>>)
        tpu.yield
      }) : () -> ()
      %scan3A_14 = arith.constant 0 : i32
      %scan3A_15 = arith.constant 0 : i32
      %scan3A_16 = arith.constant 8 : i32
      %scan3A_17 = arith.addi %scan3A_15, %scan3A_16 : i32
      %scan3A_18 = arith.constant 1 : i32
      scf.for %scan3A_20 = %scan3A_15 to %scan3A_17 step %scan3A_18  : i32 {
        %mul3A_21 = arith.constant 2 : i32
        %mul3A_22 = arith.muli %scan3A_20, %mul3A_21 : i32
        %add3A_23 = arith.constant 0 : i32
        %add3A_24 = arith.addi %mul3A_22, %add3A_23 : i32
        %dma_start3A = arith.constant 0 : i32
        %dma_start3A_25 = tpu.memref_slice %arg8[%add3A_24, %dma_start3A] : memref<16x125xi32, #tpu.memory_space<vmem>> -> memref<1x125xi32, #tpu.memory_space<vmem>>
        %dma_start3A_26 = tpu.memref_squeeze %dma_start3A_25 : memref<1x125xi32, #tpu.memory_space<vmem>> -> memref<125xi32, #tpu.memory_space<vmem>>
        %dma_start3A_27 = arith.constant 0 : i32
        %dma_start3A_28 = arith.constant 0 : i32
        %dma_start3A_29 = tpu.memref_slice %arg2[%dma_start3A_27, %dma_start3A_28] : memref<10000x128xf32, #tpu.memory_space<hbm>> -> memref<10000x128xf32, #tpu.memory_space<hbm>>
        tpu.enqueue_indirect_dma source(%dma_start3A_29 : memref<10000x128xf32, #tpu.memory_space<hbm>>) target(%arg10 : memref<125x128xf32, #tpu.memory_space<vmem>>) offsets(%dma_start3A_26 : memref<125xi32, #tpu.memory_space<vmem>>) semaphore(%arg12 : memref<!tpu.dma_semaphore, #tpu.memory_space<semaphore_mem>>)
        %mul3A_30 = arith.constant 2 : i32
        %mul3A_31 = arith.muli %scan3A_20, %mul3A_30 : i32
        %add3A_32 = arith.constant 1 : i32
        %add3A_33 = arith.addi %mul3A_31, %add3A_32 : i32
        %dma_start3A_34 = arith.constant 0 : i32
        %dma_start3A_35 = tpu.memref_slice %arg8[%add3A_33, %dma_start3A_34] : memref<16x125xi32, #tpu.memory_space<vmem>> -> memref<1x125xi32, #tpu.memory_space<vmem>>
        %dma_start3A_36 = tpu.memref_squeeze %dma_start3A_35 : memref<1x125xi32, #tpu.memory_space<vmem>> -> memref<125xi32, #tpu.memory_space<vmem>>
        %dma_start3A_37 = arith.constant 0 : i32
        %dma_start3A_38 = arith.constant 0 : i32
        %dma_start3A_39 = tpu.memref_slice %arg2[%dma_start3A_37, %dma_start3A_38] : memref<10000x128xf32, #tpu.memory_space<hbm>> -> memref<10000x128xf32, #tpu.memory_space<hbm>>
        tpu.enqueue_indirect_dma source(%dma_start3A_39 : memref<10000x128xf32, #tpu.memory_space<hbm>>) target(%arg11 : memref<125x128xf32, #tpu.memory_space<vmem>>) offsets(%dma_start3A_36 : memref<125xi32, #tpu.memory_space<vmem>>) semaphore(%arg13 : memref<!tpu.dma_semaphore, #tpu.memory_space<semaphore_mem>>)
        %dma_wait3A = arith.constant 0 : i32
        %dma_wait3A_40 = tpu.memref_slice %arg8[%add3A_24, %dma_wait3A] : memref<16x125xi32, #tpu.memory_space<vmem>> -> memref<1x125xi32, #tpu.memory_space<vmem>>
        %dma_wait3A_41 = tpu.memref_squeeze %dma_wait3A_40 : memref<1x125xi32, #tpu.memory_space<vmem>> -> memref<125xi32, #tpu.memory_space<vmem>>
        %dma_wait3A_42 = arith.constant 0 : i32
        %dma_wait3A_43 = arith.constant 0 : i32
        %dma_wait3A_44 = tpu.memref_slice %arg2[%dma_wait3A_42, %dma_wait3A_43] : memref<10000x128xf32, #tpu.memory_space<hbm>> -> memref<10000x128xf32, #tpu.memory_space<hbm>>
        tpu.wait_indirect_dma semaphore(%arg12 : memref<!tpu.dma_semaphore, #tpu.memory_space<semaphore_mem>>) src(%dma_wait3A_44 : memref<10000x128xf32, #tpu.memory_space<hbm>>) dst(%arg10 : memref<125x128xf32, #tpu.memory_space<vmem>>)
        %mul3A_45 = arith.constant 2 : i32
        %mul3A_46 = arith.muli %scan3A_20, %mul3A_45 : i32
        %add3A_47 = arith.constant 0 : i32
        %add3A_48 = arith.addi %mul3A_46, %add3A_47 : i32
        %dma_start3A_49 = arith.constant 0 : i32
        %dma_start3A_50 = tpu.memref_slice %arg9[%add3A_48, %dma_start3A_49] : memref<16x125xi32, #tpu.memory_space<vmem>> -> memref<1x125xi32, #tpu.memory_space<vmem>>
        %dma_start3A_51 = tpu.memref_squeeze %dma_start3A_50 : memref<1x125xi32, #tpu.memory_space<vmem>> -> memref<125xi32, #tpu.memory_space<vmem>>
        %dma_start3A_52 = arith.constant 0 : i32
        %dma_start3A_53 = arith.constant 0 : i32
        %dma_start3A_54 = tpu.memref_slice %arg7[%dma_start3A_52, %dma_start3A_53] : memref<10112x128xf32, #tpu.memory_space<vmem_shared>> -> memref<10112x128xf32, #tpu.memory_space<vmem_shared>>
        tpu.enqueue_indirect_dma source(%arg10 : memref<125x128xf32, #tpu.memory_space<vmem>>) target(%dma_start3A_54 : memref<10112x128xf32, #tpu.memory_space<vmem_shared>>) offsets(%dma_start3A_51 : memref<125xi32, #tpu.memory_space<vmem>>) semaphore(%arg14 : memref<!tpu.dma_semaphore, #tpu.memory_space<semaphore_mem>>) {add = true}
        %dma_wait3A_55 = arith.constant 0 : i32
        %dma_wait3A_56 = tpu.memref_slice %arg8[%add3A_33, %dma_wait3A_55] : memref<16x125xi32, #tpu.memory_space<vmem>> -> memref<1x125xi32, #tpu.memory_space<vmem>>
        %dma_wait3A_57 = tpu.memref_squeeze %dma_wait3A_56 : memref<1x125xi32, #tpu.memory_space<vmem>> -> memref<125xi32, #tpu.memory_space<vmem>>
        %dma_wait3A_58 = arith.constant 0 : i32
        %dma_wait3A_59 = arith.constant 0 : i32
        %dma_wait3A_60 = tpu.memref_slice %arg2[%dma_wait3A_58, %dma_wait3A_59] : memref<10000x128xf32, #tpu.memory_space<hbm>> -> memref<10000x128xf32, #tpu.memory_space<hbm>>
        tpu.wait_indirect_dma semaphore(%arg13 : memref<!tpu.dma_semaphore, #tpu.memory_space<semaphore_mem>>) src(%dma_wait3A_60 : memref<10000x128xf32, #tpu.memory_space<hbm>>) dst(%arg11 : memref<125x128xf32, #tpu.memory_space<vmem>>)
        %mul3A_61 = arith.constant 2 : i32
        %mul3A_62 = arith.muli %scan3A_20, %mul3A_61 : i32
        %add3A_63 = arith.constant 1 : i32
        %add3A_64 = arith.addi %mul3A_62, %add3A_63 : i32
        %dma_start3A_65 = arith.constant 0 : i32
        %dma_start3A_66 = tpu.memref_slice %arg9[%add3A_64, %dma_start3A_65] : memref<16x125xi32, #tpu.memory_space<vmem>> -> memref<1x125xi32, #tpu.memory_space<vmem>>
        %dma_start3A_67 = tpu.memref_squeeze %dma_start3A_66 : memref<1x125xi32, #tpu.memory_space<vmem>> -> memref<125xi32, #tpu.memory_space<vmem>>
        %dma_start3A_68 = arith.constant 0 : i32
        %dma_start3A_69 = arith.constant 0 : i32
        %dma_start3A_70 = tpu.memref_slice %arg7[%dma_start3A_68, %dma_start3A_69] : memref<10112x128xf32, #tpu.memory_space<vmem_shared>> -> memref<10112x128xf32, #tpu.memory_space<vmem_shared>>
        tpu.enqueue_indirect_dma source(%arg11 : memref<125x128xf32, #tpu.memory_space<vmem>>) target(%dma_start3A_70 : memref<10112x128xf32, #tpu.memory_space<vmem_shared>>) offsets(%dma_start3A_67 : memref<125xi32, #tpu.memory_space<vmem>>) semaphore(%arg15 : memref<!tpu.dma_semaphore, #tpu.memory_space<semaphore_mem>>) {add = true}
        %dma_wait3A_71 = arith.constant 0 : i32
        %dma_wait3A_72 = tpu.memref_slice %arg9[%add3A_48, %dma_wait3A_71] : memref<16x125xi32, #tpu.memory_space<vmem>> -> memref<1x125xi32, #tpu.memory_space<vmem>>
        %dma_wait3A_73 = tpu.memref_squeeze %dma_wait3A_72 : memref<1x125xi32, #tpu.memory_space<vmem>> -> memref<125xi32, #tpu.memory_space<vmem>>
        %dma_wait3A_74 = arith.constant 0 : i32
        %dma_wait3A_75 = arith.constant 0 : i32
        %dma_wait3A_76 = tpu.memref_slice %arg7[%dma_wait3A_74, %dma_wait3A_75] : memref<10112x128xf32, #tpu.memory_space<vmem_shared>> -> memref<10112x128xf32, #tpu.memory_space<vmem_shared>>
        tpu.wait_indirect_dma semaphore(%arg14 : memref<!tpu.dma_semaphore, #tpu.memory_space<semaphore_mem>>) src(%arg10 : memref<125x128xf32, #tpu.memory_space<vmem>>) dst(%dma_wait3A_76 : memref<10112x128xf32, #tpu.memory_space<vmem_shared>>)
        %dma_wait3A_77 = arith.constant 0 : i32
        %dma_wait3A_78 = tpu.memref_slice %arg9[%add3A_64, %dma_wait3A_77] : memref<16x125xi32, #tpu.memory_space<vmem>> -> memref<1x125xi32, #tpu.memory_space<vmem>>
        %dma_wait3A_79 = tpu.memref_squeeze %dma_wait3A_78 : memref<1x125xi32, #tpu.memory_space<vmem>> -> memref<125xi32, #tpu.memory_space<vmem>>
        %dma_wait3A_80 = arith.constant 0 : i32
        %dma_wait3A_81 = arith.constant 0 : i32
        %dma_wait3A_82 = tpu.memref_slice %arg7[%dma_wait3A_80, %dma_wait3A_81] : memref<10112x128xf32, #tpu.memory_space<vmem_shared>> -> memref<10112x128xf32, #tpu.memory_space<vmem_shared>>
        tpu.wait_indirect_dma semaphore(%arg15 : memref<!tpu.dma_semaphore, #tpu.memory_space<semaphore_mem>>) src(%arg11 : memref<125x128xf32, #tpu.memory_space<vmem>>) dst(%dma_wait3A_82 : memref<10112x128xf32, #tpu.memory_space<vmem_shared>>)
      }
      %scan3A_19 = arith.constant 8 : i32
    }
    %scan3A_7 = arith.constant 5 : i32
    %barrier3A_8 = arith.constant 0 : index
    tpu.barrier barrier_id(%barrier3A_8)
    %mul3A_9 = arith.constant 632 : i32
    %mul3A_10 = arith.muli %arg1, %mul3A_9 : i32
    %mul3A_11 = arith.constant 632 : i32
    %mul3A_12 = arith.muli %arg1, %mul3A_11 : i32
    "tpu.region"() ({
      %run_scoped3A = tpu.sem_alloc : memref<!tpu.dma_semaphore, #tpu.memory_space<semaphore_mem>>
      %dma_start3A = arith.constant 0 : i32
      %dma_start3A_13 = tpu.memref_slice %arg6[%arg0, %mul3A_12, %dma_start3A] : memref<2x10112x128xf32, #tpu.memory_space<hbm>> -> memref<1x632x128xf32, #tpu.memory_space<hbm>>
      %dma_start3A_14 = tpu.memref_squeeze %dma_start3A_13 : memref<1x632x128xf32, #tpu.memory_space<hbm>> -> memref<632x128xf32, #tpu.memory_space<hbm>>
      %dma_start3A_15 = arith.constant 0 : i32
      %dma_start3A_16 = tpu.memref_slice %arg7[%mul3A_10, %dma_start3A_15] : memref<10112x128xf32, #tpu.memory_space<vmem_shared>> -> memref<632x128xf32, #tpu.memory_space<vmem_shared>>
      tpu.enqueue_dma source(%dma_start3A_16 : memref<632x128xf32, #tpu.memory_space<vmem_shared>>) target(%dma_start3A_14 : memref<632x128xf32, #tpu.memory_space<hbm>>) target_semaphore(%run_scoped3A : memref<!tpu.dma_semaphore, #tpu.memory_space<semaphore_mem>>)
      %dma_wait3A = arith.constant 0 : i32
      %dma_wait3A_17 = tpu.memref_slice %arg6[%arg0, %mul3A_12, %dma_wait3A] : memref<2x10112x128xf32, #tpu.memory_space<hbm>> -> memref<1x632x128xf32, #tpu.memory_space<hbm>>
      %dma_wait3A_18 = tpu.memref_squeeze %dma_wait3A_17 : memref<1x632x128xf32, #tpu.memory_space<hbm>> -> memref<632x128xf32, #tpu.memory_space<hbm>>
      %dma_wait3A_19 = arith.constant 0 : i32
      %dma_wait3A_20 = tpu.memref_slice %arg7[%mul3A_10, %dma_wait3A_19] : memref<10112x128xf32, #tpu.memory_space<vmem_shared>> -> memref<632x128xf32, #tpu.memory_space<vmem_shared>>
      tpu.wait_dma2 semaphore(%run_scoped3A : memref<!tpu.dma_semaphore, #tpu.memory_space<semaphore_mem>>) src(%dma_wait3A_20 : memref<632x128xf32, #tpu.memory_space<vmem_shared>>) dst(%dma_wait3A_18 : memref<632x128xf32, #tpu.memory_space<hbm>>)
      tpu.yield
    }) : () -> ()
    return
  }
}

#map = affine_map<(d0, d1) -> (0, 0)>
#map1 = affine_map<(d0, d1) -> (0, 0, 0, 0)>
#map2 = affine_map<(d0, d1) -> (0, 0, 0)>
module attributes {stable_mosaic.version = 14 : i64} {
  func.func @k(%arg0: i32, %arg1: i32, %arg2: memref<10000x128xf32, #tpu.memory_space<hbm>>, %arg3: memref<32x5x16x125xi32, #tpu.memory_space<hbm>>, %arg4: memref<32x5x16x125xi32, #tpu.memory_space<hbm>>, %arg5: memref<632x128xf32, #tpu.memory_space<hbm>>, %arg6: memref<2x10112x128xf32, #tpu.memory_space<hbm>>, %arg7: memref<10112x128xf32, #tpu.memory_space<vmem_shared>>, %arg8: memref<16x125xi32, #tpu.memory_space<vmem>>, %arg9: memref<16x125xi32, #tpu.memory_space<vmem>>, %arg10: memref<125x128xf32, #tpu.memory_space<vmem>>, %arg11: memref<125x128xf32, #tpu.memory_space<vmem>>, %arg12: memref<!tpu.dma_semaphore, #tpu.memory_space<semaphore_mem>>, %arg13: memref<!tpu.dma_semaphore, #tpu.memory_space<semaphore_mem>>, %arg14: memref<!tpu.dma_semaphore, #tpu.memory_space<semaphore_mem>>, %arg15: memref<!tpu.dma_semaphore, #tpu.memory_space<semaphore_mem>>) attributes {dimension_semantics = [#tpu.dimension_semantics<core_parallel>, #tpu.dimension_semantics<subcore_parallel>], iteration_bounds = array<i64: 2, 16>, scalar_prefetch = 0 : i64, scratch_operands = 9 : i64, tpu.core_type = #tpu.core_type<sc_vector_subcore>, window_params = [{transform_indices = #map}, {transform_indices = #map1}, {transform_indices = #map1}, {transform_indices = #map}, {transform_indices = #map2}]} {
    %mul3A = arith.constant 16 : i32
    %mul3A_0 = arith.muli %arg0, %mul3A : i32
    %add3A = arith.addi %mul3A_0, %arg1 : i32
    %mul3A_1 = arith.constant 632 : i32
    %mul3A_2 = arith.muli %arg1, %mul3A_1 : i32
    "tpu.region"() ({
      %run_scoped3A = tpu.sem_alloc : memref<!tpu.dma_semaphore, #tpu.memory_space<semaphore_mem>>
      %dma_start3A = arith.constant 0 : i32
      %dma_start3A_13 = tpu.memref_slice %arg7[%mul3A_2, %dma_start3A] : memref<10112x128xf32, #tpu.memory_space<vmem_shared>> -> memref<632x128xf32, #tpu.memory_space<vmem_shared>>
      tpu.enqueue_dma source(%arg5 : memref<632x128xf32, #tpu.memory_space<hbm>>) target(%dma_start3A_13 : memref<632x128xf32, #tpu.memory_space<vmem_shared>>) target_semaphore(%run_scoped3A : memref<!tpu.dma_semaphore, #tpu.memory_space<semaphore_mem>>)
      %dma_wait3A = arith.constant 0 : i32
      %dma_wait3A_14 = tpu.memref_slice %arg7[%mul3A_2, %dma_wait3A] : memref<10112x128xf32, #tpu.memory_space<vmem_shared>> -> memref<632x128xf32, #tpu.memory_space<vmem_shared>>
      tpu.wait_dma2 semaphore(%run_scoped3A : memref<!tpu.dma_semaphore, #tpu.memory_space<semaphore_mem>>) src(%arg5 : memref<632x128xf32, #tpu.memory_space<hbm>>) dst(%dma_wait3A_14 : memref<632x128xf32, #tpu.memory_space<vmem_shared>>)
      tpu.yield
    }) : () -> ()
    %barrier3A = arith.constant 0 : index
    tpu.barrier barrier_id(%barrier3A)
    %scan3A = arith.constant 0 : i32
    %scan3A_3 = arith.constant 0 : i32
    %scan3A_4 = arith.constant 5 : i32
    %scan3A_5 = arith.addi %scan3A_3, %scan3A_4 : i32
    %scan3A_6 = arith.constant 1 : i32
    scf.for %scan3A_13 = %scan3A_3 to %scan3A_5 step %scan3A_6  : i32 {
      "tpu.region"() ({
        %run_scoped3A = tpu.sem_alloc : memref<!tpu.dma_semaphore, #tpu.memory_space<semaphore_mem>>
        %dma_start3A = arith.constant 0 : i32
        %dma_start3A_20 = arith.constant 0 : i32
        %dma_start3A_21 = tpu.memref_slice %arg3[%add3A, %scan3A_13, %dma_start3A, %dma_start3A_20] : memref<32x5x16x125xi32, #tpu.memory_space<hbm>> -> memref<1x1x16x125xi32, #tpu.memory_space<hbm>>
        %dma_start3A_22 = tpu.memref_squeeze %dma_start3A_21 : memref<1x1x16x125xi32, #tpu.memory_space<hbm>> -> memref<16x125xi32, #tpu.memory_space<hbm>>
        %dma_start3A_23 = arith.constant 0 : i32
        %dma_start3A_24 = arith.constant 0 : i32
        %dma_start3A_25 = tpu.memref_slice %arg3[%add3A, %scan3A_13, %dma_start3A_23, %dma_start3A_24] : memref<32x5x16x125xi32, #tpu.memory_space<hbm>> -> memref<1x1x16x125xi32, #tpu.memory_space<hbm>>
        %dma_start3A_26 = tpu.memref_squeeze %dma_start3A_25 : memref<1x1x16x125xi32, #tpu.memory_space<hbm>> -> memref<16x125xi32, #tpu.memory_space<hbm>>
        tpu.enqueue_dma source(%dma_start3A_26 : memref<16x125xi32, #tpu.memory_space<hbm>>) target(%arg8 : memref<16x125xi32, #tpu.memory_space<vmem>>) target_semaphore(%run_scoped3A : memref<!tpu.dma_semaphore, #tpu.memory_space<semaphore_mem>>)
        %dma_wait3A = arith.constant 0 : i32
        %dma_wait3A_27 = arith.constant 0 : i32
        %dma_wait3A_28 = tpu.memref_slice %arg3[%add3A, %scan3A_13, %dma_wait3A, %dma_wait3A_27] : memref<32x5x16x125xi32, #tpu.memory_space<hbm>> -> memref<1x1x16x125xi32, #tpu.memory_space<hbm>>
        %dma_wait3A_29 = tpu.memref_squeeze %dma_wait3A_28 : memref<1x1x16x125xi32, #tpu.memory_space<hbm>> -> memref<16x125xi32, #tpu.memory_space<hbm>>
        %dma_wait3A_30 = arith.constant 0 : i32
        %dma_wait3A_31 = arith.constant 0 : i32
        %dma_wait3A_32 = tpu.memref_slice %arg3[%add3A, %scan3A_13, %dma_wait3A_30, %dma_wait3A_31] : memref<32x5x16x125xi32, #tpu.memory_space<hbm>> -> memref<1x1x16x125xi32, #tpu.memory_space<hbm>>
        %dma_wait3A_33 = tpu.memref_squeeze %dma_wait3A_32 : memref<1x1x16x125xi32, #tpu.memory_space<hbm>> -> memref<16x125xi32, #tpu.memory_space<hbm>>
        tpu.wait_dma2 semaphore(%run_scoped3A : memref<!tpu.dma_semaphore, #tpu.memory_space<semaphore_mem>>) src(%dma_wait3A_33 : memref<16x125xi32, #tpu.memory_space<hbm>>) dst(%arg8 : memref<16x125xi32, #tpu.memory_space<vmem>>)
        tpu.yield
      }) : () -> ()
      "tpu.region"() ({
        %run_scoped3A = tpu.sem_alloc : memref<!tpu.dma_semaphore, #tpu.memory_space<semaphore_mem>>
        %dma_start3A = arith.constant 0 : i32
        %dma_start3A_20 = arith.constant 0 : i32
        %dma_start3A_21 = tpu.memref_slice %arg4[%add3A, %scan3A_13, %dma_start3A, %dma_start3A_20] : memref<32x5x16x125xi32, #tpu.memory_space<hbm>> -> memref<1x1x16x125xi32, #tpu.memory_space<hbm>>
        %dma_start3A_22 = tpu.memref_squeeze %dma_start3A_21 : memref<1x1x16x125xi32, #tpu.memory_space<hbm>> -> memref<16x125xi32, #tpu.memory_space<hbm>>
        %dma_start3A_23 = arith.constant 0 : i32
        %dma_start3A_24 = arith.constant 0 : i32
        %dma_start3A_25 = tpu.memref_slice %arg4[%add3A, %scan3A_13, %dma_start3A_23, %dma_start3A_24] : memref<32x5x16x125xi32, #tpu.memory_space<hbm>> -> memref<1x1x16x125xi32, #tpu.memory_space<hbm>>
        %dma_start3A_26 = tpu.memref_squeeze %dma_start3A_25 : memref<1x1x16x125xi32, #tpu.memory_space<hbm>> -> memref<16x125xi32, #tpu.memory_space<hbm>>
        tpu.enqueue_dma source(%dma_start3A_26 : memref<16x125xi32, #tpu.memory_space<hbm>>) target(%arg9 : memref<16x125xi32, #tpu.memory_space<vmem>>) target_semaphore(%run_scoped3A : memref<!tpu.dma_semaphore, #tpu.memory_space<semaphore_mem>>)
        %dma_wait3A = arith.constant 0 : i32
        %dma_wait3A_27 = arith.constant 0 : i32
        %dma_wait3A_28 = tpu.memref_slice %arg4[%add3A, %scan3A_13, %dma_wait3A, %dma_wait3A_27] : memref<32x5x16x125xi32, #tpu.memory_space<hbm>> -> memref<1x1x16x125xi32, #tpu.memory_space<hbm>>
        %dma_wait3A_29 = tpu.memref_squeeze %dma_wait3A_28 : memref<1x1x16x125xi32, #tpu.memory_space<hbm>> -> memref<16x125xi32, #tpu.memory_space<hbm>>
        %dma_wait3A_30 = arith.constant 0 : i32
        %dma_wait3A_31 = arith.constant 0 : i32
        %dma_wait3A_32 = tpu.memref_slice %arg4[%add3A, %scan3A_13, %dma_wait3A_30, %dma_wait3A_31] : memref<32x5x16x125xi32, #tpu.memory_space<hbm>> -> memref<1x1x16x125xi32, #tpu.memory_space<hbm>>
        %dma_wait3A_33 = tpu.memref_squeeze %dma_wait3A_32 : memref<1x1x16x125xi32, #tpu.memory_space<hbm>> -> memref<16x125xi32, #tpu.memory_space<hbm>>
        tpu.wait_dma2 semaphore(%run_scoped3A : memref<!tpu.dma_semaphore, #tpu.memory_space<semaphore_mem>>) src(%dma_wait3A_33 : memref<16x125xi32, #tpu.memory_space<hbm>>) dst(%arg9 : memref<16x125xi32, #tpu.memory_space<vmem>>)
        tpu.yield
      }) : () -> ()
      %scan3A_14 = arith.constant 0 : i32
      %scan3A_15 = arith.constant 0 : i32
      %scan3A_16 = arith.constant 8 : i32
      %scan3A_17 = arith.addi %scan3A_15, %scan3A_16 : i32
      %scan3A_18 = arith.constant 1 : i32
      scf.for %scan3A_20 = %scan3A_15 to %scan3A_17 step %scan3A_18  : i32 {
        %mul3A_21 = arith.constant 2 : i32
        %mul3A_22 = arith.muli %scan3A_20, %mul3A_21 : i32
        %add3A_23 = arith.constant 0 : i32
        %add3A_24 = arith.addi %mul3A_22, %add3A_23 : i32
        %dma_start3A = arith.constant 0 : i32
        %dma_start3A_25 = tpu.memref_slice %arg8[%add3A_24, %dma_start3A] : memref<16x125xi32, #tpu.memory_space<vmem>> -> memref<1x125xi32, #tpu.memory_space<vmem>>
        %dma_start3A_26 = tpu.memref_squeeze %dma_start3A_25 : memref<1x125xi32, #tpu.memory_space<vmem>> -> memref<125xi32, #tpu.memory_space<vmem>>
        %dma_start3A_27 = arith.constant 0 : i32
        %dma_start3A_28 = arith.constant 0 : i32
        %dma_start3A_29 = tpu.memref_slice %arg2[%dma_start3A_27, %dma_start3A_28] : memref<10000x128xf32, #tpu.memory_space<hbm>> -> memref<10000x128xf32, #tpu.memory_space<hbm>>
        tpu.enqueue_indirect_dma source(%dma_start3A_29 : memref<10000x128xf32, #tpu.memory_space<hbm>>) target(%arg10 : memref<125x128xf32, #tpu.memory_space<vmem>>) offsets(%dma_start3A_26 : memref<125xi32, #tpu.memory_space<vmem>>) semaphore(%arg12 : memref<!tpu.dma_semaphore, #tpu.memory_space<semaphore_mem>>)
        %mul3A_30 = arith.constant 2 : i32
        %mul3A_31 = arith.muli %scan3A_20, %mul3A_30 : i32
        %add3A_32 = arith.constant 1 : i32
        %add3A_33 = arith.addi %mul3A_31, %add3A_32 : i32
        %dma_start3A_34 = arith.constant 0 : i32
        %dma_start3A_35 = tpu.memref_slice %arg8[%add3A_33, %dma_start3A_34] : memref<16x125xi32, #tpu.memory_space<vmem>> -> memref<1x125xi32, #tpu.memory_space<vmem>>
        %dma_start3A_36 = tpu.memref_squeeze %dma_start3A_35 : memref<1x125xi32, #tpu.memory_space<vmem>> -> memref<125xi32, #tpu.memory_space<vmem>>
        %dma_start3A_37 = arith.constant 0 : i32
        %dma_start3A_38 = arith.constant 0 : i32
        %dma_start3A_39 = tpu.memref_slice %arg2[%dma_start3A_37, %dma_start3A_38] : memref<10000x128xf32, #tpu.memory_space<hbm>> -> memref<10000x128xf32, #tpu.memory_space<hbm>>
        tpu.enqueue_indirect_dma source(%dma_start3A_39 : memref<10000x128xf32, #tpu.memory_space<hbm>>) target(%arg11 : memref<125x128xf32, #tpu.memory_space<vmem>>) offsets(%dma_start3A_36 : memref<125xi32, #tpu.memory_space<vmem>>) semaphore(%arg13 : memref<!tpu.dma_semaphore, #tpu.memory_space<semaphore_mem>>)
        %dma_wait3A = arith.constant 0 : i32
        %dma_wait3A_40 = tpu.memref_slice %arg8[%add3A_24, %dma_wait3A] : memref<16x125xi32, #tpu.memory_space<vmem>> -> memref<1x125xi32, #tpu.memory_space<vmem>>
        %dma_wait3A_41 = tpu.memref_squeeze %dma_wait3A_40 : memref<1x125xi32, #tpu.memory_space<vmem>> -> memref<125xi32, #tpu.memory_space<vmem>>
        %dma_wait3A_42 = arith.constant 0 : i32
        %dma_wait3A_43 = arith.constant 0 : i32
        %dma_wait3A_44 = tpu.memref_slice %arg2[%dma_wait3A_42, %dma_wait3A_43] : memref<10000x128xf32, #tpu.memory_space<hbm>> -> memref<10000x128xf32, #tpu.memory_space<hbm>>
        tpu.wait_indirect_dma semaphore(%arg12 : memref<!tpu.dma_semaphore, #tpu.memory_space<semaphore_mem>>) src(%dma_wait3A_44 : memref<10000x128xf32, #tpu.memory_space<hbm>>) dst(%arg10 : memref<125x128xf32, #tpu.memory_space<vmem>>)
        %mul3A_45 = arith.constant 2 : i32
        %mul3A_46 = arith.muli %scan3A_20, %mul3A_45 : i32
        %add3A_47 = arith.constant 0 : i32
        %add3A_48 = arith.addi %mul3A_46, %add3A_47 : i32
        %dma_start3A_49 = arith.constant 0 : i32
        %dma_start3A_50 = tpu.memref_slice %arg9[%add3A_48, %dma_start3A_49] : memref<16x125xi32, #tpu.memory_space<vmem>> -> memref<1x125xi32, #tpu.memory_space<vmem>>
        %dma_start3A_51 = tpu.memref_squeeze %dma_start3A_50 : memref<1x125xi32, #tpu.memory_space<vmem>> -> memref<125xi32, #tpu.memory_space<vmem>>
        %dma_start3A_52 = arith.constant 0 : i32
        %dma_start3A_53 = arith.constant 0 : i32
        %dma_start3A_54 = tpu.memref_slice %arg7[%dma_start3A_52, %dma_start3A_53] : memref<10112x128xf32, #tpu.memory_space<vmem_shared>> -> memref<10112x128xf32, #tpu.memory_space<vmem_shared>>
        tpu.enqueue_indirect_dma source(%arg10 : memref<125x128xf32, #tpu.memory_space<vmem>>) target(%dma_start3A_54 : memref<10112x128xf32, #tpu.memory_space<vmem_shared>>) offsets(%dma_start3A_51 : memref<125xi32, #tpu.memory_space<vmem>>) semaphore(%arg14 : memref<!tpu.dma_semaphore, #tpu.memory_space<semaphore_mem>>) {add = true}
        %dma_wait3A_55 = arith.constant 0 : i32
        %dma_wait3A_56 = tpu.memref_slice %arg8[%add3A_33, %dma_wait3A_55] : memref<16x125xi32, #tpu.memory_space<vmem>> -> memref<1x125xi32, #tpu.memory_space<vmem>>
        %dma_wait3A_57 = tpu.memref_squeeze %dma_wait3A_56 : memref<1x125xi32, #tpu.memory_space<vmem>> -> memref<125xi32, #tpu.memory_space<vmem>>
        %dma_wait3A_58 = arith.constant 0 : i32
        %dma_wait3A_59 = arith.constant 0 : i32
        %dma_wait3A_60 = tpu.memref_slice %arg2[%dma_wait3A_58, %dma_wait3A_59] : memref<10000x128xf32, #tpu.memory_space<hbm>> -> memref<10000x128xf32, #tpu.memory_space<hbm>>
        tpu.wait_indirect_dma semaphore(%arg13 : memref<!tpu.dma_semaphore, #tpu.memory_space<semaphore_mem>>) src(%dma_wait3A_60 : memref<10000x128xf32, #tpu.memory_space<hbm>>) dst(%arg11 : memref<125x128xf32, #tpu.memory_space<vmem>>)
        %mul3A_61 = arith.constant 2 : i32
        %mul3A_62 = arith.muli %scan3A_20, %mul3A_61 : i32
        %add3A_63 = arith.constant 1 : i32
        %add3A_64 = arith.addi %mul3A_62, %add3A_63 : i32
        %dma_start3A_65 = arith.constant 0 : i32
        %dma_start3A_66 = tpu.memref_slice %arg9[%add3A_64, %dma_start3A_65] : memref<16x125xi32, #tpu.memory_space<vmem>> -> memref<1x125xi32, #tpu.memory_space<vmem>>
        %dma_start3A_67 = tpu.memref_squeeze %dma_start3A_66 : memref<1x125xi32, #tpu.memory_space<vmem>> -> memref<125xi32, #tpu.memory_space<vmem>>
        %dma_start3A_68 = arith.constant 0 : i32
        %dma_start3A_69 = arith.constant 0 : i32
        %dma_start3A_70 = tpu.memref_slice %arg7[%dma_start3A_68, %dma_start3A_69] : memref<10112x128xf32, #tpu.memory_space<vmem_shared>> -> memref<10112x128xf32, #tpu.memory_space<vmem_shared>>
        tpu.enqueue_indirect_dma source(%arg11 : memref<125x128xf32, #tpu.memory_space<vmem>>) target(%dma_start3A_70 : memref<10112x128xf32, #tpu.memory_space<vmem_shared>>) offsets(%dma_start3A_67 : memref<125xi32, #tpu.memory_space<vmem>>) semaphore(%arg15 : memref<!tpu.dma_semaphore, #tpu.memory_space<semaphore_mem>>) {add = true}
        %dma_wait3A_71 = arith.constant 0 : i32
        %dma_wait3A_72 = tpu.memref_slice %arg9[%add3A_48, %dma_wait3A_71] : memref<16x125xi32, #tpu.memory_space<vmem>> -> memref<1x125xi32, #tpu.memory_space<vmem>>
        %dma_wait3A_73 = tpu.memref_squeeze %dma_wait3A_72 : memref<1x125xi32, #tpu.memory_space<vmem>> -> memref<125xi32, #tpu.memory_space<vmem>>
        %dma_wait3A_74 = arith.constant 0 : i32
        %dma_wait3A_75 = arith.constant 0 : i32
        %dma_wait3A_76 = tpu.memref_slice %arg7[%dma_wait3A_74, %dma_wait3A_75] : memref<10112x128xf32, #tpu.memory_space<vmem_shared>> -> memref<10112x128xf32, #tpu.memory_space<vmem_shared>>
        tpu.wait_indirect_dma semaphore(%arg14 : memref<!tpu.dma_semaphore, #tpu.memory_space<semaphore_mem>>) src(%arg10 : memref<125x128xf32, #tpu.memory_space<vmem>>) dst(%dma_wait3A_76 : memref<10112x128xf32, #tpu.memory_space<vmem_shared>>)
        %dma_wait3A_77 = arith.constant 0 : i32
        %dma_wait3A_78 = tpu.memref_slice %arg9[%add3A_64, %dma_wait3A_77] : memref<16x125xi32, #tpu.memory_space<vmem>> -> memref<1x125xi32, #tpu.memory_space<vmem>>
        %dma_wait3A_79 = tpu.memref_squeeze %dma_wait3A_78 : memref<1x125xi32, #tpu.memory_space<vmem>> -> memref<125xi32, #tpu.memory_space<vmem>>
        %dma_wait3A_80 = arith.constant 0 : i32
        %dma_wait3A_81 = arith.constant 0 : i32
        %dma_wait3A_82 = tpu.memref_slice %arg7[%dma_wait3A_80, %dma_wait3A_81] : memref<10112x128xf32, #tpu.memory_space<vmem_shared>> -> memref<10112x128xf32, #tpu.memory_space<vmem_shared>>
        tpu.wait_indirect_dma semaphore(%arg15 : memref<!tpu.dma_semaphore, #tpu.memory_space<semaphore_mem>>) src(%arg11 : memref<125x128xf32, #tpu.memory_space<vmem>>) dst(%dma_wait3A_82 : memref<10112x128xf32, #tpu.memory_space<vmem_shared>>)
      }
      %scan3A_19 = arith.constant 8 : i32
    }
    %scan3A_7 = arith.constant 5 : i32
    %barrier3A_8 = arith.constant 0 : index
    tpu.barrier barrier_id(%barrier3A_8)
    %mul3A_9 = arith.constant 632 : i32
    %mul3A_10 = arith.muli %arg1, %mul3A_9 : i32
    %mul3A_11 = arith.constant 632 : i32
    %mul3A_12 = arith.muli %arg1, %mul3A_11 : i32
    "tpu.region"() ({
      %run_scoped3A = tpu.sem_alloc : memref<!tpu.dma_semaphore, #tpu.memory_space<semaphore_mem>>
      %dma_start3A = arith.constant 0 : i32
      %dma_start3A_13 = tpu.memref_slice %arg6[%arg0, %mul3A_12, %dma_start3A] : memref<2x10112x128xf32, #tpu.memory_space<hbm>> -> memref<1x632x128xf32, #tpu.memory_space<hbm>>
      %dma_start3A_14 = tpu.memref_squeeze %dma_start3A_13 : memref<1x632x128xf32, #tpu.memory_space<hbm>> -> memref<632x128xf32, #tpu.memory_space<hbm>>
      %dma_start3A_15 = arith.constant 0 : i32
      %dma_start3A_16 = tpu.memref_slice %arg7[%mul3A_10, %dma_start3A_15] : memref<10112x128xf32, #tpu.memory_space<vmem_shared>> -> memref<632x128xf32, #tpu.memory_space<vmem_shared>>
      tpu.enqueue_dma source(%dma_start3A_16 : memref<632x128xf32, #tpu.memory_space<vmem_shared>>) target(%dma_start3A_14 : memref<632x128xf32, #tpu.memory_space<hbm>>) target_semaphore(%run_scoped3A : memref<!tpu.dma_semaphore, #tpu.memory_space<semaphore_mem>>)
      %dma_wait3A = arith.constant 0 : i32
      %dma_wait3A_17 = tpu.memref_slice %arg6[%arg0, %mul3A_12, %dma_wait3A] : memref<2x10112x128xf32, #tpu.memory_space<hbm>> -> memref<1x632x128xf32, #tpu.memory_space<hbm>>
      %dma_wait3A_18 = tpu.memref_squeeze %dma_wait3A_17 : memref<1x632x128xf32, #tpu.memory_space<hbm>> -> memref<632x128xf32, #tpu.memory_space<hbm>>
      %dma_wait3A_19 = arith.constant 0 : i32
      %dma_wait3A_20 = tpu.memref_slice %arg7[%mul3A_10, %dma_wait3A_19] : memref<10112x128xf32, #tpu.memory_space<vmem_shared>> -> memref<632x128xf32, #tpu.memory_space<vmem_shared>>
      tpu.wait_dma2 semaphore(%run_scoped3A : memref<!tpu.dma_semaphore, #tpu.memory_space<semaphore_mem>>) src(%dma_wait3A_20 : memref<632x128xf32, #tpu.memory_space<vmem_shared>>) dst(%dma_wait3A_18 : memref<632x128xf32, #tpu.memory_space<hbm>>)
      tpu.yield
    }) : () -> ()
    return
  }
}

#map = affine_map<(d0, d1) -> (0, 0, 0)>
#map1 = affine_map<(d0, d1) -> (0)>
#map2 = affine_map<(d0, d1) -> (0, 0)>
module attributes {stable_mosaic.version = 14 : i64} {
  func.func @k(%arg0: i32, %arg1: i32, %arg2: memref<5x10000x128xf32, #tpu.memory_space<hbm>>, %arg3: memref<10000xi32, #tpu.memory_space<hbm>>, %arg4: memref<256x128xf32, #tpu.memory_space<hbm>>, %arg5: memref<25x256x640xf32, #tpu.memory_space<hbm>>, %arg6: memref<400xi32, #tpu.memory_space<vmem>>, %arg7: memref<400x128xf32, #tpu.memory_space<vmem>>, %arg8: memref<256x128xf32, #tpu.memory_space<vmem>>) attributes {dimension_semantics = [#tpu.dimension_semantics<core_parallel>, #tpu.dimension_semantics<subcore_parallel>], iteration_bounds = array<i64: 2, 16>, scalar_prefetch = 0 : i64, scratch_operands = 3 : i64, tpu.core_type = #tpu.core_type<sc_vector_subcore>, window_params = [{transform_indices = #map}, {transform_indices = #map1}, {transform_indices = #map2}, {transform_indices = #map}]} {
    %mul3A = arith.constant 16 : i32
    %mul3A_0 = arith.muli %arg0, %mul3A : i32
    %add3A = arith.addi %mul3A_0, %arg1 : i32
    %iota3A = tpu.iota {dimensions = array<i32: 0>} : vector<16xi32>
    %add3A_1 = arith.constant 0 : i32
    %add3A_2 = arith.addi %add3A, %add3A_1 : i32
    %lt3A = arith.constant 125 : i32
    %lt3A_3 = arith.cmpi slt, %add3A_2, %lt3A : i32
    %convert_element_type3A = arith.extui %lt3A_3 : i1 to i32
    %cond3A = arith.constant 0 : i32
    %cond3A_4 = arith.cmpi ne, %convert_element_type3A, %cond3A : i32
    scf.if %cond3A_4 {
      %jit3A = arith.constant 5 : i32
      %div3A = arith.divsi %add3A_2, %jit3A : i32
      %sign3A = arith.constant 0 : i32
      %sign3A_26 = arith.cmpi sgt, %add3A_2, %sign3A : i32
      %sign3A_27 = arith.extui %sign3A_26 : i1 to i32
      %sign3A_28 = arith.constant 0 : i32
      %sign3A_29 = arith.cmpi slt, %add3A_2, %sign3A_28 : i32
      %sign3A_30 = arith.extui %sign3A_29 : i1 to i32
      %sign3A_31 = arith.subi %sign3A_27, %sign3A_30 : i32
      %sign3A_32 = arith.constant 0 : i32
      %sign3A_33 = arith.cmpi sgt, %jit3A, %sign3A_32 : i32
      %sign3A_34 = arith.extui %sign3A_33 : i1 to i32
      %sign3A_35 = arith.constant 0 : i32
      %sign3A_36 = arith.cmpi slt, %jit3A, %sign3A_35 : i32
      %sign3A_37 = arith.extui %sign3A_36 : i1 to i32
      %sign3A_38 = arith.subi %sign3A_34, %sign3A_37 : i32
      %ne3A = arith.cmpi ne, %sign3A_31, %sign3A_38 : i32
      %rem3A = arith.remsi %add3A_2, %jit3A : i32
      %ne3A_39 = arith.constant 0 : i32
      %ne3A_40 = arith.cmpi ne, %rem3A, %ne3A_39 : i32
      %and3A = arith.andi %ne3A, %ne3A_40 : i1
      %sub3A = arith.constant 1 : i32
      %sub3A_41 = arith.subi %div3A, %sub3A : i32
      %select_n3A = arith.select %and3A, %sub3A_41, %div3A : i32
      %jit3A_42 = arith.constant 5 : i32
      %eq3A = arith.constant 0 : i32
      %eq3A_43 = arith.cmpi eq, %jit3A_42, %eq3A : i32
      %jit3A_44 = arith.constant 1 : i32
      %select_n3A_45 = arith.select %eq3A_43, %jit3A_44, %jit3A_42 : i32
      %rem3A_46 = arith.remsi %add3A_2, %select_n3A_45 : i32
      %ne3A_47 = arith.constant 0 : i32
      %ne3A_48 = arith.cmpi ne, %rem3A_46, %ne3A_47 : i32
      %lt3A_49 = arith.constant 0 : i32
      %lt3A_50 = arith.cmpi slt, %rem3A_46, %lt3A_49 : i32
      %lt3A_51 = arith.constant 0 : i32
      %lt3A_52 = arith.cmpi slt, %select_n3A_45, %lt3A_51 : i32
      %ne3A_53 = arith.xori %lt3A_50, %lt3A_52 : i1
      %and3A_54 = arith.andi %ne3A_53, %ne3A_48 : i1
      %add3A_55 = arith.addi %rem3A_46, %select_n3A_45 : i32
      %select_n3A_56 = arith.select %and3A_54, %add3A_55, %rem3A_46 : i32
      %mul3A_57 = arith.constant 400 : i32
      %mul3A_58 = arith.muli %select_n3A, %mul3A_57 : i32
      "tpu.region"() ({
        %run_scoped3A = tpu.sem_alloc : memref<!tpu.dma_semaphore, #tpu.memory_space<semaphore_mem>>
        %dma_start3A = tpu.memref_slice %arg3[%mul3A_58] : memref<10000xi32, #tpu.memory_space<hbm>> -> memref<400xi32, #tpu.memory_space<hbm>>
        %dma_start3A_109 = tpu.memref_slice %arg3[%mul3A_58] : memref<10000xi32, #tpu.memory_space<hbm>> -> memref<400xi32, #tpu.memory_space<hbm>>
        tpu.enqueue_dma source(%dma_start3A_109 : memref<400xi32, #tpu.memory_space<hbm>>) target(%arg6 : memref<400xi32, #tpu.memory_space<vmem>>) target_semaphore(%run_scoped3A : memref<!tpu.dma_semaphore, #tpu.memory_space<semaphore_mem>>)
        %dma_wait3A = tpu.memref_slice %arg3[%mul3A_58] : memref<10000xi32, #tpu.memory_space<hbm>> -> memref<400xi32, #tpu.memory_space<hbm>>
        %dma_wait3A_110 = tpu.memref_slice %arg3[%mul3A_58] : memref<10000xi32, #tpu.memory_space<hbm>> -> memref<400xi32, #tpu.memory_space<hbm>>
        tpu.wait_dma2 semaphore(%run_scoped3A : memref<!tpu.dma_semaphore, #tpu.memory_space<semaphore_mem>>) src(%dma_wait3A_110 : memref<400xi32, #tpu.memory_space<hbm>>) dst(%arg6 : memref<400xi32, #tpu.memory_space<vmem>>)
        tpu.yield
      }) : () -> ()
      "tpu.region"() ({
        %run_scoped3A = tpu.sem_alloc : memref<!tpu.dma_semaphore, #tpu.memory_space<semaphore_mem>>
        tpu.enqueue_dma source(%arg4 : memref<256x128xf32, #tpu.memory_space<hbm>>) target(%arg8 : memref<256x128xf32, #tpu.memory_space<vmem>>) target_semaphore(%run_scoped3A : memref<!tpu.dma_semaphore, #tpu.memory_space<semaphore_mem>>)
        tpu.wait_dma2 semaphore(%run_scoped3A : memref<!tpu.dma_semaphore, #tpu.memory_space<semaphore_mem>>) src(%arg4 : memref<256x128xf32, #tpu.memory_space<hbm>>) dst(%arg8 : memref<256x128xf32, #tpu.memory_space<vmem>>)
        tpu.yield
      }) : () -> ()
      %mul3A_59 = arith.constant 400 : i32
      %mul3A_60 = arith.muli %select_n3A, %mul3A_59 : i32
      "tpu.region"() ({
        %run_scoped3A = tpu.sem_alloc : memref<!tpu.dma_semaphore, #tpu.memory_space<semaphore_mem>>
        %dma_start3A = arith.constant 0 : i32
        %dma_start3A_109 = tpu.memref_slice %arg2[%select_n3A_56, %mul3A_60, %dma_start3A] : memref<5x10000x128xf32, #tpu.memory_space<hbm>> -> memref<1x400x128xf32, #tpu.memory_space<hbm>>
        %dma_start3A_110 = tpu.memref_squeeze %dma_start3A_109 : memref<1x400x128xf32, #tpu.memory_space<hbm>> -> memref<400x128xf32, #tpu.memory_space<hbm>>
        %dma_start3A_111 = arith.constant 0 : i32
        %dma_start3A_112 = tpu.memref_slice %arg2[%select_n3A_56, %mul3A_60, %dma_start3A_111] : memref<5x10000x128xf32, #tpu.memory_space<hbm>> -> memref<1x400x128xf32, #tpu.memory_space<hbm>>
        %dma_start3A_113 = tpu.memref_squeeze %dma_start3A_112 : memref<1x400x128xf32, #tpu.memory_space<hbm>> -> memref<400x128xf32, #tpu.memory_space<hbm>>
        tpu.enqueue_dma source(%dma_start3A_113 : memref<400x128xf32, #tpu.memory_space<hbm>>) target(%arg7 : memref<400x128xf32, #tpu.memory_space<vmem>>) target_semaphore(%run_scoped3A : memref<!tpu.dma_semaphore, #tpu.memory_space<semaphore_mem>>)
        %dma_wait3A = arith.constant 0 : i32
        %dma_wait3A_114 = tpu.memref_slice %arg2[%select_n3A_56, %mul3A_60, %dma_wait3A] : memref<5x10000x128xf32, #tpu.memory_space<hbm>> -> memref<1x400x128xf32, #tpu.memory_space<hbm>>
        %dma_wait3A_115 = tpu.memref_squeeze %dma_wait3A_114 : memref<1x400x128xf32, #tpu.memory_space<hbm>> -> memref<400x128xf32, #tpu.memory_space<hbm>>
        %dma_wait3A_116 = arith.constant 0 : i32
        %dma_wait3A_117 = tpu.memref_slice %arg2[%select_n3A_56, %mul3A_60, %dma_wait3A_116] : memref<5x10000x128xf32, #tpu.memory_space<hbm>> -> memref<1x400x128xf32, #tpu.memory_space<hbm>>
        %dma_wait3A_118 = tpu.memref_squeeze %dma_wait3A_117 : memref<1x400x128xf32, #tpu.memory_space<hbm>> -> memref<400x128xf32, #tpu.memory_space<hbm>>
        tpu.wait_dma2 semaphore(%run_scoped3A : memref<!tpu.dma_semaphore, #tpu.memory_space<semaphore_mem>>) src(%dma_wait3A_118 : memref<400x128xf32, #tpu.memory_space<hbm>>) dst(%arg7 : memref<400x128xf32, #tpu.memory_space<vmem>>)
        tpu.yield
      }) : () -> ()
      %broadcast_in_dim3A = arith.constant 0 : i32
      %broadcast_in_dim3A_61 = vector.broadcast %broadcast_in_dim3A : i32 to vector<16xi32>
      %gather3A = tpu.vector_load_idx %arg6[%broadcast_in_dim3A_61] : memref<400xi32, #tpu.memory_space<vmem>>[vector<16xi32>], vector<16xi32>,
      %broadcast_in_dim3A_62 = arith.constant 0xFF800000 : f32
      %broadcast_in_dim3A_63 = vector.broadcast %broadcast_in_dim3A_62 : f32 to vector<16xf32>
      %broadcast_in_dim3A_64 = arith.constant 0xFF800000 : f32
      %broadcast_in_dim3A_65 = vector.broadcast %broadcast_in_dim3A_64 : f32 to vector<16xf32>
      %broadcast_in_dim3A_66 = arith.constant 0xFF800000 : f32
      %broadcast_in_dim3A_67 = vector.broadcast %broadcast_in_dim3A_66 : f32 to vector<16xf32>
      %broadcast_in_dim3A_68 = arith.constant 0xFF800000 : f32
      %broadcast_in_dim3A_69 = vector.broadcast %broadcast_in_dim3A_68 : f32 to vector<16xf32>
      %broadcast_in_dim3A_70 = arith.constant 0xFF800000 : f32
      %broadcast_in_dim3A_71 = vector.broadcast %broadcast_in_dim3A_70 : f32 to vector<16xf32>
      %broadcast_in_dim3A_72 = arith.constant 0xFF800000 : f32
      %broadcast_in_dim3A_73 = vector.broadcast %broadcast_in_dim3A_72 : f32 to vector<16xf32>
      %broadcast_in_dim3A_74 = arith.constant 0xFF800000 : f32
      %broadcast_in_dim3A_75 = vector.broadcast %broadcast_in_dim3A_74 : f32 to vector<16xf32>
      %broadcast_in_dim3A_76 = arith.constant 0xFF800000 : f32
      %broadcast_in_dim3A_77 = vector.broadcast %broadcast_in_dim3A_76 : f32 to vector<16xf32>
      %scan3A = arith.constant 0 : i32
      %scan3A_78 = arith.constant 400 : i32
      %scan3A_79 = arith.addi %scan3A, %scan3A_78 : i32
      %scan3A_80 = arith.constant 1 : i32
      %scan3A_81:9 = scf.for %scan3A_109 = %scan3A to %scan3A_79 step %scan3A_80 iter_args(%scan3A_110 = %gather3A, %scan3A_111 = %broadcast_in_dim3A_63, %scan3A_112 = %broadcast_in_dim3A_65, %scan3A_113 = %broadcast_in_dim3A_67, %scan3A_114 = %broadcast_in_dim3A_69, %scan3A_115 = %broadcast_in_dim3A_71, %scan3A_116 = %broadcast_in_dim3A_73, %scan3A_117 = %broadcast_in_dim3A_75, %scan3A_118 = %broadcast_in_dim3A_77) -> (vector<16xi32>, vector<16xf32>, vector<16xf32>, vector<16xf32>, vector<16xf32>, vector<16xf32>, vector<16xf32>, vector<16xf32>, vector<16xf32>)  : i32 {
        %broadcast_in_dim3A_119 = vector.broadcast %scan3A_109 : i32 to vector<16xi32>
        %gather3A_120 = tpu.vector_load_idx %arg6[%broadcast_in_dim3A_119] : memref<400xi32, #tpu.memory_space<vmem>>[vector<16xi32>], vector<16xi32>,
        %ne3A_121 = arith.cmpi ne, %scan3A_110, %gather3A_120 : vector<16xi32>
        %add3A_122 = arith.constant 0 : i32
        %add3A_123 = vector.broadcast %add3A_122 : i32 to vector<16xi32>
        %add3A_124 = arith.addi %iota3A, %add3A_123 : vector<16xi32>
        tpu.vector_store_idx %arg8[%scan3A_110, %add3A_124], %scan3A_111 masked %ne3A_121 : memref<256x128xf32, #tpu.memory_space<vmem>>[vector<16xi32>, vector<16xi32>], vector<16xf32>, vector<16xi1>
        %get3A = arith.index_cast %scan3A_109 : i32 to index
        %get3A_125 = arith.constant 0 : index
        %get3A_126 = tpu.vector_load %arg7[%get3A, %get3A_125] {strides = array<i32>} : memref<400x128xf32, #tpu.memory_space<vmem>>, vector<16xf32>,
        %max3A = arith.maximumf %scan3A_111, %get3A_126 : vector<16xf32>
        %select_n3A_127 = arith.select %ne3A_121, %get3A_126, %max3A : vector<16xi1>, vector<16xf32>
        %add3A_128 = arith.constant 16 : i32
        %add3A_129 = vector.broadcast %add3A_128 : i32 to vector<16xi32>
        %add3A_130 = arith.addi %iota3A, %add3A_129 : vector<16xi32>
        tpu.vector_store_idx %arg8[%scan3A_110, %add3A_130], %scan3A_112 masked %ne3A_121 : memref<256x128xf32, #tpu.memory_space<vmem>>[vector<16xi32>, vector<16xi32>], vector<16xf32>, vector<16xi1>
        %get3A_131 = arith.index_cast %scan3A_109 : i32 to index
        %get3A_132 = arith.constant 16 : index
        %get3A_133 = tpu.vector_load %arg7[%get3A_131, %get3A_132] {strides = array<i32>} : memref<400x128xf32, #tpu.memory_space<vmem>>, vector<16xf32>,
        %max3A_134 = arith.maximumf %scan3A_112, %get3A_133 : vector<16xf32>
        %select_n3A_135 = arith.select %ne3A_121, %get3A_133, %max3A_134 : vector<16xi1>, vector<16xf32>
        %add3A_136 = arith.constant 32 : i32
        %add3A_137 = vector.broadcast %add3A_136 : i32 to vector<16xi32>
        %add3A_138 = arith.addi %iota3A, %add3A_137 : vector<16xi32>
        tpu.vector_store_idx %arg8[%scan3A_110, %add3A_138], %scan3A_113 masked %ne3A_121 : memref<256x128xf32, #tpu.memory_space<vmem>>[vector<16xi32>, vector<16xi32>], vector<16xf32>, vector<16xi1>
        %get3A_139 = arith.index_cast %scan3A_109 : i32 to index
        %get3A_140 = arith.constant 32 : index
        %get3A_141 = tpu.vector_load %arg7[%get3A_139, %get3A_140] {strides = array<i32>} : memref<400x128xf32, #tpu.memory_space<vmem>>, vector<16xf32>,
        %max3A_142 = arith.maximumf %scan3A_113, %get3A_141 : vector<16xf32>
        %select_n3A_143 = arith.select %ne3A_121, %get3A_141, %max3A_142 : vector<16xi1>, vector<16xf32>
        %add3A_144 = arith.constant 48 : i32
        %add3A_145 = vector.broadcast %add3A_144 : i32 to vector<16xi32>
        %add3A_146 = arith.addi %iota3A, %add3A_145 : vector<16xi32>
        tpu.vector_store_idx %arg8[%scan3A_110, %add3A_146], %scan3A_114 masked %ne3A_121 : memref<256x128xf32, #tpu.memory_space<vmem>>[vector<16xi32>, vector<16xi32>], vector<16xf32>, vector<16xi1>
        %get3A_147 = arith.index_cast %scan3A_109 : i32 to index
        %get3A_148 = arith.constant 48 : index
        %get3A_149 = tpu.vector_load %arg7[%get3A_147, %get3A_148] {strides = array<i32>} : memref<400x128xf32, #tpu.memory_space<vmem>>, vector<16xf32>,
        %max3A_150 = arith.maximumf %scan3A_114, %get3A_149 : vector<16xf32>
        %select_n3A_151 = arith.select %ne3A_121, %get3A_149, %max3A_150 : vector<16xi1>, vector<16xf32>
        %add3A_152 = arith.constant 64 : i32
        %add3A_153 = vector.broadcast %add3A_152 : i32 to vector<16xi32>
        %add3A_154 = arith.addi %iota3A, %add3A_153 : vector<16xi32>
        tpu.vector_store_idx %arg8[%scan3A_110, %add3A_154], %scan3A_115 masked %ne3A_121 : memref<256x128xf32, #tpu.memory_space<vmem>>[vector<16xi32>, vector<16xi32>], vector<16xf32>, vector<16xi1>
        %get3A_155 = arith.index_cast %scan3A_109 : i32 to index
        %get3A_156 = arith.constant 64 : index
        %get3A_157 = tpu.vector_load %arg7[%get3A_155, %get3A_156] {strides = array<i32>} : memref<400x128xf32, #tpu.memory_space<vmem>>, vector<16xf32>,
        %max3A_158 = arith.maximumf %scan3A_115, %get3A_157 : vector<16xf32>
        %select_n3A_159 = arith.select %ne3A_121, %get3A_157, %max3A_158 : vector<16xi1>, vector<16xf32>
        %add3A_160 = arith.constant 80 : i32
        %add3A_161 = vector.broadcast %add3A_160 : i32 to vector<16xi32>
        %add3A_162 = arith.addi %iota3A, %add3A_161 : vector<16xi32>
        tpu.vector_store_idx %arg8[%scan3A_110, %add3A_162], %scan3A_116 masked %ne3A_121 : memref<256x128xf32, #tpu.memory_space<vmem>>[vector<16xi32>, vector<16xi32>], vector<16xf32>, vector<16xi1>
        %get3A_163 = arith.index_cast %scan3A_109 : i32 to index
        %get3A_164 = arith.constant 80 : index
        %get3A_165 = tpu.vector_load %arg7[%get3A_163, %get3A_164] {strides = array<i32>} : memref<400x128xf32, #tpu.memory_space<vmem>>, vector<16xf32>,
        %max3A_166 = arith.maximumf %scan3A_116, %get3A_165 : vector<16xf32>
        %select_n3A_167 = arith.select %ne3A_121, %get3A_165, %max3A_166 : vector<16xi1>, vector<16xf32>
        %add3A_168 = arith.constant 96 : i32
        %add3A_169 = vector.broadcast %add3A_168 : i32 to vector<16xi32>
        %add3A_170 = arith.addi %iota3A, %add3A_169 : vector<16xi32>
        tpu.vector_store_idx %arg8[%scan3A_110, %add3A_170], %scan3A_117 masked %ne3A_121 : memref<256x128xf32, #tpu.memory_space<vmem>>[vector<16xi32>, vector<16xi32>], vector<16xf32>, vector<16xi1>
        %get3A_171 = arith.index_cast %scan3A_109 : i32 to index
        %get3A_172 = arith.constant 96 : index
        %get3A_173 = tpu.vector_load %arg7[%get3A_171, %get3A_172] {strides = array<i32>} : memref<400x128xf32, #tpu.memory_space<vmem>>, vector<16xf32>,
        %max3A_174 = arith.maximumf %scan3A_117, %get3A_173 : vector<16xf32>
        %select_n3A_175 = arith.select %ne3A_121, %get3A_173, %max3A_174 : vector<16xi1>, vector<16xf32>
        %add3A_176 = arith.constant 112 : i32
        %add3A_177 = vector.broadcast %add3A_176 : i32 to vector<16xi32>
        %add3A_178 = arith.addi %iota3A, %add3A_177 : vector<16xi32>
        tpu.vector_store_idx %arg8[%scan3A_110, %add3A_178], %scan3A_118 masked %ne3A_121 : memref<256x128xf32, #tpu.memory_space<vmem>>[vector<16xi32>, vector<16xi32>], vector<16xf32>, vector<16xi1>
        %get3A_179 = arith.index_cast %scan3A_109 : i32 to index
        %get3A_180 = arith.constant 112 : index
        %get3A_181 = tpu.vector_load %arg7[%get3A_179, %get3A_180] {strides = array<i32>} : memref<400x128xf32, #tpu.memory_space<vmem>>, vector<16xf32>,
        %max3A_182 = arith.maximumf %scan3A_118, %get3A_181 : vector<16xf32>
        %select_n3A_183 = arith.select %ne3A_121, %get3A_181, %max3A_182 : vector<16xi1>, vector<16xf32>
        scf.yield %gather3A_120, %select_n3A_127, %select_n3A_135, %select_n3A_143, %select_n3A_151, %select_n3A_159, %select_n3A_167, %select_n3A_175, %select_n3A_183 : vector<16xi32>, vector<16xf32>, vector<16xf32>, vector<16xf32>, vector<16xf32>, vector<16xf32>, vector<16xf32>, vector<16xf32>, vector<16xf32>
      }
      %scan3A_82 = arith.constant 400 : i32
      %add3A_83 = arith.constant 0 : i32
      %add3A_84 = vector.broadcast %add3A_83 : i32 to vector<16xi32>
      %add3A_85 = arith.addi %iota3A, %add3A_84 : vector<16xi32>
      tpu.vector_store_idx %arg8[%scan3A_81#0, %add3A_85], %scan3A_81#1 : memref<256x128xf32, #tpu.memory_space<vmem>>[vector<16xi32>, vector<16xi32>], vector<16xf32>,
      %add3A_86 = arith.constant 16 : i32
      %add3A_87 = vector.broadcast %add3A_86 : i32 to vector<16xi32>
      %add3A_88 = arith.addi %iota3A, %add3A_87 : vector<16xi32>
      tpu.vector_store_idx %arg8[%scan3A_81#0, %add3A_88], %scan3A_81#2 : memref<256x128xf32, #tpu.memory_space<vmem>>[vector<16xi32>, vector<16xi32>], vector<16xf32>,
      %add3A_89 = arith.constant 32 : i32
      %add3A_90 = vector.broadcast %add3A_89 : i32 to vector<16xi32>
      %add3A_91 = arith.addi %iota3A, %add3A_90 : vector<16xi32>
      tpu.vector_store_idx %arg8[%scan3A_81#0, %add3A_91], %scan3A_81#3 : memref<256x128xf32, #tpu.memory_space<vmem>>[vector<16xi32>, vector<16xi32>], vector<16xf32>,
      %add3A_92 = arith.constant 48 : i32
      %add3A_93 = vector.broadcast %add3A_92 : i32 to vector<16xi32>
      %add3A_94 = arith.addi %iota3A, %add3A_93 : vector<16xi32>
      tpu.vector_store_idx %arg8[%scan3A_81#0, %add3A_94], %scan3A_81#4 : memref<256x128xf32, #tpu.memory_space<vmem>>[vector<16xi32>, vector<16xi32>], vector<16xf32>,
      %add3A_95 = arith.constant 64 : i32
      %add3A_96 = vector.broadcast %add3A_95 : i32 to vector<16xi32>
      %add3A_97 = arith.addi %iota3A, %add3A_96 : vector<16xi32>
      tpu.vector_store_idx %arg8[%scan3A_81#0, %add3A_97], %scan3A_81#5 : memref<256x128xf32, #tpu.memory_space<vmem>>[vector<16xi32>, vector<16xi32>], vector<16xf32>,
      %add3A_98 = arith.constant 80 : i32
      %add3A_99 = vector.broadcast %add3A_98 : i32 to vector<16xi32>
      %add3A_100 = arith.addi %iota3A, %add3A_99 : vector<16xi32>
      tpu.vector_store_idx %arg8[%scan3A_81#0, %add3A_100], %scan3A_81#6 : memref<256x128xf32, #tpu.memory_space<vmem>>[vector<16xi32>, vector<16xi32>], vector<16xf32>,
      %add3A_101 = arith.constant 96 : i32
      %add3A_102 = vector.broadcast %add3A_101 : i32 to vector<16xi32>
      %add3A_103 = arith.addi %iota3A, %add3A_102 : vector<16xi32>
      tpu.vector_store_idx %arg8[%scan3A_81#0, %add3A_103], %scan3A_81#7 : memref<256x128xf32, #tpu.memory_space<vmem>>[vector<16xi32>, vector<16xi32>], vector<16xf32>,
      %add3A_104 = arith.constant 112 : i32
      %add3A_105 = vector.broadcast %add3A_104 : i32 to vector<16xi32>
      %add3A_106 = arith.addi %iota3A, %add3A_105 : vector<16xi32>
      tpu.vector_store_idx %arg8[%scan3A_81#0, %add3A_106], %scan3A_81#8 : memref<256x128xf32, #tpu.memory_space<vmem>>[vector<16xi32>, vector<16xi32>], vector<16xf32>,
      %mul3A_107 = arith.constant 128 : i32
      %mul3A_108 = arith.muli %select_n3A_56, %mul3A_107 : i32
      "tpu.region"() ({
        %run_scoped3A = tpu.sem_alloc : memref<!tpu.dma_semaphore, #tpu.memory_space<semaphore_mem>>
        %dma_start3A = arith.constant 0 : i32
        %dma_start3A_109 = tpu.memref_slice %arg5[%select_n3A, %dma_start3A, %mul3A_108] : memref<25x256x640xf32, #tpu.memory_space<hbm>> -> memref<1x256x128xf32, #tpu.memory_space<hbm>>
        %dma_start3A_110 = tpu.memref_squeeze %dma_start3A_109 : memref<1x256x128xf32, #tpu.memory_space<hbm>> -> memref<256x128xf32, #tpu.memory_space<hbm>>
        %dma_start3A_111 = arith.constant 0 : i32
        %dma_start3A_112 = tpu.memref_slice %arg5[%select_n3A, %dma_start3A_111, %mul3A_108] : memref<25x256x640xf32, #tpu.memory_space<hbm>> -> memref<1x256x128xf32, #tpu.memory_space<hbm>>
        %dma_start3A_113 = tpu.memref_squeeze %dma_start3A_112 : memref<1x256x128xf32, #tpu.memory_space<hbm>> -> memref<256x128xf32, #tpu.memory_space<hbm>>
        tpu.enqueue_dma source(%arg8 : memref<256x128xf32, #tpu.memory_space<vmem>>) target(%dma_start3A_113 : memref<256x128xf32, #tpu.memory_space<hbm>>) target_semaphore(%run_scoped3A : memref<!tpu.dma_semaphore, #tpu.memory_space<semaphore_mem>>)
        %dma_wait3A = arith.constant 0 : i32
        %dma_wait3A_114 = tpu.memref_slice %arg5[%select_n3A, %dma_wait3A, %mul3A_108] : memref<25x256x640xf32, #tpu.memory_space<hbm>> -> memref<1x256x128xf32, #tpu.memory_space<hbm>>
        %dma_wait3A_115 = tpu.memref_squeeze %dma_wait3A_114 : memref<1x256x128xf32, #tpu.memory_space<hbm>> -> memref<256x128xf32, #tpu.memory_space<hbm>>
        %dma_wait3A_116 = arith.constant 0 : i32
        %dma_wait3A_117 = tpu.memref_slice %arg5[%select_n3A, %dma_wait3A_116, %mul3A_108] : memref<25x256x640xf32, #tpu.memory_space<hbm>> -> memref<1x256x128xf32, #tpu.memory_space<hbm>>
        %dma_wait3A_118 = tpu.memref_squeeze %dma_wait3A_117 : memref<1x256x128xf32, #tpu.memory_space<hbm>> -> memref<256x128xf32, #tpu.memory_space<hbm>>
        tpu.wait_dma2 semaphore(%run_scoped3A : memref<!tpu.dma_semaphore, #tpu.memory_space<semaphore_mem>>) src(%arg8 : memref<256x128xf32, #tpu.memory_space<vmem>>) dst(%dma_wait3A_118 : memref<256x128xf32, #tpu.memory_space<hbm>>)
        tpu.yield
      }) : () -> ()
    } else {
    }
    %add3A_5 = arith.constant 32 : i32
    %add3A_6 = arith.addi %add3A, %add3A_5 : i32
    %lt3A_7 = arith.constant 125 : i32
    %lt3A_8 = arith.cmpi slt, %add3A_6, %lt3A_7 : i32
    %convert_element_type3A_9 = arith.extui %lt3A_8 : i1 to i32
    %cond3A_10 = arith.constant 0 : i32
    %cond3A_11 = arith.cmpi ne, %convert_element_type3A_9, %cond3A_10 : i32
    scf.if %cond3A_11 {
      %jit3A = arith.constant 5 : i32
      %div3A = arith.divsi %add3A_6, %jit3A : i32
      %sign3A = arith.constant 0 : i32
      %sign3A_26 = arith.cmpi sgt, %add3A_6, %sign3A : i32
      %sign3A_27 = arith.extui %sign3A_26 : i1 to i32
      %sign3A_28 = arith.constant 0 : i32
      %sign3A_29 = arith.cmpi slt, %add3A_6, %sign3A_28 : i32
      %sign3A_30 = arith.extui %sign3A_29 : i1 to i32
      %sign3A_31 = arith.subi %sign3A_27, %sign3A_30 : i32
      %sign3A_32 = arith.constant 0 : i32
      %sign3A_33 = arith.cmpi sgt, %jit3A, %sign3A_32 : i32
      %sign3A_34 = arith.extui %sign3A_33 : i1 to i32
      %sign3A_35 = arith.constant 0 : i32
      %sign3A_36 = arith.cmpi slt, %jit3A, %sign3A_35 : i32
      %sign3A_37 = arith.extui %sign3A_36 : i1 to i32
      %sign3A_38 = arith.subi %sign3A_34, %sign3A_37 : i32
      %ne3A = arith.cmpi ne, %sign3A_31, %sign3A_38 : i32
      %rem3A = arith.remsi %add3A_6, %jit3A : i32
      %ne3A_39 = arith.constant 0 : i32
      %ne3A_40 = arith.cmpi ne, %rem3A, %ne3A_39 : i32
      %and3A = arith.andi %ne3A, %ne3A_40 : i1
      %sub3A = arith.constant 1 : i32
      %sub3A_41 = arith.subi %div3A, %sub3A : i32
      %select_n3A = arith.select %and3A, %sub3A_41, %div3A : i32
      %jit3A_42 = arith.constant 5 : i32
      %eq3A = arith.constant 0 : i32
      %eq3A_43 = arith.cmpi eq, %jit3A_42, %eq3A : i32
      %jit3A_44 = arith.constant 1 : i32
      %select_n3A_45 = arith.select %eq3A_43, %jit3A_44, %jit3A_42 : i32
      %rem3A_46 = arith.remsi %add3A_6, %select_n3A_45 : i32
      %ne3A_47 = arith.constant 0 : i32
      %ne3A_48 = arith.cmpi ne, %rem3A_46, %ne3A_47 : i32
      %lt3A_49 = arith.constant 0 : i32
      %lt3A_50 = arith.cmpi slt, %rem3A_46, %lt3A_49 : i32
      %lt3A_51 = arith.constant 0 : i32
      %lt3A_52 = arith.cmpi slt, %select_n3A_45, %lt3A_51 : i32
      %ne3A_53 = arith.xori %lt3A_50, %lt3A_52 : i1
      %and3A_54 = arith.andi %ne3A_53, %ne3A_48 : i1
      %add3A_55 = arith.addi %rem3A_46, %select_n3A_45 : i32
      %select_n3A_56 = arith.select %and3A_54, %add3A_55, %rem3A_46 : i32
      %mul3A_57 = arith.constant 400 : i32
      %mul3A_58 = arith.muli %select_n3A, %mul3A_57 : i32
      "tpu.region"() ({
        %run_scoped3A = tpu.sem_alloc : memref<!tpu.dma_semaphore, #tpu.memory_space<semaphore_mem>>
        %dma_start3A = tpu.memref_slice %arg3[%mul3A_58] : memref<10000xi32, #tpu.memory_space<hbm>> -> memref<400xi32, #tpu.memory_space<hbm>>
        %dma_start3A_109 = tpu.memref_slice %arg3[%mul3A_58] : memref<10000xi32, #tpu.memory_space<hbm>> -> memref<400xi32, #tpu.memory_space<hbm>>
        tpu.enqueue_dma source(%dma_start3A_109 : memref<400xi32, #tpu.memory_space<hbm>>) target(%arg6 : memref<400xi32, #tpu.memory_space<vmem>>) target_semaphore(%run_scoped3A : memref<!tpu.dma_semaphore, #tpu.memory_space<semaphore_mem>>)
        %dma_wait3A = tpu.memref_slice %arg3[%mul3A_58] : memref<10000xi32, #tpu.memory_space<hbm>> -> memref<400xi32, #tpu.memory_space<hbm>>
        %dma_wait3A_110 = tpu.memref_slice %arg3[%mul3A_58] : memref<10000xi32, #tpu.memory_space<hbm>> -> memref<400xi32, #tpu.memory_space<hbm>>
        tpu.wait_dma2 semaphore(%run_scoped3A : memref<!tpu.dma_semaphore, #tpu.memory_space<semaphore_mem>>) src(%dma_wait3A_110 : memref<400xi32, #tpu.memory_space<hbm>>) dst(%arg6 : memref<400xi32, #tpu.memory_space<vmem>>)
        tpu.yield
      }) : () -> ()
      "tpu.region"() ({
        %run_scoped3A = tpu.sem_alloc : memref<!tpu.dma_semaphore, #tpu.memory_space<semaphore_mem>>
        tpu.enqueue_dma source(%arg4 : memref<256x128xf32, #tpu.memory_space<hbm>>) target(%arg8 : memref<256x128xf32, #tpu.memory_space<vmem>>) target_semaphore(%run_scoped3A : memref<!tpu.dma_semaphore, #tpu.memory_space<semaphore_mem>>)
        tpu.wait_dma2 semaphore(%run_scoped3A : memref<!tpu.dma_semaphore, #tpu.memory_space<semaphore_mem>>) src(%arg4 : memref<256x128xf32, #tpu.memory_space<hbm>>) dst(%arg8 : memref<256x128xf32, #tpu.memory_space<vmem>>)
        tpu.yield
      }) : () -> ()
      %mul3A_59 = arith.constant 400 : i32
      %mul3A_60 = arith.muli %select_n3A, %mul3A_59 : i32
      "tpu.region"() ({
        %run_scoped3A = tpu.sem_alloc : memref<!tpu.dma_semaphore, #tpu.memory_space<semaphore_mem>>
        %dma_start3A = arith.constant 0 : i32
        %dma_start3A_109 = tpu.memref_slice %arg2[%select_n3A_56, %mul3A_60, %dma_start3A] : memref<5x10000x128xf32, #tpu.memory_space<hbm>> -> memref<1x400x128xf32, #tpu.memory_space<hbm>>
        %dma_start3A_110 = tpu.memref_squeeze %dma_start3A_109 : memref<1x400x128xf32, #tpu.memory_space<hbm>> -> memref<400x128xf32, #tpu.memory_space<hbm>>
        %dma_start3A_111 = arith.constant 0 : i32
        %dma_start3A_112 = tpu.memref_slice %arg2[%select_n3A_56, %mul3A_60, %dma_start3A_111] : memref<5x10000x128xf32, #tpu.memory_space<hbm>> -> memref<1x400x128xf32, #tpu.memory_space<hbm>>
        %dma_start3A_113 = tpu.memref_squeeze %dma_start3A_112 : memref<1x400x128xf32, #tpu.memory_space<hbm>> -> memref<400x128xf32, #tpu.memory_space<hbm>>
        tpu.enqueue_dma source(%dma_start3A_113 : memref<400x128xf32, #tpu.memory_space<hbm>>) target(%arg7 : memref<400x128xf32, #tpu.memory_space<vmem>>) target_semaphore(%run_scoped3A : memref<!tpu.dma_semaphore, #tpu.memory_space<semaphore_mem>>)
        %dma_wait3A = arith.constant 0 : i32
        %dma_wait3A_114 = tpu.memref_slice %arg2[%select_n3A_56, %mul3A_60, %dma_wait3A] : memref<5x10000x128xf32, #tpu.memory_space<hbm>> -> memref<1x400x128xf32, #tpu.memory_space<hbm>>
        %dma_wait3A_115 = tpu.memref_squeeze %dma_wait3A_114 : memref<1x400x128xf32, #tpu.memory_space<hbm>> -> memref<400x128xf32, #tpu.memory_space<hbm>>
        %dma_wait3A_116 = arith.constant 0 : i32
        %dma_wait3A_117 = tpu.memref_slice %arg2[%select_n3A_56, %mul3A_60, %dma_wait3A_116] : memref<5x10000x128xf32, #tpu.memory_space<hbm>> -> memref<1x400x128xf32, #tpu.memory_space<hbm>>
        %dma_wait3A_118 = tpu.memref_squeeze %dma_wait3A_117 : memref<1x400x128xf32, #tpu.memory_space<hbm>> -> memref<400x128xf32, #tpu.memory_space<hbm>>
        tpu.wait_dma2 semaphore(%run_scoped3A : memref<!tpu.dma_semaphore, #tpu.memory_space<semaphore_mem>>) src(%dma_wait3A_118 : memref<400x128xf32, #tpu.memory_space<hbm>>) dst(%arg7 : memref<400x128xf32, #tpu.memory_space<vmem>>)
        tpu.yield
      }) : () -> ()
      %broadcast_in_dim3A = arith.constant 0 : i32
      %broadcast_in_dim3A_61 = vector.broadcast %broadcast_in_dim3A : i32 to vector<16xi32>
      %gather3A = tpu.vector_load_idx %arg6[%broadcast_in_dim3A_61] : memref<400xi32, #tpu.memory_space<vmem>>[vector<16xi32>], vector<16xi32>,
      %broadcast_in_dim3A_62 = arith.constant 0xFF800000 : f32
      %broadcast_in_dim3A_63 = vector.broadcast %broadcast_in_dim3A_62 : f32 to vector<16xf32>
      %broadcast_in_dim3A_64 = arith.constant 0xFF800000 : f32
      %broadcast_in_dim3A_65 = vector.broadcast %broadcast_in_dim3A_64 : f32 to vector<16xf32>
      %broadcast_in_dim3A_66 = arith.constant 0xFF800000 : f32
      %broadcast_in_dim3A_67 = vector.broadcast %broadcast_in_dim3A_66 : f32 to vector<16xf32>
      %broadcast_in_dim3A_68 = arith.constant 0xFF800000 : f32
      %broadcast_in_dim3A_69 = vector.broadcast %broadcast_in_dim3A_68 : f32 to vector<16xf32>
      %broadcast_in_dim3A_70 = arith.constant 0xFF800000 : f32
      %broadcast_in_dim3A_71 = vector.broadcast %broadcast_in_dim3A_70 : f32 to vector<16xf32>
      %broadcast_in_dim3A_72 = arith.constant 0xFF800000 : f32
      %broadcast_in_dim3A_73 = vector.broadcast %broadcast_in_dim3A_72 : f32 to vector<16xf32>
      %broadcast_in_dim3A_74 = arith.constant 0xFF800000 : f32
      %broadcast_in_dim3A_75 = vector.broadcast %broadcast_in_dim3A_74 : f32 to vector<16xf32>
      %broadcast_in_dim3A_76 = arith.constant 0xFF800000 : f32
      %broadcast_in_dim3A_77 = vector.broadcast %broadcast_in_dim3A_76 : f32 to vector<16xf32>
      %scan3A = arith.constant 0 : i32
      %scan3A_78 = arith.constant 400 : i32
      %scan3A_79 = arith.addi %scan3A, %scan3A_78 : i32
      %scan3A_80 = arith.constant 1 : i32
      %scan3A_81:9 = scf.for %scan3A_109 = %scan3A to %scan3A_79 step %scan3A_80 iter_args(%scan3A_110 = %gather3A, %scan3A_111 = %broadcast_in_dim3A_63, %scan3A_112 = %broadcast_in_dim3A_65, %scan3A_113 = %broadcast_in_dim3A_67, %scan3A_114 = %broadcast_in_dim3A_69, %scan3A_115 = %broadcast_in_dim3A_71, %scan3A_116 = %broadcast_in_dim3A_73, %scan3A_117 = %broadcast_in_dim3A_75, %scan3A_118 = %broadcast_in_dim3A_77) -> (vector<16xi32>, vector<16xf32>, vector<16xf32>, vector<16xf32>, vector<16xf32>, vector<16xf32>, vector<16xf32>, vector<16xf32>, vector<16xf32>)  : i32 {
        %broadcast_in_dim3A_119 = vector.broadcast %scan3A_109 : i32 to vector<16xi32>
        %gather3A_120 = tpu.vector_load_idx %arg6[%broadcast_in_dim3A_119] : memref<400xi32, #tpu.memory_space<vmem>>[vector<16xi32>], vector<16xi32>,
        %ne3A_121 = arith.cmpi ne, %scan3A_110, %gather3A_120 : vector<16xi32>
        %add3A_122 = arith.constant 0 : i32
        %add3A_123 = vector.broadcast %add3A_122 : i32 to vector<16xi32>
        %add3A_124 = arith.addi %iota3A, %add3A_123 : vector<16xi32>
        tpu.vector_store_idx %arg8[%scan3A_110, %add3A_124], %scan3A_111 masked %ne3A_121 : memref<256x128xf32, #tpu.memory_space<vmem>>[vector<16xi32>, vector<16xi32>], vector<16xf32>, vector<16xi1>
        %get3A = arith.index_cast %scan3A_109 : i32 to index
        %get3A_125 = arith.constant 0 : index
        %get3A_126 = tpu.vector_load %arg7[%get3A, %get3A_125] {strides = array<i32>} : memref<400x128xf32, #tpu.memory_space<vmem>>, vector<16xf32>,
        %max3A = arith.maximumf %scan3A_111, %get3A_126 : vector<16xf32>
        %select_n3A_127 = arith.select %ne3A_121, %get3A_126, %max3A : vector<16xi1>, vector<16xf32>
        %add3A_128 = arith.constant 16 : i32
        %add3A_129 = vector.broadcast %add3A_128 : i32 to vector<16xi32>
        %add3A_130 = arith.addi %iota3A, %add3A_129 : vector<16xi32>
        tpu.vector_store_idx %arg8[%scan3A_110, %add3A_130], %scan3A_112 masked %ne3A_121 : memref<256x128xf32, #tpu.memory_space<vmem>>[vector<16xi32>, vector<16xi32>], vector<16xf32>, vector<16xi1>
        %get3A_131 = arith.index_cast %scan3A_109 : i32 to index
        %get3A_132 = arith.constant 16 : index
        %get3A_133 = tpu.vector_load %arg7[%get3A_131, %get3A_132] {strides = array<i32>} : memref<400x128xf32, #tpu.memory_space<vmem>>, vector<16xf32>,
        %max3A_134 = arith.maximumf %scan3A_112, %get3A_133 : vector<16xf32>
        %select_n3A_135 = arith.select %ne3A_121, %get3A_133, %max3A_134 : vector<16xi1>, vector<16xf32>
        %add3A_136 = arith.constant 32 : i32
        %add3A_137 = vector.broadcast %add3A_136 : i32 to vector<16xi32>
        %add3A_138 = arith.addi %iota3A, %add3A_137 : vector<16xi32>
        tpu.vector_store_idx %arg8[%scan3A_110, %add3A_138], %scan3A_113 masked %ne3A_121 : memref<256x128xf32, #tpu.memory_space<vmem>>[vector<16xi32>, vector<16xi32>], vector<16xf32>, vector<16xi1>
        %get3A_139 = arith.index_cast %scan3A_109 : i32 to index
        %get3A_140 = arith.constant 32 : index
        %get3A_141 = tpu.vector_load %arg7[%get3A_139, %get3A_140] {strides = array<i32>} : memref<400x128xf32, #tpu.memory_space<vmem>>, vector<16xf32>,
        %max3A_142 = arith.maximumf %scan3A_113, %get3A_141 : vector<16xf32>
        %select_n3A_143 = arith.select %ne3A_121, %get3A_141, %max3A_142 : vector<16xi1>, vector<16xf32>
        %add3A_144 = arith.constant 48 : i32
        %add3A_145 = vector.broadcast %add3A_144 : i32 to vector<16xi32>
        %add3A_146 = arith.addi %iota3A, %add3A_145 : vector<16xi32>
        tpu.vector_store_idx %arg8[%scan3A_110, %add3A_146], %scan3A_114 masked %ne3A_121 : memref<256x128xf32, #tpu.memory_space<vmem>>[vector<16xi32>, vector<16xi32>], vector<16xf32>, vector<16xi1>
        %get3A_147 = arith.index_cast %scan3A_109 : i32 to index
        %get3A_148 = arith.constant 48 : index
        %get3A_149 = tpu.vector_load %arg7[%get3A_147, %get3A_148] {strides = array<i32>} : memref<400x128xf32, #tpu.memory_space<vmem>>, vector<16xf32>,
        %max3A_150 = arith.maximumf %scan3A_114, %get3A_149 : vector<16xf32>
        %select_n3A_151 = arith.select %ne3A_121, %get3A_149, %max3A_150 : vector<16xi1>, vector<16xf32>
        %add3A_152 = arith.constant 64 : i32
        %add3A_153 = vector.broadcast %add3A_152 : i32 to vector<16xi32>
        %add3A_154 = arith.addi %iota3A, %add3A_153 : vector<16xi32>
        tpu.vector_store_idx %arg8[%scan3A_110, %add3A_154], %scan3A_115 masked %ne3A_121 : memref<256x128xf32, #tpu.memory_space<vmem>>[vector<16xi32>, vector<16xi32>], vector<16xf32>, vector<16xi1>
        %get3A_155 = arith.index_cast %scan3A_109 : i32 to index
        %get3A_156 = arith.constant 64 : index
        %get3A_157 = tpu.vector_load %arg7[%get3A_155, %get3A_156] {strides = array<i32>} : memref<400x128xf32, #tpu.memory_space<vmem>>, vector<16xf32>,
        %max3A_158 = arith.maximumf %scan3A_115, %get3A_157 : vector<16xf32>
        %select_n3A_159 = arith.select %ne3A_121, %get3A_157, %max3A_158 : vector<16xi1>, vector<16xf32>
        %add3A_160 = arith.constant 80 : i32
        %add3A_161 = vector.broadcast %add3A_160 : i32 to vector<16xi32>
        %add3A_162 = arith.addi %iota3A, %add3A_161 : vector<16xi32>
        tpu.vector_store_idx %arg8[%scan3A_110, %add3A_162], %scan3A_116 masked %ne3A_121 : memref<256x128xf32, #tpu.memory_space<vmem>>[vector<16xi32>, vector<16xi32>], vector<16xf32>, vector<16xi1>
        %get3A_163 = arith.index_cast %scan3A_109 : i32 to index
        %get3A_164 = arith.constant 80 : index
        %get3A_165 = tpu.vector_load %arg7[%get3A_163, %get3A_164] {strides = array<i32>} : memref<400x128xf32, #tpu.memory_space<vmem>>, vector<16xf32>,
        %max3A_166 = arith.maximumf %scan3A_116, %get3A_165 : vector<16xf32>
        %select_n3A_167 = arith.select %ne3A_121, %get3A_165, %max3A_166 : vector<16xi1>, vector<16xf32>
        %add3A_168 = arith.constant 96 : i32
        %add3A_169 = vector.broadcast %add3A_168 : i32 to vector<16xi32>
        %add3A_170 = arith.addi %iota3A, %add3A_169 : vector<16xi32>
        tpu.vector_store_idx %arg8[%scan3A_110, %add3A_170], %scan3A_117 masked %ne3A_121 : memref<256x128xf32, #tpu.memory_space<vmem>>[vector<16xi32>, vector<16xi32>], vector<16xf32>, vector<16xi1>
        %get3A_171 = arith.index_cast %scan3A_109 : i32 to index
        %get3A_172 = arith.constant 96 : index
        %get3A_173 = tpu.vector_load %arg7[%get3A_171, %get3A_172] {strides = array<i32>} : memref<400x128xf32, #tpu.memory_space<vmem>>, vector<16xf32>,
        %max3A_174 = arith.maximumf %scan3A_117, %get3A_173 : vector<16xf32>
        %select_n3A_175 = arith.select %ne3A_121, %get3A_173, %max3A_174 : vector<16xi1>, vector<16xf32>
        %add3A_176 = arith.constant 112 : i32
        %add3A_177 = vector.broadcast %add3A_176 : i32 to vector<16xi32>
        %add3A_178 = arith.addi %iota3A, %add3A_177 : vector<16xi32>
        tpu.vector_store_idx %arg8[%scan3A_110, %add3A_178], %scan3A_118 masked %ne3A_121 : memref<256x128xf32, #tpu.memory_space<vmem>>[vector<16xi32>, vector<16xi32>], vector<16xf32>, vector<16xi1>
        %get3A_179 = arith.index_cast %scan3A_109 : i32 to index
        %get3A_180 = arith.constant 112 : index
        %get3A_181 = tpu.vector_load %arg7[%get3A_179, %get3A_180] {strides = array<i32>} : memref<400x128xf32, #tpu.memory_space<vmem>>, vector<16xf32>,
        %max3A_182 = arith.maximumf %scan3A_118, %get3A_181 : vector<16xf32>
        %select_n3A_183 = arith.select %ne3A_121, %get3A_181, %max3A_182 : vector<16xi1>, vector<16xf32>
        scf.yield %gather3A_120, %select_n3A_127, %select_n3A_135, %select_n3A_143, %select_n3A_151, %select_n3A_159, %select_n3A_167, %select_n3A_175, %select_n3A_183 : vector<16xi32>, vector<16xf32>, vector<16xf32>, vector<16xf32>, vector<16xf32>, vector<16xf32>, vector<16xf32>, vector<16xf32>, vector<16xf32>
      }
      %scan3A_82 = arith.constant 400 : i32
      %add3A_83 = arith.constant 0 : i32
      %add3A_84 = vector.broadcast %add3A_83 : i32 to vector<16xi32>
      %add3A_85 = arith.addi %iota3A, %add3A_84 : vector<16xi32>
      tpu.vector_store_idx %arg8[%scan3A_81#0, %add3A_85], %scan3A_81#1 : memref<256x128xf32, #tpu.memory_space<vmem>>[vector<16xi32>, vector<16xi32>], vector<16xf32>,
      %add3A_86 = arith.constant 16 : i32
      %add3A_87 = vector.broadcast %add3A_86 : i32 to vector<16xi32>
      %add3A_88 = arith.addi %iota3A, %add3A_87 : vector<16xi32>
      tpu.vector_store_idx %arg8[%scan3A_81#0, %add3A_88], %scan3A_81#2 : memref<256x128xf32, #tpu.memory_space<vmem>>[vector<16xi32>, vector<16xi32>], vector<16xf32>,
      %add3A_89 = arith.constant 32 : i32
      %add3A_90 = vector.broadcast %add3A_89 : i32 to vector<16xi32>
      %add3A_91 = arith.addi %iota3A, %add3A_90 : vector<16xi32>
      tpu.vector_store_idx %arg8[%scan3A_81#0, %add3A_91], %scan3A_81#3 : memref<256x128xf32, #tpu.memory_space<vmem>>[vector<16xi32>, vector<16xi32>], vector<16xf32>,
      %add3A_92 = arith.constant 48 : i32
      %add3A_93 = vector.broadcast %add3A_92 : i32 to vector<16xi32>
      %add3A_94 = arith.addi %iota3A, %add3A_93 : vector<16xi32>
      tpu.vector_store_idx %arg8[%scan3A_81#0, %add3A_94], %scan3A_81#4 : memref<256x128xf32, #tpu.memory_space<vmem>>[vector<16xi32>, vector<16xi32>], vector<16xf32>,
      %add3A_95 = arith.constant 64 : i32
      %add3A_96 = vector.broadcast %add3A_95 : i32 to vector<16xi32>
      %add3A_97 = arith.addi %iota3A, %add3A_96 : vector<16xi32>
      tpu.vector_store_idx %arg8[%scan3A_81#0, %add3A_97], %scan3A_81#5 : memref<256x128xf32, #tpu.memory_space<vmem>>[vector<16xi32>, vector<16xi32>], vector<16xf32>,
      %add3A_98 = arith.constant 80 : i32
      %add3A_99 = vector.broadcast %add3A_98 : i32 to vector<16xi32>
      %add3A_100 = arith.addi %iota3A, %add3A_99 : vector<16xi32>
      tpu.vector_store_idx %arg8[%scan3A_81#0, %add3A_100], %scan3A_81#6 : memref<256x128xf32, #tpu.memory_space<vmem>>[vector<16xi32>, vector<16xi32>], vector<16xf32>,
      %add3A_101 = arith.constant 96 : i32
      %add3A_102 = vector.broadcast %add3A_101 : i32 to vector<16xi32>
      %add3A_103 = arith.addi %iota3A, %add3A_102 : vector<16xi32>
      tpu.vector_store_idx %arg8[%scan3A_81#0, %add3A_103], %scan3A_81#7 : memref<256x128xf32, #tpu.memory_space<vmem>>[vector<16xi32>, vector<16xi32>], vector<16xf32>,
      %add3A_104 = arith.constant 112 : i32
      %add3A_105 = vector.broadcast %add3A_104 : i32 to vector<16xi32>
      %add3A_106 = arith.addi %iota3A, %add3A_105 : vector<16xi32>
      tpu.vector_store_idx %arg8[%scan3A_81#0, %add3A_106], %scan3A_81#8 : memref<256x128xf32, #tpu.memory_space<vmem>>[vector<16xi32>, vector<16xi32>], vector<16xf32>,
      %mul3A_107 = arith.constant 128 : i32
      %mul3A_108 = arith.muli %select_n3A_56, %mul3A_107 : i32
      "tpu.region"() ({
        %run_scoped3A = tpu.sem_alloc : memref<!tpu.dma_semaphore, #tpu.memory_space<semaphore_mem>>
        %dma_start3A = arith.constant 0 : i32
        %dma_start3A_109 = tpu.memref_slice %arg5[%select_n3A, %dma_start3A, %mul3A_108] : memref<25x256x640xf32, #tpu.memory_space<hbm>> -> memref<1x256x128xf32, #tpu.memory_space<hbm>>
        %dma_start3A_110 = tpu.memref_squeeze %dma_start3A_109 : memref<1x256x128xf32, #tpu.memory_space<hbm>> -> memref<256x128xf32, #tpu.memory_space<hbm>>
        %dma_start3A_111 = arith.constant 0 : i32
        %dma_start3A_112 = tpu.memref_slice %arg5[%select_n3A, %dma_start3A_111, %mul3A_108] : memref<25x256x640xf32, #tpu.memory_space<hbm>> -> memref<1x256x128xf32, #tpu.memory_space<hbm>>
        %dma_start3A_113 = tpu.memref_squeeze %dma_start3A_112 : memref<1x256x128xf32, #tpu.memory_space<hbm>> -> memref<256x128xf32, #tpu.memory_space<hbm>>
        tpu.enqueue_dma source(%arg8 : memref<256x128xf32, #tpu.memory_space<vmem>>) target(%dma_start3A_113 : memref<256x128xf32, #tpu.memory_space<hbm>>) target_semaphore(%run_scoped3A : memref<!tpu.dma_semaphore, #tpu.memory_space<semaphore_mem>>)
        %dma_wait3A = arith.constant 0 : i32
        %dma_wait3A_114 = tpu.memref_slice %arg5[%select_n3A, %dma_wait3A, %mul3A_108] : memref<25x256x640xf32, #tpu.memory_space<hbm>> -> memref<1x256x128xf32, #tpu.memory_space<hbm>>
        %dma_wait3A_115 = tpu.memref_squeeze %dma_wait3A_114 : memref<1x256x128xf32, #tpu.memory_space<hbm>> -> memref<256x128xf32, #tpu.memory_space<hbm>>
        %dma_wait3A_116 = arith.constant 0 : i32
        %dma_wait3A_117 = tpu.memref_slice %arg5[%select_n3A, %dma_wait3A_116, %mul3A_108] : memref<25x256x640xf32, #tpu.memory_space<hbm>> -> memref<1x256x128xf32, #tpu.memory_space<hbm>>
        %dma_wait3A_118 = tpu.memref_squeeze %dma_wait3A_117 : memref<1x256x128xf32, #tpu.memory_space<hbm>> -> memref<256x128xf32, #tpu.memory_space<hbm>>
        tpu.wait_dma2 semaphore(%run_scoped3A : memref<!tpu.dma_semaphore, #tpu.memory_space<semaphore_mem>>) src(%arg8 : memref<256x128xf32, #tpu.memory_space<vmem>>) dst(%dma_wait3A_118 : memref<256x128xf32, #tpu.memory_space<hbm>>)
        tpu.yield
      }) : () -> ()
    } else {
    }
    %add3A_12 = arith.constant 64 : i32
    %add3A_13 = arith.addi %add3A, %add3A_12 : i32
    %lt3A_14 = arith.constant 125 : i32
    %lt3A_15 = arith.cmpi slt, %add3A_13, %lt3A_14 : i32
    %convert_element_type3A_16 = arith.extui %lt3A_15 : i1 to i32
    %cond3A_17 = arith.constant 0 : i32
    %cond3A_18 = arith.cmpi ne, %convert_element_type3A_16, %cond3A_17 : i32
    scf.if %cond3A_18 {
      %jit3A = arith.constant 5 : i32
      %div3A = arith.divsi %add3A_13, %jit3A : i32
      %sign3A = arith.constant 0 : i32
      %sign3A_26 = arith.cmpi sgt, %add3A_13, %sign3A : i32
      %sign3A_27 = arith.extui %sign3A_26 : i1 to i32
      %sign3A_28 = arith.constant 0 : i32
      %sign3A_29 = arith.cmpi slt, %add3A_13, %sign3A_28 : i32
      %sign3A_30 = arith.extui %sign3A_29 : i1 to i32
      %sign3A_31 = arith.subi %sign3A_27, %sign3A_30 : i32
      %sign3A_32 = arith.constant 0 : i32
      %sign3A_33 = arith.cmpi sgt, %jit3A, %sign3A_32 : i32
      %sign3A_34 = arith.extui %sign3A_33 : i1 to i32
      %sign3A_35 = arith.constant 0 : i32
      %sign3A_36 = arith.cmpi slt, %jit3A, %sign3A_35 : i32
      %sign3A_37 = arith.extui %sign3A_36 : i1 to i32
      %sign3A_38 = arith.subi %sign3A_34, %sign3A_37 : i32
      %ne3A = arith.cmpi ne, %sign3A_31, %sign3A_38 : i32
      %rem3A = arith.remsi %add3A_13, %jit3A : i32
      %ne3A_39 = arith.constant 0 : i32
      %ne3A_40 = arith.cmpi ne, %rem3A, %ne3A_39 : i32
      %and3A = arith.andi %ne3A, %ne3A_40 : i1
      %sub3A = arith.constant 1 : i32
      %sub3A_41 = arith.subi %div3A, %sub3A : i32
      %select_n3A = arith.select %and3A, %sub3A_41, %div3A : i32
      %jit3A_42 = arith.constant 5 : i32
      %eq3A = arith.constant 0 : i32
      %eq3A_43 = arith.cmpi eq, %jit3A_42, %eq3A : i32
      %jit3A_44 = arith.constant 1 : i32
      %select_n3A_45 = arith.select %eq3A_43, %jit3A_44, %jit3A_42 : i32
      %rem3A_46 = arith.remsi %add3A_13, %select_n3A_45 : i32
      %ne3A_47 = arith.constant 0 : i32
      %ne3A_48 = arith.cmpi ne, %rem3A_46, %ne3A_47 : i32
      %lt3A_49 = arith.constant 0 : i32
      %lt3A_50 = arith.cmpi slt, %rem3A_46, %lt3A_49 : i32
      %lt3A_51 = arith.constant 0 : i32
      %lt3A_52 = arith.cmpi slt, %select_n3A_45, %lt3A_51 : i32
      %ne3A_53 = arith.xori %lt3A_50, %lt3A_52 : i1
      %and3A_54 = arith.andi %ne3A_53, %ne3A_48 : i1
      %add3A_55 = arith.addi %rem3A_46, %select_n3A_45 : i32
      %select_n3A_56 = arith.select %and3A_54, %add3A_55, %rem3A_46 : i32
      %mul3A_57 = arith.constant 400 : i32
      %mul3A_58 = arith.muli %select_n3A, %mul3A_57 : i32
      "tpu.region"() ({
        %run_scoped3A = tpu.sem_alloc : memref<!tpu.dma_semaphore, #tpu.memory_space<semaphore_mem>>
        %dma_start3A = tpu.memref_slice %arg3[%mul3A_58] : memref<10000xi32, #tpu.memory_space<hbm>> -> memref<400xi32, #tpu.memory_space<hbm>>
        %dma_start3A_109 = tpu.memref_slice %arg3[%mul3A_58] : memref<10000xi32, #tpu.memory_space<hbm>> -> memref<400xi32, #tpu.memory_space<hbm>>
        tpu.enqueue_dma source(%dma_start3A_109 : memref<400xi32, #tpu.memory_space<hbm>>) target(%arg6 : memref<400xi32, #tpu.memory_space<vmem>>) target_semaphore(%run_scoped3A : memref<!tpu.dma_semaphore, #tpu.memory_space<semaphore_mem>>)
        %dma_wait3A = tpu.memref_slice %arg3[%mul3A_58] : memref<10000xi32, #tpu.memory_space<hbm>> -> memref<400xi32, #tpu.memory_space<hbm>>
        %dma_wait3A_110 = tpu.memref_slice %arg3[%mul3A_58] : memref<10000xi32, #tpu.memory_space<hbm>> -> memref<400xi32, #tpu.memory_space<hbm>>
        tpu.wait_dma2 semaphore(%run_scoped3A : memref<!tpu.dma_semaphore, #tpu.memory_space<semaphore_mem>>) src(%dma_wait3A_110 : memref<400xi32, #tpu.memory_space<hbm>>) dst(%arg6 : memref<400xi32, #tpu.memory_space<vmem>>)
        tpu.yield
      }) : () -> ()
      "tpu.region"() ({
        %run_scoped3A = tpu.sem_alloc : memref<!tpu.dma_semaphore, #tpu.memory_space<semaphore_mem>>
        tpu.enqueue_dma source(%arg4 : memref<256x128xf32, #tpu.memory_space<hbm>>) target(%arg8 : memref<256x128xf32, #tpu.memory_space<vmem>>) target_semaphore(%run_scoped3A : memref<!tpu.dma_semaphore, #tpu.memory_space<semaphore_mem>>)
        tpu.wait_dma2 semaphore(%run_scoped3A : memref<!tpu.dma_semaphore, #tpu.memory_space<semaphore_mem>>) src(%arg4 : memref<256x128xf32, #tpu.memory_space<hbm>>) dst(%arg8 : memref<256x128xf32, #tpu.memory_space<vmem>>)
        tpu.yield
      }) : () -> ()
      %mul3A_59 = arith.constant 400 : i32
      %mul3A_60 = arith.muli %select_n3A, %mul3A_59 : i32
      "tpu.region"() ({
        %run_scoped3A = tpu.sem_alloc : memref<!tpu.dma_semaphore, #tpu.memory_space<semaphore_mem>>
        %dma_start3A = arith.constant 0 : i32
        %dma_start3A_109 = tpu.memref_slice %arg2[%select_n3A_56, %mul3A_60, %dma_start3A] : memref<5x10000x128xf32, #tpu.memory_space<hbm>> -> memref<1x400x128xf32, #tpu.memory_space<hbm>>
        %dma_start3A_110 = tpu.memref_squeeze %dma_start3A_109 : memref<1x400x128xf32, #tpu.memory_space<hbm>> -> memref<400x128xf32, #tpu.memory_space<hbm>>
        %dma_start3A_111 = arith.constant 0 : i32
        %dma_start3A_112 = tpu.memref_slice %arg2[%select_n3A_56, %mul3A_60, %dma_start3A_111] : memref<5x10000x128xf32, #tpu.memory_space<hbm>> -> memref<1x400x128xf32, #tpu.memory_space<hbm>>
        %dma_start3A_113 = tpu.memref_squeeze %dma_start3A_112 : memref<1x400x128xf32, #tpu.memory_space<hbm>> -> memref<400x128xf32, #tpu.memory_space<hbm>>
        tpu.enqueue_dma source(%dma_start3A_113 : memref<400x128xf32, #tpu.memory_space<hbm>>) target(%arg7 : memref<400x128xf32, #tpu.memory_space<vmem>>) target_semaphore(%run_scoped3A : memref<!tpu.dma_semaphore, #tpu.memory_space<semaphore_mem>>)
        %dma_wait3A = arith.constant 0 : i32
        %dma_wait3A_114 = tpu.memref_slice %arg2[%select_n3A_56, %mul3A_60, %dma_wait3A] : memref<5x10000x128xf32, #tpu.memory_space<hbm>> -> memref<1x400x128xf32, #tpu.memory_space<hbm>>
        %dma_wait3A_115 = tpu.memref_squeeze %dma_wait3A_114 : memref<1x400x128xf32, #tpu.memory_space<hbm>> -> memref<400x128xf32, #tpu.memory_space<hbm>>
        %dma_wait3A_116 = arith.constant 0 : i32
        %dma_wait3A_117 = tpu.memref_slice %arg2[%select_n3A_56, %mul3A_60, %dma_wait3A_116] : memref<5x10000x128xf32, #tpu.memory_space<hbm>> -> memref<1x400x128xf32, #tpu.memory_space<hbm>>
        %dma_wait3A_118 = tpu.memref_squeeze %dma_wait3A_117 : memref<1x400x128xf32, #tpu.memory_space<hbm>> -> memref<400x128xf32, #tpu.memory_space<hbm>>
        tpu.wait_dma2 semaphore(%run_scoped3A : memref<!tpu.dma_semaphore, #tpu.memory_space<semaphore_mem>>) src(%dma_wait3A_118 : memref<400x128xf32, #tpu.memory_space<hbm>>) dst(%arg7 : memref<400x128xf32, #tpu.memory_space<vmem>>)
        tpu.yield
      }) : () -> ()
      %broadcast_in_dim3A = arith.constant 0 : i32
      %broadcast_in_dim3A_61 = vector.broadcast %broadcast_in_dim3A : i32 to vector<16xi32>
      %gather3A = tpu.vector_load_idx %arg6[%broadcast_in_dim3A_61] : memref<400xi32, #tpu.memory_space<vmem>>[vector<16xi32>], vector<16xi32>,
      %broadcast_in_dim3A_62 = arith.constant 0xFF800000 : f32
      %broadcast_in_dim3A_63 = vector.broadcast %broadcast_in_dim3A_62 : f32 to vector<16xf32>
      %broadcast_in_dim3A_64 = arith.constant 0xFF800000 : f32
      %broadcast_in_dim3A_65 = vector.broadcast %broadcast_in_dim3A_64 : f32 to vector<16xf32>
      %broadcast_in_dim3A_66 = arith.constant 0xFF800000 : f32
      %broadcast_in_dim3A_67 = vector.broadcast %broadcast_in_dim3A_66 : f32 to vector<16xf32>
      %broadcast_in_dim3A_68 = arith.constant 0xFF800000 : f32
      %broadcast_in_dim3A_69 = vector.broadcast %broadcast_in_dim3A_68 : f32 to vector<16xf32>
      %broadcast_in_dim3A_70 = arith.constant 0xFF800000 : f32
      %broadcast_in_dim3A_71 = vector.broadcast %broadcast_in_dim3A_70 : f32 to vector<16xf32>
      %broadcast_in_dim3A_72 = arith.constant 0xFF800000 : f32
      %broadcast_in_dim3A_73 = vector.broadcast %broadcast_in_dim3A_72 : f32 to vector<16xf32>
      %broadcast_in_dim3A_74 = arith.constant 0xFF800000 : f32
      %broadcast_in_dim3A_75 = vector.broadcast %broadcast_in_dim3A_74 : f32 to vector<16xf32>
      %broadcast_in_dim3A_76 = arith.constant 0xFF800000 : f32
      %broadcast_in_dim3A_77 = vector.broadcast %broadcast_in_dim3A_76 : f32 to vector<16xf32>
      %scan3A = arith.constant 0 : i32
      %scan3A_78 = arith.constant 400 : i32
      %scan3A_79 = arith.addi %scan3A, %scan3A_78 : i32
      %scan3A_80 = arith.constant 1 : i32
      %scan3A_81:9 = scf.for %scan3A_109 = %scan3A to %scan3A_79 step %scan3A_80 iter_args(%scan3A_110 = %gather3A, %scan3A_111 = %broadcast_in_dim3A_63, %scan3A_112 = %broadcast_in_dim3A_65, %scan3A_113 = %broadcast_in_dim3A_67, %scan3A_114 = %broadcast_in_dim3A_69, %scan3A_115 = %broadcast_in_dim3A_71, %scan3A_116 = %broadcast_in_dim3A_73, %scan3A_117 = %broadcast_in_dim3A_75, %scan3A_118 = %broadcast_in_dim3A_77) -> (vector<16xi32>, vector<16xf32>, vector<16xf32>, vector<16xf32>, vector<16xf32>, vector<16xf32>, vector<16xf32>, vector<16xf32>, vector<16xf32>)  : i32 {
        %broadcast_in_dim3A_119 = vector.broadcast %scan3A_109 : i32 to vector<16xi32>
        %gather3A_120 = tpu.vector_load_idx %arg6[%broadcast_in_dim3A_119] : memref<400xi32, #tpu.memory_space<vmem>>[vector<16xi32>], vector<16xi32>,
        %ne3A_121 = arith.cmpi ne, %scan3A_110, %gather3A_120 : vector<16xi32>
        %add3A_122 = arith.constant 0 : i32
        %add3A_123 = vector.broadcast %add3A_122 : i32 to vector<16xi32>
        %add3A_124 = arith.addi %iota3A, %add3A_123 : vector<16xi32>
        tpu.vector_store_idx %arg8[%scan3A_110, %add3A_124], %scan3A_111 masked %ne3A_121 : memref<256x128xf32, #tpu.memory_space<vmem>>[vector<16xi32>, vector<16xi32>], vector<16xf32>, vector<16xi1>
        %get3A = arith.index_cast %scan3A_109 : i32 to index
        %get3A_125 = arith.constant 0 : index
        %get3A_126 = tpu.vector_load %arg7[%get3A, %get3A_125] {strides = array<i32>} : memref<400x128xf32, #tpu.memory_space<vmem>>, vector<16xf32>,
        %max3A = arith.maximumf %scan3A_111, %get3A_126 : vector<16xf32>
        %select_n3A_127 = arith.select %ne3A_121, %get3A_126, %max3A : vector<16xi1>, vector<16xf32>
        %add3A_128 = arith.constant 16 : i32
        %add3A_129 = vector.broadcast %add3A_128 : i32 to vector<16xi32>
        %add3A_130 = arith.addi %iota3A, %add3A_129 : vector<16xi32>
        tpu.vector_store_idx %arg8[%scan3A_110, %add3A_130], %scan3A_112 masked %ne3A_121 : memref<256x128xf32, #tpu.memory_space<vmem>>[vector<16xi32>, vector<16xi32>], vector<16xf32>, vector<16xi1>
        %get3A_131 = arith.index_cast %scan3A_109 : i32 to index
        %get3A_132 = arith.constant 16 : index
        %get3A_133 = tpu.vector_load %arg7[%get3A_131, %get3A_132] {strides = array<i32>} : memref<400x128xf32, #tpu.memory_space<vmem>>, vector<16xf32>,
        %max3A_134 = arith.maximumf %scan3A_112, %get3A_133 : vector<16xf32>
        %select_n3A_135 = arith.select %ne3A_121, %get3A_133, %max3A_134 : vector<16xi1>, vector<16xf32>
        %add3A_136 = arith.constant 32 : i32
        %add3A_137 = vector.broadcast %add3A_136 : i32 to vector<16xi32>
        %add3A_138 = arith.addi %iota3A, %add3A_137 : vector<16xi32>
        tpu.vector_store_idx %arg8[%scan3A_110, %add3A_138], %scan3A_113 masked %ne3A_121 : memref<256x128xf32, #tpu.memory_space<vmem>>[vector<16xi32>, vector<16xi32>], vector<16xf32>, vector<16xi1>
        %get3A_139 = arith.index_cast %scan3A_109 : i32 to index
        %get3A_140 = arith.constant 32 : index
        %get3A_141 = tpu.vector_load %arg7[%get3A_139, %get3A_140] {strides = array<i32>} : memref<400x128xf32, #tpu.memory_space<vmem>>, vector<16xf32>,
        %max3A_142 = arith.maximumf %scan3A_113, %get3A_141 : vector<16xf32>
        %select_n3A_143 = arith.select %ne3A_121, %get3A_141, %max3A_142 : vector<16xi1>, vector<16xf32>
        %add3A_144 = arith.constant 48 : i32
        %add3A_145 = vector.broadcast %add3A_144 : i32 to vector<16xi32>
        %add3A_146 = arith.addi %iota3A, %add3A_145 : vector<16xi32>
        tpu.vector_store_idx %arg8[%scan3A_110, %add3A_146], %scan3A_114 masked %ne3A_121 : memref<256x128xf32, #tpu.memory_space<vmem>>[vector<16xi32>, vector<16xi32>], vector<16xf32>, vector<16xi1>
        %get3A_147 = arith.index_cast %scan3A_109 : i32 to index
        %get3A_148 = arith.constant 48 : index
        %get3A_149 = tpu.vector_load %arg7[%get3A_147, %get3A_148] {strides = array<i32>} : memref<400x128xf32, #tpu.memory_space<vmem>>, vector<16xf32>,
        %max3A_150 = arith.maximumf %scan3A_114, %get3A_149 : vector<16xf32>
        %select_n3A_151 = arith.select %ne3A_121, %get3A_149, %max3A_150 : vector<16xi1>, vector<16xf32>
        %add3A_152 = arith.constant 64 : i32
        %add3A_153 = vector.broadcast %add3A_152 : i32 to vector<16xi32>
        %add3A_154 = arith.addi %iota3A, %add3A_153 : vector<16xi32>
        tpu.vector_store_idx %arg8[%scan3A_110, %add3A_154], %scan3A_115 masked %ne3A_121 : memref<256x128xf32, #tpu.memory_space<vmem>>[vector<16xi32>, vector<16xi32>], vector<16xf32>, vector<16xi1>
        %get3A_155 = arith.index_cast %scan3A_109 : i32 to index
        %get3A_156 = arith.constant 64 : index
        %get3A_157 = tpu.vector_load %arg7[%get3A_155, %get3A_156] {strides = array<i32>} : memref<400x128xf32, #tpu.memory_space<vmem>>, vector<16xf32>,
        %max3A_158 = arith.maximumf %scan3A_115, %get3A_157 : vector<16xf32>
        %select_n3A_159 = arith.select %ne3A_121, %get3A_157, %max3A_158 : vector<16xi1>, vector<16xf32>
        %add3A_160 = arith.constant 80 : i32
        %add3A_161 = vector.broadcast %add3A_160 : i32 to vector<16xi32>
        %add3A_162 = arith.addi %iota3A, %add3A_161 : vector<16xi32>
        tpu.vector_store_idx %arg8[%scan3A_110, %add3A_162], %scan3A_116 masked %ne3A_121 : memref<256x128xf32, #tpu.memory_space<vmem>>[vector<16xi32>, vector<16xi32>], vector<16xf32>, vector<16xi1>
        %get3A_163 = arith.index_cast %scan3A_109 : i32 to index
        %get3A_164 = arith.constant 80 : index
        %get3A_165 = tpu.vector_load %arg7[%get3A_163, %get3A_164] {strides = array<i32>} : memref<400x128xf32, #tpu.memory_space<vmem>>, vector<16xf32>,
        %max3A_166 = arith.maximumf %scan3A_116, %get3A_165 : vector<16xf32>
        %select_n3A_167 = arith.select %ne3A_121, %get3A_165, %max3A_166 : vector<16xi1>, vector<16xf32>
        %add3A_168 = arith.constant 96 : i32
        %add3A_169 = vector.broadcast %add3A_168 : i32 to vector<16xi32>
        %add3A_170 = arith.addi %iota3A, %add3A_169 : vector<16xi32>
        tpu.vector_store_idx %arg8[%scan3A_110, %add3A_170], %scan3A_117 masked %ne3A_121 : memref<256x128xf32, #tpu.memory_space<vmem>>[vector<16xi32>, vector<16xi32>], vector<16xf32>, vector<16xi1>
        %get3A_171 = arith.index_cast %scan3A_109 : i32 to index
        %get3A_172 = arith.constant 96 : index
        %get3A_173 = tpu.vector_load %arg7[%get3A_171, %get3A_172] {strides = array<i32>} : memref<400x128xf32, #tpu.memory_space<vmem>>, vector<16xf32>,
        %max3A_174 = arith.maximumf %scan3A_117, %get3A_173 : vector<16xf32>
        %select_n3A_175 = arith.select %ne3A_121, %get3A_173, %max3A_174 : vector<16xi1>, vector<16xf32>
        %add3A_176 = arith.constant 112 : i32
        %add3A_177 = vector.broadcast %add3A_176 : i32 to vector<16xi32>
        %add3A_178 = arith.addi %iota3A, %add3A_177 : vector<16xi32>
        tpu.vector_store_idx %arg8[%scan3A_110, %add3A_178], %scan3A_118 masked %ne3A_121 : memref<256x128xf32, #tpu.memory_space<vmem>>[vector<16xi32>, vector<16xi32>], vector<16xf32>, vector<16xi1>
        %get3A_179 = arith.index_cast %scan3A_109 : i32 to index
        %get3A_180 = arith.constant 112 : index
        %get3A_181 = tpu.vector_load %arg7[%get3A_179, %get3A_180] {strides = array<i32>} : memref<400x128xf32, #tpu.memory_space<vmem>>, vector<16xf32>,
        %max3A_182 = arith.maximumf %scan3A_118, %get3A_181 : vector<16xf32>
        %select_n3A_183 = arith.select %ne3A_121, %get3A_181, %max3A_182 : vector<16xi1>, vector<16xf32>
        scf.yield %gather3A_120, %select_n3A_127, %select_n3A_135, %select_n3A_143, %select_n3A_151, %select_n3A_159, %select_n3A_167, %select_n3A_175, %select_n3A_183 : vector<16xi32>, vector<16xf32>, vector<16xf32>, vector<16xf32>, vector<16xf32>, vector<16xf32>, vector<16xf32>, vector<16xf32>, vector<16xf32>
      }
      %scan3A_82 = arith.constant 400 : i32
      %add3A_83 = arith.constant 0 : i32
      %add3A_84 = vector.broadcast %add3A_83 : i32 to vector<16xi32>
      %add3A_85 = arith.addi %iota3A, %add3A_84 : vector<16xi32>
      tpu.vector_store_idx %arg8[%scan3A_81#0, %add3A_85], %scan3A_81#1 : memref<256x128xf32, #tpu.memory_space<vmem>>[vector<16xi32>, vector<16xi32>], vector<16xf32>,
      %add3A_86 = arith.constant 16 : i32
      %add3A_87 = vector.broadcast %add3A_86 : i32 to vector<16xi32>
      %add3A_88 = arith.addi %iota3A, %add3A_87 : vector<16xi32>
      tpu.vector_store_idx %arg8[%scan3A_81#0, %add3A_88], %scan3A_81#2 : memref<256x128xf32, #tpu.memory_space<vmem>>[vector<16xi32>, vector<16xi32>], vector<16xf32>,
      %add3A_89 = arith.constant 32 : i32
      %add3A_90 = vector.broadcast %add3A_89 : i32 to vector<16xi32>
      %add3A_91 = arith.addi %iota3A, %add3A_90 : vector<16xi32>
      tpu.vector_store_idx %arg8[%scan3A_81#0, %add3A_91], %scan3A_81#3 : memref<256x128xf32, #tpu.memory_space<vmem>>[vector<16xi32>, vector<16xi32>], vector<16xf32>,
      %add3A_92 = arith.constant 48 : i32
      %add3A_93 = vector.broadcast %add3A_92 : i32 to vector<16xi32>
      %add3A_94 = arith.addi %iota3A, %add3A_93 : vector<16xi32>
      tpu.vector_store_idx %arg8[%scan3A_81#0, %add3A_94], %scan3A_81#4 : memref<256x128xf32, #tpu.memory_space<vmem>>[vector<16xi32>, vector<16xi32>], vector<16xf32>,
      %add3A_95 = arith.constant 64 : i32
      %add3A_96 = vector.broadcast %add3A_95 : i32 to vector<16xi32>
      %add3A_97 = arith.addi %iota3A, %add3A_96 : vector<16xi32>
      tpu.vector_store_idx %arg8[%scan3A_81#0, %add3A_97], %scan3A_81#5 : memref<256x128xf32, #tpu.memory_space<vmem>>[vector<16xi32>, vector<16xi32>], vector<16xf32>,
      %add3A_98 = arith.constant 80 : i32
      %add3A_99 = vector.broadcast %add3A_98 : i32 to vector<16xi32>
      %add3A_100 = arith.addi %iota3A, %add3A_99 : vector<16xi32>
      tpu.vector_store_idx %arg8[%scan3A_81#0, %add3A_100], %scan3A_81#6 : memref<256x128xf32, #tpu.memory_space<vmem>>[vector<16xi32>, vector<16xi32>], vector<16xf32>,
      %add3A_101 = arith.constant 96 : i32
      %add3A_102 = vector.broadcast %add3A_101 : i32 to vector<16xi32>
      %add3A_103 = arith.addi %iota3A, %add3A_102 : vector<16xi32>
      tpu.vector_store_idx %arg8[%scan3A_81#0, %add3A_103], %scan3A_81#7 : memref<256x128xf32, #tpu.memory_space<vmem>>[vector<16xi32>, vector<16xi32>], vector<16xf32>,
      %add3A_104 = arith.constant 112 : i32
      %add3A_105 = vector.broadcast %add3A_104 : i32 to vector<16xi32>
      %add3A_106 = arith.addi %iota3A, %add3A_105 : vector<16xi32>
      tpu.vector_store_idx %arg8[%scan3A_81#0, %add3A_106], %scan3A_81#8 : memref<256x128xf32, #tpu.memory_space<vmem>>[vector<16xi32>, vector<16xi32>], vector<16xf32>,
      %mul3A_107 = arith.constant 128 : i32
      %mul3A_108 = arith.muli %select_n3A_56, %mul3A_107 : i32
      "tpu.region"() ({
        %run_scoped3A = tpu.sem_alloc : memref<!tpu.dma_semaphore, #tpu.memory_space<semaphore_mem>>
        %dma_start3A = arith.constant 0 : i32
        %dma_start3A_109 = tpu.memref_slice %arg5[%select_n3A, %dma_start3A, %mul3A_108] : memref<25x256x640xf32, #tpu.memory_space<hbm>> -> memref<1x256x128xf32, #tpu.memory_space<hbm>>
        %dma_start3A_110 = tpu.memref_squeeze %dma_start3A_109 : memref<1x256x128xf32, #tpu.memory_space<hbm>> -> memref<256x128xf32, #tpu.memory_space<hbm>>
        %dma_start3A_111 = arith.constant 0 : i32
        %dma_start3A_112 = tpu.memref_slice %arg5[%select_n3A, %dma_start3A_111, %mul3A_108] : memref<25x256x640xf32, #tpu.memory_space<hbm>> -> memref<1x256x128xf32, #tpu.memory_space<hbm>>
        %dma_start3A_113 = tpu.memref_squeeze %dma_start3A_112 : memref<1x256x128xf32, #tpu.memory_space<hbm>> -> memref<256x128xf32, #tpu.memory_space<hbm>>
        tpu.enqueue_dma source(%arg8 : memref<256x128xf32, #tpu.memory_space<vmem>>) target(%dma_start3A_113 : memref<256x128xf32, #tpu.memory_space<hbm>>) target_semaphore(%run_scoped3A : memref<!tpu.dma_semaphore, #tpu.memory_space<semaphore_mem>>)
        %dma_wait3A = arith.constant 0 : i32
        %dma_wait3A_114 = tpu.memref_slice %arg5[%select_n3A, %dma_wait3A, %mul3A_108] : memref<25x256x640xf32, #tpu.memory_space<hbm>> -> memref<1x256x128xf32, #tpu.memory_space<hbm>>
        %dma_wait3A_115 = tpu.memref_squeeze %dma_wait3A_114 : memref<1x256x128xf32, #tpu.memory_space<hbm>> -> memref<256x128xf32, #tpu.memory_space<hbm>>
        %dma_wait3A_116 = arith.constant 0 : i32
        %dma_wait3A_117 = tpu.memref_slice %arg5[%select_n3A, %dma_wait3A_116, %mul3A_108] : memref<25x256x640xf32, #tpu.memory_space<hbm>> -> memref<1x256x128xf32, #tpu.memory_space<hbm>>
        %dma_wait3A_118 = tpu.memref_squeeze %dma_wait3A_117 : memref<1x256x128xf32, #tpu.memory_space<hbm>> -> memref<256x128xf32, #tpu.memory_space<hbm>>
        tpu.wait_dma2 semaphore(%run_scoped3A : memref<!tpu.dma_semaphore, #tpu.memory_space<semaphore_mem>>) src(%arg8 : memref<256x128xf32, #tpu.memory_space<vmem>>) dst(%dma_wait3A_118 : memref<256x128xf32, #tpu.memory_space<hbm>>)
        tpu.yield
      }) : () -> ()
    } else {
    }
    %add3A_19 = arith.constant 96 : i32
    %add3A_20 = arith.addi %add3A, %add3A_19 : i32
    %lt3A_21 = arith.constant 125 : i32
    %lt3A_22 = arith.cmpi slt, %add3A_20, %lt3A_21 : i32
    %convert_element_type3A_23 = arith.extui %lt3A_22 : i1 to i32
    %cond3A_24 = arith.constant 0 : i32
    %cond3A_25 = arith.cmpi ne, %convert_element_type3A_23, %cond3A_24 : i32
    scf.if %cond3A_25 {
      %jit3A = arith.constant 5 : i32
      %div3A = arith.divsi %add3A_20, %jit3A : i32
      %sign3A = arith.constant 0 : i32
      %sign3A_26 = arith.cmpi sgt, %add3A_20, %sign3A : i32
      %sign3A_27 = arith.extui %sign3A_26 : i1 to i32
      %sign3A_28 = arith.constant 0 : i32
      %sign3A_29 = arith.cmpi slt, %add3A_20, %sign3A_28 : i32
      %sign3A_30 = arith.extui %sign3A_29 : i1 to i32
      %sign3A_31 = arith.subi %sign3A_27, %sign3A_30 : i32
      %sign3A_32 = arith.constant 0 : i32
      %sign3A_33 = arith.cmpi sgt, %jit3A, %sign3A_32 : i32
      %sign3A_34 = arith.extui %sign3A_33 : i1 to i32
      %sign3A_35 = arith.constant 0 : i32
      %sign3A_36 = arith.cmpi slt, %jit3A, %sign3A_35 : i32
      %sign3A_37 = arith.extui %sign3A_36 : i1 to i32
      %sign3A_38 = arith.subi %sign3A_34, %sign3A_37 : i32
      %ne3A = arith.cmpi ne, %sign3A_31, %sign3A_38 : i32
      %rem3A = arith.remsi %add3A_20, %jit3A : i32
      %ne3A_39 = arith.constant 0 : i32
      %ne3A_40 = arith.cmpi ne, %rem3A, %ne3A_39 : i32
      %and3A = arith.andi %ne3A, %ne3A_40 : i1
      %sub3A = arith.constant 1 : i32
      %sub3A_41 = arith.subi %div3A, %sub3A : i32
      %select_n3A = arith.select %and3A, %sub3A_41, %div3A : i32
      %jit3A_42 = arith.constant 5 : i32
      %eq3A = arith.constant 0 : i32
      %eq3A_43 = arith.cmpi eq, %jit3A_42, %eq3A : i32
      %jit3A_44 = arith.constant 1 : i32
      %select_n3A_45 = arith.select %eq3A_43, %jit3A_44, %jit3A_42 : i32
      %rem3A_46 = arith.remsi %add3A_20, %select_n3A_45 : i32
      %ne3A_47 = arith.constant 0 : i32
      %ne3A_48 = arith.cmpi ne, %rem3A_46, %ne3A_47 : i32
      %lt3A_49 = arith.constant 0 : i32
      %lt3A_50 = arith.cmpi slt, %rem3A_46, %lt3A_49 : i32
      %lt3A_51 = arith.constant 0 : i32
      %lt3A_52 = arith.cmpi slt, %select_n3A_45, %lt3A_51 : i32
      %ne3A_53 = arith.xori %lt3A_50, %lt3A_52 : i1
      %and3A_54 = arith.andi %ne3A_53, %ne3A_48 : i1
      %add3A_55 = arith.addi %rem3A_46, %select_n3A_45 : i32
      %select_n3A_56 = arith.select %and3A_54, %add3A_55, %rem3A_46 : i32
      %mul3A_57 = arith.constant 400 : i32
      %mul3A_58 = arith.muli %select_n3A, %mul3A_57 : i32
      "tpu.region"() ({
        %run_scoped3A = tpu.sem_alloc : memref<!tpu.dma_semaphore, #tpu.memory_space<semaphore_mem>>
        %dma_start3A = tpu.memref_slice %arg3[%mul3A_58] : memref<10000xi32, #tpu.memory_space<hbm>> -> memref<400xi32, #tpu.memory_space<hbm>>
        %dma_start3A_109 = tpu.memref_slice %arg3[%mul3A_58] : memref<10000xi32, #tpu.memory_space<hbm>> -> memref<400xi32, #tpu.memory_space<hbm>>
        tpu.enqueue_dma source(%dma_start3A_109 : memref<400xi32, #tpu.memory_space<hbm>>) target(%arg6 : memref<400xi32, #tpu.memory_space<vmem>>) target_semaphore(%run_scoped3A : memref<!tpu.dma_semaphore, #tpu.memory_space<semaphore_mem>>)
        %dma_wait3A = tpu.memref_slice %arg3[%mul3A_58] : memref<10000xi32, #tpu.memory_space<hbm>> -> memref<400xi32, #tpu.memory_space<hbm>>
        %dma_wait3A_110 = tpu.memref_slice %arg3[%mul3A_58] : memref<10000xi32, #tpu.memory_space<hbm>> -> memref<400xi32, #tpu.memory_space<hbm>>
        tpu.wait_dma2 semaphore(%run_scoped3A : memref<!tpu.dma_semaphore, #tpu.memory_space<semaphore_mem>>) src(%dma_wait3A_110 : memref<400xi32, #tpu.memory_space<hbm>>) dst(%arg6 : memref<400xi32, #tpu.memory_space<vmem>>)
        tpu.yield
      }) : () -> ()
      "tpu.region"() ({
        %run_scoped3A = tpu.sem_alloc : memref<!tpu.dma_semaphore, #tpu.memory_space<semaphore_mem>>
        tpu.enqueue_dma source(%arg4 : memref<256x128xf32, #tpu.memory_space<hbm>>) target(%arg8 : memref<256x128xf32, #tpu.memory_space<vmem>>) target_semaphore(%run_scoped3A : memref<!tpu.dma_semaphore, #tpu.memory_space<semaphore_mem>>)
        tpu.wait_dma2 semaphore(%run_scoped3A : memref<!tpu.dma_semaphore, #tpu.memory_space<semaphore_mem>>) src(%arg4 : memref<256x128xf32, #tpu.memory_space<hbm>>) dst(%arg8 : memref<256x128xf32, #tpu.memory_space<vmem>>)
        tpu.yield
      }) : () -> ()
      %mul3A_59 = arith.constant 400 : i32
      %mul3A_60 = arith.muli %select_n3A, %mul3A_59 : i32
      "tpu.region"() ({
        %run_scoped3A = tpu.sem_alloc : memref<!tpu.dma_semaphore, #tpu.memory_space<semaphore_mem>>
        %dma_start3A = arith.constant 0 : i32
        %dma_start3A_109 = tpu.memref_slice %arg2[%select_n3A_56, %mul3A_60, %dma_start3A] : memref<5x10000x128xf32, #tpu.memory_space<hbm>> -> memref<1x400x128xf32, #tpu.memory_space<hbm>>
        %dma_start3A_110 = tpu.memref_squeeze %dma_start3A_109 : memref<1x400x128xf32, #tpu.memory_space<hbm>> -> memref<400x128xf32, #tpu.memory_space<hbm>>
        %dma_start3A_111 = arith.constant 0 : i32
        %dma_start3A_112 = tpu.memref_slice %arg2[%select_n3A_56, %mul3A_60, %dma_start3A_111] : memref<5x10000x128xf32, #tpu.memory_space<hbm>> -> memref<1x400x128xf32, #tpu.memory_space<hbm>>
        %dma_start3A_113 = tpu.memref_squeeze %dma_start3A_112 : memref<1x400x128xf32, #tpu.memory_space<hbm>> -> memref<400x128xf32, #tpu.memory_space<hbm>>
        tpu.enqueue_dma source(%dma_start3A_113 : memref<400x128xf32, #tpu.memory_space<hbm>>) target(%arg7 : memref<400x128xf32, #tpu.memory_space<vmem>>) target_semaphore(%run_scoped3A : memref<!tpu.dma_semaphore, #tpu.memory_space<semaphore_mem>>)
        %dma_wait3A = arith.constant 0 : i32
        %dma_wait3A_114 = tpu.memref_slice %arg2[%select_n3A_56, %mul3A_60, %dma_wait3A] : memref<5x10000x128xf32, #tpu.memory_space<hbm>> -> memref<1x400x128xf32, #tpu.memory_space<hbm>>
        %dma_wait3A_115 = tpu.memref_squeeze %dma_wait3A_114 : memref<1x400x128xf32, #tpu.memory_space<hbm>> -> memref<400x128xf32, #tpu.memory_space<hbm>>
        %dma_wait3A_116 = arith.constant 0 : i32
        %dma_wait3A_117 = tpu.memref_slice %arg2[%select_n3A_56, %mul3A_60, %dma_wait3A_116] : memref<5x10000x128xf32, #tpu.memory_space<hbm>> -> memref<1x400x128xf32, #tpu.memory_space<hbm>>
        %dma_wait3A_118 = tpu.memref_squeeze %dma_wait3A_117 : memref<1x400x128xf32, #tpu.memory_space<hbm>> -> memref<400x128xf32, #tpu.memory_space<hbm>>
        tpu.wait_dma2 semaphore(%run_scoped3A : memref<!tpu.dma_semaphore, #tpu.memory_space<semaphore_mem>>) src(%dma_wait3A_118 : memref<400x128xf32, #tpu.memory_space<hbm>>) dst(%arg7 : memref<400x128xf32, #tpu.memory_space<vmem>>)
        tpu.yield
      }) : () -> ()
      %broadcast_in_dim3A = arith.constant 0 : i32
      %broadcast_in_dim3A_61 = vector.broadcast %broadcast_in_dim3A : i32 to vector<16xi32>
      %gather3A = tpu.vector_load_idx %arg6[%broadcast_in_dim3A_61] : memref<400xi32, #tpu.memory_space<vmem>>[vector<16xi32>], vector<16xi32>,
      %broadcast_in_dim3A_62 = arith.constant 0xFF800000 : f32
      %broadcast_in_dim3A_63 = vector.broadcast %broadcast_in_dim3A_62 : f32 to vector<16xf32>
      %broadcast_in_dim3A_64 = arith.constant 0xFF800000 : f32
      %broadcast_in_dim3A_65 = vector.broadcast %broadcast_in_dim3A_64 : f32 to vector<16xf32>
      %broadcast_in_dim3A_66 = arith.constant 0xFF800000 : f32
      %broadcast_in_dim3A_67 = vector.broadcast %broadcast_in_dim3A_66 : f32 to vector<16xf32>
      %broadcast_in_dim3A_68 = arith.constant 0xFF800000 : f32
      %broadcast_in_dim3A_69 = vector.broadcast %broadcast_in_dim3A_68 : f32 to vector<16xf32>
      %broadcast_in_dim3A_70 = arith.constant 0xFF800000 : f32
      %broadcast_in_dim3A_71 = vector.broadcast %broadcast_in_dim3A_70 : f32 to vector<16xf32>
      %broadcast_in_dim3A_72 = arith.constant 0xFF800000 : f32
      %broadcast_in_dim3A_73 = vector.broadcast %broadcast_in_dim3A_72 : f32 to vector<16xf32>
      %broadcast_in_dim3A_74 = arith.constant 0xFF800000 : f32
      %broadcast_in_dim3A_75 = vector.broadcast %broadcast_in_dim3A_74 : f32 to vector<16xf32>
      %broadcast_in_dim3A_76 = arith.constant 0xFF800000 : f32
      %broadcast_in_dim3A_77 = vector.broadcast %broadcast_in_dim3A_76 : f32 to vector<16xf32>
      %scan3A = arith.constant 0 : i32
      %scan3A_78 = arith.constant 400 : i32
      %scan3A_79 = arith.addi %scan3A, %scan3A_78 : i32
      %scan3A_80 = arith.constant 1 : i32
      %scan3A_81:9 = scf.for %scan3A_109 = %scan3A to %scan3A_79 step %scan3A_80 iter_args(%scan3A_110 = %gather3A, %scan3A_111 = %broadcast_in_dim3A_63, %scan3A_112 = %broadcast_in_dim3A_65, %scan3A_113 = %broadcast_in_dim3A_67, %scan3A_114 = %broadcast_in_dim3A_69, %scan3A_115 = %broadcast_in_dim3A_71, %scan3A_116 = %broadcast_in_dim3A_73, %scan3A_117 = %broadcast_in_dim3A_75, %scan3A_118 = %broadcast_in_dim3A_77) -> (vector<16xi32>, vector<16xf32>, vector<16xf32>, vector<16xf32>, vector<16xf32>, vector<16xf32>, vector<16xf32>, vector<16xf32>, vector<16xf32>)  : i32 {
        %broadcast_in_dim3A_119 = vector.broadcast %scan3A_109 : i32 to vector<16xi32>
        %gather3A_120 = tpu.vector_load_idx %arg6[%broadcast_in_dim3A_119] : memref<400xi32, #tpu.memory_space<vmem>>[vector<16xi32>], vector<16xi32>,
        %ne3A_121 = arith.cmpi ne, %scan3A_110, %gather3A_120 : vector<16xi32>
        %add3A_122 = arith.constant 0 : i32
        %add3A_123 = vector.broadcast %add3A_122 : i32 to vector<16xi32>
        %add3A_124 = arith.addi %iota3A, %add3A_123 : vector<16xi32>
        tpu.vector_store_idx %arg8[%scan3A_110, %add3A_124], %scan3A_111 masked %ne3A_121 : memref<256x128xf32, #tpu.memory_space<vmem>>[vector<16xi32>, vector<16xi32>], vector<16xf32>, vector<16xi1>
        %get3A = arith.index_cast %scan3A_109 : i32 to index
        %get3A_125 = arith.constant 0 : index
        %get3A_126 = tpu.vector_load %arg7[%get3A, %get3A_125] {strides = array<i32>} : memref<400x128xf32, #tpu.memory_space<vmem>>, vector<16xf32>,
        %max3A = arith.maximumf %scan3A_111, %get3A_126 : vector<16xf32>
        %select_n3A_127 = arith.select %ne3A_121, %get3A_126, %max3A : vector<16xi1>, vector<16xf32>
        %add3A_128 = arith.constant 16 : i32
        %add3A_129 = vector.broadcast %add3A_128 : i32 to vector<16xi32>
        %add3A_130 = arith.addi %iota3A, %add3A_129 : vector<16xi32>
        tpu.vector_store_idx %arg8[%scan3A_110, %add3A_130], %scan3A_112 masked %ne3A_121 : memref<256x128xf32, #tpu.memory_space<vmem>>[vector<16xi32>, vector<16xi32>], vector<16xf32>, vector<16xi1>
        %get3A_131 = arith.index_cast %scan3A_109 : i32 to index
        %get3A_132 = arith.constant 16 : index
        %get3A_133 = tpu.vector_load %arg7[%get3A_131, %get3A_132] {strides = array<i32>} : memref<400x128xf32, #tpu.memory_space<vmem>>, vector<16xf32>,
        %max3A_134 = arith.maximumf %scan3A_112, %get3A_133 : vector<16xf32>
        %select_n3A_135 = arith.select %ne3A_121, %get3A_133, %max3A_134 : vector<16xi1>, vector<16xf32>
        %add3A_136 = arith.constant 32 : i32
        %add3A_137 = vector.broadcast %add3A_136 : i32 to vector<16xi32>
        %add3A_138 = arith.addi %iota3A, %add3A_137 : vector<16xi32>
        tpu.vector_store_idx %arg8[%scan3A_110, %add3A_138], %scan3A_113 masked %ne3A_121 : memref<256x128xf32, #tpu.memory_space<vmem>>[vector<16xi32>, vector<16xi32>], vector<16xf32>, vector<16xi1>
        %get3A_139 = arith.index_cast %scan3A_109 : i32 to index
        %get3A_140 = arith.constant 32 : index
        %get3A_141 = tpu.vector_load %arg7[%get3A_139, %get3A_140] {strides = array<i32>} : memref<400x128xf32, #tpu.memory_space<vmem>>, vector<16xf32>,
        %max3A_142 = arith.maximumf %scan3A_113, %get3A_141 : vector<16xf32>
        %select_n3A_143 = arith.select %ne3A_121, %get3A_141, %max3A_142 : vector<16xi1>, vector<16xf32>
        %add3A_144 = arith.constant 48 : i32
        %add3A_145 = vector.broadcast %add3A_144 : i32 to vector<16xi32>
        %add3A_146 = arith.addi %iota3A, %add3A_145 : vector<16xi32>
        tpu.vector_store_idx %arg8[%scan3A_110, %add3A_146], %scan3A_114 masked %ne3A_121 : memref<256x128xf32, #tpu.memory_space<vmem>>[vector<16xi32>, vector<16xi32>], vector<16xf32>, vector<16xi1>
        %get3A_147 = arith.index_cast %scan3A_109 : i32 to index
        %get3A_148 = arith.constant 48 : index
        %get3A_149 = tpu.vector_load %arg7[%get3A_147, %get3A_148] {strides = array<i32>} : memref<400x128xf32, #tpu.memory_space<vmem>>, vector<16xf32>,
        %max3A_150 = arith.maximumf %scan3A_114, %get3A_149 : vector<16xf32>
        %select_n3A_151 = arith.select %ne3A_121, %get3A_149, %max3A_150 : vector<16xi1>, vector<16xf32>
        %add3A_152 = arith.constant 64 : i32
        %add3A_153 = vector.broadcast %add3A_152 : i32 to vector<16xi32>
        %add3A_154 = arith.addi %iota3A, %add3A_153 : vector<16xi32>
        tpu.vector_store_idx %arg8[%scan3A_110, %add3A_154], %scan3A_115 masked %ne3A_121 : memref<256x128xf32, #tpu.memory_space<vmem>>[vector<16xi32>, vector<16xi32>], vector<16xf32>, vector<16xi1>
        %get3A_155 = arith.index_cast %scan3A_109 : i32 to index
        %get3A_156 = arith.constant 64 : index
        %get3A_157 = tpu.vector_load %arg7[%get3A_155, %get3A_156] {strides = array<i32>} : memref<400x128xf32, #tpu.memory_space<vmem>>, vector<16xf32>,
        %max3A_158 = arith.maximumf %scan3A_115, %get3A_157 : vector<16xf32>
        %select_n3A_159 = arith.select %ne3A_121, %get3A_157, %max3A_158 : vector<16xi1>, vector<16xf32>
        %add3A_160 = arith.constant 80 : i32
        %add3A_161 = vector.broadcast %add3A_160 : i32 to vector<16xi32>
        %add3A_162 = arith.addi %iota3A, %add3A_161 : vector<16xi32>
        tpu.vector_store_idx %arg8[%scan3A_110, %add3A_162], %scan3A_116 masked %ne3A_121 : memref<256x128xf32, #tpu.memory_space<vmem>>[vector<16xi32>, vector<16xi32>], vector<16xf32>, vector<16xi1>
        %get3A_163 = arith.index_cast %scan3A_109 : i32 to index
        %get3A_164 = arith.constant 80 : index
        %get3A_165 = tpu.vector_load %arg7[%get3A_163, %get3A_164] {strides = array<i32>} : memref<400x128xf32, #tpu.memory_space<vmem>>, vector<16xf32>,
        %max3A_166 = arith.maximumf %scan3A_116, %get3A_165 : vector<16xf32>
        %select_n3A_167 = arith.select %ne3A_121, %get3A_165, %max3A_166 : vector<16xi1>, vector<16xf32>
        %add3A_168 = arith.constant 96 : i32
        %add3A_169 = vector.broadcast %add3A_168 : i32 to vector<16xi32>
        %add3A_170 = arith.addi %iota3A, %add3A_169 : vector<16xi32>
        tpu.vector_store_idx %arg8[%scan3A_110, %add3A_170], %scan3A_117 masked %ne3A_121 : memref<256x128xf32, #tpu.memory_space<vmem>>[vector<16xi32>, vector<16xi32>], vector<16xf32>, vector<16xi1>
        %get3A_171 = arith.index_cast %scan3A_109 : i32 to index
        %get3A_172 = arith.constant 96 : index
        %get3A_173 = tpu.vector_load %arg7[%get3A_171, %get3A_172] {strides = array<i32>} : memref<400x128xf32, #tpu.memory_space<vmem>>, vector<16xf32>,
        %max3A_174 = arith.maximumf %scan3A_117, %get3A_173 : vector<16xf32>
        %select_n3A_175 = arith.select %ne3A_121, %get3A_173, %max3A_174 : vector<16xi1>, vector<16xf32>
        %add3A_176 = arith.constant 112 : i32
        %add3A_177 = vector.broadcast %add3A_176 : i32 to vector<16xi32>
        %add3A_178 = arith.addi %iota3A, %add3A_177 : vector<16xi32>
        tpu.vector_store_idx %arg8[%scan3A_110, %add3A_178], %scan3A_118 masked %ne3A_121 : memref<256x128xf32, #tpu.memory_space<vmem>>[vector<16xi32>, vector<16xi32>], vector<16xf32>, vector<16xi1>
        %get3A_179 = arith.index_cast %scan3A_109 : i32 to index
        %get3A_180 = arith.constant 112 : index
        %get3A_181 = tpu.vector_load %arg7[%get3A_179, %get3A_180] {strides = array<i32>} : memref<400x128xf32, #tpu.memory_space<vmem>>, vector<16xf32>,
        %max3A_182 = arith.maximumf %scan3A_118, %get3A_181 : vector<16xf32>
        %select_n3A_183 = arith.select %ne3A_121, %get3A_181, %max3A_182 : vector<16xi1>, vector<16xf32>
        scf.yield %gather3A_120, %select_n3A_127, %select_n3A_135, %select_n3A_143, %select_n3A_151, %select_n3A_159, %select_n3A_167, %select_n3A_175, %select_n3A_183 : vector<16xi32>, vector<16xf32>, vector<16xf32>, vector<16xf32>, vector<16xf32>, vector<16xf32>, vector<16xf32>, vector<16xf32>, vector<16xf32>
      }
      %scan3A_82 = arith.constant 400 : i32
      %add3A_83 = arith.constant 0 : i32
      %add3A_84 = vector.broadcast %add3A_83 : i32 to vector<16xi32>
      %add3A_85 = arith.addi %iota3A, %add3A_84 : vector<16xi32>
      tpu.vector_store_idx %arg8[%scan3A_81#0, %add3A_85], %scan3A_81#1 : memref<256x128xf32, #tpu.memory_space<vmem>>[vector<16xi32>, vector<16xi32>], vector<16xf32>,
      %add3A_86 = arith.constant 16 : i32
      %add3A_87 = vector.broadcast %add3A_86 : i32 to vector<16xi32>
      %add3A_88 = arith.addi %iota3A, %add3A_87 : vector<16xi32>
      tpu.vector_store_idx %arg8[%scan3A_81#0, %add3A_88], %scan3A_81#2 : memref<256x128xf32, #tpu.memory_space<vmem>>[vector<16xi32>, vector<16xi32>], vector<16xf32>,
      %add3A_89 = arith.constant 32 : i32
      %add3A_90 = vector.broadcast %add3A_89 : i32 to vector<16xi32>
      %add3A_91 = arith.addi %iota3A, %add3A_90 : vector<16xi32>
      tpu.vector_store_idx %arg8[%scan3A_81#0, %add3A_91], %scan3A_81#3 : memref<256x128xf32, #tpu.memory_space<vmem>>[vector<16xi32>, vector<16xi32>], vector<16xf32>,
      %add3A_92 = arith.constant 48 : i32
      %add3A_93 = vector.broadcast %add3A_92 : i32 to vector<16xi32>
      %add3A_94 = arith.addi %iota3A, %add3A_93 : vector<16xi32>
      tpu.vector_store_idx %arg8[%scan3A_81#0, %add3A_94], %scan3A_81#4 : memref<256x128xf32, #tpu.memory_space<vmem>>[vector<16xi32>, vector<16xi32>], vector<16xf32>,
      %add3A_95 = arith.constant 64 : i32
      %add3A_96 = vector.broadcast %add3A_95 : i32 to vector<16xi32>
      %add3A_97 = arith.addi %iota3A, %add3A_96 : vector<16xi32>
      tpu.vector_store_idx %arg8[%scan3A_81#0, %add3A_97], %scan3A_81#5 : memref<256x128xf32, #tpu.memory_space<vmem>>[vector<16xi32>, vector<16xi32>], vector<16xf32>,
      %add3A_98 = arith.constant 80 : i32
      %add3A_99 = vector.broadcast %add3A_98 : i32 to vector<16xi32>
      %add3A_100 = arith.addi %iota3A, %add3A_99 : vector<16xi32>
      tpu.vector_store_idx %arg8[%scan3A_81#0, %add3A_100], %scan3A_81#6 : memref<256x128xf32, #tpu.memory_space<vmem>>[vector<16xi32>, vector<16xi32>], vector<16xf32>,
      %add3A_101 = arith.constant 96 : i32
      %add3A_102 = vector.broadcast %add3A_101 : i32 to vector<16xi32>
      %add3A_103 = arith.addi %iota3A, %add3A_102 : vector<16xi32>
      tpu.vector_store_idx %arg8[%scan3A_81#0, %add3A_103], %scan3A_81#7 : memref<256x128xf32, #tpu.memory_space<vmem>>[vector<16xi32>, vector<16xi32>], vector<16xf32>,
      %add3A_104 = arith.constant 112 : i32
      %add3A_105 = vector.broadcast %add3A_104 : i32 to vector<16xi32>
      %add3A_106 = arith.addi %iota3A, %add3A_105 : vector<16xi32>
      tpu.vector_store_idx %arg8[%scan3A_81#0, %add3A_106], %scan3A_81#8 : memref<256x128xf32, #tpu.memory_space<vmem>>[vector<16xi32>, vector<16xi32>], vector<16xf32>,
      %mul3A_107 = arith.constant 128 : i32
      %mul3A_108 = arith.muli %select_n3A_56, %mul3A_107 : i32
      "tpu.region"() ({
        %run_scoped3A = tpu.sem_alloc : memref<!tpu.dma_semaphore, #tpu.memory_space<semaphore_mem>>
        %dma_start3A = arith.constant 0 : i32
        %dma_start3A_109 = tpu.memref_slice %arg5[%select_n3A, %dma_start3A, %mul3A_108] : memref<25x256x640xf32, #tpu.memory_space<hbm>> -> memref<1x256x128xf32, #tpu.memory_space<hbm>>
        %dma_start3A_110 = tpu.memref_squeeze %dma_start3A_109 : memref<1x256x128xf32, #tpu.memory_space<hbm>> -> memref<256x128xf32, #tpu.memory_space<hbm>>
        %dma_start3A_111 = arith.constant 0 : i32
        %dma_start3A_112 = tpu.memref_slice %arg5[%select_n3A, %dma_start3A_111, %mul3A_108] : memref<25x256x640xf32, #tpu.memory_space<hbm>> -> memref<1x256x128xf32, #tpu.memory_space<hbm>>
        %dma_start3A_113 = tpu.memref_squeeze %dma_start3A_112 : memref<1x256x128xf32, #tpu.memory_space<hbm>> -> memref<256x128xf32, #tpu.memory_space<hbm>>
        tpu.enqueue_dma source(%arg8 : memref<256x128xf32, #tpu.memory_space<vmem>>) target(%dma_start3A_113 : memref<256x128xf32, #tpu.memory_space<hbm>>) target_semaphore(%run_scoped3A : memref<!tpu.dma_semaphore, #tpu.memory_space<semaphore_mem>>)
        %dma_wait3A = arith.constant 0 : i32
        %dma_wait3A_114 = tpu.memref_slice %arg5[%select_n3A, %dma_wait3A, %mul3A_108] : memref<25x256x640xf32, #tpu.memory_space<hbm>> -> memref<1x256x128xf32, #tpu.memory_space<hbm>>
        %dma_wait3A_115 = tpu.memref_squeeze %dma_wait3A_114 : memref<1x256x128xf32, #tpu.memory_space<hbm>> -> memref<256x128xf32, #tpu.memory_space<hbm>>
        %dma_wait3A_116 = arith.constant 0 : i32
        %dma_wait3A_117 = tpu.memref_slice %arg5[%select_n3A, %dma_wait3A_116, %mul3A_108] : memref<25x256x640xf32, #tpu.memory_space<hbm>> -> memref<1x256x128xf32, #tpu.memory_space<hbm>>
        %dma_wait3A_118 = tpu.memref_squeeze %dma_wait3A_117 : memref<1x256x128xf32, #tpu.memory_space<hbm>> -> memref<256x128xf32, #tpu.memory_space<hbm>>
        tpu.wait_dma2 semaphore(%run_scoped3A : memref<!tpu.dma_semaphore, #tpu.memory_space<semaphore_mem>>) src(%arg8 : memref<256x128xf32, #tpu.memory_space<vmem>>) dst(%dma_wait3A_118 : memref<256x128xf32, #tpu.memory_space<hbm>>)
        tpu.yield
      }) : () -> ()
    } else {
    }
    return
  }
}

#map = affine_map<(d0, d1) -> (0, 0)>
#map1 = affine_map<(d0, d1) -> (0, 0, 0, 0)>
#map2 = affine_map<(d0, d1) -> (0, 0, 0)>
module attributes {stable_mosaic.version = 14 : i64} {
  func.func @k(%arg0: i32, %arg1: i32, %arg2: memref<10000x128xf32, #tpu.memory_space<hbm>>, %arg3: memref<32x5x16x125xi32, #tpu.memory_space<hbm>>, %arg4: memref<32x5x16x125xi32, #tpu.memory_space<hbm>>, %arg5: memref<632x128xf32, #tpu.memory_space<hbm>>, %arg6: memref<2x10112x128xf32, #tpu.memory_space<hbm>>, %arg7: memref<10112x128xf32, #tpu.memory_space<vmem_shared>>, %arg8: memref<16x125xi32, #tpu.memory_space<vmem>>, %arg9: memref<16x125xi32, #tpu.memory_space<vmem>>, %arg10: memref<125x128xf32, #tpu.memory_space<vmem>>, %arg11: memref<125x128xf32, #tpu.memory_space<vmem>>, %arg12: memref<!tpu.dma_semaphore, #tpu.memory_space<semaphore_mem>>, %arg13: memref<!tpu.dma_semaphore, #tpu.memory_space<semaphore_mem>>, %arg14: memref<!tpu.dma_semaphore, #tpu.memory_space<semaphore_mem>>, %arg15: memref<!tpu.dma_semaphore, #tpu.memory_space<semaphore_mem>>) attributes {dimension_semantics = [#tpu.dimension_semantics<core_parallel>, #tpu.dimension_semantics<subcore_parallel>], iteration_bounds = array<i64: 2, 16>, scalar_prefetch = 0 : i64, scratch_operands = 9 : i64, tpu.core_type = #tpu.core_type<sc_vector_subcore>, window_params = [{transform_indices = #map}, {transform_indices = #map1}, {transform_indices = #map1}, {transform_indices = #map}, {transform_indices = #map2}]} {
    %mul3A = arith.constant 16 : i32
    %mul3A_0 = arith.muli %arg0, %mul3A : i32
    %add3A = arith.addi %mul3A_0, %arg1 : i32
    %mul3A_1 = arith.constant 632 : i32
    %mul3A_2 = arith.muli %arg1, %mul3A_1 : i32
    "tpu.region"() ({
      %run_scoped3A = tpu.sem_alloc : memref<!tpu.dma_semaphore, #tpu.memory_space<semaphore_mem>>
      %dma_start3A = arith.constant 0 : i32
      %dma_start3A_13 = tpu.memref_slice %arg7[%mul3A_2, %dma_start3A] : memref<10112x128xf32, #tpu.memory_space<vmem_shared>> -> memref<632x128xf32, #tpu.memory_space<vmem_shared>>
      tpu.enqueue_dma source(%arg5 : memref<632x128xf32, #tpu.memory_space<hbm>>) target(%dma_start3A_13 : memref<632x128xf32, #tpu.memory_space<vmem_shared>>) target_semaphore(%run_scoped3A : memref<!tpu.dma_semaphore, #tpu.memory_space<semaphore_mem>>)
      %dma_wait3A = arith.constant 0 : i32
      %dma_wait3A_14 = tpu.memref_slice %arg7[%mul3A_2, %dma_wait3A] : memref<10112x128xf32, #tpu.memory_space<vmem_shared>> -> memref<632x128xf32, #tpu.memory_space<vmem_shared>>
      tpu.wait_dma2 semaphore(%run_scoped3A : memref<!tpu.dma_semaphore, #tpu.memory_space<semaphore_mem>>) src(%arg5 : memref<632x128xf32, #tpu.memory_space<hbm>>) dst(%dma_wait3A_14 : memref<632x128xf32, #tpu.memory_space<vmem_shared>>)
      tpu.yield
    }) : () -> ()
    %barrier3A = arith.constant 0 : index
    tpu.barrier barrier_id(%barrier3A)
    %scan3A = arith.constant 0 : i32
    %scan3A_3 = arith.constant 0 : i32
    %scan3A_4 = arith.constant 5 : i32
    %scan3A_5 = arith.addi %scan3A_3, %scan3A_4 : i32
    %scan3A_6 = arith.constant 1 : i32
    scf.for %scan3A_13 = %scan3A_3 to %scan3A_5 step %scan3A_6  : i32 {
      "tpu.region"() ({
        %run_scoped3A = tpu.sem_alloc : memref<!tpu.dma_semaphore, #tpu.memory_space<semaphore_mem>>
        %dma_start3A = arith.constant 0 : i32
        %dma_start3A_20 = arith.constant 0 : i32
        %dma_start3A_21 = tpu.memref_slice %arg3[%add3A, %scan3A_13, %dma_start3A, %dma_start3A_20] : memref<32x5x16x125xi32, #tpu.memory_space<hbm>> -> memref<1x1x16x125xi32, #tpu.memory_space<hbm>>
        %dma_start3A_22 = tpu.memref_squeeze %dma_start3A_21 : memref<1x1x16x125xi32, #tpu.memory_space<hbm>> -> memref<16x125xi32, #tpu.memory_space<hbm>>
        %dma_start3A_23 = arith.constant 0 : i32
        %dma_start3A_24 = arith.constant 0 : i32
        %dma_start3A_25 = tpu.memref_slice %arg3[%add3A, %scan3A_13, %dma_start3A_23, %dma_start3A_24] : memref<32x5x16x125xi32, #tpu.memory_space<hbm>> -> memref<1x1x16x125xi32, #tpu.memory_space<hbm>>
        %dma_start3A_26 = tpu.memref_squeeze %dma_start3A_25 : memref<1x1x16x125xi32, #tpu.memory_space<hbm>> -> memref<16x125xi32, #tpu.memory_space<hbm>>
        tpu.enqueue_dma source(%dma_start3A_26 : memref<16x125xi32, #tpu.memory_space<hbm>>) target(%arg8 : memref<16x125xi32, #tpu.memory_space<vmem>>) target_semaphore(%run_scoped3A : memref<!tpu.dma_semaphore, #tpu.memory_space<semaphore_mem>>)
        %dma_wait3A = arith.constant 0 : i32
        %dma_wait3A_27 = arith.constant 0 : i32
        %dma_wait3A_28 = tpu.memref_slice %arg3[%add3A, %scan3A_13, %dma_wait3A, %dma_wait3A_27] : memref<32x5x16x125xi32, #tpu.memory_space<hbm>> -> memref<1x1x16x125xi32, #tpu.memory_space<hbm>>
        %dma_wait3A_29 = tpu.memref_squeeze %dma_wait3A_28 : memref<1x1x16x125xi32, #tpu.memory_space<hbm>> -> memref<16x125xi32, #tpu.memory_space<hbm>>
        %dma_wait3A_30 = arith.constant 0 : i32
        %dma_wait3A_31 = arith.constant 0 : i32
        %dma_wait3A_32 = tpu.memref_slice %arg3[%add3A, %scan3A_13, %dma_wait3A_30, %dma_wait3A_31] : memref<32x5x16x125xi32, #tpu.memory_space<hbm>> -> memref<1x1x16x125xi32, #tpu.memory_space<hbm>>
        %dma_wait3A_33 = tpu.memref_squeeze %dma_wait3A_32 : memref<1x1x16x125xi32, #tpu.memory_space<hbm>> -> memref<16x125xi32, #tpu.memory_space<hbm>>
        tpu.wait_dma2 semaphore(%run_scoped3A : memref<!tpu.dma_semaphore, #tpu.memory_space<semaphore_mem>>) src(%dma_wait3A_33 : memref<16x125xi32, #tpu.memory_space<hbm>>) dst(%arg8 : memref<16x125xi32, #tpu.memory_space<vmem>>)
        tpu.yield
      }) : () -> ()
      "tpu.region"() ({
        %run_scoped3A = tpu.sem_alloc : memref<!tpu.dma_semaphore, #tpu.memory_space<semaphore_mem>>
        %dma_start3A = arith.constant 0 : i32
        %dma_start3A_20 = arith.constant 0 : i32
        %dma_start3A_21 = tpu.memref_slice %arg4[%add3A, %scan3A_13, %dma_start3A, %dma_start3A_20] : memref<32x5x16x125xi32, #tpu.memory_space<hbm>> -> memref<1x1x16x125xi32, #tpu.memory_space<hbm>>
        %dma_start3A_22 = tpu.memref_squeeze %dma_start3A_21 : memref<1x1x16x125xi32, #tpu.memory_space<hbm>> -> memref<16x125xi32, #tpu.memory_space<hbm>>
        %dma_start3A_23 = arith.constant 0 : i32
        %dma_start3A_24 = arith.constant 0 : i32
        %dma_start3A_25 = tpu.memref_slice %arg4[%add3A, %scan3A_13, %dma_start3A_23, %dma_start3A_24] : memref<32x5x16x125xi32, #tpu.memory_space<hbm>> -> memref<1x1x16x125xi32, #tpu.memory_space<hbm>>
        %dma_start3A_26 = tpu.memref_squeeze %dma_start3A_25 : memref<1x1x16x125xi32, #tpu.memory_space<hbm>> -> memref<16x125xi32, #tpu.memory_space<hbm>>
        tpu.enqueue_dma source(%dma_start3A_26 : memref<16x125xi32, #tpu.memory_space<hbm>>) target(%arg9 : memref<16x125xi32, #tpu.memory_space<vmem>>) target_semaphore(%run_scoped3A : memref<!tpu.dma_semaphore, #tpu.memory_space<semaphore_mem>>)
        %dma_wait3A = arith.constant 0 : i32
        %dma_wait3A_27 = arith.constant 0 : i32
        %dma_wait3A_28 = tpu.memref_slice %arg4[%add3A, %scan3A_13, %dma_wait3A, %dma_wait3A_27] : memref<32x5x16x125xi32, #tpu.memory_space<hbm>> -> memref<1x1x16x125xi32, #tpu.memory_space<hbm>>
        %dma_wait3A_29 = tpu.memref_squeeze %dma_wait3A_28 : memref<1x1x16x125xi32, #tpu.memory_space<hbm>> -> memref<16x125xi32, #tpu.memory_space<hbm>>
        %dma_wait3A_30 = arith.constant 0 : i32
        %dma_wait3A_31 = arith.constant 0 : i32
        %dma_wait3A_32 = tpu.memref_slice %arg4[%add3A, %scan3A_13, %dma_wait3A_30, %dma_wait3A_31] : memref<32x5x16x125xi32, #tpu.memory_space<hbm>> -> memref<1x1x16x125xi32, #tpu.memory_space<hbm>>
        %dma_wait3A_33 = tpu.memref_squeeze %dma_wait3A_32 : memref<1x1x16x125xi32, #tpu.memory_space<hbm>> -> memref<16x125xi32, #tpu.memory_space<hbm>>
        tpu.wait_dma2 semaphore(%run_scoped3A : memref<!tpu.dma_semaphore, #tpu.memory_space<semaphore_mem>>) src(%dma_wait3A_33 : memref<16x125xi32, #tpu.memory_space<hbm>>) dst(%arg9 : memref<16x125xi32, #tpu.memory_space<vmem>>)
        tpu.yield
      }) : () -> ()
      %scan3A_14 = arith.constant 0 : i32
      %scan3A_15 = arith.constant 0 : i32
      %scan3A_16 = arith.constant 8 : i32
      %scan3A_17 = arith.addi %scan3A_15, %scan3A_16 : i32
      %scan3A_18 = arith.constant 1 : i32
      scf.for %scan3A_20 = %scan3A_15 to %scan3A_17 step %scan3A_18  : i32 {
        %mul3A_21 = arith.constant 2 : i32
        %mul3A_22 = arith.muli %scan3A_20, %mul3A_21 : i32
        %add3A_23 = arith.constant 0 : i32
        %add3A_24 = arith.addi %mul3A_22, %add3A_23 : i32
        %dma_start3A = arith.constant 0 : i32
        %dma_start3A_25 = tpu.memref_slice %arg8[%add3A_24, %dma_start3A] : memref<16x125xi32, #tpu.memory_space<vmem>> -> memref<1x125xi32, #tpu.memory_space<vmem>>
        %dma_start3A_26 = tpu.memref_squeeze %dma_start3A_25 : memref<1x125xi32, #tpu.memory_space<vmem>> -> memref<125xi32, #tpu.memory_space<vmem>>
        %dma_start3A_27 = arith.constant 0 : i32
        %dma_start3A_28 = arith.constant 0 : i32
        %dma_start3A_29 = tpu.memref_slice %arg2[%dma_start3A_27, %dma_start3A_28] : memref<10000x128xf32, #tpu.memory_space<hbm>> -> memref<10000x128xf32, #tpu.memory_space<hbm>>
        tpu.enqueue_indirect_dma source(%dma_start3A_29 : memref<10000x128xf32, #tpu.memory_space<hbm>>) target(%arg10 : memref<125x128xf32, #tpu.memory_space<vmem>>) offsets(%dma_start3A_26 : memref<125xi32, #tpu.memory_space<vmem>>) semaphore(%arg12 : memref<!tpu.dma_semaphore, #tpu.memory_space<semaphore_mem>>)
        %mul3A_30 = arith.constant 2 : i32
        %mul3A_31 = arith.muli %scan3A_20, %mul3A_30 : i32
        %add3A_32 = arith.constant 1 : i32
        %add3A_33 = arith.addi %mul3A_31, %add3A_32 : i32
        %dma_start3A_34 = arith.constant 0 : i32
        %dma_start3A_35 = tpu.memref_slice %arg8[%add3A_33, %dma_start3A_34] : memref<16x125xi32, #tpu.memory_space<vmem>> -> memref<1x125xi32, #tpu.memory_space<vmem>>
        %dma_start3A_36 = tpu.memref_squeeze %dma_start3A_35 : memref<1x125xi32, #tpu.memory_space<vmem>> -> memref<125xi32, #tpu.memory_space<vmem>>
        %dma_start3A_37 = arith.constant 0 : i32
        %dma_start3A_38 = arith.constant 0 : i32
        %dma_start3A_39 = tpu.memref_slice %arg2[%dma_start3A_37, %dma_start3A_38] : memref<10000x128xf32, #tpu.memory_space<hbm>> -> memref<10000x128xf32, #tpu.memory_space<hbm>>
        tpu.enqueue_indirect_dma source(%dma_start3A_39 : memref<10000x128xf32, #tpu.memory_space<hbm>>) target(%arg11 : memref<125x128xf32, #tpu.memory_space<vmem>>) offsets(%dma_start3A_36 : memref<125xi32, #tpu.memory_space<vmem>>) semaphore(%arg13 : memref<!tpu.dma_semaphore, #tpu.memory_space<semaphore_mem>>)
        %dma_wait3A = arith.constant 0 : i32
        %dma_wait3A_40 = tpu.memref_slice %arg8[%add3A_24, %dma_wait3A] : memref<16x125xi32, #tpu.memory_space<vmem>> -> memref<1x125xi32, #tpu.memory_space<vmem>>
        %dma_wait3A_41 = tpu.memref_squeeze %dma_wait3A_40 : memref<1x125xi32, #tpu.memory_space<vmem>> -> memref<125xi32, #tpu.memory_space<vmem>>
        %dma_wait3A_42 = arith.constant 0 : i32
        %dma_wait3A_43 = arith.constant 0 : i32
        %dma_wait3A_44 = tpu.memref_slice %arg2[%dma_wait3A_42, %dma_wait3A_43] : memref<10000x128xf32, #tpu.memory_space<hbm>> -> memref<10000x128xf32, #tpu.memory_space<hbm>>
        tpu.wait_indirect_dma semaphore(%arg12 : memref<!tpu.dma_semaphore, #tpu.memory_space<semaphore_mem>>) src(%dma_wait3A_44 : memref<10000x128xf32, #tpu.memory_space<hbm>>) dst(%arg10 : memref<125x128xf32, #tpu.memory_space<vmem>>)
        %mul3A_45 = arith.constant 2 : i32
        %mul3A_46 = arith.muli %scan3A_20, %mul3A_45 : i32
        %add3A_47 = arith.constant 0 : i32
        %add3A_48 = arith.addi %mul3A_46, %add3A_47 : i32
        %dma_start3A_49 = arith.constant 0 : i32
        %dma_start3A_50 = tpu.memref_slice %arg9[%add3A_48, %dma_start3A_49] : memref<16x125xi32, #tpu.memory_space<vmem>> -> memref<1x125xi32, #tpu.memory_space<vmem>>
        %dma_start3A_51 = tpu.memref_squeeze %dma_start3A_50 : memref<1x125xi32, #tpu.memory_space<vmem>> -> memref<125xi32, #tpu.memory_space<vmem>>
        %dma_start3A_52 = arith.constant 0 : i32
        %dma_start3A_53 = arith.constant 0 : i32
        %dma_start3A_54 = tpu.memref_slice %arg7[%dma_start3A_52, %dma_start3A_53] : memref<10112x128xf32, #tpu.memory_space<vmem_shared>> -> memref<10112x128xf32, #tpu.memory_space<vmem_shared>>
        tpu.enqueue_indirect_dma source(%arg10 : memref<125x128xf32, #tpu.memory_space<vmem>>) target(%dma_start3A_54 : memref<10112x128xf32, #tpu.memory_space<vmem_shared>>) offsets(%dma_start3A_51 : memref<125xi32, #tpu.memory_space<vmem>>) semaphore(%arg14 : memref<!tpu.dma_semaphore, #tpu.memory_space<semaphore_mem>>) {add = true}
        %dma_wait3A_55 = arith.constant 0 : i32
        %dma_wait3A_56 = tpu.memref_slice %arg8[%add3A_33, %dma_wait3A_55] : memref<16x125xi32, #tpu.memory_space<vmem>> -> memref<1x125xi32, #tpu.memory_space<vmem>>
        %dma_wait3A_57 = tpu.memref_squeeze %dma_wait3A_56 : memref<1x125xi32, #tpu.memory_space<vmem>> -> memref<125xi32, #tpu.memory_space<vmem>>
        %dma_wait3A_58 = arith.constant 0 : i32
        %dma_wait3A_59 = arith.constant 0 : i32
        %dma_wait3A_60 = tpu.memref_slice %arg2[%dma_wait3A_58, %dma_wait3A_59] : memref<10000x128xf32, #tpu.memory_space<hbm>> -> memref<10000x128xf32, #tpu.memory_space<hbm>>
        tpu.wait_indirect_dma semaphore(%arg13 : memref<!tpu.dma_semaphore, #tpu.memory_space<semaphore_mem>>) src(%dma_wait3A_60 : memref<10000x128xf32, #tpu.memory_space<hbm>>) dst(%arg11 : memref<125x128xf32, #tpu.memory_space<vmem>>)
        %mul3A_61 = arith.constant 2 : i32
        %mul3A_62 = arith.muli %scan3A_20, %mul3A_61 : i32
        %add3A_63 = arith.constant 1 : i32
        %add3A_64 = arith.addi %mul3A_62, %add3A_63 : i32
        %dma_start3A_65 = arith.constant 0 : i32
        %dma_start3A_66 = tpu.memref_slice %arg9[%add3A_64, %dma_start3A_65] : memref<16x125xi32, #tpu.memory_space<vmem>> -> memref<1x125xi32, #tpu.memory_space<vmem>>
        %dma_start3A_67 = tpu.memref_squeeze %dma_start3A_66 : memref<1x125xi32, #tpu.memory_space<vmem>> -> memref<125xi32, #tpu.memory_space<vmem>>
        %dma_start3A_68 = arith.constant 0 : i32
        %dma_start3A_69 = arith.constant 0 : i32
        %dma_start3A_70 = tpu.memref_slice %arg7[%dma_start3A_68, %dma_start3A_69] : memref<10112x128xf32, #tpu.memory_space<vmem_shared>> -> memref<10112x128xf32, #tpu.memory_space<vmem_shared>>
        tpu.enqueue_indirect_dma source(%arg11 : memref<125x128xf32, #tpu.memory_space<vmem>>) target(%dma_start3A_70 : memref<10112x128xf32, #tpu.memory_space<vmem_shared>>) offsets(%dma_start3A_67 : memref<125xi32, #tpu.memory_space<vmem>>) semaphore(%arg15 : memref<!tpu.dma_semaphore, #tpu.memory_space<semaphore_mem>>) {add = true}
        %dma_wait3A_71 = arith.constant 0 : i32
        %dma_wait3A_72 = tpu.memref_slice %arg9[%add3A_48, %dma_wait3A_71] : memref<16x125xi32, #tpu.memory_space<vmem>> -> memref<1x125xi32, #tpu.memory_space<vmem>>
        %dma_wait3A_73 = tpu.memref_squeeze %dma_wait3A_72 : memref<1x125xi32, #tpu.memory_space<vmem>> -> memref<125xi32, #tpu.memory_space<vmem>>
        %dma_wait3A_74 = arith.constant 0 : i32
        %dma_wait3A_75 = arith.constant 0 : i32
        %dma_wait3A_76 = tpu.memref_slice %arg7[%dma_wait3A_74, %dma_wait3A_75] : memref<10112x128xf32, #tpu.memory_space<vmem_shared>> -> memref<10112x128xf32, #tpu.memory_space<vmem_shared>>
        tpu.wait_indirect_dma semaphore(%arg14 : memref<!tpu.dma_semaphore, #tpu.memory_space<semaphore_mem>>) src(%arg10 : memref<125x128xf32, #tpu.memory_space<vmem>>) dst(%dma_wait3A_76 : memref<10112x128xf32, #tpu.memory_space<vmem_shared>>)
        %dma_wait3A_77 = arith.constant 0 : i32
        %dma_wait3A_78 = tpu.memref_slice %arg9[%add3A_64, %dma_wait3A_77] : memref<16x125xi32, #tpu.memory_space<vmem>> -> memref<1x125xi32, #tpu.memory_space<vmem>>
        %dma_wait3A_79 = tpu.memref_squeeze %dma_wait3A_78 : memref<1x125xi32, #tpu.memory_space<vmem>> -> memref<125xi32, #tpu.memory_space<vmem>>
        %dma_wait3A_80 = arith.constant 0 : i32
        %dma_wait3A_81 = arith.constant 0 : i32
        %dma_wait3A_82 = tpu.memref_slice %arg7[%dma_wait3A_80, %dma_wait3A_81] : memref<10112x128xf32, #tpu.memory_space<vmem_shared>> -> memref<10112x128xf32, #tpu.memory_space<vmem_shared>>
        tpu.wait_indirect_dma semaphore(%arg15 : memref<!tpu.dma_semaphore, #tpu.memory_space<semaphore_mem>>) src(%arg11 : memref<125x128xf32, #tpu.memory_space<vmem>>) dst(%dma_wait3A_82 : memref<10112x128xf32, #tpu.memory_space<vmem_shared>>)
      }
      %scan3A_19 = arith.constant 8 : i32
    }
    %scan3A_7 = arith.constant 5 : i32
    %barrier3A_8 = arith.constant 0 : index
    tpu.barrier barrier_id(%barrier3A_8)
    %mul3A_9 = arith.constant 632 : i32
    %mul3A_10 = arith.muli %arg1, %mul3A_9 : i32
    %mul3A_11 = arith.constant 632 : i32
    %mul3A_12 = arith.muli %arg1, %mul3A_11 : i32
    "tpu.region"() ({
      %run_scoped3A = tpu.sem_alloc : memref<!tpu.dma_semaphore, #tpu.memory_space<semaphore_mem>>
      %dma_start3A = arith.constant 0 : i32
      %dma_start3A_13 = tpu.memref_slice %arg6[%arg0, %mul3A_12, %dma_start3A] : memref<2x10112x128xf32, #tpu.memory_space<hbm>> -> memref<1x632x128xf32, #tpu.memory_space<hbm>>
      %dma_start3A_14 = tpu.memref_squeeze %dma_start3A_13 : memref<1x632x128xf32, #tpu.memory_space<hbm>> -> memref<632x128xf32, #tpu.memory_space<hbm>>
      %dma_start3A_15 = arith.constant 0 : i32
      %dma_start3A_16 = tpu.memref_slice %arg7[%mul3A_10, %dma_start3A_15] : memref<10112x128xf32, #tpu.memory_space<vmem_shared>> -> memref<632x128xf32, #tpu.memory_space<vmem_shared>>
      tpu.enqueue_dma source(%dma_start3A_16 : memref<632x128xf32, #tpu.memory_space<vmem_shared>>) target(%dma_start3A_14 : memref<632x128xf32, #tpu.memory_space<hbm>>) target_semaphore(%run_scoped3A : memref<!tpu.dma_semaphore, #tpu.memory_space<semaphore_mem>>)
      %dma_wait3A = arith.constant 0 : i32
      %dma_wait3A_17 = tpu.memref_slice %arg6[%arg0, %mul3A_12, %dma_wait3A] : memref<2x10112x128xf32, #tpu.memory_space<hbm>> -> memref<1x632x128xf32, #tpu.memory_space<hbm>>
      %dma_wait3A_18 = tpu.memref_squeeze %dma_wait3A_17 : memref<1x632x128xf32, #tpu.memory_space<hbm>> -> memref<632x128xf32, #tpu.memory_space<hbm>>
      %dma_wait3A_19 = arith.constant 0 : i32
      %dma_wait3A_20 = tpu.memref_slice %arg7[%mul3A_10, %dma_wait3A_19] : memref<10112x128xf32, #tpu.memory_space<vmem_shared>> -> memref<632x128xf32, #tpu.memory_space<vmem_shared>>
      tpu.wait_dma2 semaphore(%run_scoped3A : memref<!tpu.dma_semaphore, #tpu.memory_space<semaphore_mem>>) src(%dma_wait3A_20 : memref<632x128xf32, #tpu.memory_space<vmem_shared>>) dst(%dma_wait3A_18 : memref<632x128xf32, #tpu.memory_space<hbm>>)
      tpu.yield
    }) : () -> ()
    return
  }
}

module attributes {stable_mosaic.version = 14 : i64} {
  func.func @body(%arg0: i32, %arg1: i32, %arg2: memref<1000x128xf32, #tpu.memory_space<vmem>>, %arg3: memref<2x1000x128xf32, #tpu.memory_space<vmem>>, %arg4: memref<1000x128xf32, #tpu.memory_space<vmem>>, %arg5: memref<1000x128xf32, #tpu.memory_space<vmem>>, %arg6: memref<128x128xf32, #tpu.memory_space<vmem>>, %arg7: memref<1x128xf32, #tpu.memory_space<vmem>>, %arg8: memref<128x128xf32, #tpu.memory_space<vmem>>, %arg9: memref<1x128xf32, #tpu.memory_space<vmem>>, %arg10: memref<128x384xf32, #tpu.memory_space<vmem>>, %arg11: memref<128x384xf32, #tpu.memory_space<vmem>>, %arg12: memref<1x384xf32, #tpu.memory_space<vmem>>, %arg13: memref<1x384xf32, #tpu.memory_space<vmem>>, %arg14: memref<1x128xf32, #tpu.memory_space<vmem>>, %arg15: memref<1x128xf32, #tpu.memory_space<vmem>>, %arg16: memref<1x128xf32, #tpu.memory_space<vmem>>, %arg17: memref<1x128xf32, #tpu.memory_space<vmem>>, %arg18: memref<1000x128xf32, #tpu.memory_space<vmem>>, %arg19: memref<1000x128xf32, #tpu.memory_space<vmem>>, %arg20: memref<1000x128xf32, #tpu.memory_space<vmem>>, %arg21: memref<10000x128xf32, #tpu.memory_space<vmem>>, %arg22: memref<8x128xf32, #tpu.memory_space<vmem>>) attributes {dimension_semantics = [#tpu.dimension_semantics<arbitrary>, #tpu.dimension_semantics<arbitrary>], iteration_bounds = array<i64: 2, 10>, scalar_prefetch = 0 : i64, scratch_operands = 2 : i64, tpu.core_type = #tpu.core_type<tc>, window_params = [{transform_indices = @transform_0, window_bounds = array<i64: 1000, 128>}, {transform_indices = @transform_1, window_bounds = array<i64: 2, 1000, 128>}, {transform_indices = @transform_2, window_bounds = array<i64: 1000, 128>}, {transform_indices = @transform_3, window_bounds = array<i64: 1000, 128>}, {pipeline_mode = #tpu.pipeline_mode<synchronous>, transform_indices = @transform_4, window_bounds = array<i64: 128, 128>}, {pipeline_mode = #tpu.pipeline_mode<synchronous>, transform_indices = @transform_5, window_bounds = array<i64: 1, 128>}, {pipeline_mode = #tpu.pipeline_mode<synchronous>, transform_indices = @transform_6, window_bounds = array<i64: 128, 128>}, {pipeline_mode = #tpu.pipeline_mode<synchronous>, transform_indices = @transform_7, window_bounds = array<i64: 1, 128>}, {pipeline_mode = #tpu.pipeline_mode<synchronous>, transform_indices = @transform_8, window_bounds = array<i64: 128, 384>}, {pipeline_mode = #tpu.pipeline_mode<synchronous>, transform_indices = @transform_9, window_bounds = array<i64: 128, 384>}, {pipeline_mode = #tpu.pipeline_mode<synchronous>, transform_indices = @transform_10, window_bounds = array<i64: 1, 384>}, {pipeline_mode = #tpu.pipeline_mode<synchronous>, transform_indices = @transform_11, window_bounds = array<i64: 1, 384>}, {pipeline_mode = #tpu.pipeline_mode<synchronous>, transform_indices = @transform_12, window_bounds = array<i64: 1, 128>}, {pipeline_mode = #tpu.pipeline_mode<synchronous>, transform_indices = @transform_13, window_bounds = array<i64: 1, 128>}, {pipeline_mode = #tpu.pipeline_mode<synchronous>, transform_indices = @transform_14, window_bounds = array<i64: 1, 128>}, {pipeline_mode = #tpu.pipeline_mode<synchronous>, transform_indices = @transform_15, window_bounds = array<i64: 1, 128>}, {transform_indices = @transform_16, window_bounds = array<i64: 1000, 128>}, {transform_indices = @transform_17, window_bounds = array<i64: 1000, 128>}, {transform_indices = @transform_18, window_bounds = array<i64: 1000, 128>}]} {
    %eq3A = arith.constant 0 : i32
    %eq3A_0 = arith.cmpi eq, %arg0, %eq3A : i32
    %convert_element_type3A = arith.extui %eq3A_0 : i1 to i32
    %cond3A = arith.constant 0 : i32
    %cond3A_1 = arith.cmpi ne, %convert_element_type3A, %cond3A : i32
    scf.if %cond3A_1 {
      %get3A = arith.constant 0 : index
      %get3A_7 = arith.constant 0 : index
      %get3A_8 = vector.load %arg2[%get3A, %get3A_7] : memref<1000x128xf32, #tpu.memory_space<vmem>>, vector<1000x128xf32>
      %get3A_9 = arith.constant 0 : index
      %get3A_10 = arith.constant 0 : index
      %get3A_11 = arith.constant 0 : index
      %get3A_12 = vector.load %arg3[%get3A_9, %get3A_10, %get3A_11] : memref<2x1000x128xf32, #tpu.memory_space<vmem>>, vector<1x1000x128xf32>
      %get3A_13 = vector.shape_cast %get3A_12 : vector<1x1000x128xf32> to vector<1000x128xf32>
      %add3A = arith.addf %get3A_8, %get3A_13 : vector<1000x128xf32>
      %get3A_14 = arith.constant 1 : index
      %get3A_15 = arith.constant 0 : index
      %get3A_16 = arith.constant 0 : index
      %get3A_17 = vector.load %arg3[%get3A_14, %get3A_15, %get3A_16] : memref<2x1000x128xf32, #tpu.memory_space<vmem>>, vector<1x1000x128xf32>
      %get3A_18 = vector.shape_cast %get3A_17 : vector<1x1000x128xf32> to vector<1000x128xf32>
      %add3A_19 = arith.addf %add3A, %get3A_18 : vector<1000x128xf32>
      %get3A_20 = arith.constant 0 : index
      %get3A_21 = arith.constant 0 : index
      %get3A_22 = vector.load %arg6[%get3A_20, %get3A_21] : memref<128x128xf32, #tpu.memory_space<vmem>>, vector<128x128xf32>
      %dot_general3A = arith.constant dense<0.000000e+00> : vector<1000x128xf32>
      %dot_general3A_23 = tpu.matmul %add3A_19, %get3A_22, %dot_general3A {dimension_numbers = #tpu.dot_dimension_numbers<[1], [0], [0], [1], [0, 0, 1, 1], [], []>, transpose_lhs_hint = false} : vector<1000x128xf32>, vector<128x128xf32>, vector<1000x128xf32> -> vector<1000x128xf32>
      %get3A_24 = arith.constant 0 : index
      %get3A_25 = arith.constant 0 : index
      %get3A_26 = vector.load %arg7[%get3A_24, %get3A_25] : memref<1x128xf32, #tpu.memory_space<vmem>>, vector<1x128xf32>
      %add3A_27 = vector.broadcast %get3A_26 : vector<1x128xf32> to vector<1000x128xf32>
      %add3A_28 = arith.addf %dot_general3A_23, %add3A_27 : vector<1000x128xf32>
      %max3A = arith.constant 0.000000e+00 : f32
      %max3A_29 = vector.broadcast %max3A : f32 to vector<1000x128xf32>
      %max3A_30 = arith.maximumf %add3A_28, %max3A_29 : vector<1000x128xf32>
      %get3A_31 = arith.constant 0 : index
      %get3A_32 = arith.constant 0 : index
      %get3A_33 = vector.load %arg8[%get3A_31, %get3A_32] : memref<128x128xf32, #tpu.memory_space<vmem>>, vector<128x128xf32>
      %dot_general3A_34 = arith.constant dense<0.000000e+00> : vector<1000x128xf32>
      %dot_general3A_35 = tpu.matmul %max3A_30, %get3A_33, %dot_general3A_34 {dimension_numbers = #tpu.dot_dimension_numbers<[1], [0], [0], [1], [0, 0, 1, 1], [], []>, transpose_lhs_hint = false} : vector<1000x128xf32>, vector<128x128xf32>, vector<1000x128xf32> -> vector<1000x128xf32>
      %get3A_36 = arith.constant 0 : index
      %get3A_37 = arith.constant 0 : index
      %get3A_38 = vector.load %arg9[%get3A_36, %get3A_37] : memref<1x128xf32, #tpu.memory_space<vmem>>, vector<1x128xf32>
      %add3A_39 = vector.broadcast %get3A_38 : vector<1x128xf32> to vector<1000x128xf32>
      %add3A_40 = arith.addf %dot_general3A_35, %add3A_39 : vector<1000x128xf32>
      %max3A_41 = arith.constant 0.000000e+00 : f32
      %max3A_42 = vector.broadcast %max3A_41 : f32 to vector<1000x128xf32>
      %max3A_43 = arith.maximumf %add3A_40, %max3A_42 : vector<1000x128xf32>
      %mul3A = arith.constant 1000 : i32
      %mul3A_44 = arith.muli %arg1, %mul3A : i32
      %swap3A = arith.index_cast %mul3A_44 : i32 to index
      %swap3A_45 = arith.constant 0 : index
      %swap3A_46 = vector.load %arg21[%swap3A, %swap3A_45] : memref<10000x128xf32, #tpu.memory_space<vmem>>, vector<1000x128xf32>
      tpu.vector_store %arg21[%swap3A, %swap3A_45], %max3A_43 {strides = array<i32>} : memref<10000x128xf32, #tpu.memory_space<vmem>>, vector<1000x128xf32>,
      %eq3A_47 = arith.constant 0 : i32
      %eq3A_48 = arith.cmpi eq, %arg1, %eq3A_47 : i32
      %convert_element_type3A_49 = arith.extui %eq3A_48 : i1 to i32
      %cond3A_50 = arith.constant 0 : i32
      %cond3A_51 = arith.cmpi ne, %convert_element_type3A_49, %cond3A_50 : i32
      scf.if %cond3A_51 {
        %broadcast_in_dim3A_71 = arith.constant 0.000000e+00 : f32
        %broadcast_in_dim3A_72 = vector.broadcast %broadcast_in_dim3A_71 : f32 to vector<8x128xf32>
        %swap3A_73 = arith.constant 0 : index
        %swap3A_74 = arith.constant 0 : index
        %swap3A_75 = vector.load %arg22[%swap3A_73, %swap3A_74] : memref<8x128xf32, #tpu.memory_space<vmem>>, vector<8x128xf32>
        tpu.vector_store %arg22[%swap3A_73, %swap3A_74], %broadcast_in_dim3A_72 {strides = array<i32>} : memref<8x128xf32, #tpu.memory_space<vmem>>, vector<8x128xf32>,
      } else {
      }
      %get3A_52 = arith.constant 0 : index
      %get3A_53 = arith.constant 0 : index
      %get3A_54 = vector.load %arg22[%get3A_52, %get3A_53] : memref<8x128xf32, #tpu.memory_space<vmem>>, vector<1x128xf32>
      %reduce_sum3A = arith.constant dense<0.000000e+00> : vector<128xf32>
      %reduce_sum3A_55 = vector.multi_reduction <add>, %max3A_43, %reduce_sum3A [0] : vector<1000x128xf32> to vector<128xf32>
      %broadcast_in_dim3A = vector.shape_cast %reduce_sum3A_55 : vector<128xf32> to vector<1x128xf32>
      %add3A_56 = arith.addf %get3A_54, %broadcast_in_dim3A : vector<1x128xf32>
      %swap3A_57 = arith.constant 0 : index
      %swap3A_58 = arith.constant 0 : index
      %swap3A_59 = vector.load %arg22[%swap3A_57, %swap3A_58] : memref<8x128xf32, #tpu.memory_space<vmem>>, vector<1x128xf32>
      tpu.vector_store %arg22[%swap3A_57, %swap3A_58], %add3A_56 {strides = array<i32>} : memref<8x128xf32, #tpu.memory_space<vmem>>, vector<1x128xf32>,
      %get3A_60 = arith.constant 1 : index
      %get3A_61 = arith.constant 0 : index
      %get3A_62 = vector.load %arg22[%get3A_60, %get3A_61] : memref<8x128xf32, #tpu.memory_space<vmem>>, vector<1x128xf32>
      %mul3A_63 = arith.mulf %max3A_43, %max3A_43 : vector<1000x128xf32>
      %reduce_sum3A_64 = arith.constant dense<0.000000e+00> : vector<128xf32>
      %reduce_sum3A_65 = vector.multi_reduction <add>, %mul3A_63, %reduce_sum3A_64 [0] : vector<1000x128xf32> to vector<128xf32>
      %broadcast_in_dim3A_66 = vector.shape_cast %reduce_sum3A_65 : vector<128xf32> to vector<1x128xf32>
      %add3A_67 = arith.addf %get3A_62, %broadcast_in_dim3A_66 : vector<1x128xf32>
      %swap3A_68 = arith.constant 1 : index
      %swap3A_69 = arith.constant 0 : index
      %swap3A_70 = vector.load %arg22[%swap3A_68, %swap3A_69] : memref<8x128xf32, #tpu.memory_space<vmem>>, vector<1x128xf32>
      tpu.vector_store %arg22[%swap3A_68, %swap3A_69], %add3A_67 {strides = array<i32>} : memref<8x128xf32, #tpu.memory_space<vmem>>, vector<1x128xf32>,
    } else {
    }
    %eq3A_2 = arith.constant 1 : i32
    %eq3A_3 = arith.cmpi eq, %arg0, %eq3A_2 : i32
    %convert_element_type3A_4 = arith.extui %eq3A_3 : i1 to i32
    %cond3A_5 = arith.constant 0 : i32
    %cond3A_6 = arith.cmpi ne, %convert_element_type3A_4, %cond3A_5 : i32
    scf.if %cond3A_6 {
      %get3A = arith.constant 0 : index
      %get3A_7 = arith.constant 0 : index
      %get3A_8 = vector.load %arg22[%get3A, %get3A_7] : memref<8x128xf32, #tpu.memory_space<vmem>>, vector<1x128xf32>
      %mul3A = arith.constant 9.99999974E-5 : f32
      %mul3A_9 = vector.broadcast %mul3A : f32 to vector<1x128xf32>
      %mul3A_10 = arith.mulf %get3A_8, %mul3A_9 : vector<1x128xf32>
      %get3A_11 = arith.constant 1 : index
      %get3A_12 = arith.constant 0 : index
      %get3A_13 = vector.load %arg22[%get3A_11, %get3A_12] : memref<8x128xf32, #tpu.memory_space<vmem>>, vector<1x128xf32>
      %mul3A_14 = arith.constant 9.99999974E-5 : f32
      %mul3A_15 = vector.broadcast %mul3A_14 : f32 to vector<1x128xf32>
      %mul3A_16 = arith.mulf %get3A_13, %mul3A_15 : vector<1x128xf32>
      %mul3A_17 = arith.mulf %mul3A_10, %mul3A_10 : vector<1x128xf32>
      %sub3A = arith.subf %mul3A_16, %mul3A_17 : vector<1x128xf32>
      %mul3A_18 = arith.constant 1000 : i32
      %mul3A_19 = arith.muli %arg1, %mul3A_18 : i32
      %get3A_20 = arith.index_cast %mul3A_19 : i32 to index
      %get3A_21 = arith.constant 0 : index
      %get3A_22 = vector.load %arg21[%get3A_20, %get3A_21] : memref<10000x128xf32, #tpu.memory_space<vmem>>, vector<1000x128xf32>
      %sub3A_23 = vector.broadcast %mul3A_10 : vector<1x128xf32> to vector<1000x128xf32>
      %sub3A_24 = arith.subf %get3A_22, %sub3A_23 : vector<1000x128xf32>
      %add3A = arith.constant 9.99999974E-6 : f32
      %add3A_25 = vector.broadcast %add3A : f32 to vector<1x128xf32>
      %add3A_26 = arith.addf %sub3A, %add3A_25 : vector<1x128xf32>
      %rsqrt3A = math.rsqrt %add3A_26 : vector<1x128xf32>
      %mul3A_27 = vector.broadcast %rsqrt3A : vector<1x128xf32> to vector<1000x128xf32>
      %mul3A_28 = arith.mulf %sub3A_24, %mul3A_27 : vector<1000x128xf32>
      %get3A_29 = arith.constant 0 : index
      %get3A_30 = arith.constant 0 : index
      %get3A_31 = vector.load %arg14[%get3A_29, %get3A_30] : memref<1x128xf32, #tpu.memory_space<vmem>>, vector<1x128xf32>
      %mul3A_32 = vector.broadcast %get3A_31 : vector<1x128xf32> to vector<1000x128xf32>
      %mul3A_33 = arith.mulf %mul3A_28, %mul3A_32 : vector<1000x128xf32>
      %get3A_34 = arith.constant 0 : index
      %get3A_35 = arith.constant 0 : index
      %get3A_36 = vector.load %arg15[%get3A_34, %get3A_35] : memref<1x128xf32, #tpu.memory_space<vmem>>, vector<1x128xf32>
      %add3A_37 = vector.broadcast %get3A_36 : vector<1x128xf32> to vector<1000x128xf32>
      %add3A_38 = arith.addf %mul3A_33, %add3A_37 : vector<1000x128xf32>
      %get3A_39 = arith.constant 0 : index
      %get3A_40 = arith.constant 0 : index
      %get3A_41 = vector.load %arg2[%get3A_39, %get3A_40] : memref<1000x128xf32, #tpu.memory_space<vmem>>, vector<1000x128xf32>
      %get3A_42 = arith.constant 0 : index
      %get3A_43 = arith.constant 0 : index
      %get3A_44 = vector.load %arg10[%get3A_42, %get3A_43] : memref<128x384xf32, #tpu.memory_space<vmem>>, vector<128x384xf32>
      %dot_general3A = arith.constant dense<0.000000e+00> : vector<1000x384xf32>
      %dot_general3A_45 = tpu.matmul %add3A_38, %get3A_44, %dot_general3A {dimension_numbers = #tpu.dot_dimension_numbers<[1], [0], [0], [1], [0, 0, 1, 1], [], []>, transpose_lhs_hint = false} : vector<1000x128xf32>, vector<128x384xf32>, vector<1000x384xf32> -> vector<1000x384xf32>
      %get3A_46 = arith.constant 0 : index
      %get3A_47 = arith.constant 0 : index
      %get3A_48 = vector.load %arg12[%get3A_46, %get3A_47] : memref<1x384xf32, #tpu.memory_space<vmem>>, vector<1x384xf32>
      %add3A_49 = vector.broadcast %get3A_48 : vector<1x384xf32> to vector<1000x384xf32>
      %add3A_50 = arith.addf %dot_general3A_45, %add3A_49 : vector<1000x384xf32>
      %get3A_51 = arith.constant 0 : index
      %get3A_52 = arith.constant 0 : index
      %get3A_53 = vector.load %arg11[%get3A_51, %get3A_52] : memref<128x384xf32, #tpu.memory_space<vmem>>, vector<128x384xf32>
      %dot_general3A_54 = arith.constant dense<0.000000e+00> : vector<1000x384xf32>
      %dot_general3A_55 = tpu.matmul %get3A_41, %get3A_53, %dot_general3A_54 {dimension_numbers = #tpu.dot_dimension_numbers<[1], [0], [0], [1], [0, 0, 1, 1], [], []>, transpose_lhs_hint = false} : vector<1000x128xf32>, vector<128x384xf32>, vector<1000x384xf32> -> vector<1000x384xf32>
      %get3A_56 = arith.constant 0 : index
      %get3A_57 = arith.constant 0 : index
      %get3A_58 = vector.load %arg13[%get3A_56, %get3A_57] : memref<1x384xf32, #tpu.memory_space<vmem>>, vector<1x384xf32>
      %add3A_59 = vector.broadcast %get3A_58 : vector<1x384xf32> to vector<1000x384xf32>
      %add3A_60 = arith.addf %dot_general3A_55, %add3A_59 : vector<1000x384xf32>
      %slice3A = vector.extract_strided_slice %add3A_50 {offsets = [0, 0], sizes = [1000, 128], strides = [1, 1]} : vector<1000x384xf32> to vector<1000x128xf32>
      %slice3A_61 = vector.extract_strided_slice %add3A_60 {offsets = [0, 0], sizes = [1000, 128], strides = [1, 1]} : vector<1000x384xf32> to vector<1000x128xf32>
      %add3A_62 = arith.addf %slice3A, %slice3A_61 : vector<1000x128xf32>
      %logistic3A = arith.negf %add3A_62 : vector<1000x128xf32>
      %logistic3A_63 = math.exp %logistic3A : vector<1000x128xf32>
      %logistic3A_64 = arith.constant 1.000000e+00 : f32
      %logistic3A_65 = vector.broadcast %logistic3A_64 : f32 to vector<1000x128xf32>
      %logistic3A_66 = arith.addf %logistic3A_65, %logistic3A_63 : vector<1000x128xf32>
      %logistic3A_67 = arith.divf %logistic3A_65, %logistic3A_66 : vector<1000x128xf32>
      %slice3A_68 = vector.extract_strided_slice %add3A_50 {offsets = [0, 128], sizes = [1000, 128], strides = [1, 1]} : vector<1000x384xf32> to vector<1000x128xf32>
      %slice3A_69 = vector.extract_strided_slice %add3A_60 {offsets = [0, 128], sizes = [1000, 128], strides = [1, 1]} : vector<1000x384xf32> to vector<1000x128xf32>
      %add3A_70 = arith.addf %slice3A_68, %slice3A_69 : vector<1000x128xf32>
      %logistic3A_71 = arith.negf %add3A_70 : vector<1000x128xf32>
      %logistic3A_72 = math.exp %logistic3A_71 : vector<1000x128xf32>
      %logistic3A_73 = arith.constant 1.000000e+00 : f32
      %logistic3A_74 = vector.broadcast %logistic3A_73 : f32 to vector<1000x128xf32>
      %logistic3A_75 = arith.addf %logistic3A_74, %logistic3A_72 : vector<1000x128xf32>
      %logistic3A_76 = arith.divf %logistic3A_74, %logistic3A_75 : vector<1000x128xf32>
      %slice3A_77 = vector.extract_strided_slice %add3A_50 {offsets = [0, 256], sizes = [1000, 128], strides = [1, 1]} : vector<1000x384xf32> to vector<1000x128xf32>
      %slice3A_78 = vector.extract_strided_slice %add3A_60 {offsets = [0, 256], sizes = [1000, 128], strides = [1, 1]} : vector<1000x384xf32> to vector<1000x128xf32>
      %mul3A_79 = arith.mulf %logistic3A_67, %slice3A_78 : vector<1000x128xf32>
      %add3A_80 = arith.addf %slice3A_77, %mul3A_79 : vector<1000x128xf32>
      %tanh3A = math.tanh %add3A_80 : vector<1000x128xf32>
      %sub3A_81 = arith.constant 1.000000e+00 : f32
      %sub3A_82 = vector.broadcast %sub3A_81 : f32 to vector<1000x128xf32>
      %sub3A_83 = arith.subf %sub3A_82, %logistic3A_76 : vector<1000x128xf32>
      %mul3A_84 = arith.mulf %sub3A_83, %tanh3A : vector<1000x128xf32>
      %mul3A_85 = arith.mulf %logistic3A_76, %get3A_41 : vector<1000x128xf32>
      %add3A_86 = arith.addf %mul3A_84, %mul3A_85 : vector<1000x128xf32>
      %reduce_sum3A = arith.constant dense<0.000000e+00> : vector<1000xf32>
      %reduce_sum3A_87 = vector.multi_reduction <add>, %add3A_86, %reduce_sum3A [1] : vector<1000x128xf32> to vector<1000xf32>
      %broadcast_in_dim3A = vector.shape_cast %reduce_sum3A_87 : vector<1000xf32> to vector<1000x1xf32>
      %div3A = arith.constant 1.280000e+02 : f32
      %div3A_88 = vector.broadcast %div3A : f32 to vector<1000x1xf32>
      %div3A_89 = arith.divf %broadcast_in_dim3A, %div3A_88 : vector<1000x1xf32>
      %sub3A_90 = vector.broadcast %div3A_89 : vector<1000x1xf32> to vector<1000x128xf32>
      %sub3A_91 = arith.subf %add3A_86, %sub3A_90 : vector<1000x128xf32>
      %sub3A_92 = vector.broadcast %div3A_89 : vector<1000x1xf32> to vector<1000x128xf32>
      %sub3A_93 = arith.subf %add3A_86, %sub3A_92 : vector<1000x128xf32>
      %mul3A_94 = arith.mulf %sub3A_91, %sub3A_93 : vector<1000x128xf32>
      %reduce_sum3A_95 = arith.constant dense<0.000000e+00> : vector<1000xf32>
      %reduce_sum3A_96 = vector.multi_reduction <add>, %mul3A_94, %reduce_sum3A_95 [1] : vector<1000x128xf32> to vector<1000xf32>
      %broadcast_in_dim3A_97 = vector.shape_cast %reduce_sum3A_96 : vector<1000xf32> to vector<1000x1xf32>
      %div3A_98 = arith.constant 1.280000e+02 : f32
      %div3A_99 = vector.broadcast %div3A_98 : f32 to vector<1000x1xf32>
      %div3A_100 = arith.divf %broadcast_in_dim3A_97, %div3A_99 : vector<1000x1xf32>
      %sub3A_101 = vector.broadcast %div3A_89 : vector<1000x1xf32> to vector<1000x128xf32>
      %sub3A_102 = arith.subf %add3A_86, %sub3A_101 : vector<1000x128xf32>
      %add3A_103 = arith.constant 9.99999974E-6 : f32
      %add3A_104 = vector.broadcast %add3A_103 : f32 to vector<1000x1xf32>
      %add3A_105 = arith.addf %div3A_100, %add3A_104 : vector<1000x1xf32>
      %rsqrt3A_106 = math.rsqrt %add3A_105 : vector<1000x1xf32>
      %mul3A_107 = vector.broadcast %rsqrt3A_106 : vector<1000x1xf32> to vector<1000x128xf32>
      %mul3A_108 = arith.mulf %sub3A_102, %mul3A_107 : vector<1000x128xf32>
      %get3A_109 = arith.constant 0 : index
      %get3A_110 = arith.constant 0 : index
      %get3A_111 = vector.load %arg16[%get3A_109, %get3A_110] : memref<1x128xf32, #tpu.memory_space<vmem>>, vector<1x128xf32>
      %mul3A_112 = vector.broadcast %get3A_111 : vector<1x128xf32> to vector<1000x128xf32>
      %mul3A_113 = arith.mulf %mul3A_108, %mul3A_112 : vector<1000x128xf32>
      %get3A_114 = arith.constant 0 : index
      %get3A_115 = arith.constant 0 : index
      %get3A_116 = vector.load %arg17[%get3A_114, %get3A_115] : memref<1x128xf32, #tpu.memory_space<vmem>>, vector<1x128xf32>
      %add3A_117 = vector.broadcast %get3A_116 : vector<1x128xf32> to vector<1000x128xf32>
      %add3A_118 = arith.addf %mul3A_113, %add3A_117 : vector<1000x128xf32>
      %swap3A = arith.constant 0 : index
      %swap3A_119 = arith.constant 0 : index
      %swap3A_120 = vector.load %arg18[%swap3A, %swap3A_119] : memref<1000x128xf32, #tpu.memory_space<vmem>>, vector<1000x128xf32>
      tpu.vector_store %arg18[%swap3A, %swap3A_119], %add3A_118 {strides = array<i32>} : memref<1000x128xf32, #tpu.memory_space<vmem>>, vector<1000x128xf32>,
      %get3A_121 = arith.constant 0 : index
      %get3A_122 = arith.constant 0 : index
      %get3A_123 = vector.load %arg4[%get3A_121, %get3A_122] : memref<1000x128xf32, #tpu.memory_space<vmem>>, vector<1000x128xf32>
      %mul3A_124 = arith.mulf %get3A_123, %add3A_118 : vector<1000x128xf32>
      %swap3A_125 = arith.constant 0 : index
      %swap3A_126 = arith.constant 0 : index
      %swap3A_127 = vector.load %arg19[%swap3A_125, %swap3A_126] : memref<1000x128xf32, #tpu.memory_space<vmem>>, vector<1000x128xf32>
      tpu.vector_store %arg19[%swap3A_125, %swap3A_126], %mul3A_124 {strides = array<i32>} : memref<1000x128xf32, #tpu.memory_space<vmem>>, vector<1000x128xf32>,
      %get3A_128 = arith.constant 0 : index
      %get3A_129 = arith.constant 0 : index
      %get3A_130 = vector.load %arg5[%get3A_128, %get3A_129] : memref<1000x128xf32, #tpu.memory_space<vmem>>, vector<1000x128xf32>
      %add3A_131 = arith.addf %get3A_130, %add3A_118 : vector<1000x128xf32>
      %swap3A_132 = arith.constant 0 : index
      %swap3A_133 = arith.constant 0 : index
      %swap3A_134 = vector.load %arg20[%swap3A_132, %swap3A_133] : memref<1000x128xf32, #tpu.memory_space<vmem>>, vector<1000x128xf32>
      tpu.vector_store %arg20[%swap3A_132, %swap3A_133], %add3A_131 {strides = array<i32>} : memref<1000x128xf32, #tpu.memory_space<vmem>>, vector<1000x128xf32>,
    } else {
    }
    return
  }
  func.func @transform_0(%arg0: i32, %arg1: i32) -> (i32, i32) {
    %c0_i32 = arith.constant 0 : i32
    %c0_i32_0 = arith.constant 0 : i32
    return %arg1, %c0_i32 : i32, i32
  }
  func.func @transform_1(%arg0: i32, %arg1: i32) -> (i32, i32, i32) {
    %sub3A = arith.constant 1 : i32
    %sub3A_0 = arith.subi %sub3A, %arg0 : i32
    %mul3A = arith.muli %sub3A_0, %arg1 : i32
    %c0_i32 = arith.constant 0 : i32
    %c0_i32_1 = arith.constant 0 : i32
    %c0_i32_2 = arith.constant 0 : i32
    return %c0_i32, %mul3A, %c0_i32_1 : i32, i32, i32
  }
  func.func @transform_2(%arg0: i32, %arg1: i32) -> (i32, i32) {
    %c0_i32 = arith.constant 0 : i32
    %c0_i32_0 = arith.constant 0 : i32
    return %arg1, %c0_i32 : i32, i32
  }
  func.func @transform_3(%arg0: i32, %arg1: i32) -> (i32, i32) {
    %c0_i32 = arith.constant 0 : i32
    %c0_i32_0 = arith.constant 0 : i32
    return %arg1, %c0_i32 : i32, i32
  }
  func.func @transform_4(%arg0: i32, %arg1: i32) -> (i32, i32) {
    %c0_i32 = arith.constant 0 : i32
    %c0_i32_0 = arith.constant 0 : i32
    %c0_i32_1 = arith.constant 0 : i32
    return %c0_i32, %c0_i32_0 : i32, i32
  }
  func.func @transform_5(%arg0: i32, %arg1: i32) -> (i32, i32) {
    %c0_i32 = arith.constant 0 : i32
    %c0_i32_0 = arith.constant 0 : i32
    %c0_i32_1 = arith.constant 0 : i32
    return %c0_i32, %c0_i32_0 : i32, i32
  }
  func.func @transform_6(%arg0: i32, %arg1: i32) -> (i32, i32) {
    %c0_i32 = arith.constant 0 : i32
    %c0_i32_0 = arith.constant 0 : i32
    %c0_i32_1 = arith.constant 0 : i32
    return %c0_i32, %c0_i32_0 : i32, i32
  }
  func.func @transform_7(%arg0: i32, %arg1: i32) -> (i32, i32) {
    %c0_i32 = arith.constant 0 : i32
    %c0_i32_0 = arith.constant 0 : i32
    %c0_i32_1 = arith.constant 0 : i32
    return %c0_i32, %c0_i32_0 : i32, i32
  }
  func.func @transform_8(%arg0: i32, %arg1: i32) -> (i32, i32) {
    %c0_i32 = arith.constant 0 : i32
    %c0_i32_0 = arith.constant 0 : i32
    %c0_i32_1 = arith.constant 0 : i32
    return %c0_i32, %c0_i32_0 : i32, i32
  }
  func.func @transform_9(%arg0: i32, %arg1: i32) -> (i32, i32) {
    %c0_i32 = arith.constant 0 : i32
    %c0_i32_0 = arith.constant 0 : i32
    %c0_i32_1 = arith.constant 0 : i32
    return %c0_i32, %c0_i32_0 : i32, i32
  }
  func.func @transform_10(%arg0: i32, %arg1: i32) -> (i32, i32) {
    %c0_i32 = arith.constant 0 : i32
    %c0_i32_0 = arith.constant 0 : i32
    %c0_i32_1 = arith.constant 0 : i32
    return %c0_i32, %c0_i32_0 : i32, i32
  }
  func.func @transform_11(%arg0: i32, %arg1: i32) -> (i32, i32) {
    %c0_i32 = arith.constant 0 : i32
    %c0_i32_0 = arith.constant 0 : i32
    %c0_i32_1 = arith.constant 0 : i32
    return %c0_i32, %c0_i32_0 : i32, i32
  }
  func.func @transform_12(%arg0: i32, %arg1: i32) -> (i32, i32) {
    %c0_i32 = arith.constant 0 : i32
    %c0_i32_0 = arith.constant 0 : i32
    %c0_i32_1 = arith.constant 0 : i32
    return %c0_i32, %c0_i32_0 : i32, i32
  }
  func.func @transform_13(%arg0: i32, %arg1: i32) -> (i32, i32) {
    %c0_i32 = arith.constant 0 : i32
    %c0_i32_0 = arith.constant 0 : i32
    %c0_i32_1 = arith.constant 0 : i32
    return %c0_i32, %c0_i32_0 : i32, i32
  }
  func.func @transform_14(%arg0: i32, %arg1: i32) -> (i32, i32) {
    %c0_i32 = arith.constant 0 : i32
    %c0_i32_0 = arith.constant 0 : i32
    %c0_i32_1 = arith.constant 0 : i32
    return %c0_i32, %c0_i32_0 : i32, i32
  }
  func.func @transform_15(%arg0: i32, %arg1: i32) -> (i32, i32) {
    %c0_i32 = arith.constant 0 : i32
    %c0_i32_0 = arith.constant 0 : i32
    %c0_i32_1 = arith.constant 0 : i32
    return %c0_i32, %c0_i32_0 : i32, i32
  }
  func.func @transform_16(%arg0: i32, %arg1: i32) -> (i32, i32) {
    %mul3A = arith.muli %arg0, %arg1 : i32
    %c0_i32 = arith.constant 0 : i32
    %c0_i32_0 = arith.constant 0 : i32
    return %mul3A, %c0_i32 : i32, i32
  }
  func.func @transform_17(%arg0: i32, %arg1: i32) -> (i32, i32) {
    %mul3A = arith.muli %arg0, %arg1 : i32
    %c0_i32 = arith.constant 0 : i32
    %c0_i32_0 = arith.constant 0 : i32
    return %mul3A, %c0_i32 : i32, i32
  }
  func.func @transform_18(%arg0: i32, %arg1: i32) -> (i32, i32) {
    %mul3A = arith.muli %arg0, %arg1 : i32
    %c0_i32 = arith.constant 0 : i32
    %c0_i32_0 = arith.constant 0 : i32
    return %mul3A, %c0_i32 : i32, i32
  }
}

module attributes {stable_mosaic.version = 14 : i64} {
  func.func @body(%arg0: i32, %arg1: i32, %arg2: memref<1000x128xf32, #tpu.memory_space<vmem>>, %arg3: memref<2x1000x128xf32, #tpu.memory_space<vmem>>, %arg4: memref<1000x128xf32, #tpu.memory_space<vmem>>, %arg5: memref<1000x128xf32, #tpu.memory_space<vmem>>, %arg6: memref<128x128xf32, #tpu.memory_space<vmem>>, %arg7: memref<1x128xf32, #tpu.memory_space<vmem>>, %arg8: memref<128x128xf32, #tpu.memory_space<vmem>>, %arg9: memref<1x128xf32, #tpu.memory_space<vmem>>, %arg10: memref<128x384xf32, #tpu.memory_space<vmem>>, %arg11: memref<128x384xf32, #tpu.memory_space<vmem>>, %arg12: memref<1x384xf32, #tpu.memory_space<vmem>>, %arg13: memref<1x384xf32, #tpu.memory_space<vmem>>, %arg14: memref<1x128xf32, #tpu.memory_space<vmem>>, %arg15: memref<1x128xf32, #tpu.memory_space<vmem>>, %arg16: memref<1x128xf32, #tpu.memory_space<vmem>>, %arg17: memref<1x128xf32, #tpu.memory_space<vmem>>, %arg18: memref<1000x128xf32, #tpu.memory_space<vmem>>, %arg19: memref<1000x128xf32, #tpu.memory_space<vmem>>, %arg20: memref<1000x128xf32, #tpu.memory_space<vmem>>, %arg21: memref<10000x128xf32, #tpu.memory_space<vmem>>, %arg22: memref<8x128xf32, #tpu.memory_space<vmem>>) attributes {dimension_semantics = [#tpu.dimension_semantics<arbitrary>, #tpu.dimension_semantics<arbitrary>], iteration_bounds = array<i64: 2, 10>, scalar_prefetch = 0 : i64, scratch_operands = 2 : i64, tpu.core_type = #tpu.core_type<tc>, window_params = [{transform_indices = @transform_0, window_bounds = array<i64: 1000, 128>}, {transform_indices = @transform_1, window_bounds = array<i64: 2, 1000, 128>}, {transform_indices = @transform_2, window_bounds = array<i64: 1000, 128>}, {transform_indices = @transform_3, window_bounds = array<i64: 1000, 128>}, {pipeline_mode = #tpu.pipeline_mode<synchronous>, transform_indices = @transform_4, window_bounds = array<i64: 128, 128>}, {pipeline_mode = #tpu.pipeline_mode<synchronous>, transform_indices = @transform_5, window_bounds = array<i64: 1, 128>}, {pipeline_mode = #tpu.pipeline_mode<synchronous>, transform_indices = @transform_6, window_bounds = array<i64: 128, 128>}, {pipeline_mode = #tpu.pipeline_mode<synchronous>, transform_indices = @transform_7, window_bounds = array<i64: 1, 128>}, {pipeline_mode = #tpu.pipeline_mode<synchronous>, transform_indices = @transform_8, window_bounds = array<i64: 128, 384>}, {pipeline_mode = #tpu.pipeline_mode<synchronous>, transform_indices = @transform_9, window_bounds = array<i64: 128, 384>}, {pipeline_mode = #tpu.pipeline_mode<synchronous>, transform_indices = @transform_10, window_bounds = array<i64: 1, 384>}, {pipeline_mode = #tpu.pipeline_mode<synchronous>, transform_indices = @transform_11, window_bounds = array<i64: 1, 384>}, {pipeline_mode = #tpu.pipeline_mode<synchronous>, transform_indices = @transform_12, window_bounds = array<i64: 1, 128>}, {pipeline_mode = #tpu.pipeline_mode<synchronous>, transform_indices = @transform_13, window_bounds = array<i64: 1, 128>}, {pipeline_mode = #tpu.pipeline_mode<synchronous>, transform_indices = @transform_14, window_bounds = array<i64: 1, 128>}, {pipeline_mode = #tpu.pipeline_mode<synchronous>, transform_indices = @transform_15, window_bounds = array<i64: 1, 128>}, {transform_indices = @transform_16, window_bounds = array<i64: 1000, 128>}, {transform_indices = @transform_17, window_bounds = array<i64: 1000, 128>}, {transform_indices = @transform_18, window_bounds = array<i64: 1000, 128>}]} {
    %eq3A = arith.constant 0 : i32
    %eq3A_0 = arith.cmpi eq, %arg0, %eq3A : i32
    %convert_element_type3A = arith.extui %eq3A_0 : i1 to i32
    %cond3A = arith.constant 0 : i32
    %cond3A_1 = arith.cmpi ne, %convert_element_type3A, %cond3A : i32
    scf.if %cond3A_1 {
      %get3A = arith.constant 0 : index
      %get3A_7 = arith.constant 0 : index
      %get3A_8 = vector.load %arg2[%get3A, %get3A_7] : memref<1000x128xf32, #tpu.memory_space<vmem>>, vector<1000x128xf32>
      %get3A_9 = arith.constant 0 : index
      %get3A_10 = arith.constant 0 : index
      %get3A_11 = arith.constant 0 : index
      %get3A_12 = vector.load %arg3[%get3A_9, %get3A_10, %get3A_11] : memref<2x1000x128xf32, #tpu.memory_space<vmem>>, vector<1x1000x128xf32>
      %get3A_13 = vector.shape_cast %get3A_12 : vector<1x1000x128xf32> to vector<1000x128xf32>
      %add3A = arith.addf %get3A_8, %get3A_13 : vector<1000x128xf32>
      %get3A_14 = arith.constant 1 : index
      %get3A_15 = arith.constant 0 : index
      %get3A_16 = arith.constant 0 : index
      %get3A_17 = vector.load %arg3[%get3A_14, %get3A_15, %get3A_16] : memref<2x1000x128xf32, #tpu.memory_space<vmem>>, vector<1x1000x128xf32>
      %get3A_18 = vector.shape_cast %get3A_17 : vector<1x1000x128xf32> to vector<1000x128xf32>
      %add3A_19 = arith.addf %add3A, %get3A_18 : vector<1000x128xf32>
      %get3A_20 = arith.constant 0 : index
      %get3A_21 = arith.constant 0 : index
      %get3A_22 = vector.load %arg6[%get3A_20, %get3A_21] : memref<128x128xf32, #tpu.memory_space<vmem>>, vector<128x128xf32>
      %dot_general3A = arith.constant dense<0.000000e+00> : vector<1000x128xf32>
      %dot_general3A_23 = tpu.matmul %add3A_19, %get3A_22, %dot_general3A {dimension_numbers = #tpu.dot_dimension_numbers<[1], [0], [0], [1], [0, 0, 1, 1], [], []>, transpose_lhs_hint = false} : vector<1000x128xf32>, vector<128x128xf32>, vector<1000x128xf32> -> vector<1000x128xf32>
      %get3A_24 = arith.constant 0 : index
      %get3A_25 = arith.constant 0 : index
      %get3A_26 = vector.load %arg7[%get3A_24, %get3A_25] : memref<1x128xf32, #tpu.memory_space<vmem>>, vector<1x128xf32>
      %add3A_27 = vector.broadcast %get3A_26 : vector<1x128xf32> to vector<1000x128xf32>
      %add3A_28 = arith.addf %dot_general3A_23, %add3A_27 : vector<1000x128xf32>
      %max3A = arith.constant 0.000000e+00 : f32
      %max3A_29 = vector.broadcast %max3A : f32 to vector<1000x128xf32>
      %max3A_30 = arith.maximumf %add3A_28, %max3A_29 : vector<1000x128xf32>
      %get3A_31 = arith.constant 0 : index
      %get3A_32 = arith.constant 0 : index
      %get3A_33 = vector.load %arg8[%get3A_31, %get3A_32] : memref<128x128xf32, #tpu.memory_space<vmem>>, vector<128x128xf32>
      %dot_general3A_34 = arith.constant dense<0.000000e+00> : vector<1000x128xf32>
      %dot_general3A_35 = tpu.matmul %max3A_30, %get3A_33, %dot_general3A_34 {dimension_numbers = #tpu.dot_dimension_numbers<[1], [0], [0], [1], [0, 0, 1, 1], [], []>, transpose_lhs_hint = false} : vector<1000x128xf32>, vector<128x128xf32>, vector<1000x128xf32> -> vector<1000x128xf32>
      %get3A_36 = arith.constant 0 : index
      %get3A_37 = arith.constant 0 : index
      %get3A_38 = vector.load %arg9[%get3A_36, %get3A_37] : memref<1x128xf32, #tpu.memory_space<vmem>>, vector<1x128xf32>
      %add3A_39 = vector.broadcast %get3A_38 : vector<1x128xf32> to vector<1000x128xf32>
      %add3A_40 = arith.addf %dot_general3A_35, %add3A_39 : vector<1000x128xf32>
      %max3A_41 = arith.constant 0.000000e+00 : f32
      %max3A_42 = vector.broadcast %max3A_41 : f32 to vector<1000x128xf32>
      %max3A_43 = arith.maximumf %add3A_40, %max3A_42 : vector<1000x128xf32>
      %mul3A = arith.constant 1000 : i32
      %mul3A_44 = arith.muli %arg1, %mul3A : i32
      %swap3A = arith.index_cast %mul3A_44 : i32 to index
      %swap3A_45 = arith.constant 0 : index
      %swap3A_46 = vector.load %arg21[%swap3A, %swap3A_45] : memref<10000x128xf32, #tpu.memory_space<vmem>>, vector<1000x128xf32>
      tpu.vector_store %arg21[%swap3A, %swap3A_45], %max3A_43 {strides = array<i32>} : memref<10000x128xf32, #tpu.memory_space<vmem>>, vector<1000x128xf32>,
      %eq3A_47 = arith.constant 0 : i32
      %eq3A_48 = arith.cmpi eq, %arg1, %eq3A_47 : i32
      %convert_element_type3A_49 = arith.extui %eq3A_48 : i1 to i32
      %cond3A_50 = arith.constant 0 : i32
      %cond3A_51 = arith.cmpi ne, %convert_element_type3A_49, %cond3A_50 : i32
      scf.if %cond3A_51 {
        %broadcast_in_dim3A_71 = arith.constant 0.000000e+00 : f32
        %broadcast_in_dim3A_72 = vector.broadcast %broadcast_in_dim3A_71 : f32 to vector<8x128xf32>
        %swap3A_73 = arith.constant 0 : index
        %swap3A_74 = arith.constant 0 : index
        %swap3A_75 = vector.load %arg22[%swap3A_73, %swap3A_74] : memref<8x128xf32, #tpu.memory_space<vmem>>, vector<8x128xf32>
        tpu.vector_store %arg22[%swap3A_73, %swap3A_74], %broadcast_in_dim3A_72 {strides = array<i32>} : memref<8x128xf32, #tpu.memory_space<vmem>>, vector<8x128xf32>,
      } else {
      }
      %get3A_52 = arith.constant 0 : index
      %get3A_53 = arith.constant 0 : index
      %get3A_54 = vector.load %arg22[%get3A_52, %get3A_53] : memref<8x128xf32, #tpu.memory_space<vmem>>, vector<1x128xf32>
      %reduce_sum3A = arith.constant dense<0.000000e+00> : vector<128xf32>
      %reduce_sum3A_55 = vector.multi_reduction <add>, %max3A_43, %reduce_sum3A [0] : vector<1000x128xf32> to vector<128xf32>
      %broadcast_in_dim3A = vector.shape_cast %reduce_sum3A_55 : vector<128xf32> to vector<1x128xf32>
      %add3A_56 = arith.addf %get3A_54, %broadcast_in_dim3A : vector<1x128xf32>
      %swap3A_57 = arith.constant 0 : index
      %swap3A_58 = arith.constant 0 : index
      %swap3A_59 = vector.load %arg22[%swap3A_57, %swap3A_58] : memref<8x128xf32, #tpu.memory_space<vmem>>, vector<1x128xf32>
      tpu.vector_store %arg22[%swap3A_57, %swap3A_58], %add3A_56 {strides = array<i32>} : memref<8x128xf32, #tpu.memory_space<vmem>>, vector<1x128xf32>,
      %get3A_60 = arith.constant 1 : index
      %get3A_61 = arith.constant 0 : index
      %get3A_62 = vector.load %arg22[%get3A_60, %get3A_61] : memref<8x128xf32, #tpu.memory_space<vmem>>, vector<1x128xf32>
      %mul3A_63 = arith.mulf %max3A_43, %max3A_43 : vector<1000x128xf32>
      %reduce_sum3A_64 = arith.constant dense<0.000000e+00> : vector<128xf32>
      %reduce_sum3A_65 = vector.multi_reduction <add>, %mul3A_63, %reduce_sum3A_64 [0] : vector<1000x128xf32> to vector<128xf32>
      %broadcast_in_dim3A_66 = vector.shape_cast %reduce_sum3A_65 : vector<128xf32> to vector<1x128xf32>
      %add3A_67 = arith.addf %get3A_62, %broadcast_in_dim3A_66 : vector<1x128xf32>
      %swap3A_68 = arith.constant 1 : index
      %swap3A_69 = arith.constant 0 : index
      %swap3A_70 = vector.load %arg22[%swap3A_68, %swap3A_69] : memref<8x128xf32, #tpu.memory_space<vmem>>, vector<1x128xf32>
      tpu.vector_store %arg22[%swap3A_68, %swap3A_69], %add3A_67 {strides = array<i32>} : memref<8x128xf32, #tpu.memory_space<vmem>>, vector<1x128xf32>,
    } else {
    }
    %eq3A_2 = arith.constant 1 : i32
    %eq3A_3 = arith.cmpi eq, %arg0, %eq3A_2 : i32
    %convert_element_type3A_4 = arith.extui %eq3A_3 : i1 to i32
    %cond3A_5 = arith.constant 0 : i32
    %cond3A_6 = arith.cmpi ne, %convert_element_type3A_4, %cond3A_5 : i32
    scf.if %cond3A_6 {
      %get3A = arith.constant 0 : index
      %get3A_7 = arith.constant 0 : index
      %get3A_8 = vector.load %arg22[%get3A, %get3A_7] : memref<8x128xf32, #tpu.memory_space<vmem>>, vector<1x128xf32>
      %mul3A = arith.constant 9.99999974E-5 : f32
      %mul3A_9 = vector.broadcast %mul3A : f32 to vector<1x128xf32>
      %mul3A_10 = arith.mulf %get3A_8, %mul3A_9 : vector<1x128xf32>
      %get3A_11 = arith.constant 1 : index
      %get3A_12 = arith.constant 0 : index
      %get3A_13 = vector.load %arg22[%get3A_11, %get3A_12] : memref<8x128xf32, #tpu.memory_space<vmem>>, vector<1x128xf32>
      %mul3A_14 = arith.constant 9.99999974E-5 : f32
      %mul3A_15 = vector.broadcast %mul3A_14 : f32 to vector<1x128xf32>
      %mul3A_16 = arith.mulf %get3A_13, %mul3A_15 : vector<1x128xf32>
      %mul3A_17 = arith.mulf %mul3A_10, %mul3A_10 : vector<1x128xf32>
      %sub3A = arith.subf %mul3A_16, %mul3A_17 : vector<1x128xf32>
      %mul3A_18 = arith.constant 1000 : i32
      %mul3A_19 = arith.muli %arg1, %mul3A_18 : i32
      %get3A_20 = arith.index_cast %mul3A_19 : i32 to index
      %get3A_21 = arith.constant 0 : index
      %get3A_22 = vector.load %arg21[%get3A_20, %get3A_21] : memref<10000x128xf32, #tpu.memory_space<vmem>>, vector<1000x128xf32>
      %sub3A_23 = vector.broadcast %mul3A_10 : vector<1x128xf32> to vector<1000x128xf32>
      %sub3A_24 = arith.subf %get3A_22, %sub3A_23 : vector<1000x128xf32>
      %add3A = arith.constant 9.99999974E-6 : f32
      %add3A_25 = vector.broadcast %add3A : f32 to vector<1x128xf32>
      %add3A_26 = arith.addf %sub3A, %add3A_25 : vector<1x128xf32>
      %rsqrt3A = math.rsqrt %add3A_26 : vector<1x128xf32>
      %mul3A_27 = vector.broadcast %rsqrt3A : vector<1x128xf32> to vector<1000x128xf32>
      %mul3A_28 = arith.mulf %sub3A_24, %mul3A_27 : vector<1000x128xf32>
      %get3A_29 = arith.constant 0 : index
      %get3A_30 = arith.constant 0 : index
      %get3A_31 = vector.load %arg14[%get3A_29, %get3A_30] : memref<1x128xf32, #tpu.memory_space<vmem>>, vector<1x128xf32>
      %mul3A_32 = vector.broadcast %get3A_31 : vector<1x128xf32> to vector<1000x128xf32>
      %mul3A_33 = arith.mulf %mul3A_28, %mul3A_32 : vector<1000x128xf32>
      %get3A_34 = arith.constant 0 : index
      %get3A_35 = arith.constant 0 : index
      %get3A_36 = vector.load %arg15[%get3A_34, %get3A_35] : memref<1x128xf32, #tpu.memory_space<vmem>>, vector<1x128xf32>
      %add3A_37 = vector.broadcast %get3A_36 : vector<1x128xf32> to vector<1000x128xf32>
      %add3A_38 = arith.addf %mul3A_33, %add3A_37 : vector<1000x128xf32>
      %get3A_39 = arith.constant 0 : index
      %get3A_40 = arith.constant 0 : index
      %get3A_41 = vector.load %arg2[%get3A_39, %get3A_40] : memref<1000x128xf32, #tpu.memory_space<vmem>>, vector<1000x128xf32>
      %get3A_42 = arith.constant 0 : index
      %get3A_43 = arith.constant 0 : index
      %get3A_44 = vector.load %arg10[%get3A_42, %get3A_43] : memref<128x384xf32, #tpu.memory_space<vmem>>, vector<128x384xf32>
      %dot_general3A = arith.constant dense<0.000000e+00> : vector<1000x384xf32>
      %dot_general3A_45 = tpu.matmul %add3A_38, %get3A_44, %dot_general3A {dimension_numbers = #tpu.dot_dimension_numbers<[1], [0], [0], [1], [0, 0, 1, 1], [], []>, transpose_lhs_hint = false} : vector<1000x128xf32>, vector<128x384xf32>, vector<1000x384xf32> -> vector<1000x384xf32>
      %get3A_46 = arith.constant 0 : index
      %get3A_47 = arith.constant 0 : index
      %get3A_48 = vector.load %arg12[%get3A_46, %get3A_47] : memref<1x384xf32, #tpu.memory_space<vmem>>, vector<1x384xf32>
      %add3A_49 = vector.broadcast %get3A_48 : vector<1x384xf32> to vector<1000x384xf32>
      %add3A_50 = arith.addf %dot_general3A_45, %add3A_49 : vector<1000x384xf32>
      %get3A_51 = arith.constant 0 : index
      %get3A_52 = arith.constant 0 : index
      %get3A_53 = vector.load %arg11[%get3A_51, %get3A_52] : memref<128x384xf32, #tpu.memory_space<vmem>>, vector<128x384xf32>
      %dot_general3A_54 = arith.constant dense<0.000000e+00> : vector<1000x384xf32>
      %dot_general3A_55 = tpu.matmul %get3A_41, %get3A_53, %dot_general3A_54 {dimension_numbers = #tpu.dot_dimension_numbers<[1], [0], [0], [1], [0, 0, 1, 1], [], []>, transpose_lhs_hint = false} : vector<1000x128xf32>, vector<128x384xf32>, vector<1000x384xf32> -> vector<1000x384xf32>
      %get3A_56 = arith.constant 0 : index
      %get3A_57 = arith.constant 0 : index
      %get3A_58 = vector.load %arg13[%get3A_56, %get3A_57] : memref<1x384xf32, #tpu.memory_space<vmem>>, vector<1x384xf32>
      %add3A_59 = vector.broadcast %get3A_58 : vector<1x384xf32> to vector<1000x384xf32>
      %add3A_60 = arith.addf %dot_general3A_55, %add3A_59 : vector<1000x384xf32>
      %slice3A = vector.extract_strided_slice %add3A_50 {offsets = [0, 0], sizes = [1000, 128], strides = [1, 1]} : vector<1000x384xf32> to vector<1000x128xf32>
      %slice3A_61 = vector.extract_strided_slice %add3A_60 {offsets = [0, 0], sizes = [1000, 128], strides = [1, 1]} : vector<1000x384xf32> to vector<1000x128xf32>
      %add3A_62 = arith.addf %slice3A, %slice3A_61 : vector<1000x128xf32>
      %logistic3A = arith.negf %add3A_62 : vector<1000x128xf32>
      %logistic3A_63 = math.exp %logistic3A : vector<1000x128xf32>
      %logistic3A_64 = arith.constant 1.000000e+00 : f32
      %logistic3A_65 = vector.broadcast %logistic3A_64 : f32 to vector<1000x128xf32>
      %logistic3A_66 = arith.addf %logistic3A_65, %logistic3A_63 : vector<1000x128xf32>
      %logistic3A_67 = arith.divf %logistic3A_65, %logistic3A_66 : vector<1000x128xf32>
      %slice3A_68 = vector.extract_strided_slice %add3A_50 {offsets = [0, 128], sizes = [1000, 128], strides = [1, 1]} : vector<1000x384xf32> to vector<1000x128xf32>
      %slice3A_69 = vector.extract_strided_slice %add3A_60 {offsets = [0, 128], sizes = [1000, 128], strides = [1, 1]} : vector<1000x384xf32> to vector<1000x128xf32>
      %add3A_70 = arith.addf %slice3A_68, %slice3A_69 : vector<1000x128xf32>
      %logistic3A_71 = arith.negf %add3A_70 : vector<1000x128xf32>
      %logistic3A_72 = math.exp %logistic3A_71 : vector<1000x128xf32>
      %logistic3A_73 = arith.constant 1.000000e+00 : f32
      %logistic3A_74 = vector.broadcast %logistic3A_73 : f32 to vector<1000x128xf32>
      %logistic3A_75 = arith.addf %logistic3A_74, %logistic3A_72 : vector<1000x128xf32>
      %logistic3A_76 = arith.divf %logistic3A_74, %logistic3A_75 : vector<1000x128xf32>
      %slice3A_77 = vector.extract_strided_slice %add3A_50 {offsets = [0, 256], sizes = [1000, 128], strides = [1, 1]} : vector<1000x384xf32> to vector<1000x128xf32>
      %slice3A_78 = vector.extract_strided_slice %add3A_60 {offsets = [0, 256], sizes = [1000, 128], strides = [1, 1]} : vector<1000x384xf32> to vector<1000x128xf32>
      %mul3A_79 = arith.mulf %logistic3A_67, %slice3A_78 : vector<1000x128xf32>
      %add3A_80 = arith.addf %slice3A_77, %mul3A_79 : vector<1000x128xf32>
      %tanh3A = math.tanh %add3A_80 : vector<1000x128xf32>
      %sub3A_81 = arith.constant 1.000000e+00 : f32
      %sub3A_82 = vector.broadcast %sub3A_81 : f32 to vector<1000x128xf32>
      %sub3A_83 = arith.subf %sub3A_82, %logistic3A_76 : vector<1000x128xf32>
      %mul3A_84 = arith.mulf %sub3A_83, %tanh3A : vector<1000x128xf32>
      %mul3A_85 = arith.mulf %logistic3A_76, %get3A_41 : vector<1000x128xf32>
      %add3A_86 = arith.addf %mul3A_84, %mul3A_85 : vector<1000x128xf32>
      %reduce_sum3A = arith.constant dense<0.000000e+00> : vector<1000xf32>
      %reduce_sum3A_87 = vector.multi_reduction <add>, %add3A_86, %reduce_sum3A [1] : vector<1000x128xf32> to vector<1000xf32>
      %broadcast_in_dim3A = vector.shape_cast %reduce_sum3A_87 : vector<1000xf32> to vector<1000x1xf32>
      %div3A = arith.constant 1.280000e+02 : f32
      %div3A_88 = vector.broadcast %div3A : f32 to vector<1000x1xf32>
      %div3A_89 = arith.divf %broadcast_in_dim3A, %div3A_88 : vector<1000x1xf32>
      %sub3A_90 = vector.broadcast %div3A_89 : vector<1000x1xf32> to vector<1000x128xf32>
      %sub3A_91 = arith.subf %add3A_86, %sub3A_90 : vector<1000x128xf32>
      %sub3A_92 = vector.broadcast %div3A_89 : vector<1000x1xf32> to vector<1000x128xf32>
      %sub3A_93 = arith.subf %add3A_86, %sub3A_92 : vector<1000x128xf32>
      %mul3A_94 = arith.mulf %sub3A_91, %sub3A_93 : vector<1000x128xf32>
      %reduce_sum3A_95 = arith.constant dense<0.000000e+00> : vector<1000xf32>
      %reduce_sum3A_96 = vector.multi_reduction <add>, %mul3A_94, %reduce_sum3A_95 [1] : vector<1000x128xf32> to vector<1000xf32>
      %broadcast_in_dim3A_97 = vector.shape_cast %reduce_sum3A_96 : vector<1000xf32> to vector<1000x1xf32>
      %div3A_98 = arith.constant 1.280000e+02 : f32
      %div3A_99 = vector.broadcast %div3A_98 : f32 to vector<1000x1xf32>
      %div3A_100 = arith.divf %broadcast_in_dim3A_97, %div3A_99 : vector<1000x1xf32>
      %sub3A_101 = vector.broadcast %div3A_89 : vector<1000x1xf32> to vector<1000x128xf32>
      %sub3A_102 = arith.subf %add3A_86, %sub3A_101 : vector<1000x128xf32>
      %add3A_103 = arith.constant 9.99999974E-6 : f32
      %add3A_104 = vector.broadcast %add3A_103 : f32 to vector<1000x1xf32>
      %add3A_105 = arith.addf %div3A_100, %add3A_104 : vector<1000x1xf32>
      %rsqrt3A_106 = math.rsqrt %add3A_105 : vector<1000x1xf32>
      %mul3A_107 = vector.broadcast %rsqrt3A_106 : vector<1000x1xf32> to vector<1000x128xf32>
      %mul3A_108 = arith.mulf %sub3A_102, %mul3A_107 : vector<1000x128xf32>
      %get3A_109 = arith.constant 0 : index
      %get3A_110 = arith.constant 0 : index
      %get3A_111 = vector.load %arg16[%get3A_109, %get3A_110] : memref<1x128xf32, #tpu.memory_space<vmem>>, vector<1x128xf32>
      %mul3A_112 = vector.broadcast %get3A_111 : vector<1x128xf32> to vector<1000x128xf32>
      %mul3A_113 = arith.mulf %mul3A_108, %mul3A_112 : vector<1000x128xf32>
      %get3A_114 = arith.constant 0 : index
      %get3A_115 = arith.constant 0 : index
      %get3A_116 = vector.load %arg17[%get3A_114, %get3A_115] : memref<1x128xf32, #tpu.memory_space<vmem>>, vector<1x128xf32>
      %add3A_117 = vector.broadcast %get3A_116 : vector<1x128xf32> to vector<1000x128xf32>
      %add3A_118 = arith.addf %mul3A_113, %add3A_117 : vector<1000x128xf32>
      %swap3A = arith.constant 0 : index
      %swap3A_119 = arith.constant 0 : index
      %swap3A_120 = vector.load %arg18[%swap3A, %swap3A_119] : memref<1000x128xf32, #tpu.memory_space<vmem>>, vector<1000x128xf32>
      tpu.vector_store %arg18[%swap3A, %swap3A_119], %add3A_118 {strides = array<i32>} : memref<1000x128xf32, #tpu.memory_space<vmem>>, vector<1000x128xf32>,
      %get3A_121 = arith.constant 0 : index
      %get3A_122 = arith.constant 0 : index
      %get3A_123 = vector.load %arg4[%get3A_121, %get3A_122] : memref<1000x128xf32, #tpu.memory_space<vmem>>, vector<1000x128xf32>
      %mul3A_124 = arith.mulf %get3A_123, %add3A_118 : vector<1000x128xf32>
      %swap3A_125 = arith.constant 0 : index
      %swap3A_126 = arith.constant 0 : index
      %swap3A_127 = vector.load %arg19[%swap3A_125, %swap3A_126] : memref<1000x128xf32, #tpu.memory_space<vmem>>, vector<1000x128xf32>
      tpu.vector_store %arg19[%swap3A_125, %swap3A_126], %mul3A_124 {strides = array<i32>} : memref<1000x128xf32, #tpu.memory_space<vmem>>, vector<1000x128xf32>,
      %get3A_128 = arith.constant 0 : index
      %get3A_129 = arith.constant 0 : index
      %get3A_130 = vector.load %arg5[%get3A_128, %get3A_129] : memref<1000x128xf32, #tpu.memory_space<vmem>>, vector<1000x128xf32>
      %add3A_131 = arith.addf %get3A_130, %add3A_118 : vector<1000x128xf32>
      %swap3A_132 = arith.constant 0 : index
      %swap3A_133 = arith.constant 0 : index
      %swap3A_134 = vector.load %arg20[%swap3A_132, %swap3A_133] : memref<1000x128xf32, #tpu.memory_space<vmem>>, vector<1000x128xf32>
      tpu.vector_store %arg20[%swap3A_132, %swap3A_133], %add3A_131 {strides = array<i32>} : memref<1000x128xf32, #tpu.memory_space<vmem>>, vector<1000x128xf32>,
    } else {
    }
    return
  }
  func.func @transform_0(%arg0: i32, %arg1: i32) -> (i32, i32) {
    %c0_i32 = arith.constant 0 : i32
    %c0_i32_0 = arith.constant 0 : i32
    return %arg1, %c0_i32 : i32, i32
  }
  func.func @transform_1(%arg0: i32, %arg1: i32) -> (i32, i32, i32) {
    %sub3A = arith.constant 1 : i32
    %sub3A_0 = arith.subi %sub3A, %arg0 : i32
    %mul3A = arith.muli %sub3A_0, %arg1 : i32
    %c0_i32 = arith.constant 0 : i32
    %c0_i32_1 = arith.constant 0 : i32
    %c0_i32_2 = arith.constant 0 : i32
    return %c0_i32, %mul3A, %c0_i32_1 : i32, i32, i32
  }
  func.func @transform_2(%arg0: i32, %arg1: i32) -> (i32, i32) {
    %c0_i32 = arith.constant 0 : i32
    %c0_i32_0 = arith.constant 0 : i32
    return %arg1, %c0_i32 : i32, i32
  }
  func.func @transform_3(%arg0: i32, %arg1: i32) -> (i32, i32) {
    %c0_i32 = arith.constant 0 : i32
    %c0_i32_0 = arith.constant 0 : i32
    return %arg1, %c0_i32 : i32, i32
  }
  func.func @transform_4(%arg0: i32, %arg1: i32) -> (i32, i32) {
    %c0_i32 = arith.constant 0 : i32
    %c0_i32_0 = arith.constant 0 : i32
    %c0_i32_1 = arith.constant 0 : i32
    return %c0_i32, %c0_i32_0 : i32, i32
  }
  func.func @transform_5(%arg0: i32, %arg1: i32) -> (i32, i32) {
    %c0_i32 = arith.constant 0 : i32
    %c0_i32_0 = arith.constant 0 : i32
    %c0_i32_1 = arith.constant 0 : i32
    return %c0_i32, %c0_i32_0 : i32, i32
  }
  func.func @transform_6(%arg0: i32, %arg1: i32) -> (i32, i32) {
    %c0_i32 = arith.constant 0 : i32
    %c0_i32_0 = arith.constant 0 : i32
    %c0_i32_1 = arith.constant 0 : i32
    return %c0_i32, %c0_i32_0 : i32, i32
  }
  func.func @transform_7(%arg0: i32, %arg1: i32) -> (i32, i32) {
    %c0_i32 = arith.constant 0 : i32
    %c0_i32_0 = arith.constant 0 : i32
    %c0_i32_1 = arith.constant 0 : i32
    return %c0_i32, %c0_i32_0 : i32, i32
  }
  func.func @transform_8(%arg0: i32, %arg1: i32) -> (i32, i32) {
    %c0_i32 = arith.constant 0 : i32
    %c0_i32_0 = arith.constant 0 : i32
    %c0_i32_1 = arith.constant 0 : i32
    return %c0_i32, %c0_i32_0 : i32, i32
  }
  func.func @transform_9(%arg0: i32, %arg1: i32) -> (i32, i32) {
    %c0_i32 = arith.constant 0 : i32
    %c0_i32_0 = arith.constant 0 : i32
    %c0_i32_1 = arith.constant 0 : i32
    return %c0_i32, %c0_i32_0 : i32, i32
  }
  func.func @transform_10(%arg0: i32, %arg1: i32) -> (i32, i32) {
    %c0_i32 = arith.constant 0 : i32
    %c0_i32_0 = arith.constant 0 : i32
    %c0_i32_1 = arith.constant 0 : i32
    return %c0_i32, %c0_i32_0 : i32, i32
  }
  func.func @transform_11(%arg0: i32, %arg1: i32) -> (i32, i32) {
    %c0_i32 = arith.constant 0 : i32
    %c0_i32_0 = arith.constant 0 : i32
    %c0_i32_1 = arith.constant 0 : i32
    return %c0_i32, %c0_i32_0 : i32, i32
  }
  func.func @transform_12(%arg0: i32, %arg1: i32) -> (i32, i32) {
    %c0_i32 = arith.constant 0 : i32
    %c0_i32_0 = arith.constant 0 : i32
    %c0_i32_1 = arith.constant 0 : i32
    return %c0_i32, %c0_i32_0 : i32, i32
  }
  func.func @transform_13(%arg0: i32, %arg1: i32) -> (i32, i32) {
    %c0_i32 = arith.constant 0 : i32
    %c0_i32_0 = arith.constant 0 : i32
    %c0_i32_1 = arith.constant 0 : i32
    return %c0_i32, %c0_i32_0 : i32, i32
  }
  func.func @transform_14(%arg0: i32, %arg1: i32) -> (i32, i32) {
    %c0_i32 = arith.constant 0 : i32
    %c0_i32_0 = arith.constant 0 : i32
    %c0_i32_1 = arith.constant 0 : i32
    return %c0_i32, %c0_i32_0 : i32, i32
  }
  func.func @transform_15(%arg0: i32, %arg1: i32) -> (i32, i32) {
    %c0_i32 = arith.constant 0 : i32
    %c0_i32_0 = arith.constant 0 : i32
    %c0_i32_1 = arith.constant 0 : i32
    return %c0_i32, %c0_i32_0 : i32, i32
  }
  func.func @transform_16(%arg0: i32, %arg1: i32) -> (i32, i32) {
    %mul3A = arith.muli %arg0, %arg1 : i32
    %c0_i32 = arith.constant 0 : i32
    %c0_i32_0 = arith.constant 0 : i32
    return %mul3A, %c0_i32 : i32, i32
  }
  func.func @transform_17(%arg0: i32, %arg1: i32) -> (i32, i32) {
    %mul3A = arith.muli %arg0, %arg1 : i32
    %c0_i32 = arith.constant 0 : i32
    %c0_i32_0 = arith.constant 0 : i32
    return %mul3A, %c0_i32 : i32, i32
  }
  func.func @transform_18(%arg0: i32, %arg1: i32) -> (i32, i32) {
    %mul3A = arith.muli %arg0, %arg1 : i32
    %c0_i32 = arith.constant 0 : i32
    %c0_i32_0 = arith.constant 0 : i32
    return %mul3A, %c0_i32 : i32, i32
  }
}

module attributes {stable_mosaic.version = 14 : i64} {
  func.func @body(%arg0: memref<25x256x640xf32, #tpu.memory_space<vmem>>, %arg1: memref<256x640xf32, #tpu.memory_space<vmem>>) attributes {dimension_semantics = [], scalar_prefetch = 0 : i64, scratch_operands = 0 : i64, tpu.core_type = #tpu.core_type<tc>} {
    %get3A = arith.constant 0 : index
    %get3A_0 = arith.constant 0 : index
    %get3A_1 = arith.constant 0 : index
    %get3A_2 = vector.load %arg0[%get3A, %get3A_0, %get3A_1] : memref<25x256x640xf32, #tpu.memory_space<vmem>>, vector<25x256x640xf32>
    %reduce_max3A = arith.constant dense<0xFF800000> : vector<256x640xf32>
    %reduce_max3A_3 = vector.multi_reduction <maximumf>, %get3A_2, %reduce_max3A [0] : vector<25x256x640xf32> to vector<256x640xf32>
    %swap3A = arith.constant 0 : index
    %swap3A_4 = arith.constant 0 : index
    %swap3A_5 = vector.load %arg1[%swap3A, %swap3A_4] : memref<256x640xf32, #tpu.memory_space<vmem>>, vector<256x640xf32>
    tpu.vector_store %arg1[%swap3A, %swap3A_4], %reduce_max3A_3 {strides = array<i32>} : memref<256x640xf32, #tpu.memory_space<vmem>>, vector<256x640xf32>,
    return
  }
}

</mosaic_0001>

<sc_bundles>
// kernel: kernel.11.cloned.1.call-start
scs
__scs_entry_jumppad:
0x0: {  	(pc) =	sbr.rel $0x88, $3  }
0x1: {  	(tag) =	ssettag $0x0;
	lr =	simm.s32 $0x1  }
0x2: {  	[smem:$0x3F7E] =	sst lr;
	_ =	strace $0xD0000000  }
0x3: {  	_ = 	snop  }
0x4: {  	_ = 	snop  }
0x5: {  	_ = 	snop  }
0x6: {  	_ = 	snop  }
0x7: {  	_ = 	snop  }
__scs_overlays_trampoline_lowered:
0x8: {  	[smem:$0x3F8D] =	sst s0  }
0x9: {  	[smem:$0x3F8E] =	sst s1  }
0xa: {  	[smem:$0x3F8F] =	sst s2  }
0xb: {  	[smem:$0x3F90] =	sst s3  }
0xc: {  	[smem:$0x3F91] =	sst s4  }
0xd: {  	[smem:$0x3F92] =	sst s5  }
0xe: {  	[smem:$0x3F93] =	sst s6  }
0xf: {  	[smem:$0x3F94] =	sst s7  }
0x10: {  	[smem:$0x3F95] =	sst s8  }
0x11: {  	[smem:$0x3F96] =	sst s9;
	s0 =	simm.s32 @!p0 $0x0  }
0x12: {  	s1 =	sld [smem:$0x3F7C];
	s0 =	simm.s32 @p0 $0x1  }
0x13: {  	[smem:$0x3F97] =	sst s0;
	s0 =	simm.s32 @!p1 $0x0  }
0x14: {  	s2 =	sld [smem:$0x3F7B];
	s0 =	simm.s32 @p1 $0x1  }
0x15: {  	[smem:$0x3F98] =	sst s0;
	s0 =	simm.s32 @!p2 $0x0  }
0x16: {  	s3 =	sld [smem:$0x3FDB];
	s0 =	simm.s32 @p2 $0x1  }
0x17: {  	s4 =	simm.s32 $0x1BF5;
	[smem:$0x3F9A] =	sst s0  }
0x18: {  	s0 =	sld [smem:$0x3F7D];
	_ =	swait.ge [sflag:s4], $0x0  }
0x19: {  	s7 =	sld [smem:$0x3F7E]  }
0x1a: {  	s8 =	sadd.s32 $0xFFFFE003, lr  }
0x1b: {  	s9 =	sadd.s32 $0xFFFFFEF7, lr;
	s5 =	simm.s32 $0xFFFFFFFF;
	p2 =	slt.u32 s8, $0xFFFFF086  }
0x1c: {  	p1 =	slt.u32 s9, $0xF7A;
	s5 =	simm.s32 @!p2 $0x0  }
0x1d: {  	s5 =	simm.s32 @p1 $0x1;
	p0 =	seq.s32 s7, s2  }
0x1e: {  	s7 =	smul.u32 @!p0 $0xF7A, s2;
	p2 =	seq.s32 @!p0 s5, $0x0  }
0x1f: {  	s9 =	smul.u32 $0xF7A, s1;
	s8 =	simm.s32 @!p0 $0x1BF5;
	p2 =	por !p2, p0  }
0x20: {  	[sflag:s8] =	ssyncset.s32 @!p0 $0xFFFFF086;
	s6 =	sadd.s32 @!p0 s3, s7;
	s7 =	simm.s32 @!p0 $0x108  }
0x21: {  	s3 =	sadd.s32 s3, s9;
	s6 =	sadd.s32 @!p0 $0x88, s6;
	s7 =	simm.s32 @p2 $0x1082  }
0x22: {  	[simem:s7], [sflag:s8] =	dma.local @!p0 [hbm:s6], $0xF7A  }
0x23: {  	s9 =	sor.u32 $0xD0000000, s2;
	s6 =	simm.s32 $0x108;
	_ =	swait.ge @!p0 [sflag:s8], $0x0  }
0x24: {  	s3 =	sadd.s32 $0x88, s3;
	s6 =	simm.s32 @!p1 $0x1082;
	[sflag:s4] =	ssyncset.s32 $0xFFFFF086  }
0x25: {  	[simem:s6], [sflag:s4] =	dma.local [hbm:s3], $0xF7A  }
0x26: {  	[smem:$0x3F7E] =	sst s1;
	(tag) =	ssettag s2;
	_ =	strace s9  }
0x27: {  	s1 =	sld [smem:$0x3F8E]  }
0x28: {  	s2 =	sld [smem:$0x3F8F]  }
0x29: {  	s4 =	sld [smem:$0x3F91]  }
0x2a: {  	p0 =	seq.s32 s5, $0x0;
	s5 =	sld [smem:$0x3F92]  }
0x2b: {  	s6 =	sld [smem:$0x3F93]  }
0x2c: {  	s7 =	sld [smem:$0x3F94]  }
0x2d: {  	s3 =	simm.s32 $0x108;
	s8 =	sld [smem:$0x3F95]  }
0x2e: {  	s3 =	simm.s32 @!p0 $0x1082;
	s9 =	sld [smem:$0x3F96]  }
0x2f: {  	lr =	sadd.s32 s0, s3;
	s0 =	sld [smem:$0x3F8D]  }
0x30: {  	s3 =	sld [smem:$0x3F90]  }
0x31: {  	[smem:$0x3F99] =	sst s10  }
0x32: {  	s10 =	sld [smem:$0x3F97];
	_ =	sdelay $0x3  }
0x33: {  	p0 =	seq.s32 s10, $0x1;
	s10 =	sld [smem:$0x3F99];
	_ =	sdelay $0x3  }
0x34: {  	[smem:$0x3F99] =	sst s10  }
0x35: {  	s10 =	sld [smem:$0x3F98];
	_ =	sdelay $0x3  }
0x36: {  	p1 =	seq.s32 s10, $0x1;
	s10 =	sld [smem:$0x3F99];
	_ =	sdelay $0x3  }
0x37: {  	[smem:$0x3F99] =	sst s10  }
0x38: {  	s10 =	sld [smem:$0x3F9A]  }
0x39: {  	_ = 	snop;
	(pc) =	sbr.ind lr, $3  }
0x3a: {  	_ = 	snop  }
0x3b: {  	_ = 	snop  }
0x3c: {  	p2 =	seq.s32 s10, $0x1;
	s10 =	sld [smem:$0x3F99]  }
0x3d: {  	_ =	shalt  }
0x3e: {  	_ =	shalt  }
0x3f: {  	_ =	shalt  }
0x40: {  	_ =	shalt  }
0x41: {  	_ =	shalt  }
0x42: {  	_ =	shalt  }
0x43: {  	_ =	shalt  }
0x44: {  	_ =	shalt  }
0x45: {  	_ =	shalt  }
0x46: {  	_ =	shalt  }
0x47: {  	_ =	shalt  }
0x48: {  	_ =	shalt  }
0x49: {  	_ =	shalt  }
0x4a: {  	_ =	shalt  }
0x4b: {  	_ =	shalt  }
0x4c: {  	_ =	shalt  }
0x4d: {  	_ =	shalt  }
0x4e: {  	_ =	shalt  }
0x4f: {  	_ =	shalt  }
0x50: {  	_ =	shalt  }
0x51: {  	_ =	shalt  }
0x52: {  	_ =	shalt  }
0x53: {  	_ =	shalt  }
0x54: {  	_ =	shalt  }
0x55: {  	_ =	shalt  }
0x56: {  	_ =	shalt  }
0x57: {  	_ =	shalt  }
0x58: {  	_ =	shalt  }
0x59: {  	_ =	shalt  }
0x5a: {  	_ =	shalt  }
0x5b: {  	_ =	shalt  }
0x5c: {  	_ =	shalt  }
0x5d: {  	_ =	shalt  }
0x5e: {  	_ =	shalt  }
0x5f: {  	_ =	shalt  }
0x60: {  	_ =	shalt  }
0x61: {  	_ =	shalt  }
0x62: {  	_ =	shalt  }
0x63: {  	_ =	shalt  }
0x64: {  	_ =	shalt  }
0x65: {  	_ =	shalt  }
0x66: {  	_ =	shalt  }
0x67: {  	_ =	shalt  }
0x68: {  	_ =	shalt  }
0x69: {  	_ =	shalt  }
0x6a: {  	_ =	shalt  }
0x6b: {  	_ =	shalt  }
0x6c: {  	_ =	shalt  }
0x6d: {  	_ =	shalt  }
0x6e: {  	_ =	shalt  }
0x6f: {  	_ =	shalt  }
0x70: {  	_ =	shalt  }
0x71: {  	_ =	shalt  }
0x72: {  	_ =	shalt  }
0x73: {  	_ =	shalt  }
0x74: {  	_ =	shalt  }
0x75: {  	_ =	shalt  }
0x76: {  	_ =	shalt  }
0x77: {  	_ =	shalt  }
0x78: {  	_ =	shalt  }
0x79: {  	_ =	shalt  }
0x7a: {  	_ =	shalt  }
0x7b: {  	_ =	shalt  }
0x7c: {  	_ =	shalt  }
0x7d: {  	_ =	shalt  }
0x7e: {  	_ =	shalt  }
0x7f: {  	_ =	shalt  }
0x80: {  	_ =	shalt  }
0x81: {  	_ =	shalt  }
0x82: {  	_ =	shalt  }
0x83: {  	_ =	shalt  }
0x84: {  	_ =	shalt  }
0x85: {  	_ =	shalt  }
0x86: {  	_ =	shalt  }
0x87: {  	_ =	shalt  }
.Lfunc_end0:
.L_simem_size_0:
called_computation_lowered:
.L_overlay_start_0:
0x88: {  	s2 =	sld [smem:$0x3FD9]  }
0x89: {  	s3 =	sld [smem:$0x3FFE];
	_ =	sdelay $0x1  }
0x8a: {  	s1 =	srdreg.scid  }
0x8b: {  	s0 =	sand.u32 $0x1, s1  }
0x8c: {  	s17 =	sshll.u32 s0, $0xA;
	s2 =	sadd.s32 s3, s2  }
0x8d: {  	s2 =	sadd.s32 s2, s17  }
0x8e: {  	[smem:$0x3FA5] =	sst s2  }
0x8f: {  	_ = 	snop  }
0x90: {  	s2 =	sld [smem:$0x3FC9]  }
0x91: {  	s18 =	sld [smem:$0x3FD0];
	(tm) =	ssettm $0x1  }
0x92: {  	s4 =	sld [smem:$0x3FFB];
	_ =	sdelay $0x3  }
0x93: {  	_ =	strace s4  }
0x94: {  	s4 =	sld [smem:$0x3FFC];
	_ =	sdelay $0x3  }
0x95: {  	_ =	strace s4  }
0x96: {  	s4 =	sld [smem:$0x3FFD];
	_ =	sdelay $0x3  }
0x97: {  	_ =	strace s4  }
0x98: {  	_ =	strace $0x8FFFFFFF  }
0x99: {  	s19 =	sld [smem:$0x3FDB];
	_ =	sdelay $0x1  }
0x9a: {  	s5 =	simm.s32 $_scs_section_size  }
0x9b: {  	s6 =	simm.s32 $_size__tile_overlayer_lowered;
	s7 =	simm.s32 $_tile_overlayer_lowered  }
0x9c: {  	s22 =	simm.s32 $0x1BFF;
	s21 =	sshll.u32 s7, $0x1;
	s4 =	sadd.s32 s5, s19  }
0x9d: {  	s8 =	simm.s32 $0x0;
	s20 =	sshll.u32 s6, $0x1;
	s6 =	sadd.s32 s21, s4  }
0x9e: {  	[timem:s8], [sflag:s22] =	dma.local [hbm:s6], s20  }
0x9f: {  	_ =	swait.ge [sflag:s22], s20  }
0xa0: {  	s5 =	ssub.s32 $0x0, s20;
	[sflag:s22] =	ssyncset.done $0x0  }
0xa1: {  	[sflag:s22] =	ssyncadd.s32 s5;
	_ =	sdelay $0x1  }
0xa2: {  	s23 =	simm.s32 $0x1B8B  }
0xa3: {  	_ =	swait.ge [sflag:s23], $0x1  }
0xa4: {  	[sflag:s23] =	ssyncset.done $0x0  }
0xa5: {  	s25 =	simm.s32 $0x1B8E;
	s24 =	sld [smem:$0x3FFE];
	[sflag:s23] =	ssyncadd.s32 $0xFFFFFFFF  }
0xa6: {  	s26 =	simm.s32 $execute0_lowered;
	[smem:$0x3FD2] =	sst s25  }
0xa7: {  	s6 =	sshll.u32 s26, $0x1;
	_ =	strace $0x80000046;
	[dreg:$0x1] =	wrdreg $0xFFFFFFFF  }
0xa8: {  	s28 =	simm.s32 $_size_execute0_lowered;
	s4 =	sadd.s32 s4, s6;
	[dreg:$0x0] =	wrdreg $0x0  }
0xa9: {  	s6 =	sshll.u32 s28, $0x1;
	[dreg:$0x2] =	wrdreg s4  }
0xaa: {  	[dreg:$0x3] =	wrdreg s6  }
0xab: {  	[dreg:$0x4] =	wrdreg $0xC0  }
0xac: {  	_ =	task [dreg:s8], $0x5FFFF  }
0xad: {  	[dreg:$0x1] =	wrdreg $0xFFFFFFFF  }
0xae: {  	[dreg:$0x0] =	wrdreg $0x60  }
0xaf: {  	[dreg:$0x2] =	wrdreg s2  }
0xb0: {  	[dreg:$0x3] =	wrdreg s24  }
0xb1: {  	[dreg:$0x4] =	wrdreg s18  }
0xb2: {  	[dreg:$0x5] =	wrdreg $0x0  }
0xb3: {  	[dreg:$0x6] =	wrdreg $0x9  }
0xb4: {  	_ =	task.clear_ibuf [dreg:s8], $0x7FFFF;
	_ =	strace $0x90000046  }
0xb5: {  	s29 =	simm.s32 $0x9;
	_ =	strace $0x80000048  }
0xb6: {  	_ =	swait.ge [sflag:s29], $0x1  }
0xb7: {  	[sflag:s29] =	ssyncadd.s32 $0xFFFFFFFF  }
0xb8: {  	_ =	strace $0x90000048  }
0xb9: {  	_ =	sfence  }
0xba: {  	s30 =	sld [smem:$0x0];
	_ =	sdelay $0x2  }
0xbb: {  	s31 =	sshll.u32 s1, $0xD;
	s1 =	sshrl.u32 s1, $0x2  }
0xbc: {  	s3 =	sand.u32 $0x4000, s31;
	s1 =	sadd.s32 s1, s30  }
0xbd: {  	s0 =	sor.u32 s3, s0;
	s1 =	sshll.u32 s1, $0x11  }
0xbe: {  	s0 =	sor.u32 s1, s0  }
0xbf: {  	s0 =	sadd.s32 $0x8F2B, s0  }
0xc0: {  	[sflag:s0] =	ssyncadd.remote.s32 $0x1  }
0xc1: {  	_ =	sfence.sel $0xFFFF  }
0xc2: {  	[dreg:$0x0] =	wrdreg $0xFFFFFFFF;
	(pc) =	sbr.abs _section_cstart, $3  }
0xc3: {  	[dreg:$0x1] =	wrdreg $0xFFFFFFFF  }
0xc4: {  	_ =	task.clear_ibuf [dreg:s8], $0x2FFFF;
	_ =	strace $0x9FFFFFFF  }
0xc5: {  	(tm) =	ssettm $0x7FFFFFFF  }
tec
execute0_lowered:
.L_overlay_start_1:
0x0: {  	(tag) =	ssettag $0x1  }
0x1: {  	s1 =	rddreg [dreg:$0x0]  }
0x2: {  	s0 =	srdreg.scid;
	s2 =	rddreg [dreg:$0x1]  }
0x3: {  	s9 =	stileid.u32;
	s4 =	rddreg [dreg:$0x3]  }
0x4: {  	s5 =	simm.s32 $0x0;
	s11 =	simm.s32 $0x14480;
	s12 =	simm.s32 $0x13D00  }
0x5: {  	s14 =	simm.s32 $0x13D80;
	s15 =	simm.s32 $0x14500;
	s16 =	simm.s32 $0x14580  }
0x6: {  	s17 =	simm.s32 $0x13E00;
	s18 =	simm.s32 $0x13E80;
	[smem:$0x7FF] =	sst s5  }
0x7: {  	s19 =	simm.s32 $0x14600;
	_ =	strace $0x80000047;
	[dreg:$0x8] =	wrdreg s11  }
0x8: {  	s20 =	simm.s32 $0x14680;
	s21 =	simm.s32 $0x13F00;
	[dreg:$0x9] =	wrdreg s12  }
0x9: {  	s22 =	simm.s32 $0x13F80;
	s28 =	simm.s32 $0x14280;
	[dreg:$0xa] =	wrdreg s14  }
0xa: {  	s29 =	simm.s32 $0x14A00;
	s30 =	simm.s32 $0x14A80;
	[dreg:$0xb] =	wrdreg s15  }
0xb: {  	s31 =	simm.s32 $0x14300;
	s6 =	smul.u32 $0x2800, s9;
	[dreg:$0xc] =	wrdreg s16  }
0xc: {  	s0 =	sand.u32 $0x1, s0;
	s8 =	smul.u32 $0x13C00, s9;
	[dreg:$0xd] =	wrdreg s17  }
0xd: {  	s26 =	smul.u32 $0x4F000, s9;
	s13 =	sshll.u32 s9, $0x6;
	[dreg:$0xe] =	wrdreg s18  }
0xe: {  	s9 =	simm.s32 $0x0;
	s3 =	smul.u32 $0x28000, s0;
	[dreg:$0xf] =	wrdreg s19  }
0xf: {  	s7 =	smul.u32 $0x13C000, s0;
	s0 =	ssub.s32 $0x2, s0;
	[dreg:$0x10] =	wrdreg s20  }
0x10: {  	s11 =	simm.s32 $0x13C00;
	s12 =	simm.s32 $0x14400;
	[dreg:$0x11] =	wrdreg s21  }
0x11: {  	s14 =	simm.s32 $0x14C00;
	[dreg:$0x12] =	wrdreg s22;
	s15 =	simm.s32 $0x18C00  }
0x12: {  	s16 =	simm.s32 $0x1;
	s17 =	simm.s32 $0x2;
	s18 =	simm.s32 $0x3  }
0x13: {  	s19 =	simm.s32 $0x4;
	s20 =	simm.s32 $0x14800;
	s21 =	simm.s32 $0x14880  }
0x14: {  	s22 =	simm.s32 $0x14100;
	s24 =	sshrl.u32 s0, $0x1;
	s10 =	sshrl.u32 s26, $0x2  }
0x15: {  	s26 =	simm.s32 $0x14080;
	s3 =	sadd.s32 s6, s3;
	s23 =	sadd.s32 s8, s7  }
0x16: {  	s0 =	ssub.s32 s0, s24;
	s7 =	simm.s32 $0x13C80;
	s24 =	simm.s32 $0x14780  }
0x17: {  	[dreg:$0x16] =	wrdreg s26;
	s26 =	simm.s32 $0x14200;
	s3 =	sshrl.u32 s3, $0x3  }
0x18: {  	s6 =	sshrl.u32 s23, $0x3;
	[dreg:$0x7] =	wrdreg s7;
	s7 =	sor.u32 $0x1C05, s13  }
0x19: {  	s0 =	smax.u32 s0, $0x1;
	s13 =	simm.s32 $0x7D;
	[dreg:$0x14] =	wrdreg s24  }
0x1a: {  	s23 =	simm.s32 $0x14700;
	s24 =	simm.s32 $0x14900;
	[dreg:$0x19] =	wrdreg s0  }
0x1b: {  	s3 =	sadd.s32 s3, s2;
	s2 =	sadd.s32 s6, s2;
	[dreg:$0x13] =	wrdreg s23  }
0x1c: {  	s6 =	sadd.s32 s10, s4;
	[dreg:$0x17] =	wrdreg s7;
	s25 =	sadd.s32 $0x10A00, s3  }
0x1d: {  	s10 =	simm.s32 $0x5;
	s3 =	sadd.s32 $0x6A00, s3;
	[dreg:$0x5] =	wrdreg s25  }
0x1e: {  	s23 =	simm.s32 $0x14180;
	s2 =	sadd.s32 $0x1AA00, s2;
	[dreg:$0x6] =	wrdreg s3  }
0x1f: {  	s0 =	simm.s32 $0x14B00;
	s8 =	sshrl.u32 s6, $0x3;
	[dreg:$0x18] =	wrdreg s2  }
0x20: {  	s25 =	simm.s32 $0x14000;
	s2 =	simm.s32 $0x14380;
	[dreg:$0x1a] =	wrdreg s8  }
0x21: {  	s3 =	simm.s32 $0x14B80;
	[dreg:$0x15] =	wrdreg s25;
	s25 =	simm.s32 $0x14980  }
.LBB2_1:
0x22: {  	[dreg:$0x1b] =	wrdreg s9  }
0x23: {  	s6 =	rddreg [dreg:$0x2]  }
0x24: {  	[spmem:s8], [sflag:s7] =	dma.local [hbm:s6], $0x2780  }
0x25: {  	_ =	swait.ge [sflag:s10], $0x2780  }
0x26: {  	[sflag:s10] =	ssyncset.done $0x0  }
0x27: {  	[sflag:s10] =	ssyncadd.s32 $0xFFFFD880  }
0x28: {  	[bflag:$0x0] =	sbarrier.arrive $0xFFFF  }
0x29: {  	s8 =	rddreg [dreg:$0x6]  }
0x2a: {  	s6 =	sadd.s32 $0x0, s8  }
0x2b: {  	[tilespmem:s11], [sflag:$0x5] =	stream.linear.gather [hbm4b:s6+s5], $0x800, $0x38;
	[tilespmem:$0x1CC00] =	vst v63  }
0x2c: {  	_ =	swait.ge [sflag:s10], $0x800  }
0x2d: {  	s9 =	rddreg [dreg:$0x5];
	[sflag:s10] =	ssyncset.done $0x0  }
0x2e: {  	[sflag:s10] =	ssyncadd.s32 $0xFFFFF800;
	s6 =	sadd.s32 $0x0, s9  }
0x2f: {  	[tilespmem:s12], [sflag:$0x5] =	stream.linear.gather [hbm4b:s6+s5], $0x800, $0x38;
	[tilespmem:$0x1CC00] =	vst v63  }
0x30: {  	_ =	swait.ge [sflag:s10], $0x800  }
0x31: {  	[sflag:s10] =	ssyncset.done $0x0  }
0x32: {  	[sflag:s10] =	ssyncadd.s32 $0xFFFFF800  }
0x33: {  	[tilespmem:s14], [sflag:$0x1] =	stream.indirect.gather [hbm4b:s1+s13], $0x80, s11, s13, $0xb8;
	[tilespmem:$0x1CC00] =	vst v63  }
0x34: {  	s7 =	rddreg [dreg:$0x7]  }
0x35: {  	[tilespmem:s15], [sflag:$0x2] =	stream.indirect.gather [hbm4b:s1+s13], $0x80, s7, s13, $0xb8;
	[tilespmem:$0x1CC00] =	vst v63  }
0x36: {  	_ =	swait.ge [sflag:s16], $0x3E80  }
0x37: {  	[sflag:s16] =	ssyncset.done $0x0  }
0x38: {  	[sflag:s16] =	ssyncadd.s32 $0xFFFFC180  }
0x39: {  	[spmem:s4] =	stream.indirect.scatter.add.f32 [tilespmem:s14], [sflag:$0x3], $0x80, s12, s13, $0xb8;
	[tilespmem:$0x1CC00] =	vst v63  }
0x3a: {  	_ =	swait.ge [sflag:s17], $0x3E80  }
0x3b: {  	[sflag:s17] =	ssyncset.done $0x0  }
0x3c: {  	s8 =	rddreg [dreg:$0x8];
	[sflag:s17] =	ssyncadd.s32 $0xFFFFC180  }
0x3d: {  	[spmem:s4] =	stream.indirect.scatter.add.f32 [tilespmem:s15], [sflag:$0x4], $0x80, s8, s13, $0xb8;
	[tilespmem:$0x1CC00] =	vst v63  }
0x3e: {  	_ =	swait.ge [sflag:s18], $0x3E80  }
0x3f: {  	[sflag:s18] =	ssyncset.done $0x0  }
0x40: {  	[sflag:s18] =	ssyncadd.s32 $0xFFFFC180  }
0x41: {  	_ =	swait.ge [sflag:s19], $0x3E80  }
0x42: {  	[sflag:s19] =	ssyncset.done $0x0  }
0x43: {  	s9 =	rddreg [dreg:$0x9];
	[sflag:s19] =	ssyncadd.s32 $0xFFFFC180  }
0x44: {  	[tilespmem:s14], [sflag:$0x1] =	stream.indirect.gather [hbm4b:s1+s13], $0x80, s9, s13, $0xb8;
	[tilespmem:$0x1CC00] =	vst v63  }
0x45: {  	s7 =	rddreg [dreg:$0xa]  }
0x46: {  	[tilespmem:s15], [sflag:$0x2] =	stream.indirect.gather [hbm4b:s1+s13], $0x80, s7, s13, $0xb8;
	[tilespmem:$0x1CC00] =	vst v63  }
0x47: {  	_ =	swait.ge [sflag:s16], $0x3E80  }
0x48: {  	[sflag:s16] =	ssyncset.done $0x0  }
0x49: {  	s9 =	rddreg [dreg:$0xb];
	[sflag:s16] =	ssyncadd.s32 $0xFFFFC180  }
0x4a: {  	[spmem:s4] =	stream.indirect.scatter.add.f32 [tilespmem:s14], [sflag:$0x3], $0x80, s9, s13, $0xb8;
	[tilespmem:$0x1CC00] =	vst v63  }
0x4b: {  	_ =	swait.ge [sflag:s17], $0x3E80  }
0x4c: {  	[sflag:s17] =	ssyncset.done $0x0  }
0x4d: {  	s7 =	rddreg [dreg:$0xc];
	[sflag:s17] =	ssyncadd.s32 $0xFFFFC180  }
0x4e: {  	[spmem:s4] =	stream.indirect.scatter.add.f32 [tilespmem:s15], [sflag:$0x4], $0x80, s7, s13, $0xb8;
	[tilespmem:$0x1CC00] =	vst v63  }
0x4f: {  	_ =	swait.ge [sflag:s18], $0x3E80  }
0x50: {  	[sflag:s18] =	ssyncset.done $0x0  }
0x51: {  	[sflag:s18] =	ssyncadd.s32 $0xFFFFC180  }
0x52: {  	_ =	swait.ge [sflag:s19], $0x3E80  }
0x53: {  	[sflag:s19] =	ssyncset.done $0x0  }
0x54: {  	s8 =	rddreg [dreg:$0xd];
	[sflag:s19] =	ssyncadd.s32 $0xFFFFC180  }
0x55: {  	[tilespmem:s14], [sflag:$0x1] =	stream.indirect.gather [hbm4b:s1+s13], $0x80, s8, s13, $0xb8;
	[tilespmem:$0x1CC00] =	vst v63  }
0x56: {  	s9 =	rddreg [dreg:$0xe]  }
0x57: {  	[tilespmem:s15], [sflag:$0x2] =	stream.indirect.gather [hbm4b:s1+s13], $0x80, s9, s13, $0xb8;
	[tilespmem:$0x1CC00] =	vst v63  }
0x58: {  	_ =	swait.ge [sflag:s16], $0x3E80  }
0x59: {  	[sflag:s16] =	ssyncset.done $0x0  }
0x5a: {  	s7 =	rddreg [dreg:$0xf];
	[sflag:s16] =	ssyncadd.s32 $0xFFFFC180  }
0x5b: {  	[spmem:s4] =	stream.indirect.scatter.add.f32 [tilespmem:s14], [sflag:$0x3], $0x80, s7, s13, $0xb8;
	[tilespmem:$0x1CC00] =	vst v63  }
0x5c: {  	_ =	swait.ge [sflag:s17], $0x3E80  }
0x5d: {  	[sflag:s17] =	ssyncset.done $0x0  }
0x5e: {  	s8 =	rddreg [dreg:$0x10];
	[sflag:s17] =	ssyncadd.s32 $0xFFFFC180  }
0x5f: {  	[spmem:s4] =	stream.indirect.scatter.add.f32 [tilespmem:s15], [sflag:$0x4], $0x80, s8, s13, $0xb8;
	[tilespmem:$0x1CC00] =	vst v63  }
0x60: {  	_ =	swait.ge [sflag:s18], $0x3E80  }
0x61: {  	[sflag:s18] =	ssyncset.done $0x0  }
0x62: {  	[sflag:s18] =	ssyncadd.s32 $0xFFFFC180  }
0x63: {  	_ =	swait.ge [sflag:s19], $0x3E80  }
0x64: {  	[sflag:s19] =	ssyncset.done $0x0  }
0x65: {  	s9 =	rddreg [dreg:$0x11];
	[sflag:s19] =	ssyncadd.s32 $0xFFFFC180  }
0x66: {  	[tilespmem:s14], [sflag:$0x1] =	stream.indirect.gather [hbm4b:s1+s13], $0x80, s9, s13, $0xb8;
	[tilespmem:$0x1CC00] =	vst v63  }
0x67: {  	s7 =	rddreg [dreg:$0x12]  }
0x68: {  	[tilespmem:s15], [sflag:$0x2] =	stream.indirect.gather [hbm4b:s1+s13], $0x80, s7, s13, $0xb8;
	[tilespmem:$0x1CC00] =	vst v63  }
0x69: {  	_ =	swait.ge [sflag:s16], $0x3E80  }
0x6a: {  	[sflag:s16] =	ssyncset.done $0x0  }
0x6b: {  	s9 =	rddreg [dreg:$0x13];
	[sflag:s16] =	ssyncadd.s32 $0xFFFFC180  }
0x6c: {  	[spmem:s4] =	stream.indirect.scatter.add.f32 [tilespmem:s14], [sflag:$0x3], $0x80, s9, s13, $0xb8;
	[tilespmem:$0x1CC00] =	vst v63  }
0x6d: {  	_ =	swait.ge [sflag:s17], $0x3E80  }
0x6e: {  	[sflag:s17] =	ssyncset.done $0x0  }
0x6f: {  	s7 =	rddreg [dreg:$0x14];
	[sflag:s17] =	ssyncadd.s32 $0xFFFFC180  }
0x70: {  	[spmem:s4] =	stream.indirect.scatter.add.f32 [tilespmem:s15], [sflag:$0x4], $0x80, s7, s13, $0xb8;
	[tilespmem:$0x1CC00] =	vst v63  }
0x71: {  	_ =	swait.ge [sflag:s18], $0x3E80  }
0x72: {  	[sflag:s18] =	ssyncset.done $0x0  }
0x73: {  	[sflag:s18] =	ssyncadd.s32 $0xFFFFC180  }
0x74: {  	_ =	swait.ge [sflag:s19], $0x3E80  }
0x75: {  	[sflag:s19] =	ssyncset.done $0x0  }
0x76: {  	s8 =	rddreg [dreg:$0x15];
	[sflag:s19] =	ssyncadd.s32 $0xFFFFC180  }
0x77: {  	[tilespmem:s14], [sflag:$0x1] =	stream.indirect.gather [hbm4b:s1+s13], $0x80, s8, s13, $0xb8;
	[tilespmem:$0x1CC00] =	vst v63  }
0x78: {  	s9 =	rddreg [dreg:$0x16]  }
0x79: {  	[tilespmem:s15], [sflag:$0x2] =	stream.indirect.gather [hbm4b:s1+s13], $0x80, s9, s13, $0xb8;
	[tilespmem:$0x1CC00] =	vst v63  }
0x7a: {  	_ =	swait.ge [sflag:s16], $0x3E80  }
0x7b: {  	[sflag:s16] =	ssyncset.done $0x0  }
0x7c: {  	[sflag:s16] =	ssyncadd.s32 $0xFFFFC180  }
0x7d: {  	[spmem:s4] =	stream.indirect.scatter.add.f32 [tilespmem:s14], [sflag:$0x3], $0x80, s20, s13, $0xb8;
	[tilespmem:$0x1CC00] =	vst v63  }
0x7e: {  	_ =	swait.ge [sflag:s17], $0x3E80  }
0x7f: {  	[sflag:s17] =	ssyncset.done $0x0  }
0x80: {  	[sflag:s17] =	ssyncadd.s32 $0xFFFFC180  }
0x81: {  	[spmem:s4] =	stream.indirect.scatter.add.f32 [tilespmem:s15], [sflag:$0x4], $0x80, s21, s13, $0xb8;
	[tilespmem:$0x1CC00] =	vst v63  }
0x82: {  	_ =	swait.ge [sflag:s18], $0x3E80  }
0x83: {  	[sflag:s18] =	ssyncset.done $0x0  }
0x84: {  	[sflag:s18] =	ssyncadd.s32 $0xFFFFC180  }
0x85: {  	_ =	swait.ge [sflag:s19], $0x3E80  }
0x86: {  	[sflag:s19] =	ssyncset.done $0x0  }
0x87: {  	[sflag:s19] =	ssyncadd.s32 $0xFFFFC180  }
0x88: {  	[tilespmem:s14], [sflag:$0x1] =	stream.indirect.gather [hbm4b:s1+s13], $0x80, s22, s13, $0xb8;
	[tilespmem:$0x1CC00] =	vst v63  }
0x89: {  	_ = 	snop  }
0x8a: {  	[tilespmem:s15], [sflag:$0x2] =	stream.indirect.gather [hbm4b:s1+s13], $0x80, s23, s13, $0xb8;
	[tilespmem:$0x1CC00] =	vst v63  }
0x8b: {  	_ =	swait.ge [sflag:s16], $0x3E80  }
0x8c: {  	[sflag:s16] =	ssyncset.done $0x0  }
0x8d: {  	[sflag:s16] =	ssyncadd.s32 $0xFFFFC180  }
0x8e: {  	[spmem:s4] =	stream.indirect.scatter.add.f32 [tilespmem:s14], [sflag:$0x3], $0x80, s24, s13, $0xb8;
	[tilespmem:$0x1CC00] =	vst v63  }
0x8f: {  	_ =	swait.ge [sflag:s17], $0x3E80  }
0x90: {  	[sflag:s17] =	ssyncset.done $0x0  }
0x91: {  	[sflag:s17] =	ssyncadd.s32 $0xFFFFC180  }
0x92: {  	[spmem:s4] =	stream.indirect.scatter.add.f32 [tilespmem:s15], [sflag:$0x4], $0x80, s25, s13, $0xb8;
	[tilespmem:$0x1CC00] =	vst v63  }
0x93: {  	_ =	swait.ge [sflag:s18], $0x3E80  }
0x94: {  	[sflag:s18] =	ssyncset.done $0x0  }
0x95: {  	[sflag:s18] =	ssyncadd.s32 $0xFFFFC180  }
0x96: {  	_ =	swait.ge [sflag:s19], $0x3E80  }
0x97: {  	[sflag:s19] =	ssyncset.done $0x0  }
0x98: {  	[sflag:s19] =	ssyncadd.s32 $0xFFFFC180  }
0x99: {  	[tilespmem:s14], [sflag:$0x1] =	stream.indirect.gather [hbm4b:s1+s13], $0x80, s26, s13, $0xb8;
	[tilespmem:$0x1CC00] =	vst v63  }
0x9a: {  	_ = 	snop  }
0x9b: {  	[tilespmem:s15], [sflag:$0x2] =	stream.indirect.gather [hbm4b:s1+s13], $0x80, s28, s13, $0xb8;
	[tilespmem:$0x1CC00] =	vst v63  }
0x9c: {  	_ =	swait.ge [sflag:s16], $0x3E80  }
0x9d: {  	[sflag:s16] =	ssyncset.done $0x0  }
0x9e: {  	[sflag:s16] =	ssyncadd.s32 $0xFFFFC180  }
0x9f: {  	[spmem:s4] =	stream.indirect.scatter.add.f32 [tilespmem:s14], [sflag:$0x3], $0x80, s29, s13, $0xb8;
	[tilespmem:$0x1CC00] =	vst v63  }
0xa0: {  	_ =	swait.ge [sflag:s17], $0x3E80  }
0xa1: {  	[sflag:s17] =	ssyncset.done $0x0  }
0xa2: {  	[sflag:s17] =	ssyncadd.s32 $0xFFFFC180  }
0xa3: {  	[spmem:s4] =	stream.indirect.scatter.add.f32 [tilespmem:s15], [sflag:$0x4], $0x80, s30, s13, $0xb8;
	[tilespmem:$0x1CC00] =	vst v63  }
0xa4: {  	_ =	swait.ge [sflag:s18], $0x3E80  }
0xa5: {  	[sflag:s18] =	ssyncset.done $0x0  }
0xa6: {  	[sflag:s18] =	ssyncadd.s32 $0xFFFFC180  }
0xa7: {  	_ =	swait.ge [sflag:s19], $0x3E80  }
0xa8: {  	[sflag:s19] =	ssyncset.done $0x0  }
0xa9: {  	[sflag:s19] =	ssyncadd.s32 $0xFFFFC180  }
0xaa: {  	[tilespmem:s14], [sflag:$0x1] =	stream.indirect.gather [hbm4b:s1+s13], $0x80, s31, s13, $0xb8;
	[tilespmem:$0x1CC00] =	vst v63  }
0xab: {  	_ = 	snop  }
0xac: {  	[tilespmem:s15], [sflag:$0x2] =	stream.indirect.gather [hbm4b:s1+s13], $0x80, s2, s13, $0xb8;
	[tilespmem:$0x1CC00] =	vst v63  }
0xad: {  	_ =	swait.ge [sflag:s16], $0x3E80  }
0xae: {  	[sflag:s16] =	ssyncset.done $0x0  }
0xaf: {  	[sflag:s16] =	ssyncadd.s32 $0xFFFFC180  }
0xb0: {  	[spmem:s4] =	stream.indirect.scatter.add.f32 [tilespmem:s14], [sflag:$0x3], $0x80, s0, s13, $0xb8;
	[tilespmem:$0x1CC00] =	vst v63  }
0xb1: {  	_ =	swait.ge [sflag:s17], $0x3E80  }
0xb2: {  	[sflag:s17] =	ssyncset.done $0x0  }
0xb3: {  	[sflag:s17] =	ssyncadd.s32 $0xFFFFC180  }
0xb4: {  	[spmem:s4] =	stream.indirect.scatter.add.f32 [tilespmem:s15], [sflag:$0x4], $0x80, s3, s13, $0xb8;
	[tilespmem:$0x1CC00] =	vst v63  }
0xb5: {  	_ =	swait.ge [sflag:s18], $0x3E80  }
0xb6: {  	[sflag:s18] =	ssyncset.done $0x0  }
0xb7: {  	[sflag:s18] =	ssyncadd.s32 $0xFFFFC180  }
0xb8: {  	s6 =	simm.s32 $0x200;
	_ =	swait.ge [sflag:s19], $0x3E80  }
0xb9: {  	s8 =	simm.s32 $0x100;
	s9 =	rddreg [dreg:$0x6];
	[sflag:s19] =	ssyncset.done $0x0  }
.LBB2_2:
0xba: {  	[sflag:s19] =	ssyncadd.s32 $0xFFFFC180;
	s9 =	sadd.s32 s8, s9  }
0xbb: {  	[tilespmem:s11], [sflag:$0x5] =	stream.linear.gather [hbm4b:s9+s5], $0x800, $0x38;
	[tilespmem:$0x1CC00] =	vst v63  }
0xbc: {  	_ =	swait.ge [sflag:s10], $0x800  }
0xbd: {  	s9 =	rddreg [dreg:$0x5];
	[sflag:s10] =	ssyncset.done $0x0  }
0xbe: {  	[sflag:s10] =	ssyncadd.s32 $0xFFFFF800;
	s9 =	sadd.s32 s8, s9  }
0xbf: {  	[tilespmem:s12], [sflag:$0x5] =	stream.linear.gather [hbm4b:s9+s5], $0x800, $0x38;
	[tilespmem:$0x1CC00] =	vst v63  }
0xc0: {  	_ =	swait.ge [sflag:s10], $0x800  }
0xc1: {  	[sflag:s10] =	ssyncset.done $0x0  }
0xc2: {  	[sflag:s10] =	ssyncadd.s32 $0xFFFFF800  }
0xc3: {  	[tilespmem:s14], [sflag:$0x1] =	stream.indirect.gather [hbm4b:s1+s13], $0x80, s11, s13, $0xb8;
	[tilespmem:$0x1CC00] =	vst v63  }
0xc4: {  	s9 =	rddreg [dreg:$0x7]  }
0xc5: {  	[tilespmem:s15], [sflag:$0x2] =	stream.indirect.gather [hbm4b:s1+s13], $0x80, s9, s13, $0xb8;
	[tilespmem:$0x1CC00] =	vst v63  }
0xc6: {  	_ =	swait.ge [sflag:s16], $0x3E80  }
0xc7: {  	[sflag:s16] =	ssyncset.done $0x0  }
0xc8: {  	[sflag:s16] =	ssyncadd.s32 $0xFFFFC180  }
0xc9: {  	[spmem:s4] =	stream.indirect.scatter.add.f32 [tilespmem:s14], [sflag:$0x3], $0x80, s12, s13, $0xb8;
	[tilespmem:$0x1CC00] =	vst v63  }
0xca: {  	_ =	swait.ge [sflag:s17], $0x3E80  }
0xcb: {  	[sflag:s17] =	ssyncset.done $0x0  }
0xcc: {  	s9 =	rddreg [dreg:$0x8];
	[sflag:s17] =	ssyncadd.s32 $0xFFFFC180  }
0xcd: {  	[spmem:s4] =	stream.indirect.scatter.add.f32 [tilespmem:s15], [sflag:$0x4], $0x80, s9, s13, $0xb8;
	[tilespmem:$0x1CC00] =	vst v63  }
0xce: {  	_ =	swait.ge [sflag:s18], $0x3E80  }
0xcf: {  	[sflag:s18] =	ssyncset.done $0x0  }
0xd0: {  	[sflag:s18] =	ssyncadd.s32 $0xFFFFC180  }
0xd1: {  	_ =	swait.ge [sflag:s19], $0x3E80  }
0xd2: {  	s7 =	smov.u32 s6;
	[sflag:s19] =	ssyncset.done $0x0  }
0xd3: {  	s8 =	smov.u32 s7;
	s7 =	rddreg [dreg:$0x9];
	[sflag:s19] =	ssyncadd.s32 $0xFFFFC180  }
0xd4: {  	[tilespmem:s14], [sflag:$0x1] =	stream.indirect.gather [hbm4b:s1+s13], $0x80, s7, s13, $0xb8;
	[tilespmem:$0x1CC00] =	vst v63  }
0xd5: {  	s9 =	rddreg [dreg:$0xa]  }
0xd6: {  	[tilespmem:s15], [sflag:$0x2] =	stream.indirect.gather [hbm4b:s1+s13], $0x80, s9, s13, $0xb8;
	[tilespmem:$0x1CC00] =	vst v63  }
0xd7: {  	_ =	swait.ge [sflag:s16], $0x3E80  }
0xd8: {  	[sflag:s16] =	ssyncset.done $0x0  }
0xd9: {  	s9 =	rddreg [dreg:$0xb];
	[sflag:s16] =	ssyncadd.s32 $0xFFFFC180  }
0xda: {  	[spmem:s4] =	stream.indirect.scatter.add.f32 [tilespmem:s14], [sflag:$0x3], $0x80, s9, s13, $0xb8;
	[tilespmem:$0x1CC00] =	vst v63  }
0xdb: {  	_ =	swait.ge [sflag:s17], $0x3E80  }
0xdc: {  	[sflag:s17] =	ssyncset.done $0x0  }
0xdd: {  	s9 =	rddreg [dreg:$0xc];
	[sflag:s17] =	ssyncadd.s32 $0xFFFFC180  }
0xde: {  	[spmem:s4] =	stream.indirect.scatter.add.f32 [tilespmem:s15], [sflag:$0x4], $0x80, s9, s13, $0xb8;
	[tilespmem:$0x1CC00] =	vst v63  }
0xdf: {  	_ =	swait.ge [sflag:s18], $0x3E80  }
0xe0: {  	[sflag:s18] =	ssyncset.done $0x0  }
0xe1: {  	[sflag:s18] =	ssyncadd.s32 $0xFFFFC180  }
0xe2: {  	_ =	swait.ge [sflag:s19], $0x3E80  }
0xe3: {  	[sflag:s19] =	ssyncset.done $0x0  }
0xe4: {  	s7 =	rddreg [dreg:$0xd];
	[sflag:s19] =	ssyncadd.s32 $0xFFFFC180  }
0xe5: {  	[tilespmem:s14], [sflag:$0x1] =	stream.indirect.gather [hbm4b:s1+s13], $0x80, s7, s13, $0xb8;
	[tilespmem:$0x1CC00] =	vst v63  }
0xe6: {  	s9 =	rddreg [dreg:$0xe]  }
0xe7: {  	[tilespmem:s15], [sflag:$0x2] =	stream.indirect.gather [hbm4b:s1+s13], $0x80, s9, s13, $0xb8;
	[tilespmem:$0x1CC00] =	vst v63  }
0xe8: {  	_ =	swait.ge [sflag:s16], $0x3E80  }
0xe9: {  	[sflag:s16] =	ssyncset.done $0x0  }
0xea: {  	s9 =	rddreg [dreg:$0xf];
	[sflag:s16] =	ssyncadd.s32 $0xFFFFC180  }
0xeb: {  	[spmem:s4] =	stream.indirect.scatter.add.f32 [tilespmem:s14], [sflag:$0x3], $0x80, s9, s13, $0xb8;
	[tilespmem:$0x1CC00] =	vst v63  }
0xec: {  	_ =	swait.ge [sflag:s17], $0x3E80  }
0xed: {  	[sflag:s17] =	ssyncset.done $0x0  }
0xee: {  	s9 =	rddreg [dreg:$0x10];
	[sflag:s17] =	ssyncadd.s32 $0xFFFFC180  }
0xef: {  	[spmem:s4] =	stream.indirect.scatter.add.f32 [tilespmem:s15], [sflag:$0x4], $0x80, s9, s13, $0xb8;
	[tilespmem:$0x1CC00] =	vst v63  }
0xf0: {  	_ =	swait.ge [sflag:s18], $0x3E80  }
0xf1: {  	[sflag:s18] =	ssyncset.done $0x0  }
0xf2: {  	[sflag:s18] =	ssyncadd.s32 $0xFFFFC180  }
0xf3: {  	_ =	swait.ge [sflag:s19], $0x3E80  }
0xf4: {  	[sflag:s19] =	ssyncset.done $0x0  }
0xf5: {  	s7 =	rddreg [dreg:$0x11];
	[sflag:s19] =	ssyncadd.s32 $0xFFFFC180  }
0xf6: {  	[tilespmem:s14], [sflag:$0x1] =	stream.indirect.gather [hbm4b:s1+s13], $0x80, s7, s13, $0xb8;
	[tilespmem:$0x1CC00] =	vst v63  }
0xf7: {  	s9 =	rddreg [dreg:$0x12]  }
0xf8: {  	[tilespmem:s15], [sflag:$0x2] =	stream.indirect.gather [hbm4b:s1+s13], $0x80, s9, s13, $0xb8;
	[tilespmem:$0x1CC00] =	vst v63  }
0xf9: {  	_ =	swait.ge [sflag:s16], $0x3E80  }
0xfa: {  	[sflag:s16] =	ssyncset.done $0x0  }
0xfb: {  	s9 =	rddreg [dreg:$0x13];
	[sflag:s16] =	ssyncadd.s32 $0xFFFFC180  }
0xfc: {  	[spmem:s4] =	stream.indirect.scatter.add.f32 [tilespmem:s14], [sflag:$0x3], $0x80, s9, s13, $0xb8;
	[tilespmem:$0x1CC00] =	vst v63  }
0xfd: {  	_ =	swait.ge [sflag:s17], $0x3E80  }
0xfe: {  	[sflag:s17] =	ssyncset.done $0x0  }
0xff: {  	s9 =	rddreg [dreg:$0x14];
	[sflag:s17] =	ssyncadd.s32 $0xFFFFC180  }
0x100: {  	[spmem:s4] =	stream.indirect.scatter.add.f32 [tilespmem:s15], [sflag:$0x4], $0x80, s9, s13, $0xb8;
	[tilespmem:$0x1CC00] =	vst v63  }
0x101: {  	_ =	swait.ge [sflag:s18], $0x3E80  }
0x102: {  	[sflag:s18] =	ssyncset.done $0x0  }
0x103: {  	[sflag:s18] =	ssyncadd.s32 $0xFFFFC180  }
0x104: {  	_ =	swait.ge [sflag:s19], $0x3E80  }
0x105: {  	[sflag:s19] =	ssyncset.done $0x0  }
0x106: {  	s7 =	rddreg [dreg:$0x15];
	[sflag:s19] =	ssyncadd.s32 $0xFFFFC180  }
0x107: {  	[tilespmem:s14], [sflag:$0x1] =	stream.indirect.gather [hbm4b:s1+s13], $0x80, s7, s13, $0xb8;
	[tilespmem:$0x1CC00] =	vst v63  }
0x108: {  	s9 =	rddreg [dreg:$0x16]  }
0x109: {  	[tilespmem:s15], [sflag:$0x2] =	stream.indirect.gather [hbm4b:s1+s13], $0x80, s9, s13, $0xb8;
	[tilespmem:$0x1CC00] =	vst v63  }
0x10a: {  	_ =	swait.ge [sflag:s16], $0x3E80  }
0x10b: {  	[sflag:s16] =	ssyncset.done $0x0  }
0x10c: {  	[sflag:s16] =	ssyncadd.s32 $0xFFFFC180  }
0x10d: {  	[spmem:s4] =	stream.indirect.scatter.add.f32 [tilespmem:s14], [sflag:$0x3], $0x80, s20, s13, $0xb8;
	[tilespmem:$0x1CC00] =	vst v63  }
0x10e: {  	_ =	swait.ge [sflag:s17], $0x3E80  }
0x10f: {  	[sflag:s17] =	ssyncset.done $0x0  }
0x110: {  	[sflag:s17] =	ssyncadd.s32 $0xFFFFC180  }
0x111: {  	[spmem:s4] =	stream.indirect.scatter.add.f32 [tilespmem:s15], [sflag:$0x4], $0x80, s21, s13, $0xb8;
	[tilespmem:$0x1CC00] =	vst v63  }
0x112: {  	_ =	swait.ge [sflag:s18], $0x3E80  }
0x113: {  	[sflag:s18] =	ssyncset.done $0x0  }
0x114: {  	[sflag:s18] =	ssyncadd.s32 $0xFFFFC180  }
0x115: {  	_ =	swait.ge [sflag:s19], $0x3E80  }
0x116: {  	[sflag:s19] =	ssyncset.done $0x0  }
0x117: {  	[sflag:s19] =	ssyncadd.s32 $0xFFFFC180  }
0x118: {  	[tilespmem:s14], [sflag:$0x1] =	stream.indirect.gather [hbm4b:s1+s13], $0x80, s22, s13, $0xb8;
	[tilespmem:$0x1CC00] =	vst v63  }
0x119: {  	_ = 	snop  }
0x11a: {  	[tilespmem:s15], [sflag:$0x2] =	stream.indirect.gather [hbm4b:s1+s13], $0x80, s23, s13, $0xb8;
	[tilespmem:$0x1CC00] =	vst v63  }
0x11b: {  	_ =	swait.ge [sflag:s16], $0x3E80  }
0x11c: {  	[sflag:s16] =	ssyncset.done $0x0  }
0x11d: {  	[sflag:s16] =	ssyncadd.s32 $0xFFFFC180  }
0x11e: {  	[spmem:s4] =	stream.indirect.scatter.add.f32 [tilespmem:s14], [sflag:$0x3], $0x80, s24, s13, $0xb8;
	[tilespmem:$0x1CC00] =	vst v63  }
0x11f: {  	_ =	swait.ge [sflag:s17], $0x3E80  }
0x120: {  	[sflag:s17] =	ssyncset.done $0x0  }
0x121: {  	[sflag:s17] =	ssyncadd.s32 $0xFFFFC180  }
0x122: {  	[spmem:s4] =	stream.indirect.scatter.add.f32 [tilespmem:s15], [sflag:$0x4], $0x80, s25, s13, $0xb8;
	[tilespmem:$0x1CC00] =	vst v63  }
0x123: {  	_ =	swait.ge [sflag:s18], $0x3E80  }
0x124: {  	[sflag:s18] =	ssyncset.done $0x0  }
0x125: {  	[sflag:s18] =	ssyncadd.s32 $0xFFFFC180  }
0x126: {  	_ =	swait.ge [sflag:s19], $0x3E80  }
0x127: {  	[sflag:s19] =	ssyncset.done $0x0  }
0x128: {  	[sflag:s19] =	ssyncadd.s32 $0xFFFFC180  }
0x129: {  	[tilespmem:s14], [sflag:$0x1] =	stream.indirect.gather [hbm4b:s1+s13], $0x80, s26, s13, $0xb8;
	[tilespmem:$0x1CC00] =	vst v63  }
0x12a: {  	_ = 	snop  }
0x12b: {  	[tilespmem:s15], [sflag:$0x2] =	stream.indirect.gather [hbm4b:s1+s13], $0x80, s28, s13, $0xb8;
	[tilespmem:$0x1CC00] =	vst v63  }
0x12c: {  	_ =	swait.ge [sflag:s16], $0x3E80  }
0x12d: {  	[sflag:s16] =	ssyncset.done $0x0  }
0x12e: {  	[sflag:s16] =	ssyncadd.s32 $0xFFFFC180  }
0x12f: {  	[spmem:s4] =	stream.indirect.scatter.add.f32 [tilespmem:s14], [sflag:$0x3], $0x80, s29, s13, $0xb8;
	[tilespmem:$0x1CC00] =	vst v63  }
0x130: {  	_ =	swait.ge [sflag:s17], $0x3E80  }
0x131: {  	[sflag:s17] =	ssyncset.done $0x0  }
0x132: {  	[sflag:s17] =	ssyncadd.s32 $0xFFFFC180  }
0x133: {  	[spmem:s4] =	stream.indirect.scatter.add.f32 [tilespmem:s15], [sflag:$0x4], $0x80, s30, s13, $0xb8;
	[tilespmem:$0x1CC00] =	vst v63  }
0x134: {  	_ =	swait.ge [sflag:s18], $0x3E80  }
0x135: {  	[sflag:s18] =	ssyncset.done $0x0  }
0x136: {  	[sflag:s18] =	ssyncadd.s32 $0xFFFFC180  }
0x137: {  	_ =	swait.ge [sflag:s19], $0x3E80  }
0x138: {  	[sflag:s19] =	ssyncset.done $0x0  }
0x139: {  	[sflag:s19] =	ssyncadd.s32 $0xFFFFC180  }
0x13a: {  	[tilespmem:s14], [sflag:$0x1] =	stream.indirect.gather [hbm4b:s1+s13], $0x80, s31, s13, $0xb8;
	[tilespmem:$0x1CC00] =	vst v63  }
0x13b: {  	_ = 	snop  }
0x13c: {  	[tilespmem:s15], [sflag:$0x2] =	stream.indirect.gather [hbm4b:s1+s13], $0x80, s2, s13, $0xb8;
	[tilespmem:$0x1CC00] =	vst v63  }
0x13d: {  	_ =	swait.ge [sflag:s16], $0x3E80  }
0x13e: {  	[sflag:s16] =	ssyncset.done $0x0  }
0x13f: {  	[sflag:s16] =	ssyncadd.s32 $0xFFFFC180  }
0x140: {  	[spmem:s4] =	stream.indirect.scatter.add.f32 [tilespmem:s14], [sflag:$0x3], $0x80, s0, s13, $0xb8;
	[tilespmem:$0x1CC00] =	vst v63  }
0x141: {  	_ =	swait.ge [sflag:s17], $0x3E80  }
0x142: {  	[sflag:s17] =	ssyncset.done $0x0  }
0x143: {  	p0 =	sne.s32 s6, $0x400;
	[sflag:s17] =	ssyncadd.s32 $0xFFFFC180  }
0x144: {  	[spmem:s4] =	stream.indirect.scatter.add.f32 [tilespmem:s15], [sflag:$0x4], $0x80, s3, s13, $0xb8;
	[tilespmem:$0x1CC00] =	vst v63  }
.Ltmp0:
0x145: {  	_ =	swait.ge [sflag:s18], $0x3E80;
	(pc) =	sbr.rel @p0 .LBB2_2-.Ltmp0, $4  }
0x146: {  	[sflag:s18] =	ssyncset.done $0x0  }
0x147: {  	[sflag:s18] =	ssyncadd.s32 $0xFFFFC180  }
0x148: {  	_ =	swait.ge [sflag:s19], $0x3E80  }
0x149: {  	s6 =	sadd.s32 $0x100, s6;
	s9 =	rddreg [dreg:$0x6];
	[sflag:s19] =	ssyncset.done $0x0  }
0x14a: {  	[sflag:s19] =	ssyncadd.s32 $0xFFFFC180;
	s6 =	sadd.s32 s8, s9  }
0x14b: {  	[tilespmem:s11], [sflag:$0x5] =	stream.linear.gather [hbm4b:s6+s5], $0x800, $0x38;
	[tilespmem:$0x1CC00] =	vst v63  }
0x14c: {  	_ =	swait.ge [sflag:s10], $0x800  }
0x14d: {  	s9 =	rddreg [dreg:$0x5];
	[sflag:s10] =	ssyncset.done $0x0  }
0x14e: {  	[sflag:s10] =	ssyncadd.s32 $0xFFFFF800;
	s6 =	sadd.s32 s8, s9  }
0x14f: {  	[tilespmem:s12], [sflag:$0x5] =	stream.linear.gather [hbm4b:s6+s5], $0x800, $0x38;
	[tilespmem:$0x1CC00] =	vst v63  }
0x150: {  	_ =	swait.ge [sflag:s10], $0x800  }
0x151: {  	[sflag:s10] =	ssyncset.done $0x0  }
0x152: {  	[sflag:s10] =	ssyncadd.s32 $0xFFFFF800  }
0x153: {  	[tilespmem:s14], [sflag:$0x1] =	stream.indirect.gather [hbm4b:s1+s13], $0x80, s11, s13, $0xb8;
	[tilespmem:$0x1CC00] =	vst v63  }
0x154: {  	s7 =	rddreg [dreg:$0x7]  }
0x155: {  	[tilespmem:s15], [sflag:$0x2] =	stream.indirect.gather [hbm4b:s1+s13], $0x80, s7, s13, $0xb8;
	[tilespmem:$0x1CC00] =	vst v63  }
0x156: {  	_ =	swait.ge [sflag:s16], $0x3E80  }
0x157: {  	[sflag:s16] =	ssyncset.done $0x0  }
0x158: {  	[sflag:s16] =	ssyncadd.s32 $0xFFFFC180  }
0x159: {  	[spmem:s4] =	stream.indirect.scatter.add.f32 [tilespmem:s14], [sflag:$0x3], $0x80, s12, s13, $0xb8;
	[tilespmem:$0x1CC00] =	vst v63  }
0x15a: {  	_ =	swait.ge [sflag:s17], $0x3E80  }
0x15b: {  	[sflag:s17] =	ssyncset.done $0x0  }
0x15c: {  	s8 =	rddreg [dreg:$0x8];
	[sflag:s17] =	ssyncadd.s32 $0xFFFFC180  }
0x15d: {  	[spmem:s4] =	stream.indirect.scatter.add.f32 [tilespmem:s15], [sflag:$0x4], $0x80, s8, s13, $0xb8;
	[tilespmem:$0x1CC00] =	vst v63  }
0x15e: {  	_ =	swait.ge [sflag:s18], $0x3E80  }
0x15f: {  	[sflag:s18] =	ssyncset.done $0x0  }
0x160: {  	[sflag:s18] =	ssyncadd.s32 $0xFFFFC180  }
0x161: {  	_ =	swait.ge [sflag:s19], $0x3E80  }
0x162: {  	[sflag:s19] =	ssyncset.done $0x0  }
0x163: {  	s9 =	rddreg [dreg:$0x9];
	[sflag:s19] =	ssyncadd.s32 $0xFFFFC180  }
0x164: {  	[tilespmem:s14], [sflag:$0x1] =	stream.indirect.gather [hbm4b:s1+s13], $0x80, s9, s13, $0xb8;
	[tilespmem:$0x1CC00] =	vst v63  }
0x165: {  	s7 =	rddreg [dreg:$0xa]  }
0x166: {  	[tilespmem:s15], [sflag:$0x2] =	stream.indirect.gather [hbm4b:s1+s13], $0x80, s7, s13, $0xb8;
	[tilespmem:$0x1CC00] =	vst v63  }
0x167: {  	_ =	swait.ge [sflag:s16], $0x3E80  }
0x168: {  	[sflag:s16] =	ssyncset.done $0x0  }
0x169: {  	s8 =	rddreg [dreg:$0xb];
	[sflag:s16] =	ssyncadd.s32 $0xFFFFC180  }
0x16a: {  	[spmem:s4] =	stream.indirect.scatter.add.f32 [tilespmem:s14], [sflag:$0x3], $0x80, s8, s13, $0xb8;
	[tilespmem:$0x1CC00] =	vst v63  }
0x16b: {  	_ =	swait.ge [sflag:s17], $0x3E80  }
0x16c: {  	[sflag:s17] =	ssyncset.done $0x0  }
0x16d: {  	s9 =	rddreg [dreg:$0xc];
	[sflag:s17] =	ssyncadd.s32 $0xFFFFC180  }
0x16e: {  	[spmem:s4] =	stream.indirect.scatter.add.f32 [tilespmem:s15], [sflag:$0x4], $0x80, s9, s13, $0xb8;
	[tilespmem:$0x1CC00] =	vst v63  }
0x16f: {  	_ =	swait.ge [sflag:s18], $0x3E80  }
0x170: {  	[sflag:s18] =	ssyncset.done $0x0  }
0x171: {  	[sflag:s18] =	ssyncadd.s32 $0xFFFFC180  }
0x172: {  	_ =	swait.ge [sflag:s19], $0x3E80  }
0x173: {  	[sflag:s19] =	ssyncset.done $0x0  }
0x174: {  	s7 =	rddreg [dreg:$0xd];
	[sflag:s19] =	ssyncadd.s32 $0xFFFFC180  }
0x175: {  	[tilespmem:s14], [sflag:$0x1] =	stream.indirect.gather [hbm4b:s1+s13], $0x80, s7, s13, $0xb8;
	[tilespmem:$0x1CC00] =	vst v63  }
0x176: {  	s8 =	rddreg [dreg:$0xe]  }
0x177: {  	[tilespmem:s15], [sflag:$0x2] =	stream.indirect.gather [hbm4b:s1+s13], $0x80, s8, s13, $0xb8;
	[tilespmem:$0x1CC00] =	vst v63  }
0x178: {  	_ =	swait.ge [sflag:s16], $0x3E80  }
0x179: {  	[sflag:s16] =	ssyncset.done $0x0  }
0x17a: {  	s9 =	rddreg [dreg:$0xf];
	[sflag:s16] =	ssyncadd.s32 $0xFFFFC180  }
0x17b: {  	[spmem:s4] =	stream.indirect.scatter.add.f32 [tilespmem:s14], [sflag:$0x3], $0x80, s9, s13, $0xb8;
	[tilespmem:$0x1CC00] =	vst v63  }
0x17c: {  	_ =	swait.ge [sflag:s17], $0x3E80  }
0x17d: {  	[sflag:s17] =	ssyncset.done $0x0  }
0x17e: {  	s7 =	rddreg [dreg:$0x10];
	[sflag:s17] =	ssyncadd.s32 $0xFFFFC180  }
0x17f: {  	[spmem:s4] =	stream.indirect.scatter.add.f32 [tilespmem:s15], [sflag:$0x4], $0x80, s7, s13, $0xb8;
	[tilespmem:$0x1CC00] =	vst v63  }
0x180: {  	_ =	swait.ge [sflag:s18], $0x3E80  }
0x181: {  	[sflag:s18] =	ssyncset.done $0x0  }
0x182: {  	[sflag:s18] =	ssyncadd.s32 $0xFFFFC180  }
0x183: {  	_ =	swait.ge [sflag:s19], $0x3E80  }
0x184: {  	[sflag:s19] =	ssyncset.done $0x0  }
0x185: {  	s8 =	rddreg [dreg:$0x11];
	[sflag:s19] =	ssyncadd.s32 $0xFFFFC180  }
0x186: {  	[tilespmem:s14], [sflag:$0x1] =	stream.indirect.gather [hbm4b:s1+s13], $0x80, s8, s13, $0xb8;
	[tilespmem:$0x1CC00] =	vst v63  }
0x187: {  	s9 =	rddreg [dreg:$0x12]  }
0x188: {  	[tilespmem:s15], [sflag:$0x2] =	stream.indirect.gather [hbm4b:s1+s13], $0x80, s9, s13, $0xb8;
	[tilespmem:$0x1CC00] =	vst v63  }
0x189: {  	_ =	swait.ge [sflag:s16], $0x3E80  }
0x18a: {  	[sflag:s16] =	ssyncset.done $0x0  }
0x18b: {  	s8 =	rddreg [dreg:$0x13];
	[sflag:s16] =	ssyncadd.s32 $0xFFFFC180  }
0x18c: {  	[spmem:s4] =	stream.indirect.scatter.add.f32 [tilespmem:s14], [sflag:$0x3], $0x80, s8, s13, $0xb8;
	[tilespmem:$0x1CC00] =	vst v63  }
0x18d: {  	_ =	swait.ge [sflag:s17], $0x3E80  }
0x18e: {  	[sflag:s17] =	ssyncset.done $0x0  }
0x18f: {  	s9 =	rddreg [dreg:$0x14];
	[sflag:s17] =	ssyncadd.s32 $0xFFFFC180  }
0x190: {  	[spmem:s4] =	stream.indirect.scatter.add.f32 [tilespmem:s15], [sflag:$0x4], $0x80, s9, s13, $0xb8;
	[tilespmem:$0x1CC00] =	vst v63  }
0x191: {  	_ =	swait.ge [sflag:s18], $0x3E80  }
0x192: {  	[sflag:s18] =	ssyncset.done $0x0  }
0x193: {  	[sflag:s18] =	ssyncadd.s32 $0xFFFFC180  }
0x194: {  	_ =	swait.ge [sflag:s19], $0x3E80  }
0x195: {  	[sflag:s19] =	ssyncset.done $0x0  }
0x196: {  	s7 =	rddreg [dreg:$0x15];
	[sflag:s19] =	ssyncadd.s32 $0xFFFFC180  }
0x197: {  	[tilespmem:s14], [sflag:$0x1] =	stream.indirect.gather [hbm4b:s1+s13], $0x80, s7, s13, $0xb8;
	[tilespmem:$0x1CC00] =	vst v63  }
0x198: {  	s8 =	rddreg [dreg:$0x16]  }
0x199: {  	[tilespmem:s15], [sflag:$0x2] =	stream.indirect.gather [hbm4b:s1+s13], $0x80, s8, s13, $0xb8;
	[tilespmem:$0x1CC00] =	vst v63  }
0x19a: {  	_ =	swait.ge [sflag:s16], $0x3E80  }
0x19b: {  	[sflag:s16] =	ssyncset.done $0x0  }
0x19c: {  	[sflag:s16] =	ssyncadd.s32 $0xFFFFC180  }
0x19d: {  	[spmem:s4] =	stream.indirect.scatter.add.f32 [tilespmem:s14], [sflag:$0x3], $0x80, s20, s13, $0xb8;
	[tilespmem:$0x1CC00] =	vst v63  }
0x19e: {  	_ =	swait.ge [sflag:s17], $0x3E80  }
0x19f: {  	[sflag:s17] =	ssyncset.done $0x0  }
0x1a0: {  	[sflag:s17] =	ssyncadd.s32 $0xFFFFC180  }
0x1a1: {  	[spmem:s4] =	stream.indirect.scatter.add.f32 [tilespmem:s15], [sflag:$0x4], $0x80, s21, s13, $0xb8;
	[tilespmem:$0x1CC00] =	vst v63  }
0x1a2: {  	_ =	swait.ge [sflag:s18], $0x3E80  }
0x1a3: {  	[sflag:s18] =	ssyncset.done $0x0  }
0x1a4: {  	[sflag:s18] =	ssyncadd.s32 $0xFFFFC180  }
0x1a5: {  	_ =	swait.ge [sflag:s19], $0x3E80  }
0x1a6: {  	[sflag:s19] =	ssyncset.done $0x0  }
0x1a7: {  	[sflag:s19] =	ssyncadd.s32 $0xFFFFC180  }
0x1a8: {  	[tilespmem:s14], [sflag:$0x1] =	stream.indirect.gather [hbm4b:s1+s13], $0x80, s22, s13, $0xb8;
	[tilespmem:$0x1CC00] =	vst v63  }
0x1a9: {  	_ = 	snop  }
0x1aa: {  	[tilespmem:s15], [sflag:$0x2] =	stream.indirect.gather [hbm4b:s1+s13], $0x80, s23, s13, $0xb8;
	[tilespmem:$0x1CC00] =	vst v63  }
0x1ab: {  	_ =	swait.ge [sflag:s16], $0x3E80  }
0x1ac: {  	[sflag:s16] =	ssyncset.done $0x0  }
0x1ad: {  	[sflag:s16] =	ssyncadd.s32 $0xFFFFC180  }
0x1ae: {  	[spmem:s4] =	stream.indirect.scatter.add.f32 [tilespmem:s14], [sflag:$0x3], $0x80, s24, s13, $0xb8;
	[tilespmem:$0x1CC00] =	vst v63  }
0x1af: {  	_ =	swait.ge [sflag:s17], $0x3E80  }
0x1b0: {  	[sflag:s17] =	ssyncset.done $0x0  }
0x1b1: {  	[sflag:s17] =	ssyncadd.s32 $0xFFFFC180  }
0x1b2: {  	[spmem:s4] =	stream.indirect.scatter.add.f32 [tilespmem:s15], [sflag:$0x4], $0x80, s25, s13, $0xb8;
	[tilespmem:$0x1CC00] =	vst v63  }
0x1b3: {  	_ =	swait.ge [sflag:s18], $0x3E80  }
0x1b4: {  	[sflag:s18] =	ssyncset.done $0x0  }
0x1b5: {  	[sflag:s18] =	ssyncadd.s32 $0xFFFFC180  }
0x1b6: {  	_ =	swait.ge [sflag:s19], $0x3E80  }
0x1b7: {  	[sflag:s19] =	ssyncset.done $0x0  }
0x1b8: {  	[sflag:s19] =	ssyncadd.s32 $0xFFFFC180  }
0x1b9: {  	[tilespmem:s14], [sflag:$0x1] =	stream.indirect.gather [hbm4b:s1+s13], $0x80, s26, s13, $0xb8;
	[tilespmem:$0x1CC00] =	vst v63  }
0x1ba: {  	_ = 	snop  }
0x1bb: {  	[tilespmem:s15], [sflag:$0x2] =	stream.indirect.gather [hbm4b:s1+s13], $0x80, s28, s13, $0xb8;
	[tilespmem:$0x1CC00] =	vst v63  }
0x1bc: {  	_ =	swait.ge [sflag:s16], $0x3E80  }
0x1bd: {  	[sflag:s16] =	ssyncset.done $0x0  }
0x1be: {  	[sflag:s16] =	ssyncadd.s32 $0xFFFFC180  }
0x1bf: {  	[spmem:s4] =	stream.indirect.scatter.add.f32 [tilespmem:s14], [sflag:$0x3], $0x80, s29, s13, $0xb8;
	[tilespmem:$0x1CC00] =	vst v63  }
0x1c0: {  	_ =	swait.ge [sflag:s17], $0x3E80  }
0x1c1: {  	[sflag:s17] =	ssyncset.done $0x0  }
0x1c2: {  	[sflag:s17] =	ssyncadd.s32 $0xFFFFC180  }
0x1c3: {  	[spmem:s4] =	stream.indirect.scatter.add.f32 [tilespmem:s15], [sflag:$0x4], $0x80, s30, s13, $0xb8;
	[tilespmem:$0x1CC00] =	vst v63  }
0x1c4: {  	_ =	swait.ge [sflag:s18], $0x3E80  }
0x1c5: {  	[sflag:s18] =	ssyncset.done $0x0  }
0x1c6: {  	[sflag:s18] =	ssyncadd.s32 $0xFFFFC180  }
0x1c7: {  	_ =	swait.ge [sflag:s19], $0x3E80  }
0x1c8: {  	[sflag:s19] =	ssyncset.done $0x0  }
0x1c9: {  	[sflag:s19] =	ssyncadd.s32 $0xFFFFC180  }
0x1ca: {  	[tilespmem:s14], [sflag:$0x1] =	stream.indirect.gather [hbm4b:s1+s13], $0x80, s31, s13, $0xb8;
	[tilespmem:$0x1CC00] =	vst v63  }
0x1cb: {  	_ = 	snop  }
0x1cc: {  	[tilespmem:s15], [sflag:$0x2] =	stream.indirect.gather [hbm4b:s1+s13], $0x80, s2, s13, $0xb8;
	[tilespmem:$0x1CC00] =	vst v63  }
0x1cd: {  	_ =	swait.ge [sflag:s16], $0x3E80  }
0x1ce: {  	[sflag:s16] =	ssyncset.done $0x0  }
0x1cf: {  	[sflag:s16] =	ssyncadd.s32 $0xFFFFC180  }
0x1d0: {  	[spmem:s4] =	stream.indirect.scatter.add.f32 [tilespmem:s14], [sflag:$0x3], $0x80, s0, s13, $0xb8;
	[tilespmem:$0x1CC00] =	vst v63  }
0x1d1: {  	_ =	swait.ge [sflag:s17], $0x3E80  }
0x1d2: {  	[sflag:s17] =	ssyncset.done $0x0  }
0x1d3: {  	[sflag:s17] =	ssyncadd.s32 $0xFFFFC180  }
0x1d4: {  	[spmem:s4] =	stream.indirect.scatter.add.f32 [tilespmem:s15], [sflag:$0x4], $0x80, s3, s13, $0xb8;
	[tilespmem:$0x1CC00] =	vst v63  }
0x1d5: {  	_ =	swait.ge [sflag:s18], $0x3E80  }
0x1d6: {  	[sflag:s18] =	ssyncset.done $0x0  }
0x1d7: {  	[sflag:s18] =	ssyncadd.s32 $0xFFFFC180  }
0x1d8: {  	_ =	swait.ge [sflag:s19], $0x3E80  }
0x1d9: {  	[sflag:s19] =	ssyncset.done $0x0  }
0x1da: {  	[sflag:s19] =	ssyncadd.s32 $0xFFFFC180  }
0x1db: {  	[bflag:$0x0] =	sbarrier.arrive $0xFFFF  }
0x1dc: {  	s7 =	rddreg [dreg:$0x17]  }
0x1dd: {  	s9 =	rddreg [dreg:$0x18]  }
0x1de: {  	s8 =	rddreg [dreg:$0x1a]  }
0x1df: {  	[hbm:s9], [sflag:s7] =	dma.local [spmem:s8], $0x2780  }
0x1e0: {  	_ =	swait.ge [sflag:s10], $0x2780  }
0x1e1: {  	s6 =	rddreg [dreg:$0x1b]  }
0x1e2: {  	s9 =	sadd.s32 $0x1, s6;
	s6 =	rddreg [dreg:$0x19]  }
0x1e3: {  	p0 =	sne.s32 s9, s6  }
.Ltmp1:
0x1e4: {  	_ = 	snop;
	(pc) =	sbr.rel @p0 .LBB2_1-.Ltmp1, $3  }
0x1e5: {  	_ =	sdelay $0x1  }
0x1e6: {  	[sflag:s10] =	ssyncset.done $0x0  }
0x1e7: {  	[sflag:s10] =	ssyncadd.s32 $0xFFFFD880  }
0x1e8: {  	_ =	sfence.sel $0x180000  }
0x1e9: {  	[bflag:$0x0] =	sbarrier.arrive $0xFFFF  }
0x1ea: {  	_ =	strace $0x90000047  }
0x1eb: {  	s0 =	stileid.u32;
	[bflag:$0x2] =	sbarrier.arrive $0xFFFF  }
0x1ec: {  	p0 =	sne.s32 s0, $0x0;
	s0 =	rddreg [dreg:$0x4]  }
0x1ed: {  	s0 =	sadd.s32 @!p0 $0x100000, s0  }
0x1ee: {  	[sflag:s0] =	ssyncadd.tile.s32 @!p0 $0x1;
	_ =	shalt  }
.Lfunc_end2:
_tile_overlayer_lowered:
.L_overlay_start_2:
0x1ef: {  	(tag) =	ssettag $0x2  }
0x1f0: {  	s0 =	rddreg [dreg:$0x0];
	s2 =	stileid.u32  }
0x1f1: {  	s1 =	rddreg [dreg:$0x1];
	p0 =	sne.s32 s2, $0x0  }
0x1f2: {  	s3 =	rddreg [dreg:$0x2];
	[bflag:$0x3] =	sbarrier.arrive $0xFFFF;
	s2 =	simm.s32 @!p0 $0x1C05  }
0x1f3: {  	[timem:s3], [sflag:s2] =	dma.local @!p0 [hbm:s0], s1  }
0x1f4: {  	s0 =	simm.s32 @!p0 $0x5  }
0x1f5: {  	_ =	swait.ge @!p0 [sflag:s0], s1  }
0x1f6: {  	s1 =	ssub.s32 @!p0 $0x0, s1;
	[sflag:s0] =	ssyncset.done @!p0 $0x0  }
0x1f7: {  	[sflag:s0] =	ssyncadd.s32 @!p0 s1  }
0x1f8: {  	[bflag:$0x3] =	sbarrier.arrive $0xFFFF  }
0x1f9: {  	_ =	shalt  }

// kernel: kernel.14.cloned.1.call-start
scs
__scs_entry_jumppad:
0x0: {  	(pc) =	sbr.rel $0x88, $3  }
0x1: {  	(tag) =	ssettag $0x0;
	lr =	simm.s32 $0x1  }
0x2: {  	[smem:$0x3F7E] =	sst lr;
	_ =	strace $0xD0000000  }
0x3: {  	_ = 	snop  }
0x4: {  	_ = 	snop  }
0x5: {  	_ = 	snop  }
0x6: {  	_ = 	snop  }
0x7: {  	_ = 	snop  }
__scs_overlays_trampoline_lowered:
0x8: {  	[smem:$0x3F8D] =	sst s0  }
0x9: {  	[smem:$0x3F8E] =	sst s1  }
0xa: {  	[smem:$0x3F8F] =	sst s2  }
0xb: {  	[smem:$0x3F90] =	sst s3  }
0xc: {  	[smem:$0x3F91] =	sst s4  }
0xd: {  	[smem:$0x3F92] =	sst s5  }
0xe: {  	[smem:$0x3F93] =	sst s6  }
0xf: {  	[smem:$0x3F94] =	sst s7  }
0x10: {  	[smem:$0x3F95] =	sst s8  }
0x11: {  	[smem:$0x3F96] =	sst s9;
	s0 =	simm.s32 @!p0 $0x0  }
0x12: {  	s1 =	sld [smem:$0x3F7C];
	s0 =	simm.s32 @p0 $0x1  }
0x13: {  	[smem:$0x3F97] =	sst s0;
	s0 =	simm.s32 @!p1 $0x0  }
0x14: {  	s2 =	sld [smem:$0x3F7B];
	s0 =	simm.s32 @p1 $0x1  }
0x15: {  	[smem:$0x3F98] =	sst s0;
	s0 =	simm.s32 @!p2 $0x0  }
0x16: {  	s3 =	sld [smem:$0x3FDB];
	s0 =	simm.s32 @p2 $0x1  }
0x17: {  	s4 =	simm.s32 $0x1BF5;
	[smem:$0x3F9A] =	sst s0  }
0x18: {  	s0 =	sld [smem:$0x3F7D];
	_ =	swait.ge [sflag:s4], $0x0  }
0x19: {  	s7 =	sld [smem:$0x3F7E]  }
0x1a: {  	s8 =	sadd.s32 $0xFFFFE003, lr  }
0x1b: {  	s9 =	sadd.s32 $0xFFFFFEF7, lr;
	s5 =	simm.s32 $0xFFFFFFFF;
	p2 =	slt.u32 s8, $0xFFFFF086  }
0x1c: {  	p1 =	slt.u32 s9, $0xF7A;
	s5 =	simm.s32 @!p2 $0x0  }
0x1d: {  	s5 =	simm.s32 @p1 $0x1;
	p0 =	seq.s32 s7, s2  }
0x1e: {  	s7 =	smul.u32 @!p0 $0xF7A, s2;
	p2 =	seq.s32 @!p0 s5, $0x0  }
0x1f: {  	s9 =	smul.u32 $0xF7A, s1;
	s8 =	simm.s32 @!p0 $0x1BF5;
	p2 =	por !p2, p0  }
0x20: {  	[sflag:s8] =	ssyncset.s32 @!p0 $0xFFFFF086;
	s6 =	sadd.s32 @!p0 s3, s7;
	s7 =	simm.s32 @!p0 $0x108  }
0x21: {  	s3 =	sadd.s32 s3, s9;
	s6 =	sadd.s32 @!p0 $0x88, s6;
	s7 =	simm.s32 @p2 $0x1082  }
0x22: {  	[simem:s7], [sflag:s8] =	dma.local @!p0 [hbm:s6], $0xF7A  }
0x23: {  	s9 =	sor.u32 $0xD0000000, s2;
	s6 =	simm.s32 $0x108;
	_ =	swait.ge @!p0 [sflag:s8], $0x0  }
0x24: {  	s3 =	sadd.s32 $0x88, s3;
	s6 =	simm.s32 @!p1 $0x1082;
	[sflag:s4] =	ssyncset.s32 $0xFFFFF086  }
0x25: {  	[simem:s6], [sflag:s4] =	dma.local [hbm:s3], $0xF7A  }
0x26: {  	[smem:$0x3F7E] =	sst s1;
	(tag) =	ssettag s2;
	_ =	strace s9  }
0x27: {  	s1 =	sld [smem:$0x3F8E]  }
0x28: {  	s2 =	sld [smem:$0x3F8F]  }
0x29: {  	s4 =	sld [smem:$0x3F91]  }
0x2a: {  	p0 =	seq.s32 s5, $0x0;
	s5 =	sld [smem:$0x3F92]  }
0x2b: {  	s6 =	sld [smem:$0x3F93]  }
0x2c: {  	s7 =	sld [smem:$0x3F94]  }
0x2d: {  	s3 =	simm.s32 $0x108;
	s8 =	sld [smem:$0x3F95]  }
0x2e: {  	s3 =	simm.s32 @!p0 $0x1082;
	s9 =	sld [smem:$0x3F96]  }
0x2f: {  	lr =	sadd.s32 s0, s3;
	s0 =	sld [smem:$0x3F8D]  }
0x30: {  	s3 =	sld [smem:$0x3F90]  }
0x31: {  	[smem:$0x3F99] =	sst s10  }
0x32: {  	s10 =	sld [smem:$0x3F97];
	_ =	sdelay $0x3  }
0x33: {  	p0 =	seq.s32 s10, $0x1;
	s10 =	sld [smem:$0x3F99];
	_ =	sdelay $0x3  }
0x34: {  	[smem:$0x3F99] =	sst s10  }
0x35: {  	s10 =	sld [smem:$0x3F98];
	_ =	sdelay $0x3  }
0x36: {  	p1 =	seq.s32 s10, $0x1;
	s10 =	sld [smem:$0x3F99];
	_ =	sdelay $0x3  }
0x37: {  	[smem:$0x3F99] =	sst s10  }
0x38: {  	s10 =	sld [smem:$0x3F9A]  }
0x39: {  	_ = 	snop;
	(pc) =	sbr.ind lr, $3  }
0x3a: {  	_ = 	snop  }
0x3b: {  	_ = 	snop  }
0x3c: {  	p2 =	seq.s32 s10, $0x1;
	s10 =	sld [smem:$0x3F99]  }
0x3d: {  	_ =	shalt  }
0x3e: {  	_ =	shalt  }
0x3f: {  	_ =	shalt  }
0x40: {  	_ =	shalt  }
0x41: {  	_ =	shalt  }
0x42: {  	_ =	shalt  }
0x43: {  	_ =	shalt  }
0x44: {  	_ =	shalt  }
0x45: {  	_ =	shalt  }
0x46: {  	_ =	shalt  }
0x47: {  	_ =	shalt  }
0x48: {  	_ =	shalt  }
0x49: {  	_ =	shalt  }
0x4a: {  	_ =	shalt  }
0x4b: {  	_ =	shalt  }
0x4c: {  	_ =	shalt  }
0x4d: {  	_ =	shalt  }
0x4e: {  	_ =	shalt  }
0x4f: {  	_ =	shalt  }
0x50: {  	_ =	shalt  }
0x51: {  	_ =	shalt  }
0x52: {  	_ =	shalt  }
0x53: {  	_ =	shalt  }
0x54: {  	_ =	shalt  }
0x55: {  	_ =	shalt  }
0x56: {  	_ =	shalt  }
0x57: {  	_ =	shalt  }
0x58: {  	_ =	shalt  }
0x59: {  	_ =	shalt  }
0x5a: {  	_ =	shalt  }
0x5b: {  	_ =	shalt  }
0x5c: {  	_ =	shalt  }
0x5d: {  	_ =	shalt  }
0x5e: {  	_ =	shalt  }
0x5f: {  	_ =	shalt  }
0x60: {  	_ =	shalt  }
0x61: {  	_ =	shalt  }
0x62: {  	_ =	shalt  }
0x63: {  	_ =	shalt  }
0x64: {  	_ =	shalt  }
0x65: {  	_ =	shalt  }
0x66: {  	_ =	shalt  }
0x67: {  	_ =	shalt  }
0x68: {  	_ =	shalt  }
0x69: {  	_ =	shalt  }
0x6a: {  	_ =	shalt  }
0x6b: {  	_ =	shalt  }
0x6c: {  	_ =	shalt  }
0x6d: {  	_ =	shalt  }
0x6e: {  	_ =	shalt  }
0x6f: {  	_ =	shalt  }
0x70: {  	_ =	shalt  }
0x71: {  	_ =	shalt  }
0x72: {  	_ =	shalt  }
0x73: {  	_ =	shalt  }
0x74: {  	_ =	shalt  }
0x75: {  	_ =	shalt  }
0x76: {  	_ =	shalt  }
0x77: {  	_ =	shalt  }
0x78: {  	_ =	shalt  }
0x79: {  	_ =	shalt  }
0x7a: {  	_ =	shalt  }
0x7b: {  	_ =	shalt  }
0x7c: {  	_ =	shalt  }
0x7d: {  	_ =	shalt  }
0x7e: {  	_ =	shalt  }
0x7f: {  	_ =	shalt  }
0x80: {  	_ =	shalt  }
0x81: {  	_ =	shalt  }
0x82: {  	_ =	shalt  }
0x83: {  	_ =	shalt  }
0x84: {  	_ =	shalt  }
0x85: {  	_ =	shalt  }
0x86: {  	_ =	shalt  }
0x87: {  	_ =	shalt  }
.Lfunc_end0:
.L_simem_size_0:
called_computation.1_lowered:
.L_overlay_start_0:
0x88: {  	s2 =	sld [smem:$0x3FD9]  }
0x89: {  	s3 =	sld [smem:$0x3FFE];
	_ =	sdelay $0x1  }
0x8a: {  	s1 =	srdreg.scid  }
0x8b: {  	s0 =	sand.u32 $0x1, s1  }
0x8c: {  	s17 =	sshll.u32 s0, $0xA;
	s2 =	sadd.s32 s3, s2  }
0x8d: {  	s2 =	sadd.s32 s2, s17  }
0x8e: {  	[smem:$0x3FA5] =	sst s2  }
0x8f: {  	_ = 	snop  }
0x90: {  	s2 =	sld [smem:$0x3FD0];
	(tm) =	ssettm $0x1  }
0x91: {  	s18 =	sld [smem:$0x3FFB];
	_ =	sdelay $0x3  }
0x92: {  	_ =	strace s18  }
0x93: {  	s3 =	sld [smem:$0x3FFC];
	_ =	sdelay $0x3  }
0x94: {  	_ =	strace s3  }
0x95: {  	s3 =	sld [smem:$0x3FFD];
	_ =	sdelay $0x3  }
0x96: {  	_ =	strace s3  }
0x97: {  	_ =	strace $0x8FFFFFFF  }
0x98: {  	s19 =	sld [smem:$0x3FDB];
	_ =	sdelay $0x1  }
0x99: {  	s4 =	simm.s32 $_scs_section_size  }
0x9a: {  	s5 =	simm.s32 $_size__tile_overlayer_lowered;
	s6 =	simm.s32 $_tile_overlayer_lowered  }
0x9b: {  	s22 =	simm.s32 $0x1BFF;
	s21 =	sshll.u32 s6, $0x1;
	s3 =	sadd.s32 s4, s19  }
0x9c: {  	s7 =	simm.s32 $0x0;
	s20 =	sshll.u32 s5, $0x1;
	s5 =	sadd.s32 s21, s3  }
0x9d: {  	[timem:s7], [sflag:s22] =	dma.local [hbm:s5], s20  }
0x9e: {  	_ =	swait.ge [sflag:s22], s20  }
0x9f: {  	s4 =	ssub.s32 $0x0, s20;
	[sflag:s22] =	ssyncset.done $0x0  }
0xa0: {  	[sflag:s22] =	ssyncadd.s32 s4;
	_ =	sdelay $0x1  }
0xa1: {  	s23 =	simm.s32 $0x1B8B  }
0xa2: {  	_ =	swait.ge [sflag:s23], $0x1  }
0xa3: {  	[sflag:s23] =	ssyncset.done $0x0  }
0xa4: {  	s25 =	simm.s32 $0x1B8E;
	s24 =	sld [smem:$0x3FFE];
	[sflag:s23] =	ssyncadd.s32 $0xFFFFFFFF  }
0xa5: {  	s26 =	simm.s32 $execute0_lowered;
	[smem:$0x3FD2] =	sst s25  }
0xa6: {  	s5 =	sshll.u32 s26, $0x1;
	_ =	strace $0x80000049;
	[dreg:$0x1] =	wrdreg $0xFFFFFFFF  }
0xa7: {  	s28 =	simm.s32 $_size_execute0_lowered;
	s3 =	sadd.s32 s3, s5;
	[dreg:$0x0] =	wrdreg $0x0  }
0xa8: {  	s5 =	sshll.u32 s28, $0x1;
	[dreg:$0x2] =	wrdreg s3  }
0xa9: {  	[dreg:$0x3] =	wrdreg s5  }
0xaa: {  	[dreg:$0x4] =	wrdreg $0xC0  }
0xab: {  	_ =	task [dreg:s7], $0x5FFFF  }
0xac: {  	[dreg:$0x1] =	wrdreg $0xFFFFFFFF  }
0xad: {  	[dreg:$0x0] =	wrdreg $0x60  }
0xae: {  	[dreg:$0x2] =	wrdreg s24  }
0xaf: {  	[dreg:$0x3] =	wrdreg s2  }
0xb0: {  	[dreg:$0x4] =	wrdreg $0x0  }
0xb1: {  	[dreg:$0x5] =	wrdreg $0x9  }
0xb2: {  	_ =	task.clear_ibuf [dreg:s7], $0x6FFFF;
	_ =	strace $0x90000049  }
0xb3: {  	s29 =	simm.s32 $0x9;
	_ =	strace $0x8000004B  }
0xb4: {  	_ =	swait.ge [sflag:s29], $0x1  }
0xb5: {  	[sflag:s29] =	ssyncadd.s32 $0xFFFFFFFF  }
0xb6: {  	_ =	strace $0x9000004B  }
0xb7: {  	_ =	sfence  }
0xb8: {  	s30 =	sld [smem:$0x0];
	_ =	sdelay $0x2  }
0xb9: {  	s31 =	sshll.u32 s1, $0xD;
	s1 =	sshrl.u32 s1, $0x2  }
0xba: {  	s3 =	sand.u32 $0x4000, s31;
	s1 =	sadd.s32 s1, s30  }
0xbb: {  	s0 =	sor.u32 s3, s0;
	s1 =	sshll.u32 s1, $0x11  }
0xbc: {  	s0 =	sor.u32 s1, s0  }
0xbd: {  	s0 =	sadd.s32 $0x8F2B, s0  }
0xbe: {  	[sflag:s0] =	ssyncadd.remote.s32 $0x1  }
0xbf: {  	_ =	sfence.sel $0xFFFF  }
0xc0: {  	[dreg:$0x0] =	wrdreg $0xFFFFFFFF;
	(pc) =	sbr.abs _section_cstart, $3  }
0xc1: {  	[dreg:$0x1] =	wrdreg $0xFFFFFFFF  }
0xc2: {  	_ =	task.clear_ibuf [dreg:s7], $0x2FFFF;
	_ =	strace $0x9FFFFFFF  }
0xc3: {  	(tm) =	ssettm $0x7FFFFFFF  }
tec
execute0_lowered:
.L_overlay_start_1:
0x0: {  	(tag) =	ssettag $0x1  }
0x1: {  	s0 =	rddreg [dreg:$0x0];
	s1 =	srdreg.scid  }
0x2: {  	s9 =	stileid.u32;
	s3 =	rddreg [dreg:$0x2];
	s4 =	simm.s32 $0x0  }
0x3: {  	s11 =	simm.s32 $0x14480;
	s12 =	simm.s32 $0x13D00;
	s14 =	simm.s32 $0x13D80  }
0x4: {  	s15 =	simm.s32 $0x14500;
	s16 =	simm.s32 $0x14580;
	s17 =	simm.s32 $0x13E00  }
0x5: {  	s18 =	simm.s32 $0x13E80;
	s19 =	simm.s32 $0x14600;
	[smem:$0x7FF] =	sst s4  }
0x6: {  	s20 =	simm.s32 $0x14680;
	_ =	strace $0x8000004A;
	[dreg:$0x7] =	wrdreg s11  }
0x7: {  	s21 =	simm.s32 $0x13F00;
	s22 =	simm.s32 $0x13F80;
	[dreg:$0x8] =	wrdreg s12  }
0x8: {  	s23 =	simm.s32 $0x14700;
	s24 =	simm.s32 $0x14780;
	[dreg:$0x9] =	wrdreg s14  }
0x9: {  	s28 =	simm.s32 $0x14280;
	s29 =	simm.s32 $0x14A00;
	[dreg:$0xa] =	wrdreg s15  }
0xa: {  	s30 =	simm.s32 $0x14A80;
	s5 =	smul.u32 $0x2800, s9;
	[dreg:$0xb] =	wrdreg s16  }
0xb: {  	s31 =	simm.s32 $0x14300;
	s7 =	smul.u32 $0x13C00, s9;
	[dreg:$0xc] =	wrdreg s17  }
0xc: {  	s1 =	sand.u32 $0x1, s1;
	s8 =	smul.u32 $0x4F000, s9;
	[dreg:$0xd] =	wrdreg s18  }
0xd: {  	s13 =	sshll.u32 s9, $0x6;
	s2 =	smul.u32 $0x28000, s1;
	[dreg:$0xe] =	wrdreg s19  }
0xe: {  	s9 =	simm.s32 $0x0;
	s6 =	smul.u32 $0x13C000, s1;
	[dreg:$0xf] =	wrdreg s20  }
0xf: {  	s1 =	ssub.s32 $0x2, s1;
	s11 =	simm.s32 $0x13C00;
	[dreg:$0x10] =	wrdreg s21  }
0x10: {  	s12 =	simm.s32 $0x14400;
	s14 =	simm.s32 $0x14C00;
	[dreg:$0x11] =	wrdreg s22  }
0x11: {  	s15 =	simm.s32 $0x18C00;
	[dreg:$0x12] =	wrdreg s23;
	s16 =	simm.s32 $0x1  }
0x12: {  	[dreg:$0x13] =	wrdreg s24;
	s17 =	simm.s32 $0x2;
	s18 =	simm.s32 $0x3  }
0x13: {  	s19 =	simm.s32 $0x4;
	s20 =	simm.s32 $0x14800;
	s21 =	simm.s32 $0x14880  }
0x14: {  	s22 =	simm.s32 $0x14100;
	s23 =	simm.s32 $0x14180;
	s24 =	simm.s32 $0x14900  }
0x15: {  	s25 =	sshrl.u32 s1, $0x1;
	s10 =	sshrl.u32 s8, $0x2;
	s2 =	sadd.s32 s5, s2  }
0x16: {  	s5 =	sadd.s32 $0x1AA00, s0;
	s6 =	sadd.s32 s7, s6;
	s1 =	ssub.s32 s1, s25  }
0x17: {  	s7 =	simm.s32 $0x13C80;
	s25 =	simm.s32 $0x14000;
	s2 =	sshrl.u32 s2, $0x3  }
0x18: {  	s6 =	sshrl.u32 s6, $0x3;
	[dreg:$0x6] =	wrdreg s7;
	s7 =	sor.u32 $0x1C05, s13  }
0x19: {  	s1 =	smax.u32 s1, $0x1;
	s13 =	simm.s32 $0x7D;
	[dreg:$0x14] =	wrdreg s25  }
0x1a: {  	s25 =	simm.s32 $0x14980;
	s2 =	sadd.s32 s2, s0;
	[dreg:$0x18] =	wrdreg s1  }
0x1b: {  	s0 =	sadd.s32 s6, s0;
	[dreg:$0x16] =	wrdreg s7;
	s26 =	sadd.s32 $0x10A00, s2  }
0x1c: {  	s6 =	sadd.s32 s10, s3;
	s2 =	sadd.s32 $0x6A00, s2;
	[dreg:$0x4] =	wrdreg s26  }
0x1d: {  	s10 =	simm.s32 $0x5;
	s0 =	sadd.s32 $0x90000, s0;
	[dreg:$0x5] =	wrdreg s2  }
0x1e: {  	s1 =	simm.s32 $0x14380;
	s8 =	sshrl.u32 s6, $0x3;
	[dreg:$0x17] =	wrdreg s0  }
0x1f: {  	s26 =	simm.s32 $0x14080;
	s0 =	simm.s32 $0x14B00;
	[dreg:$0x19] =	wrdreg s8  }
0x20: {  	s2 =	simm.s32 $0x14B80;
	[dreg:$0x15] =	wrdreg s26;
	s26 =	simm.s32 $0x14200  }
.LBB2_1:
0x21: {  	[dreg:$0x1a] =	wrdreg s9  }
0x22: {  	s6 =	rddreg [dreg:$0x1]  }
0x23: {  	[spmem:s8], [sflag:s7] =	dma.local [hbm:s6], $0x2780  }
0x24: {  	_ =	swait.ge [sflag:s10], $0x2780  }
0x25: {  	[sflag:s10] =	ssyncset.done $0x0  }
0x26: {  	[sflag:s10] =	ssyncadd.s32 $0xFFFFD880  }
0x27: {  	[bflag:$0x0] =	sbarrier.arrive $0xFFFF  }
0x28: {  	s8 =	rddreg [dreg:$0x5]  }
0x29: {  	s6 =	sadd.s32 $0x0, s8  }
0x2a: {  	[tilespmem:s11], [sflag:$0x5] =	stream.linear.gather [hbm4b:s6+s4], $0x800, $0x38;
	[tilespmem:$0x1CC00] =	vst v63  }
0x2b: {  	_ =	swait.ge [sflag:s10], $0x800  }
0x2c: {  	s9 =	rddreg [dreg:$0x4];
	[sflag:s10] =	ssyncset.done $0x0  }
0x2d: {  	[sflag:s10] =	ssyncadd.s32 $0xFFFFF800;
	s6 =	sadd.s32 $0x0, s9  }
0x2e: {  	[tilespmem:s12], [sflag:$0x5] =	stream.linear.gather [hbm4b:s6+s4], $0x800, $0x38;
	[tilespmem:$0x1CC00] =	vst v63  }
0x2f: {  	_ =	swait.ge [sflag:s10], $0x800  }
0x30: {  	[sflag:s10] =	ssyncset.done $0x0  }
0x31: {  	[sflag:s10] =	ssyncadd.s32 $0xFFFFF800  }
0x32: {  	[tilespmem:s14], [sflag:$0x1] =	stream.indirect.gather [hbm4b:s5+s13], $0x80, s11, s13, $0xb8;
	[tilespmem:$0x1CC00] =	vst v63  }
0x33: {  	s7 =	rddreg [dreg:$0x6]  }
0x34: {  	[tilespmem:s15], [sflag:$0x2] =	stream.indirect.gather [hbm4b:s5+s13], $0x80, s7, s13, $0xb8;
	[tilespmem:$0x1CC00] =	vst v63  }
0x35: {  	_ =	swait.ge [sflag:s16], $0x3E80  }
0x36: {  	[sflag:s16] =	ssyncset.done $0x0  }
0x37: {  	[sflag:s16] =	ssyncadd.s32 $0xFFFFC180  }
0x38: {  	[spmem:s3] =	stream.indirect.scatter.add.f32 [tilespmem:s14], [sflag:$0x3], $0x80, s12, s13, $0xb8;
	[tilespmem:$0x1CC00] =	vst v63  }
0x39: {  	_ =	swait.ge [sflag:s17], $0x3E80  }
0x3a: {  	[sflag:s17] =	ssyncset.done $0x0  }
0x3b: {  	s8 =	rddreg [dreg:$0x7];
	[sflag:s17] =	ssyncadd.s32 $0xFFFFC180  }
0x3c: {  	[spmem:s3] =	stream.indirect.scatter.add.f32 [tilespmem:s15], [sflag:$0x4], $0x80, s8, s13, $0xb8;
	[tilespmem:$0x1CC00] =	vst v63  }
0x3d: {  	_ =	swait.ge [sflag:s18], $0x3E80  }
0x3e: {  	[sflag:s18] =	ssyncset.done $0x0  }
0x3f: {  	[sflag:s18] =	ssyncadd.s32 $0xFFFFC180  }
0x40: {  	_ =	swait.ge [sflag:s19], $0x3E80  }
0x41: {  	[sflag:s19] =	ssyncset.done $0x0  }
0x42: {  	s9 =	rddreg [dreg:$0x8];
	[sflag:s19] =	ssyncadd.s32 $0xFFFFC180  }
0x43: {  	[tilespmem:s14], [sflag:$0x1] =	stream.indirect.gather [hbm4b:s5+s13], $0x80, s9, s13, $0xb8;
	[tilespmem:$0x1CC00] =	vst v63  }
0x44: {  	s7 =	rddreg [dreg:$0x9]  }
0x45: {  	[tilespmem:s15], [sflag:$0x2] =	stream.indirect.gather [hbm4b:s5+s13], $0x80, s7, s13, $0xb8;
	[tilespmem:$0x1CC00] =	vst v63  }
0x46: {  	_ =	swait.ge [sflag:s16], $0x3E80  }
0x47: {  	[sflag:s16] =	ssyncset.done $0x0  }
0x48: {  	s9 =	rddreg [dreg:$0xa];
	[sflag:s16] =	ssyncadd.s32 $0xFFFFC180  }
0x49: {  	[spmem:s3] =	stream.indirect.scatter.add.f32 [tilespmem:s14], [sflag:$0x3], $0x80, s9, s13, $0xb8;
	[tilespmem:$0x1CC00] =	vst v63  }
0x4a: {  	_ =	swait.ge [sflag:s17], $0x3E80  }
0x4b: {  	[sflag:s17] =	ssyncset.done $0x0  }
0x4c: {  	s7 =	rddreg [dreg:$0xb];
	[sflag:s17] =	ssyncadd.s32 $0xFFFFC180  }
0x4d: {  	[spmem:s3] =	stream.indirect.scatter.add.f32 [tilespmem:s15], [sflag:$0x4], $0x80, s7, s13, $0xb8;
	[tilespmem:$0x1CC00] =	vst v63  }
0x4e: {  	_ =	swait.ge [sflag:s18], $0x3E80  }
0x4f: {  	[sflag:s18] =	ssyncset.done $0x0  }
0x50: {  	[sflag:s18] =	ssyncadd.s32 $0xFFFFC180  }
0x51: {  	_ =	swait.ge [sflag:s19], $0x3E80  }
0x52: {  	[sflag:s19] =	ssyncset.done $0x0  }
0x53: {  	s8 =	rddreg [dreg:$0xc];
	[sflag:s19] =	ssyncadd.s32 $0xFFFFC180  }
0x54: {  	[tilespmem:s14], [sflag:$0x1] =	stream.indirect.gather [hbm4b:s5+s13], $0x80, s8, s13, $0xb8;
	[tilespmem:$0x1CC00] =	vst v63  }
0x55: {  	s9 =	rddreg [dreg:$0xd]  }
0x56: {  	[tilespmem:s15], [sflag:$0x2] =	stream.indirect.gather [hbm4b:s5+s13], $0x80, s9, s13, $0xb8;
	[tilespmem:$0x1CC00] =	vst v63  }
0x57: {  	_ =	swait.ge [sflag:s16], $0x3E80  }
0x58: {  	[sflag:s16] =	ssyncset.done $0x0  }
0x59: {  	s7 =	rddreg [dreg:$0xe];
	[sflag:s16] =	ssyncadd.s32 $0xFFFFC180  }
0x5a: {  	[spmem:s3] =	stream.indirect.scatter.add.f32 [tilespmem:s14], [sflag:$0x3], $0x80, s7, s13, $0xb8;
	[tilespmem:$0x1CC00] =	vst v63  }
0x5b: {  	_ =	swait.ge [sflag:s17], $0x3E80  }
0x5c: {  	[sflag:s17] =	ssyncset.done $0x0  }
0x5d: {  	s8 =	rddreg [dreg:$0xf];
	[sflag:s17] =	ssyncadd.s32 $0xFFFFC180  }
0x5e: {  	[spmem:s3] =	stream.indirect.scatter.add.f32 [tilespmem:s15], [sflag:$0x4], $0x80, s8, s13, $0xb8;
	[tilespmem:$0x1CC00] =	vst v63  }
0x5f: {  	_ =	swait.ge [sflag:s18], $0x3E80  }
0x60: {  	[sflag:s18] =	ssyncset.done $0x0  }
0x61: {  	[sflag:s18] =	ssyncadd.s32 $0xFFFFC180  }
0x62: {  	_ =	swait.ge [sflag:s19], $0x3E80  }
0x63: {  	[sflag:s19] =	ssyncset.done $0x0  }
0x64: {  	s9 =	rddreg [dreg:$0x10];
	[sflag:s19] =	ssyncadd.s32 $0xFFFFC180  }
0x65: {  	[tilespmem:s14], [sflag:$0x1] =	stream.indirect.gather [hbm4b:s5+s13], $0x80, s9, s13, $0xb8;
	[tilespmem:$0x1CC00] =	vst v63  }
0x66: {  	s7 =	rddreg [dreg:$0x11]  }
0x67: {  	[tilespmem:s15], [sflag:$0x2] =	stream.indirect.gather [hbm4b:s5+s13], $0x80, s7, s13, $0xb8;
	[tilespmem:$0x1CC00] =	vst v63  }
0x68: {  	_ =	swait.ge [sflag:s16], $0x3E80  }
0x69: {  	[sflag:s16] =	ssyncset.done $0x0  }
0x6a: {  	s9 =	rddreg [dreg:$0x12];
	[sflag:s16] =	ssyncadd.s32 $0xFFFFC180  }
0x6b: {  	[spmem:s3] =	stream.indirect.scatter.add.f32 [tilespmem:s14], [sflag:$0x3], $0x80, s9, s13, $0xb8;
	[tilespmem:$0x1CC00] =	vst v63  }
0x6c: {  	_ =	swait.ge [sflag:s17], $0x3E80  }
0x6d: {  	[sflag:s17] =	ssyncset.done $0x0  }
0x6e: {  	s7 =	rddreg [dreg:$0x13];
	[sflag:s17] =	ssyncadd.s32 $0xFFFFC180  }
0x6f: {  	[spmem:s3] =	stream.indirect.scatter.add.f32 [tilespmem:s15], [sflag:$0x4], $0x80, s7, s13, $0xb8;
	[tilespmem:$0x1CC00] =	vst v63  }
0x70: {  	_ =	swait.ge [sflag:s18], $0x3E80  }
0x71: {  	[sflag:s18] =	ssyncset.done $0x0  }
0x72: {  	[sflag:s18] =	ssyncadd.s32 $0xFFFFC180  }
0x73: {  	_ =	swait.ge [sflag:s19], $0x3E80  }
0x74: {  	[sflag:s19] =	ssyncset.done $0x0  }
0x75: {  	s8 =	rddreg [dreg:$0x14];
	[sflag:s19] =	ssyncadd.s32 $0xFFFFC180  }
0x76: {  	[tilespmem:s14], [sflag:$0x1] =	stream.indirect.gather [hbm4b:s5+s13], $0x80, s8, s13, $0xb8;
	[tilespmem:$0x1CC00] =	vst v63  }
0x77: {  	s9 =	rddreg [dreg:$0x15]  }
0x78: {  	[tilespmem:s15], [sflag:$0x2] =	stream.indirect.gather [hbm4b:s5+s13], $0x80, s9, s13, $0xb8;
	[tilespmem:$0x1CC00] =	vst v63  }
0x79: {  	_ =	swait.ge [sflag:s16], $0x3E80  }
0x7a: {  	[sflag:s16] =	ssyncset.done $0x0  }
0x7b: {  	[sflag:s16] =	ssyncadd.s32 $0xFFFFC180  }
0x7c: {  	[spmem:s3] =	stream.indirect.scatter.add.f32 [tilespmem:s14], [sflag:$0x3], $0x80, s20, s13, $0xb8;
	[tilespmem:$0x1CC00] =	vst v63  }
0x7d: {  	_ =	swait.ge [sflag:s17], $0x3E80  }
0x7e: {  	[sflag:s17] =	ssyncset.done $0x0  }
0x7f: {  	[sflag:s17] =	ssyncadd.s32 $0xFFFFC180  }
0x80: {  	[spmem:s3] =	stream.indirect.scatter.add.f32 [tilespmem:s15], [sflag:$0x4], $0x80, s21, s13, $0xb8;
	[tilespmem:$0x1CC00] =	vst v63  }
0x81: {  	_ =	swait.ge [sflag:s18], $0x3E80  }
0x82: {  	[sflag:s18] =	ssyncset.done $0x0  }
0x83: {  	[sflag:s18] =	ssyncadd.s32 $0xFFFFC180  }
0x84: {  	_ =	swait.ge [sflag:s19], $0x3E80  }
0x85: {  	[sflag:s19] =	ssyncset.done $0x0  }
0x86: {  	[sflag:s19] =	ssyncadd.s32 $0xFFFFC180  }
0x87: {  	[tilespmem:s14], [sflag:$0x1] =	stream.indirect.gather [hbm4b:s5+s13], $0x80, s22, s13, $0xb8;
	[tilespmem:$0x1CC00] =	vst v63  }
0x88: {  	_ = 	snop  }
0x89: {  	[tilespmem:s15], [sflag:$0x2] =	stream.indirect.gather [hbm4b:s5+s13], $0x80, s23, s13, $0xb8;
	[tilespmem:$0x1CC00] =	vst v63  }
0x8a: {  	_ =	swait.ge [sflag:s16], $0x3E80  }
0x8b: {  	[sflag:s16] =	ssyncset.done $0x0  }
0x8c: {  	[sflag:s16] =	ssyncadd.s32 $0xFFFFC180  }
0x8d: {  	[spmem:s3] =	stream.indirect.scatter.add.f32 [tilespmem:s14], [sflag:$0x3], $0x80, s24, s13, $0xb8;
	[tilespmem:$0x1CC00] =	vst v63  }
0x8e: {  	_ =	swait.ge [sflag:s17], $0x3E80  }
0x8f: {  	[sflag:s17] =	ssyncset.done $0x0  }
0x90: {  	[sflag:s17] =	ssyncadd.s32 $0xFFFFC180  }
0x91: {  	[spmem:s3] =	stream.indirect.scatter.add.f32 [tilespmem:s15], [sflag:$0x4], $0x80, s25, s13, $0xb8;
	[tilespmem:$0x1CC00] =	vst v63  }
0x92: {  	_ =	swait.ge [sflag:s18], $0x3E80  }
0x93: {  	[sflag:s18] =	ssyncset.done $0x0  }
0x94: {  	[sflag:s18] =	ssyncadd.s32 $0xFFFFC180  }
0x95: {  	_ =	swait.ge [sflag:s19], $0x3E80  }
0x96: {  	[sflag:s19] =	ssyncset.done $0x0  }
0x97: {  	[sflag:s19] =	ssyncadd.s32 $0xFFFFC180  }
0x98: {  	[tilespmem:s14], [sflag:$0x1] =	stream.indirect.gather [hbm4b:s5+s13], $0x80, s26, s13, $0xb8;
	[tilespmem:$0x1CC00] =	vst v63  }
0x99: {  	_ = 	snop  }
0x9a: {  	[tilespmem:s15], [sflag:$0x2] =	stream.indirect.gather [hbm4b:s5+s13], $0x80, s28, s13, $0xb8;
	[tilespmem:$0x1CC00] =	vst v63  }
0x9b: {  	_ =	swait.ge [sflag:s16], $0x3E80  }
0x9c: {  	[sflag:s16] =	ssyncset.done $0x0  }
0x9d: {  	[sflag:s16] =	ssyncadd.s32 $0xFFFFC180  }
0x9e: {  	[spmem:s3] =	stream.indirect.scatter.add.f32 [tilespmem:s14], [sflag:$0x3], $0x80, s29, s13, $0xb8;
	[tilespmem:$0x1CC00] =	vst v63  }
0x9f: {  	_ =	swait.ge [sflag:s17], $0x3E80  }
0xa0: {  	[sflag:s17] =	ssyncset.done $0x0  }
0xa1: {  	[sflag:s17] =	ssyncadd.s32 $0xFFFFC180  }
0xa2: {  	[spmem:s3] =	stream.indirect.scatter.add.f32 [tilespmem:s15], [sflag:$0x4], $0x80, s30, s13, $0xb8;
	[tilespmem:$0x1CC00] =	vst v63  }
0xa3: {  	_ =	swait.ge [sflag:s18], $0x3E80  }
0xa4: {  	[sflag:s18] =	ssyncset.done $0x0  }
0xa5: {  	[sflag:s18] =	ssyncadd.s32 $0xFFFFC180  }
0xa6: {  	_ =	swait.ge [sflag:s19], $0x3E80  }
0xa7: {  	[sflag:s19] =	ssyncset.done $0x0  }
0xa8: {  	[sflag:s19] =	ssyncadd.s32 $0xFFFFC180  }
0xa9: {  	[tilespmem:s14], [sflag:$0x1] =	stream.indirect.gather [hbm4b:s5+s13], $0x80, s31, s13, $0xb8;
	[tilespmem:$0x1CC00] =	vst v63  }
0xaa: {  	_ = 	snop  }
0xab: {  	[tilespmem:s15], [sflag:$0x2] =	stream.indirect.gather [hbm4b:s5+s13], $0x80, s1, s13, $0xb8;
	[tilespmem:$0x1CC00] =	vst v63  }
0xac: {  	_ =	swait.ge [sflag:s16], $0x3E80  }
0xad: {  	[sflag:s16] =	ssyncset.done $0x0  }
0xae: {  	[sflag:s16] =	ssyncadd.s32 $0xFFFFC180  }
0xaf: {  	[spmem:s3] =	stream.indirect.scatter.add.f32 [tilespmem:s14], [sflag:$0x3], $0x80, s0, s13, $0xb8;
	[tilespmem:$0x1CC00] =	vst v63  }
0xb0: {  	_ =	swait.ge [sflag:s17], $0x3E80  }
0xb1: {  	[sflag:s17] =	ssyncset.done $0x0  }
0xb2: {  	[sflag:s17] =	ssyncadd.s32 $0xFFFFC180  }
0xb3: {  	[spmem:s3] =	stream.indirect.scatter.add.f32 [tilespmem:s15], [sflag:$0x4], $0x80, s2, s13, $0xb8;
	[tilespmem:$0x1CC00] =	vst v63  }
0xb4: {  	_ =	swait.ge [sflag:s18], $0x3E80  }
0xb5: {  	[sflag:s18] =	ssyncset.done $0x0  }
0xb6: {  	[sflag:s18] =	ssyncadd.s32 $0xFFFFC180  }
0xb7: {  	s6 =	simm.s32 $0x200;
	_ =	swait.ge [sflag:s19], $0x3E80  }
0xb8: {  	s8 =	simm.s32 $0x100;
	s9 =	rddreg [dreg:$0x5];
	[sflag:s19] =	ssyncset.done $0x0  }
.LBB2_2:
0xb9: {  	[sflag:s19] =	ssyncadd.s32 $0xFFFFC180;
	s9 =	sadd.s32 s8, s9  }
0xba: {  	[tilespmem:s11], [sflag:$0x5] =	stream.linear.gather [hbm4b:s9+s4], $0x800, $0x38;
	[tilespmem:$0x1CC00] =	vst v63  }
0xbb: {  	_ =	swait.ge [sflag:s10], $0x800  }
0xbc: {  	s9 =	rddreg [dreg:$0x4];
	[sflag:s10] =	ssyncset.done $0x0  }
0xbd: {  	[sflag:s10] =	ssyncadd.s32 $0xFFFFF800;
	s9 =	sadd.s32 s8, s9  }
0xbe: {  	[tilespmem:s12], [sflag:$0x5] =	stream.linear.gather [hbm4b:s9+s4], $0x800, $0x38;
	[tilespmem:$0x1CC00] =	vst v63  }
0xbf: {  	_ =	swait.ge [sflag:s10], $0x800  }
0xc0: {  	[sflag:s10] =	ssyncset.done $0x0  }
0xc1: {  	[sflag:s10] =	ssyncadd.s32 $0xFFFFF800  }
0xc2: {  	[tilespmem:s14], [sflag:$0x1] =	stream.indirect.gather [hbm4b:s5+s13], $0x80, s11, s13, $0xb8;
	[tilespmem:$0x1CC00] =	vst v63  }
0xc3: {  	s9 =	rddreg [dreg:$0x6]  }
0xc4: {  	[tilespmem:s15], [sflag:$0x2] =	stream.indirect.gather [hbm4b:s5+s13], $0x80, s9, s13, $0xb8;
	[tilespmem:$0x1CC00] =	vst v63  }
0xc5: {  	_ =	swait.ge [sflag:s16], $0x3E80  }
0xc6: {  	[sflag:s16] =	ssyncset.done $0x0  }
0xc7: {  	[sflag:s16] =	ssyncadd.s32 $0xFFFFC180  }
0xc8: {  	[spmem:s3] =	stream.indirect.scatter.add.f32 [tilespmem:s14], [sflag:$0x3], $0x80, s12, s13, $0xb8;
	[tilespmem:$0x1CC00] =	vst v63  }
0xc9: {  	_ =	swait.ge [sflag:s17], $0x3E80  }
0xca: {  	[sflag:s17] =	ssyncset.done $0x0  }
0xcb: {  	s9 =	rddreg [dreg:$0x7];
	[sflag:s17] =	ssyncadd.s32 $0xFFFFC180  }
0xcc: {  	[spmem:s3] =	stream.indirect.scatter.add.f32 [tilespmem:s15], [sflag:$0x4], $0x80, s9, s13, $0xb8;
	[tilespmem:$0x1CC00] =	vst v63  }
0xcd: {  	_ =	swait.ge [sflag:s18], $0x3E80  }
0xce: {  	[sflag:s18] =	ssyncset.done $0x0  }
0xcf: {  	[sflag:s18] =	ssyncadd.s32 $0xFFFFC180  }
0xd0: {  	_ =	swait.ge [sflag:s19], $0x3E80  }
0xd1: {  	s7 =	smov.u32 s6;
	[sflag:s19] =	ssyncset.done $0x0  }
0xd2: {  	s8 =	smov.u32 s7;
	s7 =	rddreg [dreg:$0x8];
	[sflag:s19] =	ssyncadd.s32 $0xFFFFC180  }
0xd3: {  	[tilespmem:s14], [sflag:$0x1] =	stream.indirect.gather [hbm4b:s5+s13], $0x80, s7, s13, $0xb8;
	[tilespmem:$0x1CC00] =	vst v63  }
0xd4: {  	s9 =	rddreg [dreg:$0x9]  }
0xd5: {  	[tilespmem:s15], [sflag:$0x2] =	stream.indirect.gather [hbm4b:s5+s13], $0x80, s9, s13, $0xb8;
	[tilespmem:$0x1CC00] =	vst v63  }
0xd6: {  	_ =	swait.ge [sflag:s16], $0x3E80  }
0xd7: {  	[sflag:s16] =	ssyncset.done $0x0  }
0xd8: {  	s9 =	rddreg [dreg:$0xa];
	[sflag:s16] =	ssyncadd.s32 $0xFFFFC180  }
0xd9: {  	[spmem:s3] =	stream.indirect.scatter.add.f32 [tilespmem:s14], [sflag:$0x3], $0x80, s9, s13, $0xb8;
	[tilespmem:$0x1CC00] =	vst v63  }
0xda: {  	_ =	swait.ge [sflag:s17], $0x3E80  }
0xdb: {  	[sflag:s17] =	ssyncset.done $0x0  }
0xdc: {  	s9 =	rddreg [dreg:$0xb];
	[sflag:s17] =	ssyncadd.s32 $0xFFFFC180  }
0xdd: {  	[spmem:s3] =	stream.indirect.scatter.add.f32 [tilespmem:s15], [sflag:$0x4], $0x80, s9, s13, $0xb8;
	[tilespmem:$0x1CC00] =	vst v63  }
0xde: {  	_ =	swait.ge [sflag:s18], $0x3E80  }
0xdf: {  	[sflag:s18] =	ssyncset.done $0x0  }
0xe0: {  	[sflag:s18] =	ssyncadd.s32 $0xFFFFC180  }
0xe1: {  	_ =	swait.ge [sflag:s19], $0x3E80  }
0xe2: {  	[sflag:s19] =	ssyncset.done $0x0  }
0xe3: {  	s7 =	rddreg [dreg:$0xc];
	[sflag:s19] =	ssyncadd.s32 $0xFFFFC180  }
0xe4: {  	[tilespmem:s14], [sflag:$0x1] =	stream.indirect.gather [hbm4b:s5+s13], $0x80, s7, s13, $0xb8;
	[tilespmem:$0x1CC00] =	vst v63  }
0xe5: {  	s9 =	rddreg [dreg:$0xd]  }
0xe6: {  	[tilespmem:s15], [sflag:$0x2] =	stream.indirect.gather [hbm4b:s5+s13], $0x80, s9, s13, $0xb8;
	[tilespmem:$0x1CC00] =	vst v63  }
0xe7: {  	_ =	swait.ge [sflag:s16], $0x3E80  }
0xe8: {  	[sflag:s16] =	ssyncset.done $0x0  }
0xe9: {  	s9 =	rddreg [dreg:$0xe];
	[sflag:s16] =	ssyncadd.s32 $0xFFFFC180  }
0xea: {  	[spmem:s3] =	stream.indirect.scatter.add.f32 [tilespmem:s14], [sflag:$0x3], $0x80, s9, s13, $0xb8;
	[tilespmem:$0x1CC00] =	vst v63  }
0xeb: {  	_ =	swait.ge [sflag:s17], $0x3E80  }
0xec: {  	[sflag:s17] =	ssyncset.done $0x0  }
0xed: {  	s9 =	rddreg [dreg:$0xf];
	[sflag:s17] =	ssyncadd.s32 $0xFFFFC180  }
0xee: {  	[spmem:s3] =	stream.indirect.scatter.add.f32 [tilespmem:s15], [sflag:$0x4], $0x80, s9, s13, $0xb8;
	[tilespmem:$0x1CC00] =	vst v63  }
0xef: {  	_ =	swait.ge [sflag:s18], $0x3E80  }
0xf0: {  	[sflag:s18] =	ssyncset.done $0x0  }
0xf1: {  	[sflag:s18] =	ssyncadd.s32 $0xFFFFC180  }
0xf2: {  	_ =	swait.ge [sflag:s19], $0x3E80  }
0xf3: {  	[sflag:s19] =	ssyncset.done $0x0  }
0xf4: {  	s7 =	rddreg [dreg:$0x10];
	[sflag:s19] =	ssyncadd.s32 $0xFFFFC180  }
0xf5: {  	[tilespmem:s14], [sflag:$0x1] =	stream.indirect.gather [hbm4b:s5+s13], $0x80, s7, s13, $0xb8;
	[tilespmem:$0x1CC00] =	vst v63  }
0xf6: {  	s9 =	rddreg [dreg:$0x11]  }
0xf7: {  	[tilespmem:s15], [sflag:$0x2] =	stream.indirect.gather [hbm4b:s5+s13], $0x80, s9, s13, $0xb8;
	[tilespmem:$0x1CC00] =	vst v63  }
0xf8: {  	_ =	swait.ge [sflag:s16], $0x3E80  }
0xf9: {  	[sflag:s16] =	ssyncset.done $0x0  }
0xfa: {  	s9 =	rddreg [dreg:$0x12];
	[sflag:s16] =	ssyncadd.s32 $0xFFFFC180  }
0xfb: {  	[spmem:s3] =	stream.indirect.scatter.add.f32 [tilespmem:s14], [sflag:$0x3], $0x80, s9, s13, $0xb8;
	[tilespmem:$0x1CC00] =	vst v63  }
0xfc: {  	_ =	swait.ge [sflag:s17], $0x3E80  }
0xfd: {  	[sflag:s17] =	ssyncset.done $0x0  }
0xfe: {  	s9 =	rddreg [dreg:$0x13];
	[sflag:s17] =	ssyncadd.s32 $0xFFFFC180  }
0xff: {  	[spmem:s3] =	stream.indirect.scatter.add.f32 [tilespmem:s15], [sflag:$0x4], $0x80, s9, s13, $0xb8;
	[tilespmem:$0x1CC00] =	vst v63  }
0x100: {  	_ =	swait.ge [sflag:s18], $0x3E80  }
0x101: {  	[sflag:s18] =	ssyncset.done $0x0  }
0x102: {  	[sflag:s18] =	ssyncadd.s32 $0xFFFFC180  }
0x103: {  	_ =	swait.ge [sflag:s19], $0x3E80  }
0x104: {  	[sflag:s19] =	ssyncset.done $0x0  }
0x105: {  	s7 =	rddreg [dreg:$0x14];
	[sflag:s19] =	ssyncadd.s32 $0xFFFFC180  }
0x106: {  	[tilespmem:s14], [sflag:$0x1] =	stream.indirect.gather [hbm4b:s5+s13], $0x80, s7, s13, $0xb8;
	[tilespmem:$0x1CC00] =	vst v63  }
0x107: {  	s9 =	rddreg [dreg:$0x15]  }
0x108: {  	[tilespmem:s15], [sflag:$0x2] =	stream.indirect.gather [hbm4b:s5+s13], $0x80, s9, s13, $0xb8;
	[tilespmem:$0x1CC00] =	vst v63  }
0x109: {  	_ =	swait.ge [sflag:s16], $0x3E80  }
0x10a: {  	[sflag:s16] =	ssyncset.done $0x0  }
0x10b: {  	[sflag:s16] =	ssyncadd.s32 $0xFFFFC180  }
0x10c: {  	[spmem:s3] =	stream.indirect.scatter.add.f32 [tilespmem:s14], [sflag:$0x3], $0x80, s20, s13, $0xb8;
	[tilespmem:$0x1CC00] =	vst v63  }
0x10d: {  	_ =	swait.ge [sflag:s17], $0x3E80  }
0x10e: {  	[sflag:s17] =	ssyncset.done $0x0  }
0x10f: {  	[sflag:s17] =	ssyncadd.s32 $0xFFFFC180  }
0x110: {  	[spmem:s3] =	stream.indirect.scatter.add.f32 [tilespmem:s15], [sflag:$0x4], $0x80, s21, s13, $0xb8;
	[tilespmem:$0x1CC00] =	vst v63  }
0x111: {  	_ =	swait.ge [sflag:s18], $0x3E80  }
0x112: {  	[sflag:s18] =	ssyncset.done $0x0  }
0x113: {  	[sflag:s18] =	ssyncadd.s32 $0xFFFFC180  }
0x114: {  	_ =	swait.ge [sflag:s19], $0x3E80  }
0x115: {  	[sflag:s19] =	ssyncset.done $0x0  }
0x116: {  	[sflag:s19] =	ssyncadd.s32 $0xFFFFC180  }
0x117: {  	[tilespmem:s14], [sflag:$0x1] =	stream.indirect.gather [hbm4b:s5+s13], $0x80, s22, s13, $0xb8;
	[tilespmem:$0x1CC00] =	vst v63  }
0x118: {  	_ = 	snop  }
0x119: {  	[tilespmem:s15], [sflag:$0x2] =	stream.indirect.gather [hbm4b:s5+s13], $0x80, s23, s13, $0xb8;
	[tilespmem:$0x1CC00] =	vst v63  }
0x11a: {  	_ =	swait.ge [sflag:s16], $0x3E80  }
0x11b: {  	[sflag:s16] =	ssyncset.done $0x0  }
0x11c: {  	[sflag:s16] =	ssyncadd.s32 $0xFFFFC180  }
0x11d: {  	[spmem:s3] =	stream.indirect.scatter.add.f32 [tilespmem:s14], [sflag:$0x3], $0x80, s24, s13, $0xb8;
	[tilespmem:$0x1CC00] =	vst v63  }
0x11e: {  	_ =	swait.ge [sflag:s17], $0x3E80  }
0x11f: {  	[sflag:s17] =	ssyncset.done $0x0  }
0x120: {  	[sflag:s17] =	ssyncadd.s32 $0xFFFFC180  }
0x121: {  	[spmem:s3] =	stream.indirect.scatter.add.f32 [tilespmem:s15], [sflag:$0x4], $0x80, s25, s13, $0xb8;
	[tilespmem:$0x1CC00] =	vst v63  }
0x122: {  	_ =	swait.ge [sflag:s18], $0x3E80  }
0x123: {  	[sflag:s18] =	ssyncset.done $0x0  }
0x124: {  	[sflag:s18] =	ssyncadd.s32 $0xFFFFC180  }
0x125: {  	_ =	swait.ge [sflag:s19], $0x3E80  }
0x126: {  	[sflag:s19] =	ssyncset.done $0x0  }
0x127: {  	[sflag:s19] =	ssyncadd.s32 $0xFFFFC180  }
0x128: {  	[tilespmem:s14], [sflag:$0x1] =	stream.indirect.gather [hbm4b:s5+s13], $0x80, s26, s13, $0xb8;
	[tilespmem:$0x1CC00] =	vst v63  }
0x129: {  	_ = 	snop  }
0x12a: {  	[tilespmem:s15], [sflag:$0x2] =	stream.indirect.gather [hbm4b:s5+s13], $0x80, s28, s13, $0xb8;
	[tilespmem:$0x1CC00] =	vst v63  }
0x12b: {  	_ =	swait.ge [sflag:s16], $0x3E80  }
0x12c: {  	[sflag:s16] =	ssyncset.done $0x0  }
0x12d: {  	[sflag:s16] =	ssyncadd.s32 $0xFFFFC180  }
0x12e: {  	[spmem:s3] =	stream.indirect.scatter.add.f32 [tilespmem:s14], [sflag:$0x3], $0x80, s29, s13, $0xb8;
	[tilespmem:$0x1CC00] =	vst v63  }
0x12f: {  	_ =	swait.ge [sflag:s17], $0x3E80  }
0x130: {  	[sflag:s17] =	ssyncset.done $0x0  }
0x131: {  	[sflag:s17] =	ssyncadd.s32 $0xFFFFC180  }
0x132: {  	[spmem:s3] =	stream.indirect.scatter.add.f32 [tilespmem:s15], [sflag:$0x4], $0x80, s30, s13, $0xb8;
	[tilespmem:$0x1CC00] =	vst v63  }
0x133: {  	_ =	swait.ge [sflag:s18], $0x3E80  }
0x134: {  	[sflag:s18] =	ssyncset.done $0x0  }
0x135: {  	[sflag:s18] =	ssyncadd.s32 $0xFFFFC180  }
0x136: {  	_ =	swait.ge [sflag:s19], $0x3E80  }
0x137: {  	[sflag:s19] =	ssyncset.done $0x0  }
0x138: {  	[sflag:s19] =	ssyncadd.s32 $0xFFFFC180  }
0x139: {  	[tilespmem:s14], [sflag:$0x1] =	stream.indirect.gather [hbm4b:s5+s13], $0x80, s31, s13, $0xb8;
	[tilespmem:$0x1CC00] =	vst v63  }
0x13a: {  	_ = 	snop  }
0x13b: {  	[tilespmem:s15], [sflag:$0x2] =	stream.indirect.gather [hbm4b:s5+s13], $0x80, s1, s13, $0xb8;
	[tilespmem:$0x1CC00] =	vst v63  }
0x13c: {  	_ =	swait.ge [sflag:s16], $0x3E80  }
0x13d: {  	[sflag:s16] =	ssyncset.done $0x0  }
0x13e: {  	[sflag:s16] =	ssyncadd.s32 $0xFFFFC180  }
0x13f: {  	[spmem:s3] =	stream.indirect.scatter.add.f32 [tilespmem:s14], [sflag:$0x3], $0x80, s0, s13, $0xb8;
	[tilespmem:$0x1CC00] =	vst v63  }
0x140: {  	_ =	swait.ge [sflag:s17], $0x3E80  }
0x141: {  	[sflag:s17] =	ssyncset.done $0x0  }
0x142: {  	p0 =	sne.s32 s6, $0x400;
	[sflag:s17] =	ssyncadd.s32 $0xFFFFC180  }
0x143: {  	[spmem:s3] =	stream.indirect.scatter.add.f32 [tilespmem:s15], [sflag:$0x4], $0x80, s2, s13, $0xb8;
	[tilespmem:$0x1CC00] =	vst v63  }
.Ltmp0:
0x144: {  	_ =	swait.ge [sflag:s18], $0x3E80;
	(pc) =	sbr.rel @p0 .LBB2_2-.Ltmp0, $4  }
0x145: {  	[sflag:s18] =	ssyncset.done $0x0  }
0x146: {  	[sflag:s18] =	ssyncadd.s32 $0xFFFFC180  }
0x147: {  	_ =	swait.ge [sflag:s19], $0x3E80  }
0x148: {  	s6 =	sadd.s32 $0x100, s6;
	s9 =	rddreg [dreg:$0x5];
	[sflag:s19] =	ssyncset.done $0x0  }
0x149: {  	[sflag:s19] =	ssyncadd.s32 $0xFFFFC180;
	s6 =	sadd.s32 s8, s9  }
0x14a: {  	[tilespmem:s11], [sflag:$0x5] =	stream.linear.gather [hbm4b:s6+s4], $0x800, $0x38;
	[tilespmem:$0x1CC00] =	vst v63  }
0x14b: {  	_ =	swait.ge [sflag:s10], $0x800  }
0x14c: {  	s9 =	rddreg [dreg:$0x4];
	[sflag:s10] =	ssyncset.done $0x0  }
0x14d: {  	[sflag:s10] =	ssyncadd.s32 $0xFFFFF800;
	s6 =	sadd.s32 s8, s9  }
0x14e: {  	[tilespmem:s12], [sflag:$0x5] =	stream.linear.gather [hbm4b:s6+s4], $0x800, $0x38;
	[tilespmem:$0x1CC00] =	vst v63  }
0x14f: {  	_ =	swait.ge [sflag:s10], $0x800  }
0x150: {  	[sflag:s10] =	ssyncset.done $0x0  }
0x151: {  	[sflag:s10] =	ssyncadd.s32 $0xFFFFF800  }
0x152: {  	[tilespmem:s14], [sflag:$0x1] =	stream.indirect.gather [hbm4b:s5+s13], $0x80, s11, s13, $0xb8;
	[tilespmem:$0x1CC00] =	vst v63  }
0x153: {  	s7 =	rddreg [dreg:$0x6]  }
0x154: {  	[tilespmem:s15], [sflag:$0x2] =	stream.indirect.gather [hbm4b:s5+s13], $0x80, s7, s13, $0xb8;
	[tilespmem:$0x1CC00] =	vst v63  }
0x155: {  	_ =	swait.ge [sflag:s16], $0x3E80  }
0x156: {  	[sflag:s16] =	ssyncset.done $0x0  }
0x157: {  	[sflag:s16] =	ssyncadd.s32 $0xFFFFC180  }
0x158: {  	[spmem:s3] =	stream.indirect.scatter.add.f32 [tilespmem:s14], [sflag:$0x3], $0x80, s12, s13, $0xb8;
	[tilespmem:$0x1CC00] =	vst v63  }
0x159: {  	_ =	swait.ge [sflag:s17], $0x3E80  }
0x15a: {  	[sflag:s17] =	ssyncset.done $0x0  }
0x15b: {  	s8 =	rddreg [dreg:$0x7];
	[sflag:s17] =	ssyncadd.s32 $0xFFFFC180  }
0x15c: {  	[spmem:s3] =	stream.indirect.scatter.add.f32 [tilespmem:s15], [sflag:$0x4], $0x80, s8, s13, $0xb8;
	[tilespmem:$0x1CC00] =	vst v63  }
0x15d: {  	_ =	swait.ge [sflag:s18], $0x3E80  }
0x15e: {  	[sflag:s18] =	ssyncset.done $0x0  }
0x15f: {  	[sflag:s18] =	ssyncadd.s32 $0xFFFFC180  }
0x160: {  	_ =	swait.ge [sflag:s19], $0x3E80  }
0x161: {  	[sflag:s19] =	ssyncset.done $0x0  }
0x162: {  	s9 =	rddreg [dreg:$0x8];
	[sflag:s19] =	ssyncadd.s32 $0xFFFFC180  }
0x163: {  	[tilespmem:s14], [sflag:$0x1] =	stream.indirect.gather [hbm4b:s5+s13], $0x80, s9, s13, $0xb8;
	[tilespmem:$0x1CC00] =	vst v63  }
0x164: {  	s7 =	rddreg [dreg:$0x9]  }
0x165: {  	[tilespmem:s15], [sflag:$0x2] =	stream.indirect.gather [hbm4b:s5+s13], $0x80, s7, s13, $0xb8;
	[tilespmem:$0x1CC00] =	vst v63  }
0x166: {  	_ =	swait.ge [sflag:s16], $0x3E80  }
0x167: {  	[sflag:s16] =	ssyncset.done $0x0  }
0x168: {  	s8 =	rddreg [dreg:$0xa];
	[sflag:s16] =	ssyncadd.s32 $0xFFFFC180  }
0x169: {  	[spmem:s3] =	stream.indirect.scatter.add.f32 [tilespmem:s14], [sflag:$0x3], $0x80, s8, s13, $0xb8;
	[tilespmem:$0x1CC00] =	vst v63  }
0x16a: {  	_ =	swait.ge [sflag:s17], $0x3E80  }
0x16b: {  	[sflag:s17] =	ssyncset.done $0x0  }
0x16c: {  	s9 =	rddreg [dreg:$0xb];
	[sflag:s17] =	ssyncadd.s32 $0xFFFFC180  }
0x16d: {  	[spmem:s3] =	stream.indirect.scatter.add.f32 [tilespmem:s15], [sflag:$0x4], $0x80, s9, s13, $0xb8;
	[tilespmem:$0x1CC00] =	vst v63  }
0x16e: {  	_ =	swait.ge [sflag:s18], $0x3E80  }
0x16f: {  	[sflag:s18] =	ssyncset.done $0x0  }
0x170: {  	[sflag:s18] =	ssyncadd.s32 $0xFFFFC180  }
0x171: {  	_ =	swait.ge [sflag:s19], $0x3E80  }
0x172: {  	[sflag:s19] =	ssyncset.done $0x0  }
0x173: {  	s7 =	rddreg [dreg:$0xc];
	[sflag:s19] =	ssyncadd.s32 $0xFFFFC180  }
0x174: {  	[tilespmem:s14], [sflag:$0x1] =	stream.indirect.gather [hbm4b:s5+s13], $0x80, s7, s13, $0xb8;
	[tilespmem:$0x1CC00] =	vst v63  }
0x175: {  	s8 =	rddreg [dreg:$0xd]  }
0x176: {  	[tilespmem:s15], [sflag:$0x2] =	stream.indirect.gather [hbm4b:s5+s13], $0x80, s8, s13, $0xb8;
	[tilespmem:$0x1CC00] =	vst v63  }
0x177: {  	_ =	swait.ge [sflag:s16], $0x3E80  }
0x178: {  	[sflag:s16] =	ssyncset.done $0x0  }
0x179: {  	s9 =	rddreg [dreg:$0xe];
	[sflag:s16] =	ssyncadd.s32 $0xFFFFC180  }
0x17a: {  	[spmem:s3] =	stream.indirect.scatter.add.f32 [tilespmem:s14], [sflag:$0x3], $0x80, s9, s13, $0xb8;
	[tilespmem:$0x1CC00] =	vst v63  }
0x17b: {  	_ =	swait.ge [sflag:s17], $0x3E80  }
0x17c: {  	[sflag:s17] =	ssyncset.done $0x0  }
0x17d: {  	s7 =	rddreg [dreg:$0xf];
	[sflag:s17] =	ssyncadd.s32 $0xFFFFC180  }
0x17e: {  	[spmem:s3] =	stream.indirect.scatter.add.f32 [tilespmem:s15], [sflag:$0x4], $0x80, s7, s13, $0xb8;
	[tilespmem:$0x1CC00] =	vst v63  }
0x17f: {  	_ =	swait.ge [sflag:s18], $0x3E80  }
0x180: {  	[sflag:s18] =	ssyncset.done $0x0  }
0x181: {  	[sflag:s18] =	ssyncadd.s32 $0xFFFFC180  }
0x182: {  	_ =	swait.ge [sflag:s19], $0x3E80  }
0x183: {  	[sflag:s19] =	ssyncset.done $0x0  }
0x184: {  	s8 =	rddreg [dreg:$0x10];
	[sflag:s19] =	ssyncadd.s32 $0xFFFFC180  }
0x185: {  	[tilespmem:s14], [sflag:$0x1] =	stream.indirect.gather [hbm4b:s5+s13], $0x80, s8, s13, $0xb8;
	[tilespmem:$0x1CC00] =	vst v63  }
0x186: {  	s9 =	rddreg [dreg:$0x11]  }
0x187: {  	[tilespmem:s15], [sflag:$0x2] =	stream.indirect.gather [hbm4b:s5+s13], $0x80, s9, s13, $0xb8;
	[tilespmem:$0x1CC00] =	vst v63  }
0x188: {  	_ =	swait.ge [sflag:s16], $0x3E80  }
0x189: {  	[sflag:s16] =	ssyncset.done $0x0  }
0x18a: {  	s8 =	rddreg [dreg:$0x12];
	[sflag:s16] =	ssyncadd.s32 $0xFFFFC180  }
0x18b: {  	[spmem:s3] =	stream.indirect.scatter.add.f32 [tilespmem:s14], [sflag:$0x3], $0x80, s8, s13, $0xb8;
	[tilespmem:$0x1CC00] =	vst v63  }
0x18c: {  	_ =	swait.ge [sflag:s17], $0x3E80  }
0x18d: {  	[sflag:s17] =	ssyncset.done $0x0  }
0x18e: {  	s9 =	rddreg [dreg:$0x13];
	[sflag:s17] =	ssyncadd.s32 $0xFFFFC180  }
0x18f: {  	[spmem:s3] =	stream.indirect.scatter.add.f32 [tilespmem:s15], [sflag:$0x4], $0x80, s9, s13, $0xb8;
	[tilespmem:$0x1CC00] =	vst v63  }
0x190: {  	_ =	swait.ge [sflag:s18], $0x3E80  }
0x191: {  	[sflag:s18] =	ssyncset.done $0x0  }
0x192: {  	[sflag:s18] =	ssyncadd.s32 $0xFFFFC180  }
0x193: {  	_ =	swait.ge [sflag:s19], $0x3E80  }
0x194: {  	[sflag:s19] =	ssyncset.done $0x0  }
0x195: {  	s7 =	rddreg [dreg:$0x14];
	[sflag:s19] =	ssyncadd.s32 $0xFFFFC180  }
0x196: {  	[tilespmem:s14], [sflag:$0x1] =	stream.indirect.gather [hbm4b:s5+s13], $0x80, s7, s13, $0xb8;
	[tilespmem:$0x1CC00] =	vst v63  }
0x197: {  	s8 =	rddreg [dreg:$0x15]  }
0x198: {  	[tilespmem:s15], [sflag:$0x2] =	stream.indirect.gather [hbm4b:s5+s13], $0x80, s8, s13, $0xb8;
	[tilespmem:$0x1CC00] =	vst v63  }
0x199: {  	_ =	swait.ge [sflag:s16], $0x3E80  }
0x19a: {  	[sflag:s16] =	ssyncset.done $0x0  }
0x19b: {  	[sflag:s16] =	ssyncadd.s32 $0xFFFFC180  }
0x19c: {  	[spmem:s3] =	stream.indirect.scatter.add.f32 [tilespmem:s14], [sflag:$0x3], $0x80, s20, s13, $0xb8;
	[tilespmem:$0x1CC00] =	vst v63  }
0x19d: {  	_ =	swait.ge [sflag:s17], $0x3E80  }
0x19e: {  	[sflag:s17] =	ssyncset.done $0x0  }
0x19f: {  	[sflag:s17] =	ssyncadd.s32 $0xFFFFC180  }
0x1a0: {  	[spmem:s3] =	stream.indirect.scatter.add.f32 [tilespmem:s15], [sflag:$0x4], $0x80, s21, s13, $0xb8;
	[tilespmem:$0x1CC00] =	vst v63  }
0x1a1: {  	_ =	swait.ge [sflag:s18], $0x3E80  }
0x1a2: {  	[sflag:s18] =	ssyncset.done $0x0  }
0x1a3: {  	[sflag:s18] =	ssyncadd.s32 $0xFFFFC180  }
0x1a4: {  	_ =	swait.ge [sflag:s19], $0x3E80  }
0x1a5: {  	[sflag:s19] =	ssyncset.done $0x0  }
0x1a6: {  	[sflag:s19] =	ssyncadd.s32 $0xFFFFC180  }
0x1a7: {  	[tilespmem:s14], [sflag:$0x1] =	stream.indirect.gather [hbm4b:s5+s13], $0x80, s22, s13, $0xb8;
	[tilespmem:$0x1CC00] =	vst v63  }
0x1a8: {  	_ = 	snop  }
0x1a9: {  	[tilespmem:s15], [sflag:$0x2] =	stream.indirect.gather [hbm4b:s5+s13], $0x80, s23, s13, $0xb8;
	[tilespmem:$0x1CC00] =	vst v63  }
0x1aa: {  	_ =	swait.ge [sflag:s16], $0x3E80  }
0x1ab: {  	[sflag:s16] =	ssyncset.done $0x0  }
0x1ac: {  	[sflag:s16] =	ssyncadd.s32 $0xFFFFC180  }
0x1ad: {  	[spmem:s3] =	stream.indirect.scatter.add.f32 [tilespmem:s14], [sflag:$0x3], $0x80, s24, s13, $0xb8;
	[tilespmem:$0x1CC00] =	vst v63  }
0x1ae: {  	_ =	swait.ge [sflag:s17], $0x3E80  }
0x1af: {  	[sflag:s17] =	ssyncset.done $0x0  }
0x1b0: {  	[sflag:s17] =	ssyncadd.s32 $0xFFFFC180  }
0x1b1: {  	[spmem:s3] =	stream.indirect.scatter.add.f32 [tilespmem:s15], [sflag:$0x4], $0x80, s25, s13, $0xb8;
	[tilespmem:$0x1CC00] =	vst v63  }
0x1b2: {  	_ =	swait.ge [sflag:s18], $0x3E80  }
0x1b3: {  	[sflag:s18] =	ssyncset.done $0x0  }
0x1b4: {  	[sflag:s18] =	ssyncadd.s32 $0xFFFFC180  }
0x1b5: {  	_ =	swait.ge [sflag:s19], $0x3E80  }
0x1b6: {  	[sflag:s19] =	ssyncset.done $0x0  }
0x1b7: {  	[sflag:s19] =	ssyncadd.s32 $0xFFFFC180  }
0x1b8: {  	[tilespmem:s14], [sflag:$0x1] =	stream.indirect.gather [hbm4b:s5+s13], $0x80, s26, s13, $0xb8;
	[tilespmem:$0x1CC00] =	vst v63  }
0x1b9: {  	_ = 	snop  }
0x1ba: {  	[tilespmem:s15], [sflag:$0x2] =	stream.indirect.gather [hbm4b:s5+s13], $0x80, s28, s13, $0xb8;
	[tilespmem:$0x1CC00] =	vst v63  }
0x1bb: {  	_ =	swait.ge [sflag:s16], $0x3E80  }
0x1bc: {  	[sflag:s16] =	ssyncset.done $0x0  }
0x1bd: {  	[sflag:s16] =	ssyncadd.s32 $0xFFFFC180  }
0x1be: {  	[spmem:s3] =	stream.indirect.scatter.add.f32 [tilespmem:s14], [sflag:$0x3], $0x80, s29, s13, $0xb8;
	[tilespmem:$0x1CC00] =	vst v63  }
0x1bf: {  	_ =	swait.ge [sflag:s17], $0x3E80  }
0x1c0: {  	[sflag:s17] =	ssyncset.done $0x0  }
0x1c1: {  	[sflag:s17] =	ssyncadd.s32 $0xFFFFC180  }
0x1c2: {  	[spmem:s3] =	stream.indirect.scatter.add.f32 [tilespmem:s15], [sflag:$0x4], $0x80, s30, s13, $0xb8;
	[tilespmem:$0x1CC00] =	vst v63  }
0x1c3: {  	_ =	swait.ge [sflag:s18], $0x3E80  }
0x1c4: {  	[sflag:s18] =	ssyncset.done $0x0  }
0x1c5: {  	[sflag:s18] =	ssyncadd.s32 $0xFFFFC180  }
0x1c6: {  	_ =	swait.ge [sflag:s19], $0x3E80  }
0x1c7: {  	[sflag:s19] =	ssyncset.done $0x0  }
0x1c8: {  	[sflag:s19] =	ssyncadd.s32 $0xFFFFC180  }
0x1c9: {  	[tilespmem:s14], [sflag:$0x1] =	stream.indirect.gather [hbm4b:s5+s13], $0x80, s31, s13, $0xb8;
	[tilespmem:$0x1CC00] =	vst v63  }
0x1ca: {  	_ = 	snop  }
0x1cb: {  	[tilespmem:s15], [sflag:$0x2] =	stream.indirect.gather [hbm4b:s5+s13], $0x80, s1, s13, $0xb8;
	[tilespmem:$0x1CC00] =	vst v63  }
0x1cc: {  	_ =	swait.ge [sflag:s16], $0x3E80  }
0x1cd: {  	[sflag:s16] =	ssyncset.done $0x0  }
0x1ce: {  	[sflag:s16] =	ssyncadd.s32 $0xFFFFC180  }
0x1cf: {  	[spmem:s3] =	stream.indirect.scatter.add.f32 [tilespmem:s14], [sflag:$0x3], $0x80, s0, s13, $0xb8;
	[tilespmem:$0x1CC00] =	vst v63  }
0x1d0: {  	_ =	swait.ge [sflag:s17], $0x3E80  }
0x1d1: {  	[sflag:s17] =	ssyncset.done $0x0  }
0x1d2: {  	[sflag:s17] =	ssyncadd.s32 $0xFFFFC180  }
0x1d3: {  	[spmem:s3] =	stream.indirect.scatter.add.f32 [tilespmem:s15], [sflag:$0x4], $0x80, s2, s13, $0xb8;
	[tilespmem:$0x1CC00] =	vst v63  }
0x1d4: {  	_ =	swait.ge [sflag:s18], $0x3E80  }
0x1d5: {  	[sflag:s18] =	ssyncset.done $0x0  }
0x1d6: {  	[sflag:s18] =	ssyncadd.s32 $0xFFFFC180  }
0x1d7: {  	_ =	swait.ge [sflag:s19], $0x3E80  }
0x1d8: {  	[sflag:s19] =	ssyncset.done $0x0  }
0x1d9: {  	[sflag:s19] =	ssyncadd.s32 $0xFFFFC180  }
0x1da: {  	[bflag:$0x0] =	sbarrier.arrive $0xFFFF  }
0x1db: {  	s7 =	rddreg [dreg:$0x16]  }
0x1dc: {  	s9 =	rddreg [dreg:$0x17]  }
0x1dd: {  	s8 =	rddreg [dreg:$0x19]  }
0x1de: {  	[hbm:s9], [sflag:s7] =	dma.local [spmem:s8], $0x2780  }
0x1df: {  	_ =	swait.ge [sflag:s10], $0x2780  }
0x1e0: {  	s6 =	rddreg [dreg:$0x1a]  }
0x1e1: {  	s9 =	sadd.s32 $0x1, s6;
	s6 =	rddreg [dreg:$0x18]  }
0x1e2: {  	p0 =	sne.s32 s9, s6  }
.Ltmp1:
0x1e3: {  	_ = 	snop;
	(pc) =	sbr.rel @p0 .LBB2_1-.Ltmp1, $3  }
0x1e4: {  	_ =	sdelay $0x1  }
0x1e5: {  	[sflag:s10] =	ssyncset.done $0x0  }
0x1e6: {  	[sflag:s10] =	ssyncadd.s32 $0xFFFFD880  }
0x1e7: {  	_ =	sfence.sel $0x180000  }
0x1e8: {  	[bflag:$0x0] =	sbarrier.arrive $0xFFFF  }
0x1e9: {  	_ =	strace $0x9000004A  }
0x1ea: {  	s0 =	stileid.u32;
	[bflag:$0x2] =	sbarrier.arrive $0xFFFF  }
0x1eb: {  	p0 =	sne.s32 s0, $0x0;
	s0 =	rddreg [dreg:$0x3]  }
0x1ec: {  	s0 =	sadd.s32 @!p0 $0x100000, s0  }
0x1ed: {  	[sflag:s0] =	ssyncadd.tile.s32 @!p0 $0x1;
	_ =	shalt  }
.Lfunc_end2:
_tile_overlayer_lowered:
.L_overlay_start_2:
0x1ee: {  	(tag) =	ssettag $0x2  }
0x1ef: {  	s0 =	rddreg [dreg:$0x0];
	s2 =	stileid.u32  }
0x1f0: {  	s1 =	rddreg [dreg:$0x1];
	p0 =	sne.s32 s2, $0x0  }
0x1f1: {  	s3 =	rddreg [dreg:$0x2];
	[bflag:$0x3] =	sbarrier.arrive $0xFFFF;
	s2 =	simm.s32 @!p0 $0x1C05  }
0x1f2: {  	[timem:s3], [sflag:s2] =	dma.local @!p0 [hbm:s0], s1  }
0x1f3: {  	s0 =	simm.s32 @!p0 $0x5  }
0x1f4: {  	_ =	swait.ge @!p0 [sflag:s0], s1  }
0x1f5: {  	s1 =	ssub.s32 @!p0 $0x0, s1;
	[sflag:s0] =	ssyncset.done @!p0 $0x0  }
0x1f6: {  	[sflag:s0] =	ssyncadd.s32 @!p0 s1  }
0x1f7: {  	[bflag:$0x3] =	sbarrier.arrive $0xFFFF  }
0x1f8: {  	_ =	shalt  }

// kernel: kernel.17.cloned.1.call-start
scs
__scs_entry_jumppad:
0x0: {  	(pc) =	sbr.rel $0x88, $3  }
0x1: {  	(tag) =	ssettag $0x0;
	lr =	simm.s32 $0x1  }
0x2: {  	[smem:$0x3F7E] =	sst lr;
	_ =	strace $0xD0000000  }
0x3: {  	_ = 	snop  }
0x4: {  	_ = 	snop  }
0x5: {  	_ = 	snop  }
0x6: {  	_ = 	snop  }
0x7: {  	_ = 	snop  }
__scs_overlays_trampoline_lowered:
0x8: {  	[smem:$0x3F8D] =	sst s0  }
0x9: {  	[smem:$0x3F8E] =	sst s1  }
0xa: {  	[smem:$0x3F8F] =	sst s2  }
0xb: {  	[smem:$0x3F90] =	sst s3  }
0xc: {  	[smem:$0x3F91] =	sst s4  }
0xd: {  	[smem:$0x3F92] =	sst s5  }
0xe: {  	[smem:$0x3F93] =	sst s6  }
0xf: {  	[smem:$0x3F94] =	sst s7  }
0x10: {  	[smem:$0x3F95] =	sst s8  }
0x11: {  	[smem:$0x3F96] =	sst s9;
	s0 =	simm.s32 @!p0 $0x0  }
0x12: {  	s1 =	sld [smem:$0x3F7C];
	s0 =	simm.s32 @p0 $0x1  }
0x13: {  	[smem:$0x3F97] =	sst s0;
	s0 =	simm.s32 @!p1 $0x0  }
0x14: {  	s2 =	sld [smem:$0x3F7B];
	s0 =	simm.s32 @p1 $0x1  }
0x15: {  	[smem:$0x3F98] =	sst s0;
	s0 =	simm.s32 @!p2 $0x0  }
0x16: {  	s3 =	sld [smem:$0x3FDB];
	s0 =	simm.s32 @p2 $0x1  }
0x17: {  	s4 =	simm.s32 $0x1BF5;
	[smem:$0x3F9A] =	sst s0  }
0x18: {  	s0 =	sld [smem:$0x3F7D];
	_ =	swait.ge [sflag:s4], $0x0  }
0x19: {  	s7 =	sld [smem:$0x3F7E]  }
0x1a: {  	s8 =	sadd.s32 $0xFFFFE003, lr  }
0x1b: {  	s9 =	sadd.s32 $0xFFFFFEF7, lr;
	s5 =	simm.s32 $0xFFFFFFFF;
	p2 =	slt.u32 s8, $0xFFFFF086  }
0x1c: {  	p1 =	slt.u32 s9, $0xF7A;
	s5 =	simm.s32 @!p2 $0x0  }
0x1d: {  	s5 =	simm.s32 @p1 $0x1;
	p0 =	seq.s32 s7, s2  }
0x1e: {  	s7 =	smul.u32 @!p0 $0xF7A, s2;
	p2 =	seq.s32 @!p0 s5, $0x0  }
0x1f: {  	s9 =	smul.u32 $0xF7A, s1;
	s8 =	simm.s32 @!p0 $0x1BF5;
	p2 =	por !p2, p0  }
0x20: {  	[sflag:s8] =	ssyncset.s32 @!p0 $0xFFFFF086;
	s6 =	sadd.s32 @!p0 s3, s7;
	s7 =	simm.s32 @!p0 $0x108  }
0x21: {  	s3 =	sadd.s32 s3, s9;
	s6 =	sadd.s32 @!p0 $0x88, s6;
	s7 =	simm.s32 @p2 $0x1082  }
0x22: {  	[simem:s7], [sflag:s8] =	dma.local @!p0 [hbm:s6], $0xF7A  }
0x23: {  	s9 =	sor.u32 $0xD0000000, s2;
	s6 =	simm.s32 $0x108;
	_ =	swait.ge @!p0 [sflag:s8], $0x0  }
0x24: {  	s3 =	sadd.s32 $0x88, s3;
	s6 =	simm.s32 @!p1 $0x1082;
	[sflag:s4] =	ssyncset.s32 $0xFFFFF086  }
0x25: {  	[simem:s6], [sflag:s4] =	dma.local [hbm:s3], $0xF7A  }
0x26: {  	[smem:$0x3F7E] =	sst s1;
	(tag) =	ssettag s2;
	_ =	strace s9  }
0x27: {  	s1 =	sld [smem:$0x3F8E]  }
0x28: {  	s2 =	sld [smem:$0x3F8F]  }
0x29: {  	s4 =	sld [smem:$0x3F91]  }
0x2a: {  	p0 =	seq.s32 s5, $0x0;
	s5 =	sld [smem:$0x3F92]  }
0x2b: {  	s6 =	sld [smem:$0x3F93]  }
0x2c: {  	s7 =	sld [smem:$0x3F94]  }
0x2d: {  	s3 =	simm.s32 $0x108;
	s8 =	sld [smem:$0x3F95]  }
0x2e: {  	s3 =	simm.s32 @!p0 $0x1082;
	s9 =	sld [smem:$0x3F96]  }
0x2f: {  	lr =	sadd.s32 s0, s3;
	s0 =	sld [smem:$0x3F8D]  }
0x30: {  	s3 =	sld [smem:$0x3F90]  }
0x31: {  	[smem:$0x3F99] =	sst s10  }
0x32: {  	s10 =	sld [smem:$0x3F97];
	_ =	sdelay $0x3  }
0x33: {  	p0 =	seq.s32 s10, $0x1;
	s10 =	sld [smem:$0x3F99];
	_ =	sdelay $0x3  }
0x34: {  	[smem:$0x3F99] =	sst s10  }
0x35: {  	s10 =	sld [smem:$0x3F98];
	_ =	sdelay $0x3  }
0x36: {  	p1 =	seq.s32 s10, $0x1;
	s10 =	sld [smem:$0x3F99];
	_ =	sdelay $0x3  }
0x37: {  	[smem:$0x3F99] =	sst s10  }
0x38: {  	s10 =	sld [smem:$0x3F9A]  }
0x39: {  	_ = 	snop;
	(pc) =	sbr.ind lr, $3  }
0x3a: {  	_ = 	snop  }
0x3b: {  	_ = 	snop  }
0x3c: {  	p2 =	seq.s32 s10, $0x1;
	s10 =	sld [smem:$0x3F99]  }
0x3d: {  	_ =	shalt  }
0x3e: {  	_ =	shalt  }
0x3f: {  	_ =	shalt  }
0x40: {  	_ =	shalt  }
0x41: {  	_ =	shalt  }
0x42: {  	_ =	shalt  }
0x43: {  	_ =	shalt  }
0x44: {  	_ =	shalt  }
0x45: {  	_ =	shalt  }
0x46: {  	_ =	shalt  }
0x47: {  	_ =	shalt  }
0x48: {  	_ =	shalt  }
0x49: {  	_ =	shalt  }
0x4a: {  	_ =	shalt  }
0x4b: {  	_ =	shalt  }
0x4c: {  	_ =	shalt  }
0x4d: {  	_ =	shalt  }
0x4e: {  	_ =	shalt  }
0x4f: {  	_ =	shalt  }
0x50: {  	_ =	shalt  }
0x51: {  	_ =	shalt  }
0x52: {  	_ =	shalt  }
0x53: {  	_ =	shalt  }
0x54: {  	_ =	shalt  }
0x55: {  	_ =	shalt  }
0x56: {  	_ =	shalt  }
0x57: {  	_ =	shalt  }
0x58: {  	_ =	shalt  }
0x59: {  	_ =	shalt  }
0x5a: {  	_ =	shalt  }
0x5b: {  	_ =	shalt  }
0x5c: {  	_ =	shalt  }
0x5d: {  	_ =	shalt  }
0x5e: {  	_ =	shalt  }
0x5f: {  	_ =	shalt  }
0x60: {  	_ =	shalt  }
0x61: {  	_ =	shalt  }
0x62: {  	_ =	shalt  }
0x63: {  	_ =	shalt  }
0x64: {  	_ =	shalt  }
0x65: {  	_ =	shalt  }
0x66: {  	_ =	shalt  }
0x67: {  	_ =	shalt  }
0x68: {  	_ =	shalt  }
0x69: {  	_ =	shalt  }
0x6a: {  	_ =	shalt  }
0x6b: {  	_ =	shalt  }
0x6c: {  	_ =	shalt  }
0x6d: {  	_ =	shalt  }
0x6e: {  	_ =	shalt  }
0x6f: {  	_ =	shalt  }
0x70: {  	_ =	shalt  }
0x71: {  	_ =	shalt  }
0x72: {  	_ =	shalt  }
0x73: {  	_ =	shalt  }
0x74: {  	_ =	shalt  }
0x75: {  	_ =	shalt  }
0x76: {  	_ =	shalt  }
0x77: {  	_ =	shalt  }
0x78: {  	_ =	shalt  }
0x79: {  	_ =	shalt  }
0x7a: {  	_ =	shalt  }
0x7b: {  	_ =	shalt  }
0x7c: {  	_ =	shalt  }
0x7d: {  	_ =	shalt  }
0x7e: {  	_ =	shalt  }
0x7f: {  	_ =	shalt  }
0x80: {  	_ =	shalt  }
0x81: {  	_ =	shalt  }
0x82: {  	_ =	shalt  }
0x83: {  	_ =	shalt  }
0x84: {  	_ =	shalt  }
0x85: {  	_ =	shalt  }
0x86: {  	_ =	shalt  }
0x87: {  	_ =	shalt  }
.Lfunc_end0:
.L_simem_size_0:
called_computation.2_lowered:
.L_overlay_start_0:
0x88: {  	s2 =	sld [smem:$0x3FD9]  }
0x89: {  	s3 =	sld [smem:$0x3FFE];
	_ =	sdelay $0x1  }
0x8a: {  	s1 =	srdreg.scid  }
0x8b: {  	s0 =	sand.u32 $0x1, s1  }
0x8c: {  	s17 =	sshll.u32 s0, $0xA;
	s2 =	sadd.s32 s3, s2  }
0x8d: {  	s2 =	sadd.s32 s2, s17  }
0x8e: {  	[smem:$0x3FA5] =	sst s2  }
0x8f: {  	_ = 	snop  }
0x90: {  	s2 =	sld [smem:$0x3FD0];
	(tm) =	ssettm $0x1  }
0x91: {  	s18 =	sld [smem:$0x3FFB];
	_ =	sdelay $0x3  }
0x92: {  	_ =	strace s18  }
0x93: {  	s3 =	sld [smem:$0x3FFC];
	_ =	sdelay $0x3  }
0x94: {  	_ =	strace s3  }
0x95: {  	s3 =	sld [smem:$0x3FFD];
	_ =	sdelay $0x3  }
0x96: {  	_ =	strace s3  }
0x97: {  	_ =	strace $0x8FFFFFFF  }
0x98: {  	s19 =	sld [smem:$0x3FDB];
	_ =	sdelay $0x1  }
0x99: {  	s4 =	simm.s32 $_scs_section_size  }
0x9a: {  	s5 =	simm.s32 $_size__tile_overlayer_lowered;
	s6 =	simm.s32 $_tile_overlayer_lowered  }
0x9b: {  	s22 =	simm.s32 $0x1BFF;
	s21 =	sshll.u32 s6, $0x1;
	s3 =	sadd.s32 s4, s19  }
0x9c: {  	s7 =	simm.s32 $0x0;
	s20 =	sshll.u32 s5, $0x1;
	s5 =	sadd.s32 s21, s3  }
0x9d: {  	[timem:s7], [sflag:s22] =	dma.local [hbm:s5], s20  }
0x9e: {  	_ =	swait.ge [sflag:s22], s20  }
0x9f: {  	s4 =	ssub.s32 $0x0, s20;
	[sflag:s22] =	ssyncset.done $0x0  }
0xa0: {  	[sflag:s22] =	ssyncadd.s32 s4;
	_ =	sdelay $0x1  }
0xa1: {  	s23 =	simm.s32 $0x1B8B  }
0xa2: {  	_ =	swait.ge [sflag:s23], $0x1  }
0xa3: {  	[sflag:s23] =	ssyncset.done $0x0  }
0xa4: {  	s25 =	simm.s32 $0x1B8E;
	s24 =	sld [smem:$0x3FFE];
	[sflag:s23] =	ssyncadd.s32 $0xFFFFFFFF  }
0xa5: {  	s26 =	simm.s32 $execute0_lowered;
	[smem:$0x3FD2] =	sst s25  }
0xa6: {  	s5 =	sshll.u32 s26, $0x1;
	_ =	strace $0x8000004C;
	[dreg:$0x1] =	wrdreg $0xFFFFFFFF  }
0xa7: {  	s28 =	simm.s32 $_size_execute0_lowered;
	s3 =	sadd.s32 s3, s5;
	[dreg:$0x0] =	wrdreg $0x0  }
0xa8: {  	s5 =	sshll.u32 s28, $0x1;
	[dreg:$0x2] =	wrdreg s3  }
0xa9: {  	[dreg:$0x3] =	wrdreg s5  }
0xaa: {  	[dreg:$0x4] =	wrdreg $0xC0  }
0xab: {  	_ =	task [dreg:s7], $0x5FFFF  }
0xac: {  	[dreg:$0x1] =	wrdreg $0xFFFFFFFF  }
0xad: {  	[dreg:$0x0] =	wrdreg $0x60  }
0xae: {  	[dreg:$0x2] =	wrdreg s24  }
0xaf: {  	[dreg:$0x3] =	wrdreg s2  }
0xb0: {  	[dreg:$0x4] =	wrdreg $0x0  }
0xb1: {  	[dreg:$0x5] =	wrdreg $0x9  }
0xb2: {  	_ =	task.clear_ibuf [dreg:s7], $0x6FFFF;
	_ =	strace $0x9000004C  }
0xb3: {  	s29 =	simm.s32 $0x9;
	_ =	strace $0x8000004E  }
0xb4: {  	_ =	swait.ge [sflag:s29], $0x1  }
0xb5: {  	[sflag:s29] =	ssyncadd.s32 $0xFFFFFFFF  }
0xb6: {  	_ =	strace $0x9000004E  }
0xb7: {  	_ =	sfence  }
0xb8: {  	s30 =	sld [smem:$0x0];
	_ =	sdelay $0x2  }
0xb9: {  	s31 =	sshll.u32 s1, $0xD;
	s1 =	sshrl.u32 s1, $0x2  }
0xba: {  	s3 =	sand.u32 $0x4000, s31;
	s1 =	sadd.s32 s1, s30  }
0xbb: {  	s0 =	sor.u32 s3, s0;
	s1 =	sshll.u32 s1, $0x11  }
0xbc: {  	s0 =	sor.u32 s1, s0  }
0xbd: {  	s0 =	sadd.s32 $0x8F2B, s0  }
0xbe: {  	[sflag:s0] =	ssyncadd.remote.s32 $0x1  }
0xbf: {  	_ =	sfence.sel $0xFFFF  }
0xc0: {  	[dreg:$0x0] =	wrdreg $0xFFFFFFFF;
	(pc) =	sbr.abs _section_cstart, $3  }
0xc1: {  	[dreg:$0x1] =	wrdreg $0xFFFFFFFF  }
0xc2: {  	_ =	task.clear_ibuf [dreg:s7], $0x2FFFF;
	_ =	strace $0x9FFFFFFF  }
0xc3: {  	(tm) =	ssettm $0x7FFFFFFF  }
tec
execute0_lowered:
.L_overlay_start_1:
0x0: {  	(tag) =	ssettag $0x1  }
0x1: {  	s0 =	rddreg [dreg:$0x0];
	s1 =	srdreg.scid  }
0x2: {  	s9 =	stileid.u32;
	s3 =	rddreg [dreg:$0x2];
	s4 =	simm.s32 $0x0  }
0x3: {  	s11 =	simm.s32 $0x14480;
	s12 =	simm.s32 $0x13D00;
	s14 =	simm.s32 $0x13D80  }
0x4: {  	s15 =	simm.s32 $0x14500;
	s16 =	simm.s32 $0x14580;
	s17 =	simm.s32 $0x13E00  }
0x5: {  	s18 =	simm.s32 $0x13E80;
	s19 =	simm.s32 $0x14600;
	[smem:$0x7FF] =	sst s4  }
0x6: {  	s20 =	simm.s32 $0x14680;
	_ =	strace $0x8000004D;
	[dreg:$0x7] =	wrdreg s11  }
0x7: {  	s21 =	simm.s32 $0x13F00;
	s22 =	simm.s32 $0x13F80;
	[dreg:$0x8] =	wrdreg s12  }
0x8: {  	s23 =	simm.s32 $0x14700;
	s24 =	simm.s32 $0x14780;
	[dreg:$0x9] =	wrdreg s14  }
0x9: {  	s28 =	simm.s32 $0x14280;
	s29 =	simm.s32 $0x14A00;
	[dreg:$0xa] =	wrdreg s15  }
0xa: {  	s30 =	simm.s32 $0x14A80;
	s5 =	smul.u32 $0x2800, s9;
	[dreg:$0xb] =	wrdreg s16  }
0xb: {  	s31 =	simm.s32 $0x14300;
	s7 =	smul.u32 $0x13C00, s9;
	[dreg:$0xc] =	wrdreg s17  }
0xc: {  	s1 =	sand.u32 $0x1, s1;
	s8 =	smul.u32 $0x4F000, s9;
	[dreg:$0xd] =	wrdreg s18  }
0xd: {  	s13 =	sshll.u32 s9, $0x6;
	s2 =	smul.u32 $0x28000, s1;
	[dreg:$0xe] =	wrdreg s19  }
0xe: {  	s9 =	simm.s32 $0x0;
	s6 =	smul.u32 $0x13C000, s1;
	[dreg:$0xf] =	wrdreg s20  }
0xf: {  	s1 =	ssub.s32 $0x2, s1;
	s11 =	simm.s32 $0x13C00;
	[dreg:$0x10] =	wrdreg s21  }
0x10: {  	s12 =	simm.s32 $0x14400;
	s14 =	simm.s32 $0x14C00;
	[dreg:$0x11] =	wrdreg s22  }
0x11: {  	s15 =	simm.s32 $0x18C00;
	[dreg:$0x12] =	wrdreg s23;
	s16 =	simm.s32 $0x1  }
0x12: {  	[dreg:$0x13] =	wrdreg s24;
	s17 =	simm.s32 $0x2;
	s18 =	simm.s32 $0x3  }
0x13: {  	s19 =	simm.s32 $0x4;
	s20 =	simm.s32 $0x14800;
	s21 =	simm.s32 $0x14880  }
0x14: {  	s22 =	simm.s32 $0x14100;
	s23 =	simm.s32 $0x14180;
	s24 =	simm.s32 $0x14900  }
0x15: {  	s25 =	sshrl.u32 s1, $0x1;
	s10 =	sshrl.u32 s8, $0x2;
	s2 =	sadd.s32 s5, s2  }
0x16: {  	s5 =	sadd.s32 $0x1AA00, s0;
	s6 =	sadd.s32 s7, s6;
	s1 =	ssub.s32 s1, s25  }
0x17: {  	s7 =	simm.s32 $0x13C80;
	s25 =	simm.s32 $0x14000;
	s2 =	sshrl.u32 s2, $0x3  }
0x18: {  	s6 =	sshrl.u32 s6, $0x3;
	[dreg:$0x6] =	wrdreg s7;
	s7 =	sor.u32 $0x1C05, s13  }
0x19: {  	s1 =	smax.u32 s1, $0x1;
	s13 =	simm.s32 $0x7D;
	[dreg:$0x14] =	wrdreg s25  }
0x1a: {  	s25 =	simm.s32 $0x14980;
	s2 =	sadd.s32 s2, s0;
	[dreg:$0x18] =	wrdreg s1  }
0x1b: {  	s0 =	sadd.s32 s6, s0;
	[dreg:$0x16] =	wrdreg s7;
	s26 =	sadd.s32 $0x10A00, s2  }
0x1c: {  	s6 =	sadd.s32 s10, s3;
	s2 =	sadd.s32 $0x6A00, s2;
	[dreg:$0x4] =	wrdreg s26  }
0x1d: {  	s10 =	simm.s32 $0x5;
	s0 =	sadd.s32 $0x41C00, s0;
	[dreg:$0x5] =	wrdreg s2  }
0x1e: {  	s1 =	simm.s32 $0x14380;
	s8 =	sshrl.u32 s6, $0x3;
	[dreg:$0x17] =	wrdreg s0  }
0x1f: {  	s26 =	simm.s32 $0x14080;
	s0 =	simm.s32 $0x14B00;
	[dreg:$0x19] =	wrdreg s8  }
0x20: {  	s2 =	simm.s32 $0x14B80;
	[dreg:$0x15] =	wrdreg s26;
	s26 =	simm.s32 $0x14200  }
.LBB2_1:
0x21: {  	[dreg:$0x1a] =	wrdreg s9  }
0x22: {  	s6 =	rddreg [dreg:$0x1]  }
0x23: {  	[spmem:s8], [sflag:s7] =	dma.local [hbm:s6], $0x2780  }
0x24: {  	_ =	swait.ge [sflag:s10], $0x2780  }
0x25: {  	[sflag:s10] =	ssyncset.done $0x0  }
0x26: {  	[sflag:s10] =	ssyncadd.s32 $0xFFFFD880  }
0x27: {  	[bflag:$0x0] =	sbarrier.arrive $0xFFFF  }
0x28: {  	s8 =	rddreg [dreg:$0x5]  }
0x29: {  	s6 =	sadd.s32 $0x0, s8  }
0x2a: {  	[tilespmem:s11], [sflag:$0x5] =	stream.linear.gather [hbm4b:s6+s4], $0x800, $0x38;
	[tilespmem:$0x1CC00] =	vst v63  }
0x2b: {  	_ =	swait.ge [sflag:s10], $0x800  }
0x2c: {  	s9 =	rddreg [dreg:$0x4];
	[sflag:s10] =	ssyncset.done $0x0  }
0x2d: {  	[sflag:s10] =	ssyncadd.s32 $0xFFFFF800;
	s6 =	sadd.s32 $0x0, s9  }
0x2e: {  	[tilespmem:s12], [sflag:$0x5] =	stream.linear.gather [hbm4b:s6+s4], $0x800, $0x38;
	[tilespmem:$0x1CC00] =	vst v63  }
0x2f: {  	_ =	swait.ge [sflag:s10], $0x800  }
0x30: {  	[sflag:s10] =	ssyncset.done $0x0  }
0x31: {  	[sflag:s10] =	ssyncadd.s32 $0xFFFFF800  }
0x32: {  	[tilespmem:s14], [sflag:$0x1] =	stream.indirect.gather [hbm4b:s5+s13], $0x80, s11, s13, $0xb8;
	[tilespmem:$0x1CC00] =	vst v63  }
0x33: {  	s7 =	rddreg [dreg:$0x6]  }
0x34: {  	[tilespmem:s15], [sflag:$0x2] =	stream.indirect.gather [hbm4b:s5+s13], $0x80, s7, s13, $0xb8;
	[tilespmem:$0x1CC00] =	vst v63  }
0x35: {  	_ =	swait.ge [sflag:s16], $0x3E80  }
0x36: {  	[sflag:s16] =	ssyncset.done $0x0  }
0x37: {  	[sflag:s16] =	ssyncadd.s32 $0xFFFFC180  }
0x38: {  	[spmem:s3] =	stream.indirect.scatter.add.f32 [tilespmem:s14], [sflag:$0x3], $0x80, s12, s13, $0xb8;
	[tilespmem:$0x1CC00] =	vst v63  }
0x39: {  	_ =	swait.ge [sflag:s17], $0x3E80  }
0x3a: {  	[sflag:s17] =	ssyncset.done $0x0  }
0x3b: {  	s8 =	rddreg [dreg:$0x7];
	[sflag:s17] =	ssyncadd.s32 $0xFFFFC180  }
0x3c: {  	[spmem:s3] =	stream.indirect.scatter.add.f32 [tilespmem:s15], [sflag:$0x4], $0x80, s8, s13, $0xb8;
	[tilespmem:$0x1CC00] =	vst v63  }
0x3d: {  	_ =	swait.ge [sflag:s18], $0x3E80  }
0x3e: {  	[sflag:s18] =	ssyncset.done $0x0  }
0x3f: {  	[sflag:s18] =	ssyncadd.s32 $0xFFFFC180  }
0x40: {  	_ =	swait.ge [sflag:s19], $0x3E80  }
0x41: {  	[sflag:s19] =	ssyncset.done $0x0  }
0x42: {  	s9 =	rddreg [dreg:$0x8];
	[sflag:s19] =	ssyncadd.s32 $0xFFFFC180  }
0x43: {  	[tilespmem:s14], [sflag:$0x1] =	stream.indirect.gather [hbm4b:s5+s13], $0x80, s9, s13, $0xb8;
	[tilespmem:$0x1CC00] =	vst v63  }
0x44: {  	s7 =	rddreg [dreg:$0x9]  }
0x45: {  	[tilespmem:s15], [sflag:$0x2] =	stream.indirect.gather [hbm4b:s5+s13], $0x80, s7, s13, $0xb8;
	[tilespmem:$0x1CC00] =	vst v63  }
0x46: {  	_ =	swait.ge [sflag:s16], $0x3E80  }
0x47: {  	[sflag:s16] =	ssyncset.done $0x0  }
0x48: {  	s9 =	rddreg [dreg:$0xa];
	[sflag:s16] =	ssyncadd.s32 $0xFFFFC180  }
0x49: {  	[spmem:s3] =	stream.indirect.scatter.add.f32 [tilespmem:s14], [sflag:$0x3], $0x80, s9, s13, $0xb8;
	[tilespmem:$0x1CC00] =	vst v63  }
0x4a: {  	_ =	swait.ge [sflag:s17], $0x3E80  }
0x4b: {  	[sflag:s17] =	ssyncset.done $0x0  }
0x4c: {  	s7 =	rddreg [dreg:$0xb];
	[sflag:s17] =	ssyncadd.s32 $0xFFFFC180  }
0x4d: {  	[spmem:s3] =	stream.indirect.scatter.add.f32 [tilespmem:s15], [sflag:$0x4], $0x80, s7, s13, $0xb8;
	[tilespmem:$0x1CC00] =	vst v63  }
0x4e: {  	_ =	swait.ge [sflag:s18], $0x3E80  }
0x4f: {  	[sflag:s18] =	ssyncset.done $0x0  }
0x50: {  	[sflag:s18] =	ssyncadd.s32 $0xFFFFC180  }
0x51: {  	_ =	swait.ge [sflag:s19], $0x3E80  }
0x52: {  	[sflag:s19] =	ssyncset.done $0x0  }
0x53: {  	s8 =	rddreg [dreg:$0xc];
	[sflag:s19] =	ssyncadd.s32 $0xFFFFC180  }
0x54: {  	[tilespmem:s14], [sflag:$0x1] =	stream.indirect.gather [hbm4b:s5+s13], $0x80, s8, s13, $0xb8;
	[tilespmem:$0x1CC00] =	vst v63  }
0x55: {  	s9 =	rddreg [dreg:$0xd]  }
0x56: {  	[tilespmem:s15], [sflag:$0x2] =	stream.indirect.gather [hbm4b:s5+s13], $0x80, s9, s13, $0xb8;
	[tilespmem:$0x1CC00] =	vst v63  }
0x57: {  	_ =	swait.ge [sflag:s16], $0x3E80  }
0x58: {  	[sflag:s16] =	ssyncset.done $0x0  }
0x59: {  	s7 =	rddreg [dreg:$0xe];
	[sflag:s16] =	ssyncadd.s32 $0xFFFFC180  }
0x5a: {  	[spmem:s3] =	stream.indirect.scatter.add.f32 [tilespmem:s14], [sflag:$0x3], $0x80, s7, s13, $0xb8;
	[tilespmem:$0x1CC00] =	vst v63  }
0x5b: {  	_ =	swait.ge [sflag:s17], $0x3E80  }
0x5c: {  	[sflag:s17] =	ssyncset.done $0x0  }
0x5d: {  	s8 =	rddreg [dreg:$0xf];
	[sflag:s17] =	ssyncadd.s32 $0xFFFFC180  }
0x5e: {  	[spmem:s3] =	stream.indirect.scatter.add.f32 [tilespmem:s15], [sflag:$0x4], $0x80, s8, s13, $0xb8;
	[tilespmem:$0x1CC00] =	vst v63  }
0x5f: {  	_ =	swait.ge [sflag:s18], $0x3E80  }
0x60: {  	[sflag:s18] =	ssyncset.done $0x0  }
0x61: {  	[sflag:s18] =	ssyncadd.s32 $0xFFFFC180  }
0x62: {  	_ =	swait.ge [sflag:s19], $0x3E80  }
0x63: {  	[sflag:s19] =	ssyncset.done $0x0  }
0x64: {  	s9 =	rddreg [dreg:$0x10];
	[sflag:s19] =	ssyncadd.s32 $0xFFFFC180  }
0x65: {  	[tilespmem:s14], [sflag:$0x1] =	stream.indirect.gather [hbm4b:s5+s13], $0x80, s9, s13, $0xb8;
	[tilespmem:$0x1CC00] =	vst v63  }
0x66: {  	s7 =	rddreg [dreg:$0x11]  }
0x67: {  	[tilespmem:s15], [sflag:$0x2] =	stream.indirect.gather [hbm4b:s5+s13], $0x80, s7, s13, $0xb8;
	[tilespmem:$0x1CC00] =	vst v63  }
0x68: {  	_ =	swait.ge [sflag:s16], $0x3E80  }
0x69: {  	[sflag:s16] =	ssyncset.done $0x0  }
0x6a: {  	s9 =	rddreg [dreg:$0x12];
	[sflag:s16] =	ssyncadd.s32 $0xFFFFC180  }
0x6b: {  	[spmem:s3] =	stream.indirect.scatter.add.f32 [tilespmem:s14], [sflag:$0x3], $0x80, s9, s13, $0xb8;
	[tilespmem:$0x1CC00] =	vst v63  }
0x6c: {  	_ =	swait.ge [sflag:s17], $0x3E80  }
0x6d: {  	[sflag:s17] =	ssyncset.done $0x0  }
0x6e: {  	s7 =	rddreg [dreg:$0x13];
	[sflag:s17] =	ssyncadd.s32 $0xFFFFC180  }
0x6f: {  	[spmem:s3] =	stream.indirect.scatter.add.f32 [tilespmem:s15], [sflag:$0x4], $0x80, s7, s13, $0xb8;
	[tilespmem:$0x1CC00] =	vst v63  }
0x70: {  	_ =	swait.ge [sflag:s18], $0x3E80  }
0x71: {  	[sflag:s18] =	ssyncset.done $0x0  }
0x72: {  	[sflag:s18] =	ssyncadd.s32 $0xFFFFC180  }
0x73: {  	_ =	swait.ge [sflag:s19], $0x3E80  }
0x74: {  	[sflag:s19] =	ssyncset.done $0x0  }
0x75: {  	s8 =	rddreg [dreg:$0x14];
	[sflag:s19] =	ssyncadd.s32 $0xFFFFC180  }
0x76: {  	[tilespmem:s14], [sflag:$0x1] =	stream.indirect.gather [hbm4b:s5+s13], $0x80, s8, s13, $0xb8;
	[tilespmem:$0x1CC00] =	vst v63  }
0x77: {  	s9 =	rddreg [dreg:$0x15]  }
0x78: {  	[tilespmem:s15], [sflag:$0x2] =	stream.indirect.gather [hbm4b:s5+s13], $0x80, s9, s13, $0xb8;
	[tilespmem:$0x1CC00] =	vst v63  }
0x79: {  	_ =	swait.ge [sflag:s16], $0x3E80  }
0x7a: {  	[sflag:s16] =	ssyncset.done $0x0  }
0x7b: {  	[sflag:s16] =	ssyncadd.s32 $0xFFFFC180  }
0x7c: {  	[spmem:s3] =	stream.indirect.scatter.add.f32 [tilespmem:s14], [sflag:$0x3], $0x80, s20, s13, $0xb8;
	[tilespmem:$0x1CC00] =	vst v63  }
0x7d: {  	_ =	swait.ge [sflag:s17], $0x3E80  }
0x7e: {  	[sflag:s17] =	ssyncset.done $0x0  }
0x7f: {  	[sflag:s17] =	ssyncadd.s32 $0xFFFFC180  }
0x80: {  	[spmem:s3] =	stream.indirect.scatter.add.f32 [tilespmem:s15], [sflag:$0x4], $0x80, s21, s13, $0xb8;
	[tilespmem:$0x1CC00] =	vst v63  }
0x81: {  	_ =	swait.ge [sflag:s18], $0x3E80  }
0x82: {  	[sflag:s18] =	ssyncset.done $0x0  }
0x83: {  	[sflag:s18] =	ssyncadd.s32 $0xFFFFC180  }
0x84: {  	_ =	swait.ge [sflag:s19], $0x3E80  }
0x85: {  	[sflag:s19] =	ssyncset.done $0x0  }
0x86: {  	[sflag:s19] =	ssyncadd.s32 $0xFFFFC180  }
0x87: {  	[tilespmem:s14], [sflag:$0x1] =	stream.indirect.gather [hbm4b:s5+s13], $0x80, s22, s13, $0xb8;
	[tilespmem:$0x1CC00] =	vst v63  }
0x88: {  	_ = 	snop  }
0x89: {  	[tilespmem:s15], [sflag:$0x2] =	stream.indirect.gather [hbm4b:s5+s13], $0x80, s23, s13, $0xb8;
	[tilespmem:$0x1CC00] =	vst v63  }
0x8a: {  	_ =	swait.ge [sflag:s16], $0x3E80  }
0x8b: {  	[sflag:s16] =	ssyncset.done $0x0  }
0x8c: {  	[sflag:s16] =	ssyncadd.s32 $0xFFFFC180  }
0x8d: {  	[spmem:s3] =	stream.indirect.scatter.add.f32 [tilespmem:s14], [sflag:$0x3], $0x80, s24, s13, $0xb8;
	[tilespmem:$0x1CC00] =	vst v63  }
0x8e: {  	_ =	swait.ge [sflag:s17], $0x3E80  }
0x8f: {  	[sflag:s17] =	ssyncset.done $0x0  }
0x90: {  	[sflag:s17] =	ssyncadd.s32 $0xFFFFC180  }
0x91: {  	[spmem:s3] =	stream.indirect.scatter.add.f32 [tilespmem:s15], [sflag:$0x4], $0x80, s25, s13, $0xb8;
	[tilespmem:$0x1CC00] =	vst v63  }
0x92: {  	_ =	swait.ge [sflag:s18], $0x3E80  }
0x93: {  	[sflag:s18] =	ssyncset.done $0x0  }
0x94: {  	[sflag:s18] =	ssyncadd.s32 $0xFFFFC180  }
0x95: {  	_ =	swait.ge [sflag:s19], $0x3E80  }
0x96: {  	[sflag:s19] =	ssyncset.done $0x0  }
0x97: {  	[sflag:s19] =	ssyncadd.s32 $0xFFFFC180  }
0x98: {  	[tilespmem:s14], [sflag:$0x1] =	stream.indirect.gather [hbm4b:s5+s13], $0x80, s26, s13, $0xb8;
	[tilespmem:$0x1CC00] =	vst v63  }
0x99: {  	_ = 	snop  }
0x9a: {  	[tilespmem:s15], [sflag:$0x2] =	stream.indirect.gather [hbm4b:s5+s13], $0x80, s28, s13, $0xb8;
	[tilespmem:$0x1CC00] =	vst v63  }
0x9b: {  	_ =	swait.ge [sflag:s16], $0x3E80  }
0x9c: {  	[sflag:s16] =	ssyncset.done $0x0  }
0x9d: {  	[sflag:s16] =	ssyncadd.s32 $0xFFFFC180  }
0x9e: {  	[spmem:s3] =	stream.indirect.scatter.add.f32 [tilespmem:s14], [sflag:$0x3], $0x80, s29, s13, $0xb8;
	[tilespmem:$0x1CC00] =	vst v63  }
0x9f: {  	_ =	swait.ge [sflag:s17], $0x3E80  }
0xa0: {  	[sflag:s17] =	ssyncset.done $0x0  }
0xa1: {  	[sflag:s17] =	ssyncadd.s32 $0xFFFFC180  }
0xa2: {  	[spmem:s3] =	stream.indirect.scatter.add.f32 [tilespmem:s15], [sflag:$0x4], $0x80, s30, s13, $0xb8;
	[tilespmem:$0x1CC00] =	vst v63  }
0xa3: {  	_ =	swait.ge [sflag:s18], $0x3E80  }
0xa4: {  	[sflag:s18] =	ssyncset.done $0x0  }
0xa5: {  	[sflag:s18] =	ssyncadd.s32 $0xFFFFC180  }
0xa6: {  	_ =	swait.ge [sflag:s19], $0x3E80  }
0xa7: {  	[sflag:s19] =	ssyncset.done $0x0  }
0xa8: {  	[sflag:s19] =	ssyncadd.s32 $0xFFFFC180  }
0xa9: {  	[tilespmem:s14], [sflag:$0x1] =	stream.indirect.gather [hbm4b:s5+s13], $0x80, s31, s13, $0xb8;
	[tilespmem:$0x1CC00] =	vst v63  }
0xaa: {  	_ = 	snop  }
0xab: {  	[tilespmem:s15], [sflag:$0x2] =	stream.indirect.gather [hbm4b:s5+s13], $0x80, s1, s13, $0xb8;
	[tilespmem:$0x1CC00] =	vst v63  }
0xac: {  	_ =	swait.ge [sflag:s16], $0x3E80  }
0xad: {  	[sflag:s16] =	ssyncset.done $0x0  }
0xae: {  	[sflag:s16] =	ssyncadd.s32 $0xFFFFC180  }
0xaf: {  	[spmem:s3] =	stream.indirect.scatter.add.f32 [tilespmem:s14], [sflag:$0x3], $0x80, s0, s13, $0xb8;
	[tilespmem:$0x1CC00] =	vst v63  }
0xb0: {  	_ =	swait.ge [sflag:s17], $0x3E80  }
0xb1: {  	[sflag:s17] =	ssyncset.done $0x0  }
0xb2: {  	[sflag:s17] =	ssyncadd.s32 $0xFFFFC180  }
0xb3: {  	[spmem:s3] =	stream.indirect.scatter.add.f32 [tilespmem:s15], [sflag:$0x4], $0x80, s2, s13, $0xb8;
	[tilespmem:$0x1CC00] =	vst v63  }
0xb4: {  	_ =	swait.ge [sflag:s18], $0x3E80  }
0xb5: {  	[sflag:s18] =	ssyncset.done $0x0  }
0xb6: {  	[sflag:s18] =	ssyncadd.s32 $0xFFFFC180  }
0xb7: {  	s6 =	simm.s32 $0x200;
	_ =	swait.ge [sflag:s19], $0x3E80  }
0xb8: {  	s8 =	simm.s32 $0x100;
	s9 =	rddreg [dreg:$0x5];
	[sflag:s19] =	ssyncset.done $0x0  }
.LBB2_2:
0xb9: {  	[sflag:s19] =	ssyncadd.s32 $0xFFFFC180;
	s9 =	sadd.s32 s8, s9  }
0xba: {  	[tilespmem:s11], [sflag:$0x5] =	stream.linear.gather [hbm4b:s9+s4], $0x800, $0x38;
	[tilespmem:$0x1CC00] =	vst v63  }
0xbb: {  	_ =	swait.ge [sflag:s10], $0x800  }
0xbc: {  	s9 =	rddreg [dreg:$0x4];
	[sflag:s10] =	ssyncset.done $0x0  }
0xbd: {  	[sflag:s10] =	ssyncadd.s32 $0xFFFFF800;
	s9 =	sadd.s32 s8, s9  }
0xbe: {  	[tilespmem:s12], [sflag:$0x5] =	stream.linear.gather [hbm4b:s9+s4], $0x800, $0x38;
	[tilespmem:$0x1CC00] =	vst v63  }
0xbf: {  	_ =	swait.ge [sflag:s10], $0x800  }
0xc0: {  	[sflag:s10] =	ssyncset.done $0x0  }
0xc1: {  	[sflag:s10] =	ssyncadd.s32 $0xFFFFF800  }
0xc2: {  	[tilespmem:s14], [sflag:$0x1] =	stream.indirect.gather [hbm4b:s5+s13], $0x80, s11, s13, $0xb8;
	[tilespmem:$0x1CC00] =	vst v63  }
0xc3: {  	s9 =	rddreg [dreg:$0x6]  }
0xc4: {  	[tilespmem:s15], [sflag:$0x2] =	stream.indirect.gather [hbm4b:s5+s13], $0x80, s9, s13, $0xb8;
	[tilespmem:$0x1CC00] =	vst v63  }
0xc5: {  	_ =	swait.ge [sflag:s16], $0x3E80  }
0xc6: {  	[sflag:s16] =	ssyncset.done $0x0  }
0xc7: {  	[sflag:s16] =	ssyncadd.s32 $0xFFFFC180  }
0xc8: {  	[spmem:s3] =	stream.indirect.scatter.add.f32 [tilespmem:s14], [sflag:$0x3], $0x80, s12, s13, $0xb8;
	[tilespmem:$0x1CC00] =	vst v63  }
0xc9: {  	_ =	swait.ge [sflag:s17], $0x3E80  }
0xca: {  	[sflag:s17] =	ssyncset.done $0x0  }
0xcb: {  	s9 =	rddreg [dreg:$0x7];
	[sflag:s17] =	ssyncadd.s32 $0xFFFFC180  }
0xcc: {  	[spmem:s3] =	stream.indirect.scatter.add.f32 [tilespmem:s15], [sflag:$0x4], $0x80, s9, s13, $0xb8;
	[tilespmem:$0x1CC00] =	vst v63  }
0xcd: {  	_ =	swait.ge [sflag:s18], $0x3E80  }
0xce: {  	[sflag:s18] =	ssyncset.done $0x0  }
0xcf: {  	[sflag:s18] =	ssyncadd.s32 $0xFFFFC180  }
0xd0: {  	_ =	swait.ge [sflag:s19], $0x3E80  }
0xd1: {  	s7 =	smov.u32 s6;
	[sflag:s19] =	ssyncset.done $0x0  }
0xd2: {  	s8 =	smov.u32 s7;
	s7 =	rddreg [dreg:$0x8];
	[sflag:s19] =	ssyncadd.s32 $0xFFFFC180  }
0xd3: {  	[tilespmem:s14], [sflag:$0x1] =	stream.indirect.gather [hbm4b:s5+s13], $0x80, s7, s13, $0xb8;
	[tilespmem:$0x1CC00] =	vst v63  }
0xd4: {  	s9 =	rddreg [dreg:$0x9]  }
0xd5: {  	[tilespmem:s15], [sflag:$0x2] =	stream.indirect.gather [hbm4b:s5+s13], $0x80, s9, s13, $0xb8;
	[tilespmem:$0x1CC00] =	vst v63  }
0xd6: {  	_ =	swait.ge [sflag:s16], $0x3E80  }
0xd7: {  	[sflag:s16] =	ssyncset.done $0x0  }
0xd8: {  	s9 =	rddreg [dreg:$0xa];
	[sflag:s16] =	ssyncadd.s32 $0xFFFFC180  }
0xd9: {  	[spmem:s3] =	stream.indirect.scatter.add.f32 [tilespmem:s14], [sflag:$0x3], $0x80, s9, s13, $0xb8;
	[tilespmem:$0x1CC00] =	vst v63  }
0xda: {  	_ =	swait.ge [sflag:s17], $0x3E80  }
0xdb: {  	[sflag:s17] =	ssyncset.done $0x0  }
0xdc: {  	s9 =	rddreg [dreg:$0xb];
	[sflag:s17] =	ssyncadd.s32 $0xFFFFC180  }
0xdd: {  	[spmem:s3] =	stream.indirect.scatter.add.f32 [tilespmem:s15], [sflag:$0x4], $0x80, s9, s13, $0xb8;
	[tilespmem:$0x1CC00] =	vst v63  }
0xde: {  	_ =	swait.ge [sflag:s18], $0x3E80  }
0xdf: {  	[sflag:s18] =	ssyncset.done $0x0  }
0xe0: {  	[sflag:s18] =	ssyncadd.s32 $0xFFFFC180  }
0xe1: {  	_ =	swait.ge [sflag:s19], $0x3E80  }
0xe2: {  	[sflag:s19] =	ssyncset.done $0x0  }
0xe3: {  	s7 =	rddreg [dreg:$0xc];
	[sflag:s19] =	ssyncadd.s32 $0xFFFFC180  }
0xe4: {  	[tilespmem:s14], [sflag:$0x1] =	stream.indirect.gather [hbm4b:s5+s13], $0x80, s7, s13, $0xb8;
	[tilespmem:$0x1CC00] =	vst v63  }
0xe5: {  	s9 =	rddreg [dreg:$0xd]  }
0xe6: {  	[tilespmem:s15], [sflag:$0x2] =	stream.indirect.gather [hbm4b:s5+s13], $0x80, s9, s13, $0xb8;
	[tilespmem:$0x1CC00] =	vst v63  }
0xe7: {  	_ =	swait.ge [sflag:s16], $0x3E80  }
0xe8: {  	[sflag:s16] =	ssyncset.done $0x0  }
0xe9: {  	s9 =	rddreg [dreg:$0xe];
	[sflag:s16] =	ssyncadd.s32 $0xFFFFC180  }
0xea: {  	[spmem:s3] =	stream.indirect.scatter.add.f32 [tilespmem:s14], [sflag:$0x3], $0x80, s9, s13, $0xb8;
	[tilespmem:$0x1CC00] =	vst v63  }
0xeb: {  	_ =	swait.ge [sflag:s17], $0x3E80  }
0xec: {  	[sflag:s17] =	ssyncset.done $0x0  }
0xed: {  	s9 =	rddreg [dreg:$0xf];
	[sflag:s17] =	ssyncadd.s32 $0xFFFFC180  }
0xee: {  	[spmem:s3] =	stream.indirect.scatter.add.f32 [tilespmem:s15], [sflag:$0x4], $0x80, s9, s13, $0xb8;
	[tilespmem:$0x1CC00] =	vst v63  }
0xef: {  	_ =	swait.ge [sflag:s18], $0x3E80  }
0xf0: {  	[sflag:s18] =	ssyncset.done $0x0  }
0xf1: {  	[sflag:s18] =	ssyncadd.s32 $0xFFFFC180  }
0xf2: {  	_ =	swait.ge [sflag:s19], $0x3E80  }
0xf3: {  	[sflag:s19] =	ssyncset.done $0x0  }
0xf4: {  	s7 =	rddreg [dreg:$0x10];
	[sflag:s19] =	ssyncadd.s32 $0xFFFFC180  }
0xf5: {  	[tilespmem:s14], [sflag:$0x1] =	stream.indirect.gather [hbm4b:s5+s13], $0x80, s7, s13, $0xb8;
	[tilespmem:$0x1CC00] =	vst v63  }
0xf6: {  	s9 =	rddreg [dreg:$0x11]  }
0xf7: {  	[tilespmem:s15], [sflag:$0x2] =	stream.indirect.gather [hbm4b:s5+s13], $0x80, s9, s13, $0xb8;
	[tilespmem:$0x1CC00] =	vst v63  }
0xf8: {  	_ =	swait.ge [sflag:s16], $0x3E80  }
0xf9: {  	[sflag:s16] =	ssyncset.done $0x0  }
0xfa: {  	s9 =	rddreg [dreg:$0x12];
	[sflag:s16] =	ssyncadd.s32 $0xFFFFC180  }
0xfb: {  	[spmem:s3] =	stream.indirect.scatter.add.f32 [tilespmem:s14], [sflag:$0x3], $0x80, s9, s13, $0xb8;
	[tilespmem:$0x1CC00] =	vst v63  }
0xfc: {  	_ =	swait.ge [sflag:s17], $0x3E80  }
0xfd: {  	[sflag:s17] =	ssyncset.done $0x0  }
0xfe: {  	s9 =	rddreg [dreg:$0x13];
	[sflag:s17] =	ssyncadd.s32 $0xFFFFC180  }
0xff: {  	[spmem:s3] =	stream.indirect.scatter.add.f32 [tilespmem:s15], [sflag:$0x4], $0x80, s9, s13, $0xb8;
	[tilespmem:$0x1CC00] =	vst v63  }
0x100: {  	_ =	swait.ge [sflag:s18], $0x3E80  }
0x101: {  	[sflag:s18] =	ssyncset.done $0x0  }
0x102: {  	[sflag:s18] =	ssyncadd.s32 $0xFFFFC180  }
0x103: {  	_ =	swait.ge [sflag:s19], $0x3E80  }
0x104: {  	[sflag:s19] =	ssyncset.done $0x0  }
0x105: {  	s7 =	rddreg [dreg:$0x14];
	[sflag:s19] =	ssyncadd.s32 $0xFFFFC180  }
0x106: {  	[tilespmem:s14], [sflag:$0x1] =	stream.indirect.gather [hbm4b:s5+s13], $0x80, s7, s13, $0xb8;
	[tilespmem:$0x1CC00] =	vst v63  }
0x107: {  	s9 =	rddreg [dreg:$0x15]  }
0x108: {  	[tilespmem:s15], [sflag:$0x2] =	stream.indirect.gather [hbm4b:s5+s13], $0x80, s9, s13, $0xb8;
	[tilespmem:$0x1CC00] =	vst v63  }
0x109: {  	_ =	swait.ge [sflag:s16], $0x3E80  }
0x10a: {  	[sflag:s16] =	ssyncset.done $0x0  }
0x10b: {  	[sflag:s16] =	ssyncadd.s32 $0xFFFFC180  }
0x10c: {  	[spmem:s3] =	stream.indirect.scatter.add.f32 [tilespmem:s14], [sflag:$0x3], $0x80, s20, s13, $0xb8;
	[tilespmem:$0x1CC00] =	vst v63  }
0x10d: {  	_ =	swait.ge [sflag:s17], $0x3E80  }
0x10e: {  	[sflag:s17] =	ssyncset.done $0x0  }
0x10f: {  	[sflag:s17] =	ssyncadd.s32 $0xFFFFC180  }
0x110: {  	[spmem:s3] =	stream.indirect.scatter.add.f32 [tilespmem:s15], [sflag:$0x4], $0x80, s21, s13, $0xb8;
	[tilespmem:$0x1CC00] =	vst v63  }
0x111: {  	_ =	swait.ge [sflag:s18], $0x3E80  }
0x112: {  	[sflag:s18] =	ssyncset.done $0x0  }
0x113: {  	[sflag:s18] =	ssyncadd.s32 $0xFFFFC180  }
0x114: {  	_ =	swait.ge [sflag:s19], $0x3E80  }
0x115: {  	[sflag:s19] =	ssyncset.done $0x0  }
0x116: {  	[sflag:s19] =	ssyncadd.s32 $0xFFFFC180  }
0x117: {  	[tilespmem:s14], [sflag:$0x1] =	stream.indirect.gather [hbm4b:s5+s13], $0x80, s22, s13, $0xb8;
	[tilespmem:$0x1CC00] =	vst v63  }
0x118: {  	_ = 	snop  }
0x119: {  	[tilespmem:s15], [sflag:$0x2] =	stream.indirect.gather [hbm4b:s5+s13], $0x80, s23, s13, $0xb8;
	[tilespmem:$0x1CC00] =	vst v63  }
0x11a: {  	_ =	swait.ge [sflag:s16], $0x3E80  }
0x11b: {  	[sflag:s16] =	ssyncset.done $0x0  }
0x11c: {  	[sflag:s16] =	ssyncadd.s32 $0xFFFFC180  }
0x11d: {  	[spmem:s3] =	stream.indirect.scatter.add.f32 [tilespmem:s14], [sflag:$0x3], $0x80, s24, s13, $0xb8;
	[tilespmem:$0x1CC00] =	vst v63  }
0x11e: {  	_ =	swait.ge [sflag:s17], $0x3E80  }
0x11f: {  	[sflag:s17] =	ssyncset.done $0x0  }
0x120: {  	[sflag:s17] =	ssyncadd.s32 $0xFFFFC180  }
0x121: {  	[spmem:s3] =	stream.indirect.scatter.add.f32 [tilespmem:s15], [sflag:$0x4], $0x80, s25, s13, $0xb8;
	[tilespmem:$0x1CC00] =	vst v63  }
0x122: {  	_ =	swait.ge [sflag:s18], $0x3E80  }
0x123: {  	[sflag:s18] =	ssyncset.done $0x0  }
0x124: {  	[sflag:s18] =	ssyncadd.s32 $0xFFFFC180  }
0x125: {  	_ =	swait.ge [sflag:s19], $0x3E80  }
0x126: {  	[sflag:s19] =	ssyncset.done $0x0  }
0x127: {  	[sflag:s19] =	ssyncadd.s32 $0xFFFFC180  }
0x128: {  	[tilespmem:s14], [sflag:$0x1] =	stream.indirect.gather [hbm4b:s5+s13], $0x80, s26, s13, $0xb8;
	[tilespmem:$0x1CC00] =	vst v63  }
0x129: {  	_ = 	snop  }
0x12a: {  	[tilespmem:s15], [sflag:$0x2] =	stream.indirect.gather [hbm4b:s5+s13], $0x80, s28, s13, $0xb8;
	[tilespmem:$0x1CC00] =	vst v63  }
0x12b: {  	_ =	swait.ge [sflag:s16], $0x3E80  }
0x12c: {  	[sflag:s16] =	ssyncset.done $0x0  }
0x12d: {  	[sflag:s16] =	ssyncadd.s32 $0xFFFFC180  }
0x12e: {  	[spmem:s3] =	stream.indirect.scatter.add.f32 [tilespmem:s14], [sflag:$0x3], $0x80, s29, s13, $0xb8;
	[tilespmem:$0x1CC00] =	vst v63  }
0x12f: {  	_ =	swait.ge [sflag:s17], $0x3E80  }
0x130: {  	[sflag:s17] =	ssyncset.done $0x0  }
0x131: {  	[sflag:s17] =	ssyncadd.s32 $0xFFFFC180  }
0x132: {  	[spmem:s3] =	stream.indirect.scatter.add.f32 [tilespmem:s15], [sflag:$0x4], $0x80, s30, s13, $0xb8;
	[tilespmem:$0x1CC00] =	vst v63  }
0x133: {  	_ =	swait.ge [sflag:s18], $0x3E80  }
0x134: {  	[sflag:s18] =	ssyncset.done $0x0  }
0x135: {  	[sflag:s18] =	ssyncadd.s32 $0xFFFFC180  }
0x136: {  	_ =	swait.ge [sflag:s19], $0x3E80  }
0x137: {  	[sflag:s19] =	ssyncset.done $0x0  }
0x138: {  	[sflag:s19] =	ssyncadd.s32 $0xFFFFC180  }
0x139: {  	[tilespmem:s14], [sflag:$0x1] =	stream.indirect.gather [hbm4b:s5+s13], $0x80, s31, s13, $0xb8;
	[tilespmem:$0x1CC00] =	vst v63  }
0x13a: {  	_ = 	snop  }
0x13b: {  	[tilespmem:s15], [sflag:$0x2] =	stream.indirect.gather [hbm4b:s5+s13], $0x80, s1, s13, $0xb8;
	[tilespmem:$0x1CC00] =	vst v63  }
0x13c: {  	_ =	swait.ge [sflag:s16], $0x3E80  }
0x13d: {  	[sflag:s16] =	ssyncset.done $0x0  }
0x13e: {  	[sflag:s16] =	ssyncadd.s32 $0xFFFFC180  }
0x13f: {  	[spmem:s3] =	stream.indirect.scatter.add.f32 [tilespmem:s14], [sflag:$0x3], $0x80, s0, s13, $0xb8;
	[tilespmem:$0x1CC00] =	vst v63  }
0x140: {  	_ =	swait.ge [sflag:s17], $0x3E80  }
0x141: {  	[sflag:s17] =	ssyncset.done $0x0  }
0x142: {  	p0 =	sne.s32 s6, $0x400;
	[sflag:s17] =	ssyncadd.s32 $0xFFFFC180  }
0x143: {  	[spmem:s3] =	stream.indirect.scatter.add.f32 [tilespmem:s15], [sflag:$0x4], $0x80, s2, s13, $0xb8;
	[tilespmem:$0x1CC00] =	vst v63  }
.Ltmp0:
0x144: {  	_ =	swait.ge [sflag:s18], $0x3E80;
	(pc) =	sbr.rel @p0 .LBB2_2-.Ltmp0, $4  }
0x145: {  	[sflag:s18] =	ssyncset.done $0x0  }
0x146: {  	[sflag:s18] =	ssyncadd.s32 $0xFFFFC180  }
0x147: {  	_ =	swait.ge [sflag:s19], $0x3E80  }
0x148: {  	s6 =	sadd.s32 $0x100, s6;
	s9 =	rddreg [dreg:$0x5];
	[sflag:s19] =	ssyncset.done $0x0  }
0x149: {  	[sflag:s19] =	ssyncadd.s32 $0xFFFFC180;
	s6 =	sadd.s32 s8, s9  }
0x14a: {  	[tilespmem:s11], [sflag:$0x5] =	stream.linear.gather [hbm4b:s6+s4], $0x800, $0x38;
	[tilespmem:$0x1CC00] =	vst v63  }
0x14b: {  	_ =	swait.ge [sflag:s10], $0x800  }
0x14c: {  	s9 =	rddreg [dreg:$0x4];
	[sflag:s10] =	ssyncset.done $0x0  }
0x14d: {  	[sflag:s10] =	ssyncadd.s32 $0xFFFFF800;
	s6 =	sadd.s32 s8, s9  }
0x14e: {  	[tilespmem:s12], [sflag:$0x5] =	stream.linear.gather [hbm4b:s6+s4], $0x800, $0x38;
	[tilespmem:$0x1CC00] =	vst v63  }
0x14f: {  	_ =	swait.ge [sflag:s10], $0x800  }
0x150: {  	[sflag:s10] =	ssyncset.done $0x0  }
0x151: {  	[sflag:s10] =	ssyncadd.s32 $0xFFFFF800  }
0x152: {  	[tilespmem:s14], [sflag:$0x1] =	stream.indirect.gather [hbm4b:s5+s13], $0x80, s11, s13, $0xb8;
	[tilespmem:$0x1CC00] =	vst v63  }
0x153: {  	s7 =	rddreg [dreg:$0x6]  }
0x154: {  	[tilespmem:s15], [sflag:$0x2] =	stream.indirect.gather [hbm4b:s5+s13], $0x80, s7, s13, $0xb8;
	[tilespmem:$0x1CC00] =	vst v63  }
0x155: {  	_ =	swait.ge [sflag:s16], $0x3E80  }
0x156: {  	[sflag:s16] =	ssyncset.done $0x0  }
0x157: {  	[sflag:s16] =	ssyncadd.s32 $0xFFFFC180  }
0x158: {  	[spmem:s3] =	stream.indirect.scatter.add.f32 [tilespmem:s14], [sflag:$0x3], $0x80, s12, s13, $0xb8;
	[tilespmem:$0x1CC00] =	vst v63  }
0x159: {  	_ =	swait.ge [sflag:s17], $0x3E80  }
0x15a: {  	[sflag:s17] =	ssyncset.done $0x0  }
0x15b: {  	s8 =	rddreg [dreg:$0x7];
	[sflag:s17] =	ssyncadd.s32 $0xFFFFC180  }
0x15c: {  	[spmem:s3] =	stream.indirect.scatter.add.f32 [tilespmem:s15], [sflag:$0x4], $0x80, s8, s13, $0xb8;
	[tilespmem:$0x1CC00] =	vst v63  }
0x15d: {  	_ =	swait.ge [sflag:s18], $0x3E80  }
0x15e: {  	[sflag:s18] =	ssyncset.done $0x0  }
0x15f: {  	[sflag:s18] =	ssyncadd.s32 $0xFFFFC180  }
0x160: {  	_ =	swait.ge [sflag:s19], $0x3E80  }
0x161: {  	[sflag:s19] =	ssyncset.done $0x0  }
0x162: {  	s9 =	rddreg [dreg:$0x8];
	[sflag:s19] =	ssyncadd.s32 $0xFFFFC180  }
0x163: {  	[tilespmem:s14], [sflag:$0x1] =	stream.indirect.gather [hbm4b:s5+s13], $0x80, s9, s13, $0xb8;
	[tilespmem:$0x1CC00] =	vst v63  }
0x164: {  	s7 =	rddreg [dreg:$0x9]  }
0x165: {  	[tilespmem:s15], [sflag:$0x2] =	stream.indirect.gather [hbm4b:s5+s13], $0x80, s7, s13, $0xb8;
	[tilespmem:$0x1CC00] =	vst v63  }
0x166: {  	_ =	swait.ge [sflag:s16], $0x3E80  }
0x167: {  	[sflag:s16] =	ssyncset.done $0x0  }
0x168: {  	s8 =	rddreg [dreg:$0xa];
	[sflag:s16] =	ssyncadd.s32 $0xFFFFC180  }
0x169: {  	[spmem:s3] =	stream.indirect.scatter.add.f32 [tilespmem:s14], [sflag:$0x3], $0x80, s8, s13, $0xb8;
	[tilespmem:$0x1CC00] =	vst v63  }
0x16a: {  	_ =	swait.ge [sflag:s17], $0x3E80  }
0x16b: {  	[sflag:s17] =	ssyncset.done $0x0  }
0x16c: {  	s9 =	rddreg [dreg:$0xb];
	[sflag:s17] =	ssyncadd.s32 $0xFFFFC180  }
0x16d: {  	[spmem:s3] =	stream.indirect.scatter.add.f32 [tilespmem:s15], [sflag:$0x4], $0x80, s9, s13, $0xb8;
	[tilespmem:$0x1CC00] =	vst v63  }
0x16e: {  	_ =	swait.ge [sflag:s18], $0x3E80  }
0x16f: {  	[sflag:s18] =	ssyncset.done $0x0  }
0x170: {  	[sflag:s18] =	ssyncadd.s32 $0xFFFFC180  }
0x171: {  	_ =	swait.ge [sflag:s19], $0x3E80  }
0x172: {  	[sflag:s19] =	ssyncset.done $0x0  }
0x173: {  	s7 =	rddreg [dreg:$0xc];
	[sflag:s19] =	ssyncadd.s32 $0xFFFFC180  }
0x174: {  	[tilespmem:s14], [sflag:$0x1] =	stream.indirect.gather [hbm4b:s5+s13], $0x80, s7, s13, $0xb8;
	[tilespmem:$0x1CC00] =	vst v63  }
0x175: {  	s8 =	rddreg [dreg:$0xd]  }
0x176: {  	[tilespmem:s15], [sflag:$0x2] =	stream.indirect.gather [hbm4b:s5+s13], $0x80, s8, s13, $0xb8;
	[tilespmem:$0x1CC00] =	vst v63  }
0x177: {  	_ =	swait.ge [sflag:s16], $0x3E80  }
0x178: {  	[sflag:s16] =	ssyncset.done $0x0  }
0x179: {  	s9 =	rddreg [dreg:$0xe];
	[sflag:s16] =	ssyncadd.s32 $0xFFFFC180  }
0x17a: {  	[spmem:s3] =	stream.indirect.scatter.add.f32 [tilespmem:s14], [sflag:$0x3], $0x80, s9, s13, $0xb8;
	[tilespmem:$0x1CC00] =	vst v63  }
0x17b: {  	_ =	swait.ge [sflag:s17], $0x3E80  }
0x17c: {  	[sflag:s17] =	ssyncset.done $0x0  }
0x17d: {  	s7 =	rddreg [dreg:$0xf];
	[sflag:s17] =	ssyncadd.s32 $0xFFFFC180  }
0x17e: {  	[spmem:s3] =	stream.indirect.scatter.add.f32 [tilespmem:s15], [sflag:$0x4], $0x80, s7, s13, $0xb8;
	[tilespmem:$0x1CC00] =	vst v63  }
0x17f: {  	_ =	swait.ge [sflag:s18], $0x3E80  }
0x180: {  	[sflag:s18] =	ssyncset.done $0x0  }
0x181: {  	[sflag:s18] =	ssyncadd.s32 $0xFFFFC180  }
0x182: {  	_ =	swait.ge [sflag:s19], $0x3E80  }
0x183: {  	[sflag:s19] =	ssyncset.done $0x0  }
0x184: {  	s8 =	rddreg [dreg:$0x10];
	[sflag:s19] =	ssyncadd.s32 $0xFFFFC180  }
0x185: {  	[tilespmem:s14], [sflag:$0x1] =	stream.indirect.gather [hbm4b:s5+s13], $0x80, s8, s13, $0xb8;
	[tilespmem:$0x1CC00] =	vst v63  }
0x186: {  	s9 =	rddreg [dreg:$0x11]  }
0x187: {  	[tilespmem:s15], [sflag:$0x2] =	stream.indirect.gather [hbm4b:s5+s13], $0x80, s9, s13, $0xb8;
	[tilespmem:$0x1CC00] =	vst v63  }
0x188: {  	_ =	swait.ge [sflag:s16], $0x3E80  }
0x189: {  	[sflag:s16] =	ssyncset.done $0x0  }
0x18a: {  	s8 =	rddreg [dreg:$0x12];
	[sflag:s16] =	ssyncadd.s32 $0xFFFFC180  }
0x18b: {  	[spmem:s3] =	stream.indirect.scatter.add.f32 [tilespmem:s14], [sflag:$0x3], $0x80, s8, s13, $0xb8;
	[tilespmem:$0x1CC00] =	vst v63  }
0x18c: {  	_ =	swait.ge [sflag:s17], $0x3E80  }
0x18d: {  	[sflag:s17] =	ssyncset.done $0x0  }
0x18e: {  	s9 =	rddreg [dreg:$0x13];
	[sflag:s17] =	ssyncadd.s32 $0xFFFFC180  }
0x18f: {  	[spmem:s3] =	stream.indirect.scatter.add.f32 [tilespmem:s15], [sflag:$0x4], $0x80, s9, s13, $0xb8;
	[tilespmem:$0x1CC00] =	vst v63  }
0x190: {  	_ =	swait.ge [sflag:s18], $0x3E80  }
0x191: {  	[sflag:s18] =	ssyncset.done $0x0  }
0x192: {  	[sflag:s18] =	ssyncadd.s32 $0xFFFFC180  }
0x193: {  	_ =	swait.ge [sflag:s19], $0x3E80  }
0x194: {  	[sflag:s19] =	ssyncset.done $0x0  }
0x195: {  	s7 =	rddreg [dreg:$0x14];
	[sflag:s19] =	ssyncadd.s32 $0xFFFFC180  }
0x196: {  	[tilespmem:s14], [sflag:$0x1] =	stream.indirect.gather [hbm4b:s5+s13], $0x80, s7, s13, $0xb8;
	[tilespmem:$0x1CC00] =	vst v63  }
0x197: {  	s8 =	rddreg [dreg:$0x15]  }
0x198: {  	[tilespmem:s15], [sflag:$0x2] =	stream.indirect.gather [hbm4b:s5+s13], $0x80, s8, s13, $0xb8;
	[tilespmem:$0x1CC00] =	vst v63  }
0x199: {  	_ =	swait.ge [sflag:s16], $0x3E80  }
0x19a: {  	[sflag:s16] =	ssyncset.done $0x0  }
0x19b: {  	[sflag:s16] =	ssyncadd.s32 $0xFFFFC180  }
0x19c: {  	[spmem:s3] =	stream.indirect.scatter.add.f32 [tilespmem:s14], [sflag:$0x3], $0x80, s20, s13, $0xb8;
	[tilespmem:$0x1CC00] =	vst v63  }
0x19d: {  	_ =	swait.ge [sflag:s17], $0x3E80  }
0x19e: {  	[sflag:s17] =	ssyncset.done $0x0  }
0x19f: {  	[sflag:s17] =	ssyncadd.s32 $0xFFFFC180  }
0x1a0: {  	[spmem:s3] =	stream.indirect.scatter.add.f32 [tilespmem:s15], [sflag:$0x4], $0x80, s21, s13, $0xb8;
	[tilespmem:$0x1CC00] =	vst v63  }
0x1a1: {  	_ =	swait.ge [sflag:s18], $0x3E80  }
0x1a2: {  	[sflag:s18] =	ssyncset.done $0x0  }
0x1a3: {  	[sflag:s18] =	ssyncadd.s32 $0xFFFFC180  }
0x1a4: {  	_ =	swait.ge [sflag:s19], $0x3E80  }
0x1a5: {  	[sflag:s19] =	ssyncset.done $0x0  }
0x1a6: {  	[sflag:s19] =	ssyncadd.s32 $0xFFFFC180  }
0x1a7: {  	[tilespmem:s14], [sflag:$0x1] =	stream.indirect.gather [hbm4b:s5+s13], $0x80, s22, s13, $0xb8;
	[tilespmem:$0x1CC00] =	vst v63  }
0x1a8: {  	_ = 	snop  }
0x1a9: {  	[tilespmem:s15], [sflag:$0x2] =	stream.indirect.gather [hbm4b:s5+s13], $0x80, s23, s13, $0xb8;
	[tilespmem:$0x1CC00] =	vst v63  }
0x1aa: {  	_ =	swait.ge [sflag:s16], $0x3E80  }
0x1ab: {  	[sflag:s16] =	ssyncset.done $0x0  }
0x1ac: {  	[sflag:s16] =	ssyncadd.s32 $0xFFFFC180  }
0x1ad: {  	[spmem:s3] =	stream.indirect.scatter.add.f32 [tilespmem:s14], [sflag:$0x3], $0x80, s24, s13, $0xb8;
	[tilespmem:$0x1CC00] =	vst v63  }
0x1ae: {  	_ =	swait.ge [sflag:s17], $0x3E80  }
0x1af: {  	[sflag:s17] =	ssyncset.done $0x0  }
0x1b0: {  	[sflag:s17] =	ssyncadd.s32 $0xFFFFC180  }
0x1b1: {  	[spmem:s3] =	stream.indirect.scatter.add.f32 [tilespmem:s15], [sflag:$0x4], $0x80, s25, s13, $0xb8;
	[tilespmem:$0x1CC00] =	vst v63  }
0x1b2: {  	_ =	swait.ge [sflag:s18], $0x3E80  }
0x1b3: {  	[sflag:s18] =	ssyncset.done $0x0  }
0x1b4: {  	[sflag:s18] =	ssyncadd.s32 $0xFFFFC180  }
0x1b5: {  	_ =	swait.ge [sflag:s19], $0x3E80  }
0x1b6: {  	[sflag:s19] =	ssyncset.done $0x0  }
0x1b7: {  	[sflag:s19] =	ssyncadd.s32 $0xFFFFC180  }
0x1b8: {  	[tilespmem:s14], [sflag:$0x1] =	stream.indirect.gather [hbm4b:s5+s13], $0x80, s26, s13, $0xb8;
	[tilespmem:$0x1CC00] =	vst v63  }
0x1b9: {  	_ = 	snop  }
0x1ba: {  	[tilespmem:s15], [sflag:$0x2] =	stream.indirect.gather [hbm4b:s5+s13], $0x80, s28, s13, $0xb8;
	[tilespmem:$0x1CC00] =	vst v63  }
0x1bb: {  	_ =	swait.ge [sflag:s16], $0x3E80  }
0x1bc: {  	[sflag:s16] =	ssyncset.done $0x0  }
0x1bd: {  	[sflag:s16] =	ssyncadd.s32 $0xFFFFC180  }
0x1be: {  	[spmem:s3] =	stream.indirect.scatter.add.f32 [tilespmem:s14], [sflag:$0x3], $0x80, s29, s13, $0xb8;
	[tilespmem:$0x1CC00] =	vst v63  }
0x1bf: {  	_ =	swait.ge [sflag:s17], $0x3E80  }
0x1c0: {  	[sflag:s17] =	ssyncset.done $0x0  }
0x1c1: {  	[sflag:s17] =	ssyncadd.s32 $0xFFFFC180  }
0x1c2: {  	[spmem:s3] =	stream.indirect.scatter.add.f32 [tilespmem:s15], [sflag:$0x4], $0x80, s30, s13, $0xb8;
	[tilespmem:$0x1CC00] =	vst v63  }
0x1c3: {  	_ =	swait.ge [sflag:s18], $0x3E80  }
0x1c4: {  	[sflag:s18] =	ssyncset.done $0x0  }
0x1c5: {  	[sflag:s18] =	ssyncadd.s32 $0xFFFFC180  }
0x1c6: {  	_ =	swait.ge [sflag:s19], $0x3E80  }
0x1c7: {  	[sflag:s19] =	ssyncset.done $0x0  }
0x1c8: {  	[sflag:s19] =	ssyncadd.s32 $0xFFFFC180  }
0x1c9: {  	[tilespmem:s14], [sflag:$0x1] =	stream.indirect.gather [hbm4b:s5+s13], $0x80, s31, s13, $0xb8;
	[tilespmem:$0x1CC00] =	vst v63  }
0x1ca: {  	_ = 	snop  }
0x1cb: {  	[tilespmem:s15], [sflag:$0x2] =	stream.indirect.gather [hbm4b:s5+s13], $0x80, s1, s13, $0xb8;
	[tilespmem:$0x1CC00] =	vst v63  }
0x1cc: {  	_ =	swait.ge [sflag:s16], $0x3E80  }
0x1cd: {  	[sflag:s16] =	ssyncset.done $0x0  }
0x1ce: {  	[sflag:s16] =	ssyncadd.s32 $0xFFFFC180  }
0x1cf: {  	[spmem:s3] =	stream.indirect.scatter.add.f32 [tilespmem:s14], [sflag:$0x3], $0x80, s0, s13, $0xb8;
	[tilespmem:$0x1CC00] =	vst v63  }
0x1d0: {  	_ =	swait.ge [sflag:s17], $0x3E80  }
0x1d1: {  	[sflag:s17] =	ssyncset.done $0x0  }
0x1d2: {  	[sflag:s17] =	ssyncadd.s32 $0xFFFFC180  }
0x1d3: {  	[spmem:s3] =	stream.indirect.scatter.add.f32 [tilespmem:s15], [sflag:$0x4], $0x80, s2, s13, $0xb8;
	[tilespmem:$0x1CC00] =	vst v63  }
0x1d4: {  	_ =	swait.ge [sflag:s18], $0x3E80  }
0x1d5: {  	[sflag:s18] =	ssyncset.done $0x0  }
0x1d6: {  	[sflag:s18] =	ssyncadd.s32 $0xFFFFC180  }
0x1d7: {  	_ =	swait.ge [sflag:s19], $0x3E80  }
0x1d8: {  	[sflag:s19] =	ssyncset.done $0x0  }
0x1d9: {  	[sflag:s19] =	ssyncadd.s32 $0xFFFFC180  }
0x1da: {  	[bflag:$0x0] =	sbarrier.arrive $0xFFFF  }
0x1db: {  	s7 =	rddreg [dreg:$0x16]  }
0x1dc: {  	s9 =	rddreg [dreg:$0x17]  }
0x1dd: {  	s8 =	rddreg [dreg:$0x19]  }
0x1de: {  	[hbm:s9], [sflag:s7] =	dma.local [spmem:s8], $0x2780  }
0x1df: {  	_ =	swait.ge [sflag:s10], $0x2780  }
0x1e0: {  	s6 =	rddreg [dreg:$0x1a]  }
0x1e1: {  	s9 =	sadd.s32 $0x1, s6;
	s6 =	rddreg [dreg:$0x18]  }
0x1e2: {  	p0 =	sne.s32 s9, s6  }
.Ltmp1:
0x1e3: {  	_ = 	snop;
	(pc) =	sbr.rel @p0 .LBB2_1-.Ltmp1, $3  }
0x1e4: {  	_ =	sdelay $0x1  }
0x1e5: {  	[sflag:s10] =	ssyncset.done $0x0  }
0x1e6: {  	[sflag:s10] =	ssyncadd.s32 $0xFFFFD880  }
0x1e7: {  	_ =	sfence.sel $0x180000  }
0x1e8: {  	[bflag:$0x0] =	sbarrier.arrive $0xFFFF  }
0x1e9: {  	_ =	strace $0x9000004D  }
0x1ea: {  	s0 =	stileid.u32;
	[bflag:$0x2] =	sbarrier.arrive $0xFFFF  }
0x1eb: {  	p0 =	sne.s32 s0, $0x0;
	s0 =	rddreg [dreg:$0x3]  }
0x1ec: {  	s0 =	sadd.s32 @!p0 $0x100000, s0  }
0x1ed: {  	[sflag:s0] =	ssyncadd.tile.s32 @!p0 $0x1;
	_ =	shalt  }
.Lfunc_end2:
_tile_overlayer_lowered:
.L_overlay_start_2:
0x1ee: {  	(tag) =	ssettag $0x2  }
0x1ef: {  	s0 =	rddreg [dreg:$0x0];
	s2 =	stileid.u32  }
0x1f0: {  	s1 =	rddreg [dreg:$0x1];
	p0 =	sne.s32 s2, $0x0  }
0x1f1: {  	s3 =	rddreg [dreg:$0x2];
	[bflag:$0x3] =	sbarrier.arrive $0xFFFF;
	s2 =	simm.s32 @!p0 $0x1C05  }
0x1f2: {  	[timem:s3], [sflag:s2] =	dma.local @!p0 [hbm:s0], s1  }
0x1f3: {  	s0 =	simm.s32 @!p0 $0x5  }
0x1f4: {  	_ =	swait.ge @!p0 [sflag:s0], s1  }
0x1f5: {  	s1 =	ssub.s32 @!p0 $0x0, s1;
	[sflag:s0] =	ssyncset.done @!p0 $0x0  }
0x1f6: {  	[sflag:s0] =	ssyncadd.s32 @!p0 s1  }
0x1f7: {  	[bflag:$0x3] =	sbarrier.arrive $0xFFFF  }
0x1f8: {  	_ =	shalt  }

// kernel: kernel.20.cloned.1.call-start
scs
__scs_entry_jumppad:
0x0: {  	(pc) =	sbr.rel $0x88, $3  }
0x1: {  	(tag) =	ssettag $0x0;
	lr =	simm.s32 $0x1  }
0x2: {  	[smem:$0x3F7E] =	sst lr;
	_ =	strace $0xD0000000  }
0x3: {  	_ = 	snop  }
0x4: {  	_ = 	snop  }
0x5: {  	_ = 	snop  }
0x6: {  	_ = 	snop  }
0x7: {  	_ = 	snop  }
__scs_overlays_trampoline_lowered:
0x8: {  	[smem:$0x3F8D] =	sst s0  }
0x9: {  	[smem:$0x3F8E] =	sst s1  }
0xa: {  	[smem:$0x3F8F] =	sst s2  }
0xb: {  	[smem:$0x3F90] =	sst s3  }
0xc: {  	[smem:$0x3F91] =	sst s4  }
0xd: {  	[smem:$0x3F92] =	sst s5  }
0xe: {  	[smem:$0x3F93] =	sst s6  }
0xf: {  	[smem:$0x3F94] =	sst s7  }
0x10: {  	[smem:$0x3F95] =	sst s8  }
0x11: {  	[smem:$0x3F96] =	sst s9;
	s0 =	simm.s32 @!p0 $0x0  }
0x12: {  	s1 =	sld [smem:$0x3F7C];
	s0 =	simm.s32 @p0 $0x1  }
0x13: {  	[smem:$0x3F97] =	sst s0;
	s0 =	simm.s32 @!p1 $0x0  }
0x14: {  	s2 =	sld [smem:$0x3F7B];
	s0 =	simm.s32 @p1 $0x1  }
0x15: {  	[smem:$0x3F98] =	sst s0;
	s0 =	simm.s32 @!p2 $0x0  }
0x16: {  	s3 =	sld [smem:$0x3FDB];
	s0 =	simm.s32 @p2 $0x1  }
0x17: {  	s4 =	simm.s32 $0x1BF5;
	[smem:$0x3F9A] =	sst s0  }
0x18: {  	s0 =	sld [smem:$0x3F7D];
	_ =	swait.ge [sflag:s4], $0x0  }
0x19: {  	s7 =	sld [smem:$0x3F7E]  }
0x1a: {  	s8 =	sadd.s32 $0xFFFFE003, lr  }
0x1b: {  	s9 =	sadd.s32 $0xFFFFFEF7, lr;
	s5 =	simm.s32 $0xFFFFFFFF;
	p2 =	slt.u32 s8, $0xFFFFF086  }
0x1c: {  	p1 =	slt.u32 s9, $0xF7A;
	s5 =	simm.s32 @!p2 $0x0  }
0x1d: {  	s5 =	simm.s32 @p1 $0x1;
	p0 =	seq.s32 s7, s2  }
0x1e: {  	s7 =	smul.u32 @!p0 $0xF7A, s2;
	p2 =	seq.s32 @!p0 s5, $0x0  }
0x1f: {  	s9 =	smul.u32 $0xF7A, s1;
	s8 =	simm.s32 @!p0 $0x1BF5;
	p2 =	por !p2, p0  }
0x20: {  	[sflag:s8] =	ssyncset.s32 @!p0 $0xFFFFF086;
	s6 =	sadd.s32 @!p0 s3, s7;
	s7 =	simm.s32 @!p0 $0x108  }
0x21: {  	s3 =	sadd.s32 s3, s9;
	s6 =	sadd.s32 @!p0 $0x88, s6;
	s7 =	simm.s32 @p2 $0x1082  }
0x22: {  	[simem:s7], [sflag:s8] =	dma.local @!p0 [hbm:s6], $0xF7A  }
0x23: {  	s9 =	sor.u32 $0xD0000000, s2;
	s6 =	simm.s32 $0x108;
	_ =	swait.ge @!p0 [sflag:s8], $0x0  }
0x24: {  	s3 =	sadd.s32 $0x88, s3;
	s6 =	simm.s32 @!p1 $0x1082;
	[sflag:s4] =	ssyncset.s32 $0xFFFFF086  }
0x25: {  	[simem:s6], [sflag:s4] =	dma.local [hbm:s3], $0xF7A  }
0x26: {  	[smem:$0x3F7E] =	sst s1;
	(tag) =	ssettag s2;
	_ =	strace s9  }
0x27: {  	s1 =	sld [smem:$0x3F8E]  }
0x28: {  	s2 =	sld [smem:$0x3F8F]  }
0x29: {  	s4 =	sld [smem:$0x3F91]  }
0x2a: {  	p0 =	seq.s32 s5, $0x0;
	s5 =	sld [smem:$0x3F92]  }
0x2b: {  	s6 =	sld [smem:$0x3F93]  }
0x2c: {  	s7 =	sld [smem:$0x3F94]  }
0x2d: {  	s3 =	simm.s32 $0x108;
	s8 =	sld [smem:$0x3F95]  }
0x2e: {  	s3 =	simm.s32 @!p0 $0x1082;
	s9 =	sld [smem:$0x3F96]  }
0x2f: {  	lr =	sadd.s32 s0, s3;
	s0 =	sld [smem:$0x3F8D]  }
0x30: {  	s3 =	sld [smem:$0x3F90]  }
0x31: {  	[smem:$0x3F99] =	sst s10  }
0x32: {  	s10 =	sld [smem:$0x3F97];
	_ =	sdelay $0x3  }
0x33: {  	p0 =	seq.s32 s10, $0x1;
	s10 =	sld [smem:$0x3F99];
	_ =	sdelay $0x3  }
0x34: {  	[smem:$0x3F99] =	sst s10  }
0x35: {  	s10 =	sld [smem:$0x3F98];
	_ =	sdelay $0x3  }
0x36: {  	p1 =	seq.s32 s10, $0x1;
	s10 =	sld [smem:$0x3F99];
	_ =	sdelay $0x3  }
0x37: {  	[smem:$0x3F99] =	sst s10  }
0x38: {  	s10 =	sld [smem:$0x3F9A]  }
0x39: {  	_ = 	snop;
	(pc) =	sbr.ind lr, $3  }
0x3a: {  	_ = 	snop  }
0x3b: {  	_ = 	snop  }
0x3c: {  	p2 =	seq.s32 s10, $0x1;
	s10 =	sld [smem:$0x3F99]  }
0x3d: {  	_ =	shalt  }
0x3e: {  	_ =	shalt  }
0x3f: {  	_ =	shalt  }
0x40: {  	_ =	shalt  }
0x41: {  	_ =	shalt  }
0x42: {  	_ =	shalt  }
0x43: {  	_ =	shalt  }
0x44: {  	_ =	shalt  }
0x45: {  	_ =	shalt  }
0x46: {  	_ =	shalt  }
0x47: {  	_ =	shalt  }
0x48: {  	_ =	shalt  }
0x49: {  	_ =	shalt  }
0x4a: {  	_ =	shalt  }
0x4b: {  	_ =	shalt  }
0x4c: {  	_ =	shalt  }
0x4d: {  	_ =	shalt  }
0x4e: {  	_ =	shalt  }
0x4f: {  	_ =	shalt  }
0x50: {  	_ =	shalt  }
0x51: {  	_ =	shalt  }
0x52: {  	_ =	shalt  }
0x53: {  	_ =	shalt  }
0x54: {  	_ =	shalt  }
0x55: {  	_ =	shalt  }
0x56: {  	_ =	shalt  }
0x57: {  	_ =	shalt  }
0x58: {  	_ =	shalt  }
0x59: {  	_ =	shalt  }
0x5a: {  	_ =	shalt  }
0x5b: {  	_ =	shalt  }
0x5c: {  	_ =	shalt  }
0x5d: {  	_ =	shalt  }
0x5e: {  	_ =	shalt  }
0x5f: {  	_ =	shalt  }
0x60: {  	_ =	shalt  }
0x61: {  	_ =	shalt  }
0x62: {  	_ =	shalt  }
0x63: {  	_ =	shalt  }
0x64: {  	_ =	shalt  }
0x65: {  	_ =	shalt  }
0x66: {  	_ =	shalt  }
0x67: {  	_ =	shalt  }
0x68: {  	_ =	shalt  }
0x69: {  	_ =	shalt  }
0x6a: {  	_ =	shalt  }
0x6b: {  	_ =	shalt  }
0x6c: {  	_ =	shalt  }
0x6d: {  	_ =	shalt  }
0x6e: {  	_ =	shalt  }
0x6f: {  	_ =	shalt  }
0x70: {  	_ =	shalt  }
0x71: {  	_ =	shalt  }
0x72: {  	_ =	shalt  }
0x73: {  	_ =	shalt  }
0x74: {  	_ =	shalt  }
0x75: {  	_ =	shalt  }
0x76: {  	_ =	shalt  }
0x77: {  	_ =	shalt  }
0x78: {  	_ =	shalt  }
0x79: {  	_ =	shalt  }
0x7a: {  	_ =	shalt  }
0x7b: {  	_ =	shalt  }
0x7c: {  	_ =	shalt  }
0x7d: {  	_ =	shalt  }
0x7e: {  	_ =	shalt  }
0x7f: {  	_ =	shalt  }
0x80: {  	_ =	shalt  }
0x81: {  	_ =	shalt  }
0x82: {  	_ =	shalt  }
0x83: {  	_ =	shalt  }
0x84: {  	_ =	shalt  }
0x85: {  	_ =	shalt  }
0x86: {  	_ =	shalt  }
0x87: {  	_ =	shalt  }
.Lfunc_end0:
.L_simem_size_0:
called_computation.3_lowered:
.L_overlay_start_0:
0x88: {  	s2 =	sld [smem:$0x3FD9]  }
0x89: {  	s3 =	sld [smem:$0x3FFE];
	_ =	sdelay $0x1  }
0x8a: {  	s1 =	srdreg.scid  }
0x8b: {  	s0 =	sand.u32 $0x1, s1  }
0x8c: {  	s17 =	sshll.u32 s0, $0xA;
	s2 =	sadd.s32 s3, s2  }
0x8d: {  	s2 =	sadd.s32 s2, s17  }
0x8e: {  	[smem:$0x3FA5] =	sst s2  }
0x8f: {  	_ = 	snop  }
0x90: {  	s2 =	sld [smem:$0x3FC7]  }
0x91: {  	s18 =	sld [smem:$0x3FD0];
	(tm) =	ssettm $0x1  }
0x92: {  	s4 =	sld [smem:$0x3FFB];
	_ =	sdelay $0x3  }
0x93: {  	_ =	strace s4  }
0x94: {  	s4 =	sld [smem:$0x3FFC];
	_ =	sdelay $0x3  }
0x95: {  	_ =	strace s4  }
0x96: {  	s4 =	sld [smem:$0x3FFD];
	_ =	sdelay $0x3  }
0x97: {  	_ =	strace s4  }
0x98: {  	_ =	strace $0x8FFFFFFF  }
0x99: {  	s19 =	sld [smem:$0x3FDB];
	_ =	sdelay $0x1  }
0x9a: {  	s5 =	simm.s32 $_scs_section_size  }
0x9b: {  	s6 =	simm.s32 $_size__tile_overlayer_lowered;
	s7 =	simm.s32 $_tile_overlayer_lowered  }
0x9c: {  	s22 =	simm.s32 $0x1BFF;
	s21 =	sshll.u32 s7, $0x1;
	s4 =	sadd.s32 s5, s19  }
0x9d: {  	s8 =	simm.s32 $0x0;
	s20 =	sshll.u32 s6, $0x1;
	s6 =	sadd.s32 s21, s4  }
0x9e: {  	[timem:s8], [sflag:s22] =	dma.local [hbm:s6], s20  }
0x9f: {  	_ =	swait.ge [sflag:s22], s20  }
0xa0: {  	s5 =	ssub.s32 $0x0, s20;
	[sflag:s22] =	ssyncset.done $0x0  }
0xa1: {  	[sflag:s22] =	ssyncadd.s32 s5;
	_ =	sdelay $0x1  }
0xa2: {  	s23 =	simm.s32 $0x1B8B  }
0xa3: {  	_ =	swait.ge [sflag:s23], $0x1  }
0xa4: {  	[sflag:s23] =	ssyncset.done $0x0  }
0xa5: {  	s25 =	simm.s32 $0x1B8E;
	s24 =	sld [smem:$0x3FFE];
	[sflag:s23] =	ssyncadd.s32 $0xFFFFFFFF  }
0xa6: {  	s26 =	simm.s32 $execute0_lowered;
	[smem:$0x3FD2] =	sst s25  }
0xa7: {  	s6 =	sshll.u32 s26, $0x1;
	_ =	strace $0x8000004F;
	[dreg:$0x1] =	wrdreg $0xFFFFFFFF  }
0xa8: {  	s28 =	simm.s32 $_size_execute0_lowered;
	s4 =	sadd.s32 s4, s6;
	[dreg:$0x0] =	wrdreg $0x0  }
0xa9: {  	s6 =	sshll.u32 s28, $0x1;
	[dreg:$0x2] =	wrdreg s4  }
0xaa: {  	[dreg:$0x3] =	wrdreg s6  }
0xab: {  	[dreg:$0x4] =	wrdreg $0xC0  }
0xac: {  	_ =	task [dreg:s8], $0x5FFFF  }
0xad: {  	[dreg:$0x1] =	wrdreg $0xFFFFFFFF  }
0xae: {  	[dreg:$0x0] =	wrdreg $0x60  }
0xaf: {  	[dreg:$0x2] =	wrdreg s24  }
0xb0: {  	[dreg:$0x3] =	wrdreg s2  }
0xb1: {  	[dreg:$0x4] =	wrdreg s18  }
0xb2: {  	[dreg:$0x5] =	wrdreg $0x9  }
0xb3: {  	_ =	task.clear_ibuf [dreg:s8], $0x6FFFF;
	_ =	strace $0x9000004F  }
0xb4: {  	s29 =	simm.s32 $0x9;
	_ =	strace $0x80000051  }
0xb5: {  	_ =	swait.ge [sflag:s29], $0x1  }
0xb6: {  	[sflag:s29] =	ssyncadd.s32 $0xFFFFFFFF  }
0xb7: {  	_ =	strace $0x90000051  }
0xb8: {  	_ =	sfence  }
0xb9: {  	s30 =	sld [smem:$0x0];
	_ =	sdelay $0x2  }
0xba: {  	s31 =	sshll.u32 s1, $0xD;
	s1 =	sshrl.u32 s1, $0x2  }
0xbb: {  	s3 =	sand.u32 $0x4000, s31;
	s1 =	sadd.s32 s1, s30  }
0xbc: {  	s0 =	sor.u32 s3, s0;
	s1 =	sshll.u32 s1, $0x11  }
0xbd: {  	s0 =	sor.u32 s1, s0  }
0xbe: {  	s0 =	sadd.s32 $0x8F2B, s0  }
0xbf: {  	[sflag:s0] =	ssyncadd.remote.s32 $0x1  }
0xc0: {  	_ =	sfence.sel $0xFFFF  }
0xc1: {  	[dreg:$0x0] =	wrdreg $0xFFFFFFFF;
	(pc) =	sbr.abs _section_cstart, $3  }
0xc2: {  	[dreg:$0x1] =	wrdreg $0xFFFFFFFF  }
0xc3: {  	_ =	task.clear_ibuf [dreg:s8], $0x2FFFF;
	_ =	strace $0x9FFFFFFF  }
0xc4: {  	(tm) =	ssettm $0x7FFFFFFF  }
0xc5: {  	_ =	shalt  }
tec
execute0_lowered:
.L_overlay_start_1:
0x0: {  	(tag) =	ssettag $0x1  }
0x1: {  	s0 =	srdreg.scid  }
0x2: {  	s4 =	sand.u32 $0x1, s0  }
0x3: {  	s0 =	stileid.u32;
	s1 =	sshll.u32 s4, $0x4  }
0x4: {  	s22 =	sor.u32 s0, s1  }
0x5: {  	s1 =	smul.u32 $0x34, s22;
	s9 =	sor.u32 $0x20, s22  }
0x6: {  	s31 =	sor.u32 $0x40, s22;
	s10 =	smul.u32 $0x34, s9  }
0x7: {  	s6 =	rddreg [dreg:$0x0];
	s17 =	smul.u32 $0x67, s31;
	s5 =	sshrl.u32 s1, $0x8  }
0x8: {  	s13 =	rddreg [dreg:$0x1];
	s1 =	smul.u32 $0x5, s5  }
0x9: {  	s2 =	rddreg [dreg:$0x2];
	s3 =	simm.s32 $0x0;
	s25 =	smul.u32 $0xC800, s5  }
0xa: {  	[smem:$0x7FF] =	sst s3;
	s12 =	smul.u32 $0x32, s5  }
0xb: {  	s4 =	ssub.s32 $0x2, s4;
	s10 =	sshrl.u32 s10, $0x8;
	s28 =	smul.u32 $0x28000, s5  }
0xc: {  	s14 =	sadd.s32 $0x90C00, s6;
	s11 =	sshrl.u32 s4, $0x1;
	s26 =	smul.u32 $0x5, s10  }
0xd: {  	s15 =	sadd.s32 $0x6A00, s6;
	s16 =	ssub.s32 s4, s11;
	s30 =	smul.u32 $0x32, s10  }
0xe: {  	s20 =	sor.u32 $0x60, s22;
	s17 =	sshrl.u32 s17, $0x9;
	s18 =	smul.u32 $0xC800, s10  }
0xf: {  	p0 =	sgt.u32 s22, $0x1C;
	s16 =	smax.u32 s16, $0x1;
	s19 =	smul.u32 $0x5, s17  }
0x10: {  	s10 =	smul.u32 $0x28000, s10;
	s7 =	ssub.s32 s22, s1;
	s1 =	rddreg [dreg:$0x3]  }
0x11: {  	_ =	strace $0x80000050;
	s4 =	sadd.s32 s13, s12;
	s22 =	simm.s32 $0x0  }
0x12: {  	s7 =	sand.u32 $0xFF, s7;
	s29 =	ssub.s32 s9, s26;
	s26 =	smul.u32 $0x67, s20  }
0x13: {  	s8 =	smul.u32 $0x138800, s7;
	s7 =	sshll.u32 s7, $0xA;
	s21 =	sand.u32 $0xFF, s29  }
0x14: {  	s9 =	ssub.s32 s31, s19;
	s23 =	sor.u32 s7, s28;
	s24 =	smul.u32 $0x138800, s21  }
0x15: {  	s7 =	sadd.s32 s13, s30;
	s28 =	smul.u32 $0x32, s17;
	s29 =	sshrl.u32 s26, $0x9  }
0x16: {  	s12 =	sshll.u32 s21, $0xA;
	s30 =	sand.u32 $0xFF, s9;
	s31 =	smul.u32 $0x5, s29  }
0x17: {  	s6 =	sadd.s32 s25, s8;
	s10 =	sor.u32 s12, s10;
	s21 =	smul.u32 $0x138800, s30  }
0x18: {  	s11 =	sshll.u32 s30, $0xA;
	s26 =	smul.u32 $0xC800, s29;
	s6 =	sshrl.u32 s6, $0x3  }
0x19: {  	s19 =	smul.u32 $0x32, s29;
	s25 =	sadd.s32 s18, s24;
	s5 =	sadd.s32 s14, s6  }
0x1a: {  	s6 =	sshrl.u32 s23, $0x3;
	s8 =	sshrl.u32 s25, $0x3;
	s23 =	sshrl.u32 s10, $0x3  }
0x1b: {  	s12 =	ssub.s32 s20, s31;
	s10 =	sadd.s32 s13, s28;
	s28 =	smul.u32 $0x28000, s29  }
0x1c: {  	s13 =	sadd.s32 s13, s19;
	s9 =	sadd.s32 s15, s23;
	s23 =	smul.u32 $0xC800, s17  }
0x1d: {  	s19 =	simm.s32 $0x200;
	s17 =	smul.u32 $0x28000, s17;
	s12 =	sand.u32 $0xFF, s12  }
0x1e: {  	s6 =	sadd.s32 s15, s6;
	s8 =	sadd.s32 s14, s8;
	s25 =	smul.u32 $0x138800, s12  }
0x1f: {  	s29 =	sshll.u32 s12, $0xA;
	s24 =	sadd.s32 s23, s21;
	s17 =	sor.u32 s11, s17  }
.Ltmp0:
0x20: {  	s21 =	simm.s32 $0x1400;
	s18 =	sshrl.u32 s24, $0x3;
	(pc) =	sbr.rel .LBB2_1-.Ltmp0, $4  }
0x21: {  	v0 =	vlaneseq.u32;
	s17 =	sshrl.u32 s17, $0x3;
	s20 =	sadd.s32 s26, s25;
	s11 =	sadd.s32 s14, s18  }
0x22: {  	v1 =	vor.u32 $0x10, v0;
	s12 =	sadd.s32 s15, s17;
	s30 =	sshrl.u32 s20, $0x3;
	s18 =	sor.u32 s29, s28  }
0x23: {  	v2 =	vor.u32 $0x20, v0;
	v3 =	vor.u32 $0x30, v0;
	v4 =	vor.u32 $0x40, v0;
	s17 =	simm.s32 $0x1;
	s20 =	simm.s32 $0x400;
	s31 =	sshrl.u32 s18, $0x3  }
0x24: {  	v5 =	vor.u32 $0x50, v0;
	v6 =	vor.u32 $0x60, v0;
	v7 =	vor.u32 $0x70, v0;
	s14 =	sadd.s32 s14, s30;
	s18 =	simm.s32 $0xCA00;
	s15 =	sadd.s32 s15, s31  }
.LBB2_10:
0x25: {  	vm2 =	vne.s32 v14, v18;
	v44 =	vshll.u32 v14, $0x7  }
0x26: {  	v19 =	vor.u32 v0, v44  }
0x27: {  	v20 =	vor.u32 v1, v44  }
0x28: {  	v21 =	vor.u32 v2, v44  }
0x29: {  	v22 =	vor.u32 v3, v44  }
0x2a: {  	v23 =	vor.u32 v4, v44  }
0x2b: {  	s23 =	sadd.s32 $0x80, s23;
	v8 =	vmax.f32 v8, v17;
	v24 =	vor.u32 v5, v44;
	[tilespmem:v19+s18+$0x0] =	vst.idx.msk vm2, v16  }
0x2c: {  	v45 =	vshll.u32 v18, $0x7;
	v25 =	vor.u32 v6, v44;
	v14 =	vor.u32 v7, v44;
	v19 =	vld [tilespmem:s23+$0xFFFFFFC0];
	[tilespmem:v20+s18+$0x0] =	vst.idx.msk vm2, v15  }
0x2d: {  	v26 =	vor.u32 v0, v45;
	v46 =	vor.u32 v1, v45;
	v20 =	vld [tilespmem:s23+$0xFFFFFFD0];
	[tilespmem:v21+s18+$0x0] =	vst.idx.msk vm2, v11  }
0x2e: {  	v8 =	vsel vm0, v17, v8;
	v52 =	vor.u32 v2, v45;
	v21 =	vld [tilespmem:s23+$0xFFFFFFE0];
	[tilespmem:v22+s18+$0x0] =	vst.idx.msk vm2, v12  }
0x2f: {  	v54 =	vor.u32 v3, v45;
	v55 =	vor.u32 v4, v45;
	v22 =	vld [tilespmem:s23+$0xFFFFFFF0];
	[tilespmem:v23+s18+$0x0] =	vst.idx.msk vm2, v13  }
0x30: {  	v58 =	vor.u32 v5, v45;
	v59 =	vor.u32 v6, v45;
	v23 =	vld [tilespmem:s23+$0x0];
	[tilespmem:v24+s18+$0x0] =	vst.idx.msk vm2, v10  }
0x31: {  	vm1 =	vmmov vm2;
	v61 =	vor.u32 v7, v45;
	v24 =	vld [tilespmem:s23+$0x10];
	[tilespmem:v25+s18+$0x0] =	vst.idx.msk vm2, v9;
	v48 =	vmax.f32 v16, v19  }
0x32: {  	v47 =	vld [tilespmem:s23+$0x20];
	[tilespmem:v14+s18+$0x0] =	vst.idx.msk vm2, v8;
	v49 =	vsel vm1, v19, v48;
	v50 =	vmax.f32 v15, v20  }
0x33: {  	v51 =	vld [tilespmem:s23+$0x30];
	[tilespmem:v26+s18+$0x0] =	vst.idx.msk $0xffff, v49;
	v53 =	vsel vm1, v20, v50;
	v56 =	vmax.f32 v11, v21  }
0x34: {  	[tilespmem:v46+s18+$0x0] =	vst.idx.msk $0xffff, v53;
	v57 =	vmax.f32 v12, v22;
	v11 =	vsel vm1, v21, v56  }
0x35: {  	v12 =	vsel vm1, v22, v57;
	v60 =	vmax.f32 v13, v23;
	[tilespmem:v52+s18+$0x0] =	vst.idx.msk $0xffff, v11  }
0x36: {  	v13 =	vsel vm1, v23, v60;
	v62 =	vmax.f32 v10, v24;
	[tilespmem:v54+s18+$0x0] =	vst.idx.msk $0xffff, v12  }
0x37: {  	v10 =	vsel vm1, v24, v62;
	v63 =	vmax.f32 v9, v47;
	[tilespmem:v55+s18+$0x0] =	vst.idx.msk $0xffff, v13  }
0x38: {  	v9 =	vsel vm1, v47, v63;
	v8 =	vmax.f32 v8, v51;
	[tilespmem:v58+s18+$0x0] =	vst.idx.msk $0xffff, v10  }
0x39: {  	v8 =	vsel vm1, v51, v8;
	[tilespmem:v59+s18+$0x0] =	vst.idx.msk $0xffff, v9  }
0x3a: {  	[tilespmem:v61+s18+$0x0] =	vst.idx.msk $0xffff, v8  }
0x3b: {  	[hbm4b:s15+s20] =	stream.strided.scatter [tilespmem:s18], [sflag:$0x1], $0x8000, s21, s20, $0x38;
	[tilespmem:$0x14A00] =	vst v63  }
0x3c: {  	_ =	swait.ge [sflag:s17], $0x8000  }
0x3d: {  	[sflag:s17] =	ssyncset.done $0x0  }
0x3e: {  	[sflag:s17] =	ssyncadd.s32 $0xFFFF8000  }
.LBB2_11:
0x3f: {  	s22 =	sadd.s32 $0x1, s22  }
0x40: {  	p1 =	sne.s32 s22, s16  }
.Ltmp1:
0x41: {  	_ = 	snop;
	(pc) =	sbr.rel @!p1 .LBB2_12-.Ltmp1, $1  }
0x42: {  	_ =	sdelay $0x3  }
.LBB2_1:
0x43: {  	[tilespmem:s3], [sflag:$0x1] =	stream.linear.gather [hbm4b:s4+s3], $0x190, $0x38;
	[tilespmem:$0x14A00] =	vst v63  }
0x44: {  	_ =	swait.ge [sflag:s17], $0x190  }
0x45: {  	[sflag:s17] =	ssyncset.done $0x0  }
0x46: {  	[sflag:s17] =	ssyncadd.s32 $0xFFFFFE70  }
0x47: {  	[tilespmem:s18], [sflag:$0x1] =	stream.linear.gather [hbm4b:s2+s3], $0x8000, $0x38;
	[tilespmem:$0x14A00] =	vst v63  }
0x48: {  	_ =	swait.ge [sflag:s17], $0x8000  }
0x49: {  	[sflag:s17] =	ssyncset.done $0x0  }
0x4a: {  	[sflag:s17] =	ssyncadd.s32 $0xFFFF8000  }
0x4b: {  	v8 =	vmov s3;
	[tilespmem:s19], [sflag:$0x1] =	stream.linear.gather [hbm4b:s5+s3], $0xC800, $0x38;
	[tilespmem:$0x14A00] =	vst v63  }
0x4c: {  	_ =	swait.ge [sflag:s17], $0xC800  }
0x4d: {  	[sflag:s17] =	ssyncset.done $0x0  }
0x4e: {  	[sflag:s17] =	ssyncadd.s32 $0xFFFF3800  }
0x4f: {  	v9 =	vld.msk [tilespmem:s3+$0x0], $0xffff  }
0x50: {  	v14 =	vld.idx.msk [tilespmem:v8+s3+$0x0], $0xffff;
	_ =	sdelay $0x4  }
0x51: {  	vm1 =	vne.s32 v9, v14;
	v9 =	vshll.u32 v9, $0x7  }
0x52: {  	v10 =	vor.u32 v0, v9  }
0x53: {  	v11 =	vor.u32 v1, v9  }
0x54: {  	v12 =	vor.u32 v2, v9  }
0x55: {  	v13 =	vor.u32 v3, v9  }
0x56: {  	v8 =	vimm.f32 $-Inf;
	v15 =	vor.u32 v4, v9  }
0x57: {  	s23 =	simm.s32 $0x240;
	v16 =	vor.u32 v5, v9;
	[tilespmem:v10+s18+$0x0] =	vst.idx.msk vm1, v8  }
0x58: {  	v17 =	vor.u32 v6, v9;
	v10 =	vld [tilespmem:s23+$0xFFFFFFC0];
	[tilespmem:v11+s18+$0x0] =	vst.idx.msk vm1, v8  }
0x59: {  	v11 =	vld [tilespmem:s23+$0xFFFFFFD0];
	[tilespmem:v12+s18+$0x0] =	vst.idx.msk vm1, v8  }
0x5a: {  	v12 =	vld [tilespmem:s23+$0xFFFFFFE0];
	[tilespmem:v13+s18+$0x0] =	vst.idx.msk vm1, v8  }
0x5b: {  	v9 =	vor.u32 v7, v9;
	v13 =	vld [tilespmem:s23+$0xFFFFFFF0];
	[tilespmem:v15+s18+$0x0] =	vst.idx.msk vm1, v8  }
0x5c: {  	s24 =	simm.s32 $0x1;
	v19 =	vld [tilespmem:s23+$0x0];
	[tilespmem:v16+s18+$0x0] =	vst.idx.msk vm1, v8  }
0x5d: {  	v20 =	vld [tilespmem:s23+$0x10];
	[tilespmem:v17+s18+$0x0] =	vst.idx.msk vm1, v8;
	v17 =	vmov s24;
	_ =	sdelay $0x1  }
0x5e: {  	vm0 =	vmmov vm1;
	v15 =	vmax.f32 v8, v10  }
0x5f: {  	v21 =	vld [tilespmem:s23+$0x20];
	v16 =	vsel vm0, v10, v15;
	v10 =	vmax.f32 v8, v11;
	[tilespmem:v9+s18+$0x0] =	vst.idx.msk vm1, v8  }
0x60: {  	v15 =	vsel vm0, v11, v10;
	v10 =	vmax.f32 v8, v12;
	v18 =	vmax.f32 v8, v13  }
0x61: {  	v11 =	vsel vm0, v12, v10;
	v12 =	vsel vm0, v13, v18;
	v18 =	vld.idx.msk [tilespmem:v17+s3+$0x0], $0xffff  }
0x62: {  	v17 =	vld [tilespmem:s23+$0x30];
	_ =	sdelay $0x1  }
0x63: {  	v9 =	vmax.f32 v8, v19;
	v10 =	vmax.f32 v8, v20;
	v22 =	vmax.f32 v8, v21  }
0x64: {  	s24 =	simm.s32 $0x2;
	v13 =	vsel vm0, v19, v9;
	v10 =	vsel vm0, v20, v10;
	v9 =	vsel vm0, v21, v22  }
.LBB2_2:
0x65: {  	p1 =	sne.s32 s24, $0x18F  }
0x66: {  	vm1 =	vne.s32 v14, v18;
	v19 =	vshll.u32 v14, $0x7;
	s23 =	sadd.s32 $0x80, s23;
	v14 =	vmovc v18;
	s25 =	smov.u32 s24;
	s24 =	sadd.s32 $0x1, s24;
	v8 =	vmax.f32 v8, v17  }
0x67: {  	v18 =	vor.u32 v0, v19;
	v8 =	vsel vm0, v17, v8;
	vm0 =	vmmov vm1;
	_ =	sdelay $0x1  }
0x68: {  	v17 =	vor.u32 v1, v19;
	_ =	sdelay $0x1  }
0x69: {  	v20 =	vor.u32 v2, v19  }
0x6a: {  	[tilespmem:v18+s18+$0x0] =	vst.idx.msk vm1, v16  }
0x6b: {  	v21 =	vor.u32 v3, v19;
	v18 =	vld [tilespmem:s23+$0xFFFFFFC0]  }
0x6c: {  	[tilespmem:v17+s18+$0x0] =	vst.idx.msk vm1, v15  }
0x6d: {  	v22 =	vor.u32 v4, v19;
	v17 =	vld [tilespmem:s23+$0xFFFFFFD0]  }
0x6e: {  	[tilespmem:v20+s18+$0x0] =	vst.idx.msk vm1, v11  }
0x6f: {  	v23 =	vor.u32 v5, v19;
	v20 =	vld [tilespmem:s23+$0xFFFFFFE0]  }
0x70: {  	v16 =	vmax.f32 v16, v18;
	[tilespmem:v21+s18+$0x0] =	vst.idx.msk vm1, v12  }
0x71: {  	v21 =	vor.u32 v6, v19;
	v16 =	vsel vm0, v18, v16;
	v18 =	vld [tilespmem:s23+$0xFFFFFFF0]  }
0x72: {  	v15 =	vmax.f32 v15, v17;
	[tilespmem:v22+s18+$0x0] =	vst.idx.msk vm1, v13  }
0x73: {  	v19 =	vor.u32 v7, v19;
	v15 =	vsel vm0, v17, v15;
	v17 =	vld [tilespmem:s23+$0x0]  }
0x74: {  	v22 =	vmov s25;
	v11 =	vmax.f32 v11, v20;
	[tilespmem:v23+s18+$0x0] =	vst.idx.msk vm1, v10  }
0x75: {  	v11 =	vsel vm0, v20, v11;
	v20 =	vld [tilespmem:s23+$0x10]  }
0x76: {  	v12 =	vmax.f32 v12, v18;
	[tilespmem:v21+s18+$0x0] =	vst.idx.msk vm1, v9  }
0x77: {  	v12 =	vsel vm0, v18, v12;
	v21 =	vld [tilespmem:s23+$0x20]  }
0x78: {  	v13 =	vmax.f32 v13, v17;
	[tilespmem:v19+s18+$0x0] =	vst.idx.msk vm1, v8  }
.Ltmp2:
0x79: {  	v18 =	vld.idx.msk [tilespmem:v22+s3+$0x0], $0xffff;
	v13 =	vsel vm0, v17, v13;
	(pc) =	sbr.rel @p1 .LBB2_2-.Ltmp2, $4  }
0x7a: {  	v10 =	vmax.f32 v10, v20;
	v17 =	vld [tilespmem:s23+$0x30]  }
0x7b: {  	v10 =	vsel vm0, v20, v10  }
0x7c: {  	v9 =	vmax.f32 v9, v21  }
0x7d: {  	v9 =	vsel vm0, v21, v9  }
0x7e: {  	vm2 =	vne.s32 v14, v18;
	v14 =	vshll.u32 v14, $0x7  }
0x7f: {  	v19 =	vor.u32 v0, v14  }
0x80: {  	v20 =	vor.u32 v1, v14  }
0x81: {  	v21 =	vor.u32 v2, v14  }
0x82: {  	v22 =	vor.u32 v3, v14  }
0x83: {  	v23 =	vor.u32 v4, v14  }
0x84: {  	s23 =	sadd.s32 $0x80, s23;
	v24 =	vor.u32 v5, v14;
	[tilespmem:v19+s18+$0x0] =	vst.idx.msk vm2, v16  }
0x85: {  	v25 =	vor.u32 v6, v14;
	v19 =	vld [tilespmem:s23+$0xFFFFFFC0];
	[tilespmem:v20+s18+$0x0] =	vst.idx.msk vm2, v15  }
0x86: {  	v14 =	vor.u32 v7, v14;
	v20 =	vld [tilespmem:s23+$0xFFFFFFD0];
	[tilespmem:v21+s18+$0x0] =	vst.idx.msk vm2, v11  }
0x87: {  	v18 =	vshll.u32 v18, $0x7;
	v21 =	vld [tilespmem:s23+$0xFFFFFFE0];
	[tilespmem:v22+s18+$0x0] =	vst.idx.msk vm2, v12  }
0x88: {  	v26 =	vor.u32 v0, v18;
	v22 =	vld [tilespmem:s23+$0xFFFFFFF0];
	[tilespmem:v23+s18+$0x0] =	vst.idx.msk vm2, v13  }
0x89: {  	v8 =	vmax.f32 v8, v17;
	v60 =	vor.u32 v1, v18;
	v23 =	vld [tilespmem:s23+$0x0];
	[tilespmem:v24+s18+$0x0] =	vst.idx.msk vm2, v10  }
0x8a: {  	v8 =	vsel vm0, v17, v8;
	v24 =	vld [tilespmem:s23+$0x10];
	[tilespmem:v25+s18+$0x0] =	vst.idx.msk vm2, v9  }
0x8b: {  	vm1 =	vmmov vm2;
	v16 =	vmax.f32 v16, v19;
	v17 =	vld [tilespmem:s23+$0x20];
	[tilespmem:v14+s18+$0x0] =	vst.idx.msk vm2, v8  }
0x8c: {  	v14 =	vsel vm1, v19, v16;
	v15 =	vmax.f32 v15, v20;
	v19 =	vor.u32 v2, v18  }
0x8d: {  	v16 =	vld [tilespmem:s23+$0x30];
	[tilespmem:v26+s18+$0x0] =	vst.idx.msk $0xffff, v14;
	v14 =	vsel vm1, v20, v15;
	v15 =	vor.u32 v3, v18  }
0x8e: {  	[tilespmem:v60+s18+$0x0] =	vst.idx.msk $0xffff, v14;
	v14 =	vor.u32 v4, v18  }
0x8f: {  	v11 =	vmax.f32 v11, v21;
	v20 =	vor.u32 v5, v18;
	v12 =	vmax.f32 v12, v22  }
0x90: {  	v61 =	vor.u32 v6, v18;
	v11 =	vsel vm1, v21, v11;
	v12 =	vsel vm1, v22, v12  }
0x91: {  	v13 =	vmax.f32 v13, v23;
	[tilespmem:v19+s18+$0x0] =	vst.idx.msk $0xffff, v11;
	v11 =	vor.u32 v7, v18  }
0x92: {  	v13 =	vsel vm1, v23, v13;
	v10 =	vmax.f32 v10, v24;
	[tilespmem:v15+s18+$0x0] =	vst.idx.msk $0xffff, v12  }
0x93: {  	v10 =	vsel vm1, v24, v10;
	v9 =	vmax.f32 v9, v17;
	[tilespmem:v14+s18+$0x0] =	vst.idx.msk $0xffff, v13  }
0x94: {  	v9 =	vsel vm1, v17, v9;
	v8 =	vmax.f32 v8, v16;
	[tilespmem:v20+s18+$0x0] =	vst.idx.msk $0xffff, v10  }
0x95: {  	v8 =	vsel vm1, v16, v8;
	[tilespmem:v61+s18+$0x0] =	vst.idx.msk $0xffff, v9  }
0x96: {  	[tilespmem:v11+s18+$0x0] =	vst.idx.msk $0xffff, v8  }
0x97: {  	[hbm4b:s6+s20] =	stream.strided.scatter [tilespmem:s18], [sflag:$0x1], $0x8000, s21, s20, $0x38;
	[tilespmem:$0x14A00] =	vst v63  }
0x98: {  	_ =	swait.ge [sflag:s17], $0x8000  }
0x99: {  	[sflag:s17] =	ssyncset.done $0x0  }
0x9a: {  	s31 =	simm.s32 $0x0;
	[sflag:s17] =	ssyncadd.s32 $0xFFFF8000  }
0x9b: {  	[tilespmem:s31], [sflag:$0x1] =	stream.linear.gather [hbm4b:s7+s31], $0x190, $0x38;
	[tilespmem:$0x14A00] =	vst v63  }
0x9c: {  	_ =	swait.ge [sflag:s17], $0x190  }
0x9d: {  	[sflag:s17] =	ssyncset.done $0x0  }
0x9e: {  	[sflag:s17] =	ssyncadd.s32 $0xFFFFFE70  }
0x9f: {  	[tilespmem:s18], [sflag:$0x1] =	stream.linear.gather [hbm4b:s2+s31], $0x8000, $0x38;
	[tilespmem:$0x14A00] =	vst v63  }
0xa0: {  	_ =	swait.ge [sflag:s17], $0x8000  }
0xa1: {  	[sflag:s17] =	ssyncset.done $0x0  }
0xa2: {  	[sflag:s17] =	ssyncadd.s32 $0xFFFF8000  }
0xa3: {  	v8 =	vmov s31;
	[tilespmem:s19], [sflag:$0x1] =	stream.linear.gather [hbm4b:s8+s31], $0xC800, $0x38;
	[tilespmem:$0x14A00] =	vst v63  }
0xa4: {  	_ =	swait.ge [sflag:s17], $0xC800  }
0xa5: {  	[sflag:s17] =	ssyncset.done $0x0  }
0xa6: {  	[sflag:s17] =	ssyncadd.s32 $0xFFFF3800  }
0xa7: {  	v9 =	vld.msk [tilespmem:s31+$0x0], $0xffff  }
0xa8: {  	v14 =	vld.idx.msk [tilespmem:v8+s3+$0x0], $0xffff;
	_ =	sdelay $0x4  }
0xa9: {  	vm1 =	vne.s32 v9, v14;
	v9 =	vshll.u32 v9, $0x7  }
0xaa: {  	v10 =	vor.u32 v0, v9  }
0xab: {  	v11 =	vor.u32 v1, v9  }
0xac: {  	v12 =	vor.u32 v2, v9  }
0xad: {  	v13 =	vor.u32 v3, v9  }
0xae: {  	v8 =	vimm.f32 $-Inf;
	v15 =	vor.u32 v4, v9  }
0xaf: {  	s23 =	simm.s32 $0x240;
	v16 =	vor.u32 v5, v9;
	[tilespmem:v10+s18+$0x0] =	vst.idx.msk vm1, v8  }
0xb0: {  	v17 =	vor.u32 v6, v9;
	v10 =	vld [tilespmem:s23+$0xFFFFFFC0];
	[tilespmem:v11+s18+$0x0] =	vst.idx.msk vm1, v8  }
0xb1: {  	v11 =	vld [tilespmem:s23+$0xFFFFFFD0];
	[tilespmem:v12+s18+$0x0] =	vst.idx.msk vm1, v8  }
0xb2: {  	v12 =	vld [tilespmem:s23+$0xFFFFFFE0];
	[tilespmem:v13+s18+$0x0] =	vst.idx.msk vm1, v8  }
0xb3: {  	v13 =	vld [tilespmem:s23+$0xFFFFFFF0];
	[tilespmem:v15+s18+$0x0] =	vst.idx.msk vm1, v8  }
0xb4: {  	s24 =	simm.s32 $0x1;
	v9 =	vor.u32 v7, v9;
	v19 =	vld [tilespmem:s23+$0x0];
	[tilespmem:v16+s18+$0x0] =	vst.idx.msk vm1, v8  }
0xb5: {  	v20 =	vld [tilespmem:s23+$0x10];
	[tilespmem:v17+s18+$0x0] =	vst.idx.msk vm1, v8;
	v17 =	vmov s24;
	_ =	sdelay $0x2  }
0xb6: {  	v62 =	vld [tilespmem:s23+$0x20]  }
0xb7: {  	vm0 =	vmmov vm1;
	v15 =	vmax.f32 v8, v10;
	[tilespmem:v9+s18+$0x0] =	vst.idx.msk vm1, v8  }
0xb8: {  	v16 =	vsel vm0, v10, v15;
	v10 =	vmax.f32 v8, v11;
	v18 =	vld.idx.msk [tilespmem:v17+s3+$0x0], $0xffff  }
0xb9: {  	v15 =	vsel vm0, v11, v10;
	v10 =	vmax.f32 v8, v12;
	v11 =	vmax.f32 v8, v13;
	v17 =	vld [tilespmem:s23+$0x30]  }
0xba: {  	v10 =	vsel vm0, v12, v10;
	v11 =	vsel vm0, v13, v11  }
0xbb: {  	v9 =	vmax.f32 v8, v19;
	v12 =	vmax.f32 v8, v20;
	v63 =	vmax.f32 v8, v62  }
0xbc: {  	s24 =	simm.s32 $0x2;
	v13 =	vsel vm0, v19, v9;
	v12 =	vsel vm0, v20, v12;
	v9 =	vsel vm0, v62, v63  }
.LBB2_4:
0xbd: {  	p1 =	sne.s32 s24, $0x18F  }
0xbe: {  	vm1 =	vne.s32 v14, v18;
	v19 =	vshll.u32 v14, $0x7;
	s23 =	sadd.s32 $0x80, s23;
	v14 =	vmovc v18;
	s25 =	smov.u32 s24;
	s24 =	sadd.s32 $0x1, s24;
	v8 =	vmax.f32 v8, v17  }
0xbf: {  	v18 =	vor.u32 v0, v19;
	v8 =	vsel vm0, v17, v8;
	vm0 =	vmmov vm1;
	_ =	sdelay $0x1  }
0xc0: {  	v17 =	vor.u32 v1, v19;
	_ =	sdelay $0x1  }
0xc1: {  	v20 =	vor.u32 v2, v19  }
0xc2: {  	[tilespmem:v18+s18+$0x0] =	vst.idx.msk vm1, v16  }
0xc3: {  	v21 =	vor.u32 v3, v19;
	v18 =	vld [tilespmem:s23+$0xFFFFFFC0]  }
0xc4: {  	[tilespmem:v17+s18+$0x0] =	vst.idx.msk vm1, v15  }
0xc5: {  	v22 =	vor.u32 v4, v19;
	v17 =	vld [tilespmem:s23+$0xFFFFFFD0]  }
0xc6: {  	[tilespmem:v20+s18+$0x0] =	vst.idx.msk vm1, v10  }
0xc7: {  	v23 =	vor.u32 v5, v19;
	v20 =	vld [tilespmem:s23+$0xFFFFFFE0]  }
0xc8: {  	v16 =	vmax.f32 v16, v18;
	[tilespmem:v21+s18+$0x0] =	vst.idx.msk vm1, v11  }
0xc9: {  	v21 =	vor.u32 v6, v19;
	v16 =	vsel vm0, v18, v16;
	v18 =	vld [tilespmem:s23+$0xFFFFFFF0]  }
0xca: {  	v15 =	vmax.f32 v15, v17;
	[tilespmem:v22+s18+$0x0] =	vst.idx.msk vm1, v13  }
0xcb: {  	v19 =	vor.u32 v7, v19;
	v15 =	vsel vm0, v17, v15;
	v17 =	vld [tilespmem:s23+$0x0]  }
0xcc: {  	v22 =	vmov s25;
	v10 =	vmax.f32 v10, v20;
	[tilespmem:v23+s18+$0x0] =	vst.idx.msk vm1, v12  }
0xcd: {  	v10 =	vsel vm0, v20, v10;
	v20 =	vld [tilespmem:s23+$0x10]  }
0xce: {  	v11 =	vmax.f32 v11, v18;
	[tilespmem:v21+s18+$0x0] =	vst.idx.msk vm1, v9  }
0xcf: {  	v11 =	vsel vm0, v18, v11;
	v21 =	vld [tilespmem:s23+$0x20]  }
0xd0: {  	v13 =	vmax.f32 v13, v17;
	[tilespmem:v19+s18+$0x0] =	vst.idx.msk vm1, v8  }
.Ltmp3:
0xd1: {  	v18 =	vld.idx.msk [tilespmem:v22+s3+$0x0], $0xffff;
	v13 =	vsel vm0, v17, v13;
	(pc) =	sbr.rel @p1 .LBB2_4-.Ltmp3, $4  }
0xd2: {  	v12 =	vmax.f32 v12, v20;
	v17 =	vld [tilespmem:s23+$0x30]  }
0xd3: {  	v12 =	vsel vm0, v20, v12  }
0xd4: {  	v9 =	vmax.f32 v9, v21  }
0xd5: {  	v9 =	vsel vm0, v21, v9  }
0xd6: {  	vm2 =	vne.s32 v14, v18;
	v14 =	vshll.u32 v14, $0x7  }
0xd7: {  	v19 =	vor.u32 v0, v14  }
0xd8: {  	v20 =	vor.u32 v1, v14  }
0xd9: {  	v21 =	vor.u32 v2, v14  }
0xda: {  	v22 =	vor.u32 v3, v14  }
0xdb: {  	v23 =	vor.u32 v4, v14  }
0xdc: {  	s23 =	sadd.s32 $0x80, s23;
	v24 =	vor.u32 v5, v14;
	[tilespmem:v19+s18+$0x0] =	vst.idx.msk vm2, v16  }
0xdd: {  	v25 =	vor.u32 v6, v14;
	v19 =	vld [tilespmem:s23+$0xFFFFFFC0];
	[tilespmem:v20+s18+$0x0] =	vst.idx.msk vm2, v15  }
0xde: {  	v14 =	vor.u32 v7, v14;
	v20 =	vld [tilespmem:s23+$0xFFFFFFD0];
	[tilespmem:v21+s18+$0x0] =	vst.idx.msk vm2, v10  }
0xdf: {  	v18 =	vshll.u32 v18, $0x7;
	v21 =	vld [tilespmem:s23+$0xFFFFFFE0];
	[tilespmem:v22+s18+$0x0] =	vst.idx.msk vm2, v11  }
0xe0: {  	v26 =	vor.u32 v0, v18;
	v22 =	vld [tilespmem:s23+$0xFFFFFFF0];
	[tilespmem:v23+s18+$0x0] =	vst.idx.msk vm2, v13  }
0xe1: {  	v8 =	vmax.f32 v8, v17;
	v60 =	vor.u32 v1, v18;
	v23 =	vld [tilespmem:s23+$0x0];
	[tilespmem:v24+s18+$0x0] =	vst.idx.msk vm2, v12  }
0xe2: {  	v8 =	vsel vm0, v17, v8;
	v24 =	vld [tilespmem:s23+$0x10];
	[tilespmem:v25+s18+$0x0] =	vst.idx.msk vm2, v9  }
0xe3: {  	vm1 =	vmmov vm2;
	v16 =	vmax.f32 v16, v19;
	v17 =	vld [tilespmem:s23+$0x20];
	[tilespmem:v14+s18+$0x0] =	vst.idx.msk vm2, v8  }
0xe4: {  	v14 =	vsel vm1, v19, v16;
	v15 =	vmax.f32 v15, v20;
	v19 =	vor.u32 v2, v18  }
0xe5: {  	v16 =	vld [tilespmem:s23+$0x30];
	[tilespmem:v26+s18+$0x0] =	vst.idx.msk $0xffff, v14;
	v14 =	vsel vm1, v20, v15;
	v15 =	vor.u32 v3, v18  }
0xe6: {  	[tilespmem:v60+s18+$0x0] =	vst.idx.msk $0xffff, v14;
	v14 =	vor.u32 v4, v18  }
0xe7: {  	v10 =	vmax.f32 v10, v21;
	v20 =	vor.u32 v5, v18;
	v11 =	vmax.f32 v11, v22  }
0xe8: {  	v61 =	vor.u32 v6, v18;
	v10 =	vsel vm1, v21, v10;
	v11 =	vsel vm1, v22, v11  }
0xe9: {  	v13 =	vmax.f32 v13, v23;
	[tilespmem:v19+s18+$0x0] =	vst.idx.msk $0xffff, v10;
	v10 =	vor.u32 v7, v18  }
0xea: {  	v13 =	vsel vm1, v23, v13;
	v12 =	vmax.f32 v12, v24;
	[tilespmem:v15+s18+$0x0] =	vst.idx.msk $0xffff, v11  }
0xeb: {  	v9 =	vmax.f32 v9, v17;
	v11 =	vsel vm1, v24, v12;
	[tilespmem:v14+s18+$0x0] =	vst.idx.msk $0xffff, v13  }
0xec: {  	v9 =	vsel vm1, v17, v9;
	v8 =	vmax.f32 v8, v16;
	[tilespmem:v20+s18+$0x0] =	vst.idx.msk $0xffff, v11  }
0xed: {  	v8 =	vsel vm1, v16, v8;
	[tilespmem:v61+s18+$0x0] =	vst.idx.msk $0xffff, v9  }
0xee: {  	[tilespmem:v10+s18+$0x0] =	vst.idx.msk $0xffff, v8  }
0xef: {  	[hbm4b:s9+s20] =	stream.strided.scatter [tilespmem:s18], [sflag:$0x1], $0x8000, s21, s20, $0x38;
	[tilespmem:$0x14A00] =	vst v63  }
0xf0: {  	_ =	swait.ge [sflag:s17], $0x8000  }
0xf1: {  	[sflag:s17] =	ssyncset.done $0x0  }
0xf2: {  	s31 =	simm.s32 $0x0;
	[sflag:s17] =	ssyncadd.s32 $0xFFFF8000  }
0xf3: {  	[tilespmem:s31], [sflag:$0x1] =	stream.linear.gather [hbm4b:s10+s31], $0x190, $0x38;
	[tilespmem:$0x14A00] =	vst v63  }
0xf4: {  	_ =	swait.ge [sflag:s17], $0x190  }
0xf5: {  	[sflag:s17] =	ssyncset.done $0x0  }
0xf6: {  	[sflag:s17] =	ssyncadd.s32 $0xFFFFFE70  }
0xf7: {  	[tilespmem:s18], [sflag:$0x1] =	stream.linear.gather [hbm4b:s2+s31], $0x8000, $0x38;
	[tilespmem:$0x14A00] =	vst v63  }
0xf8: {  	_ =	swait.ge [sflag:s17], $0x8000  }
0xf9: {  	[sflag:s17] =	ssyncset.done $0x0  }
0xfa: {  	[sflag:s17] =	ssyncadd.s32 $0xFFFF8000  }
0xfb: {  	v8 =	vmov s31;
	[tilespmem:s19], [sflag:$0x1] =	stream.linear.gather [hbm4b:s11+s31], $0xC800, $0x38;
	[tilespmem:$0x14A00] =	vst v63  }
0xfc: {  	_ =	swait.ge [sflag:s17], $0xC800  }
0xfd: {  	[sflag:s17] =	ssyncset.done $0x0  }
0xfe: {  	[sflag:s17] =	ssyncadd.s32 $0xFFFF3800  }
0xff: {  	v9 =	vld.msk [tilespmem:s31+$0x0], $0xffff  }
0x100: {  	v14 =	vld.idx.msk [tilespmem:v8+s3+$0x0], $0xffff;
	_ =	sdelay $0x4  }
0x101: {  	vm1 =	vne.s32 v9, v14;
	v9 =	vshll.u32 v9, $0x7  }
0x102: {  	v10 =	vor.u32 v0, v9  }
0x103: {  	v11 =	vor.u32 v1, v9  }
0x104: {  	v12 =	vor.u32 v2, v9  }
0x105: {  	v13 =	vor.u32 v3, v9  }
0x106: {  	v8 =	vimm.f32 $-Inf;
	v15 =	vor.u32 v4, v9  }
0x107: {  	s23 =	simm.s32 $0x240;
	v16 =	vor.u32 v5, v9;
	[tilespmem:v10+s18+$0x0] =	vst.idx.msk vm1, v8  }
0x108: {  	v17 =	vor.u32 v6, v9;
	v10 =	vld [tilespmem:s23+$0xFFFFFFC0];
	[tilespmem:v11+s18+$0x0] =	vst.idx.msk vm1, v8  }
0x109: {  	v11 =	vld [tilespmem:s23+$0xFFFFFFD0];
	[tilespmem:v12+s18+$0x0] =	vst.idx.msk vm1, v8  }
0x10a: {  	v12 =	vld [tilespmem:s23+$0xFFFFFFE0];
	[tilespmem:v13+s18+$0x0] =	vst.idx.msk vm1, v8  }
0x10b: {  	v13 =	vld [tilespmem:s23+$0xFFFFFFF0];
	[tilespmem:v15+s18+$0x0] =	vst.idx.msk vm1, v8  }
0x10c: {  	s24 =	simm.s32 $0x1;
	v9 =	vor.u32 v7, v9;
	v19 =	vld [tilespmem:s23+$0x0];
	[tilespmem:v16+s18+$0x0] =	vst.idx.msk vm1, v8  }
0x10d: {  	v20 =	vld [tilespmem:s23+$0x10];
	[tilespmem:v17+s18+$0x0] =	vst.idx.msk vm1, v8;
	v17 =	vmov s24;
	_ =	sdelay $0x2  }
0x10e: {  	v62 =	vld [tilespmem:s23+$0x20]  }
0x10f: {  	vm0 =	vmmov vm1;
	v15 =	vmax.f32 v8, v10;
	[tilespmem:v9+s18+$0x0] =	vst.idx.msk vm1, v8  }
0x110: {  	v16 =	vsel vm0, v10, v15;
	v10 =	vmax.f32 v8, v11;
	v18 =	vld.idx.msk [tilespmem:v17+s3+$0x0], $0xffff  }
0x111: {  	v15 =	vsel vm0, v11, v10;
	v10 =	vmax.f32 v8, v12;
	v11 =	vmax.f32 v8, v13;
	v17 =	vld [tilespmem:s23+$0x30]  }
0x112: {  	v10 =	vsel vm0, v12, v10;
	v11 =	vsel vm0, v13, v11  }
0x113: {  	v9 =	vmax.f32 v8, v19;
	v12 =	vmax.f32 v8, v20;
	v63 =	vmax.f32 v8, v62  }
0x114: {  	s24 =	simm.s32 $0x2;
	v13 =	vsel vm0, v19, v9;
	v12 =	vsel vm0, v20, v12;
	v9 =	vsel vm0, v62, v63  }
.LBB2_6:
0x115: {  	p1 =	sne.s32 s24, $0x18F  }
0x116: {  	vm1 =	vne.s32 v14, v18;
	v19 =	vshll.u32 v14, $0x7;
	s23 =	sadd.s32 $0x80, s23;
	v14 =	vmovc v18;
	s25 =	smov.u32 s24;
	s24 =	sadd.s32 $0x1, s24;
	v8 =	vmax.f32 v8, v17  }
0x117: {  	v18 =	vor.u32 v0, v19;
	v8 =	vsel vm0, v17, v8;
	vm0 =	vmmov vm1;
	_ =	sdelay $0x1  }
0x118: {  	v17 =	vor.u32 v1, v19;
	_ =	sdelay $0x1  }
0x119: {  	v20 =	vor.u32 v2, v19  }
0x11a: {  	[tilespmem:v18+s18+$0x0] =	vst.idx.msk vm1, v16  }
0x11b: {  	v21 =	vor.u32 v3, v19;
	v18 =	vld [tilespmem:s23+$0xFFFFFFC0]  }
0x11c: {  	[tilespmem:v17+s18+$0x0] =	vst.idx.msk vm1, v15  }
0x11d: {  	v22 =	vor.u32 v4, v19;
	v17 =	vld [tilespmem:s23+$0xFFFFFFD0]  }
0x11e: {  	[tilespmem:v20+s18+$0x0] =	vst.idx.msk vm1, v10  }
0x11f: {  	v23 =	vor.u32 v5, v19;
	v20 =	vld [tilespmem:s23+$0xFFFFFFE0]  }
0x120: {  	v16 =	vmax.f32 v16, v18;
	[tilespmem:v21+s18+$0x0] =	vst.idx.msk vm1, v11  }
0x121: {  	v21 =	vor.u32 v6, v19;
	v16 =	vsel vm0, v18, v16;
	v18 =	vld [tilespmem:s23+$0xFFFFFFF0]  }
0x122: {  	v15 =	vmax.f32 v15, v17;
	[tilespmem:v22+s18+$0x0] =	vst.idx.msk vm1, v13  }
0x123: {  	v19 =	vor.u32 v7, v19;
	v15 =	vsel vm0, v17, v15;
	v17 =	vld [tilespmem:s23+$0x0]  }
0x124: {  	v22 =	vmov s25;
	v10 =	vmax.f32 v10, v20;
	[tilespmem:v23+s18+$0x0] =	vst.idx.msk vm1, v12  }
0x125: {  	v10 =	vsel vm0, v20, v10;
	v20 =	vld [tilespmem:s23+$0x10]  }
0x126: {  	v11 =	vmax.f32 v11, v18;
	[tilespmem:v21+s18+$0x0] =	vst.idx.msk vm1, v9  }
0x127: {  	v11 =	vsel vm0, v18, v11;
	v21 =	vld [tilespmem:s23+$0x20]  }
0x128: {  	v13 =	vmax.f32 v13, v17;
	[tilespmem:v19+s18+$0x0] =	vst.idx.msk vm1, v8  }
.Ltmp4:
0x129: {  	v18 =	vld.idx.msk [tilespmem:v22+s3+$0x0], $0xffff;
	v13 =	vsel vm0, v17, v13;
	(pc) =	sbr.rel @p1 .LBB2_6-.Ltmp4, $4  }
0x12a: {  	v12 =	vmax.f32 v12, v20;
	v17 =	vld [tilespmem:s23+$0x30]  }
0x12b: {  	v12 =	vsel vm0, v20, v12  }
0x12c: {  	v9 =	vmax.f32 v9, v21  }
0x12d: {  	v9 =	vsel vm0, v21, v9  }
0x12e: {  	vm2 =	vne.s32 v14, v18;
	v43 =	vshll.u32 v14, $0x7  }
0x12f: {  	v19 =	vor.u32 v0, v43  }
0x130: {  	v20 =	vor.u32 v1, v43  }
0x131: {  	v21 =	vor.u32 v2, v43  }
0x132: {  	v22 =	vor.u32 v3, v43  }
0x133: {  	v23 =	vor.u32 v4, v43  }
0x134: {  	s23 =	sadd.s32 $0x80, s23;
	v44 =	vshll.u32 v18, $0x7;
	v24 =	vor.u32 v5, v43;
	v25 =	vor.u32 v6, v43;
	[tilespmem:v19+s18+$0x0] =	vst.idx.msk vm2, v16  }
0x135: {  	v14 =	vor.u32 v7, v43;
	v26 =	vor.u32 v0, v44;
	v19 =	vld [tilespmem:s23+$0xFFFFFFC0];
	[tilespmem:v20+s18+$0x0] =	vst.idx.msk vm2, v15  }
0x136: {  	v8 =	vmax.f32 v8, v17;
	v45 =	vor.u32 v1, v44;
	v20 =	vld [tilespmem:s23+$0xFFFFFFD0];
	[tilespmem:v21+s18+$0x0] =	vst.idx.msk vm2, v10  }
0x137: {  	v51 =	vor.u32 v2, v44;
	v53 =	vor.u32 v3, v44;
	v21 =	vld [tilespmem:s23+$0xFFFFFFE0];
	[tilespmem:v22+s18+$0x0] =	vst.idx.msk vm2, v11  }
0x138: {  	v54 =	vor.u32 v4, v44;
	v57 =	vor.u32 v5, v44;
	v22 =	vld [tilespmem:s23+$0xFFFFFFF0];
	[tilespmem:v23+s18+$0x0] =	vst.idx.msk vm2, v13  }
0x139: {  	v58 =	vor.u32 v6, v44;
	v60 =	vor.u32 v7, v44;
	v23 =	vld [tilespmem:s23+$0x0];
	[tilespmem:v24+s18+$0x0] =	vst.idx.msk vm2, v12  }
0x13a: {  	vm1 =	vmmov vm2;
	v8 =	vsel vm0, v17, v8;
	v24 =	vld [tilespmem:s23+$0x10];
	[tilespmem:v25+s18+$0x0] =	vst.idx.msk vm2, v9;
	v47 =	vmax.f32 v16, v19  }
0x13b: {  	v46 =	vld [tilespmem:s23+$0x20];
	[tilespmem:v14+s18+$0x0] =	vst.idx.msk vm2, v8;
	v48 =	vsel vm1, v19, v47;
	v49 =	vmax.f32 v15, v20  }
0x13c: {  	v50 =	vld [tilespmem:s23+$0x30];
	[tilespmem:v26+s18+$0x0] =	vst.idx.msk $0xffff, v48;
	v52 =	vsel vm1, v20, v49;
	v55 =	vmax.f32 v10, v21  }
0x13d: {  	[tilespmem:v45+s18+$0x0] =	vst.idx.msk $0xffff, v52;
	v56 =	vmax.f32 v11, v22;
	v10 =	vsel vm1, v21, v55  }
0x13e: {  	v11 =	vsel vm1, v22, v56;
	v59 =	vmax.f32 v13, v23;
	[tilespmem:v51+s18+$0x0] =	vst.idx.msk $0xffff, v10  }
0x13f: {  	v13 =	vsel vm1, v23, v59;
	v61 =	vmax.f32 v12, v24;
	[tilespmem:v53+s18+$0x0] =	vst.idx.msk $0xffff, v11  }
0x140: {  	v62 =	vsel vm1, v24, v61;
	v63 =	vmax.f32 v9, v46;
	[tilespmem:v54+s18+$0x0] =	vst.idx.msk $0xffff, v13  }
0x141: {  	v9 =	vsel vm1, v46, v63;
	v8 =	vmax.f32 v8, v50;
	[tilespmem:v57+s18+$0x0] =	vst.idx.msk $0xffff, v62  }
0x142: {  	v8 =	vsel vm1, v50, v8;
	[tilespmem:v58+s18+$0x0] =	vst.idx.msk $0xffff, v9  }
.Ltmp5:
0x143: {  	[tilespmem:v60+s18+$0x0] =	vst.idx.msk $0xffff, v8;
	(pc) =	sbr.rel @p0 .LBB2_11-.Ltmp5, $4  }
0x144: {  	[hbm4b:s12+s20] =	stream.strided.scatter [tilespmem:s18], [sflag:$0x1], $0x8000, s21, s20, $0x38;
	[tilespmem:$0x14A00] =	vst v63  }
0x145: {  	_ =	swait.ge [sflag:s17], $0x8000  }
0x146: {  	[sflag:s17] =	ssyncset.done $0x0  }
0x147: {  	[sflag:s17] =	ssyncadd.s32 $0xFFFF8000  }
0x148: {  	s23 =	simm.s32 $0x0  }
0x149: {  	[tilespmem:s23], [sflag:$0x1] =	stream.linear.gather [hbm4b:s13+s23], $0x190, $0x38;
	[tilespmem:$0x14A00] =	vst v63  }
0x14a: {  	_ =	swait.ge [sflag:s17], $0x190  }
0x14b: {  	[sflag:s17] =	ssyncset.done $0x0  }
0x14c: {  	[sflag:s17] =	ssyncadd.s32 $0xFFFFFE70  }
0x14d: {  	[tilespmem:s18], [sflag:$0x1] =	stream.linear.gather [hbm4b:s2+s23], $0x8000, $0x38;
	[tilespmem:$0x14A00] =	vst v63  }
0x14e: {  	_ =	swait.ge [sflag:s17], $0x8000  }
0x14f: {  	[sflag:s17] =	ssyncset.done $0x0  }
0x150: {  	[sflag:s17] =	ssyncadd.s32 $0xFFFF8000  }
0x151: {  	v8 =	vmov s23;
	[tilespmem:s19], [sflag:$0x1] =	stream.linear.gather [hbm4b:s14+s23], $0xC800, $0x38;
	[tilespmem:$0x14A00] =	vst v63  }
0x152: {  	_ =	swait.ge [sflag:s17], $0xC800  }
0x153: {  	[sflag:s17] =	ssyncset.done $0x0  }
0x154: {  	[sflag:s17] =	ssyncadd.s32 $0xFFFF3800  }
0x155: {  	v9 =	vld.msk [tilespmem:s23+$0x0], $0xffff  }
0x156: {  	v14 =	vld.idx.msk [tilespmem:v8+s3+$0x0], $0xffff;
	_ =	sdelay $0x4  }
0x157: {  	vm1 =	vne.s32 v9, v14;
	v9 =	vshll.u32 v9, $0x7  }
0x158: {  	v10 =	vor.u32 v0, v9  }
0x159: {  	v11 =	vor.u32 v1, v9  }
0x15a: {  	v12 =	vor.u32 v2, v9  }
0x15b: {  	v13 =	vor.u32 v3, v9  }
0x15c: {  	v8 =	vimm.f32 $-Inf;
	v15 =	vor.u32 v4, v9  }
0x15d: {  	s23 =	simm.s32 $0x240;
	v16 =	vor.u32 v5, v9;
	[tilespmem:v10+s18+$0x0] =	vst.idx.msk vm1, v8  }
0x15e: {  	v17 =	vor.u32 v6, v9;
	v10 =	vld [tilespmem:s23+$0xFFFFFFC0];
	[tilespmem:v11+s18+$0x0] =	vst.idx.msk vm1, v8  }
0x15f: {  	v11 =	vld [tilespmem:s23+$0xFFFFFFD0];
	[tilespmem:v12+s18+$0x0] =	vst.idx.msk vm1, v8  }
0x160: {  	v12 =	vld [tilespmem:s23+$0xFFFFFFE0];
	[tilespmem:v13+s18+$0x0] =	vst.idx.msk vm1, v8  }
0x161: {  	v9 =	vor.u32 v7, v9;
	v13 =	vld [tilespmem:s23+$0xFFFFFFF0];
	[tilespmem:v15+s18+$0x0] =	vst.idx.msk vm1, v8  }
0x162: {  	s24 =	simm.s32 $0x1;
	v19 =	vld [tilespmem:s23+$0x0];
	[tilespmem:v16+s18+$0x0] =	vst.idx.msk vm1, v8  }
0x163: {  	v20 =	vld [tilespmem:s23+$0x10];
	[tilespmem:v17+s18+$0x0] =	vst.idx.msk vm1, v8;
	v17 =	vmov s24;
	_ =	sdelay $0x1  }
0x164: {  	vm0 =	vmmov vm1;
	v15 =	vmax.f32 v8, v10  }
0x165: {  	v21 =	vld [tilespmem:s23+$0x20];
	v16 =	vsel vm0, v10, v15;
	v10 =	vmax.f32 v8, v11;
	[tilespmem:v9+s18+$0x0] =	vst.idx.msk vm1, v8  }
0x166: {  	v15 =	vsel vm0, v11, v10;
	v10 =	vmax.f32 v8, v12;
	v18 =	vmax.f32 v8, v13  }
0x167: {  	v11 =	vsel vm0, v12, v10;
	v12 =	vsel vm0, v13, v18;
	v18 =	vld.idx.msk [tilespmem:v17+s3+$0x0], $0xffff  }
0x168: {  	v17 =	vld [tilespmem:s23+$0x30];
	_ =	sdelay $0x1  }
0x169: {  	v9 =	vmax.f32 v8, v19;
	v10 =	vmax.f32 v8, v20;
	v22 =	vmax.f32 v8, v21  }
0x16a: {  	s24 =	simm.s32 $0x2;
	v13 =	vsel vm0, v19, v9;
	v10 =	vsel vm0, v20, v10;
	v9 =	vsel vm0, v21, v22  }
.LBB2_9:
0x16b: {  	p1 =	sne.s32 s24, $0x18F  }
0x16c: {  	vm1 =	vne.s32 v14, v18;
	v19 =	vshll.u32 v14, $0x7;
	v8 =	vmax.f32 v8, v17;
	s23 =	sadd.s32 $0x80, s23;
	v14 =	vmovc v18;
	s25 =	smov.u32 s24;
	s24 =	sadd.s32 $0x1, s24  }
0x16d: {  	v18 =	vor.u32 v0, v19;
	v8 =	vsel vm0, v17, v8;
	vm0 =	vmmov vm1;
	_ =	sdelay $0x1  }
0x16e: {  	v17 =	vor.u32 v1, v19;
	_ =	sdelay $0x1  }
0x16f: {  	v20 =	vor.u32 v2, v19  }
0x170: {  	[tilespmem:v18+s18+$0x0] =	vst.idx.msk vm1, v16  }
0x171: {  	v21 =	vor.u32 v3, v19;
	v18 =	vld [tilespmem:s23+$0xFFFFFFC0]  }
0x172: {  	[tilespmem:v17+s18+$0x0] =	vst.idx.msk vm1, v15  }
0x173: {  	v22 =	vor.u32 v4, v19;
	v17 =	vld [tilespmem:s23+$0xFFFFFFD0]  }
0x174: {  	[tilespmem:v20+s18+$0x0] =	vst.idx.msk vm1, v11  }
0x175: {  	v23 =	vor.u32 v5, v19;
	v20 =	vld [tilespmem:s23+$0xFFFFFFE0]  }
0x176: {  	v16 =	vmax.f32 v16, v18;
	[tilespmem:v21+s18+$0x0] =	vst.idx.msk vm1, v12  }
0x177: {  	v21 =	vor.u32 v6, v19;
	v16 =	vsel vm0, v18, v16;
	v18 =	vld [tilespmem:s23+$0xFFFFFFF0]  }
0x178: {  	v15 =	vmax.f32 v15, v17;
	[tilespmem:v22+s18+$0x0] =	vst.idx.msk vm1, v13  }
0x179: {  	v19 =	vor.u32 v7, v19;
	v15 =	vsel vm0, v17, v15;
	v17 =	vld [tilespmem:s23+$0x0]  }
0x17a: {  	v22 =	vmov s25;
	v11 =	vmax.f32 v11, v20;
	[tilespmem:v23+s18+$0x0] =	vst.idx.msk vm1, v10  }
0x17b: {  	v11 =	vsel vm0, v20, v11;
	v20 =	vld [tilespmem:s23+$0x10]  }
0x17c: {  	v12 =	vmax.f32 v12, v18;
	[tilespmem:v21+s18+$0x0] =	vst.idx.msk vm1, v9  }
0x17d: {  	v12 =	vsel vm0, v18, v12;
	v21 =	vld [tilespmem:s23+$0x20]  }
0x17e: {  	v13 =	vmax.f32 v13, v17;
	[tilespmem:v19+s18+$0x0] =	vst.idx.msk vm1, v8  }
.Ltmp6:
0x17f: {  	v18 =	vld.idx.msk [tilespmem:v22+s3+$0x0], $0xffff;
	v13 =	vsel vm0, v17, v13;
	(pc) =	sbr.rel @p1 .LBB2_9-.Ltmp6, $4  }
0x180: {  	v10 =	vmax.f32 v10, v20;
	v17 =	vld [tilespmem:s23+$0x30]  }
0x181: {  	v10 =	vsel vm0, v20, v10  }
0x182: {  	v9 =	vmax.f32 v9, v21  }
0x183: {  	v9 =	vsel vm0, v21, v9  }
.Ltmp7:
0x184: {  	_ = 	snop;
	(pc) =	sbr.rel .LBB2_10-.Ltmp7, $1  }
0x185: {  	_ =	sdelay $0x3  }
.LBB2_12:
0x186: {  	_ =	sfence.sel $0x180000  }
0x187: {  	[bflag:$0x0] =	sbarrier.arrive $0xFFFF  }
0x188: {  	p0 =	sne.s32 s0, $0x0;
	_ =	strace $0x90000050  }
0x189: {  	s0 =	sadd.s32 @!p0 $0x100000, s1;
	[bflag:$0x2] =	sbarrier.arrive $0xFFFF  }
0x18a: {  	[sflag:s0] =	ssyncadd.tile.s32 @!p0 $0x1;
	_ =	shalt  }
.Lfunc_end2:
_tile_overlayer_lowered:
.L_overlay_start_2:
0x18b: {  	(tag) =	ssettag $0x2  }
0x18c: {  	s0 =	rddreg [dreg:$0x0];
	s2 =	stileid.u32  }
0x18d: {  	s1 =	rddreg [dreg:$0x1];
	p0 =	sne.s32 s2, $0x0  }
0x18e: {  	s3 =	rddreg [dreg:$0x2];
	[bflag:$0x3] =	sbarrier.arrive $0xFFFF;
	s2 =	simm.s32 @!p0 $0x1C01  }
0x18f: {  	[timem:s3], [sflag:s2] =	dma.local @!p0 [hbm:s0], s1  }
0x190: {  	s0 =	simm.s32 @!p0 $0x1  }
0x191: {  	_ =	swait.ge @!p0 [sflag:s0], s1  }
0x192: {  	s1 =	ssub.s32 @!p0 $0x0, s1;
	[sflag:s0] =	ssyncset.done @!p0 $0x0  }
0x193: {  	[sflag:s0] =	ssyncadd.s32 @!p0 s1  }
0x194: {  	[bflag:$0x3] =	sbarrier.arrive $0xFFFF  }
0x195: {  	_ =	shalt  }

</sc_bundles>
